<compile_context>
chip_gen: v7x
topology: tpu7x:2x2x1
jax: 0.10.2.dev20260603
libtpu: 0.0.44.dev20260713+nightly
codegen_flags: <defaults>
</compile_context>

<pallas_src>
import functools

import jax
import jax.numpy as jnp
from jax import lax
from jax.experimental import pallas as pl
from jax.experimental.pallas import tpu as pltpu
from jax.experimental.pallas import tpu_sc as plsc

_H = 32
_W = 128
_DEPTH = 4
_N_GRAPHS = 4096
_N_NODES = 100000
_N_EDGES = 1600000
_N_LINE = 3200000

_NW = 32
_C = 128
_EPAD = 1605632
_EPT = _EPAD // _NW
_NPAD = 100352

_mesh = plsc.VectorSubcoreMesh(core_axis_name="c", subcore_axis_name="s")


def _wid():
    return lax.axis_index("s") * 2 + lax.axis_index("c")



def _gather_rows(vals, idx):

    @functools.partial(
        pl.kernel, mesh=_mesh,
        out_type=jax.ShapeDtypeStruct((_EPAD, _W), jnp.float32),
        scratch_types=[
            pltpu.VMEM((_C,), jnp.int32),
            pltpu.VMEM((_C, _W), jnp.float32),
            pltpu.SemaphoreType.DMA,
        ],
    )
    def k(vals_h, idx_h, out_h, idxbuf, rowbuf, sem):
        base = _wid() * _EPT

        def chunk(g, carry):
            s = base + g * _C
            pltpu.sync_copy(idx_h.at[pl.ds(s, _C)], idxbuf)
            pltpu.async_copy(vals_h.at[idxbuf], rowbuf, sem).wait()
            pltpu.sync_copy(rowbuf, out_h.at[pl.ds(s, _C)])
            return carry

        lax.fori_loop(0, _EPT // _C, chunk, 0)

    return k(vals, idx)


def _make_segsum(dpt, nvt, out_rows, nbp):
    passes = nvt // _NW

    @functools.partial(
        pl.kernel, mesh=_mesh,
        out_type=jax.ShapeDtypeStruct((out_rows * _H,), jnp.float32),
        scratch_types=[
            pltpu.VMEM((nbp,), jnp.int32),
            pltpu.VMEM((_C,), jnp.int32),
            pltpu.VMEM((_C + 16,), jnp.int32),
            pltpu.VMEM((_C, _W), jnp.float32),
            pltpu.VMEM((dpt * _H,), jnp.float32),
            pltpu.SemaphoreType.DMA,
        ],
    )
    def k(vals_h, sidx_h, sdst_h, bounds_h, out_h,
          bbuf, idxbuf, dstbuf, rowbuf, winbuf, sem):
        w = _wid()
        pltpu.sync_copy(bounds_h, bbuf)
        zero16 = jnp.zeros((16,), jnp.float32)

        def do_pass(p, carry):
            vt = p * _NW + w
            d0 = vt * dpt
            bv = bbuf[pl.ds(vt, 16)]
            e0 = bv[0]
            e1 = bv[1]

            def zr(r, c):
                winbuf[pl.ds(r * 16, 16)] = zero16
                return c

            lax.fori_loop(0, dpt * 2, zr, 0)

            c0 = (e0 // _C) * _C

            def chunk(g, c):
                cs = c0 + g * _C
                pltpu.sync_copy(sidx_h.at[pl.ds(cs, _C)], idxbuf)
                pltpu.sync_copy(sdst_h.at[pl.ds(cs, _C)],
                                dstbuf.at[pl.ds(0, _C)])
                pltpu.async_copy(vals_h.at[idxbuf], rowbuf, sem).wait()
                lo = jnp.maximum(e0 - cs, 0)
                hi = jnp.minimum(e1 - cs, _C)

                def edge(j, cc):
                    dv = dstbuf[pl.ds(j, 16)]
                    off = (dv[0] - d0) * _H
                    r0 = rowbuf[j, pl.ds(0, 16)]
                    r1 = rowbuf[j, pl.ds(16, 16)]
                    w0 = winbuf[pl.ds(off, 16)]
                    w1 = winbuf[pl.ds(off + 16, 16)]
                    winbuf[pl.ds(off, 16)] = w0 + r0
                    winbuf[pl.ds(off + 16, 16)] = w1 + r1
                    return cc

                lax.fori_loop(lo, jnp.maximum(lo, hi), edge, 0)
                return c

            nch = (e1 - c0 + _C - 1) // _C
            lax.fori_loop(0, jnp.maximum(nch, 0), chunk, 0)
            pltpu.sync_copy(winbuf, out_h.at[pl.ds(d0 * _H, dpt * _H)])
            return carry

        lax.fori_loop(0, passes, do_pass, 0)

    return k



def _unrolled_mm(x, w, kdim):
    acc = x[:, 0:1] * w[0:1, :]
    for t in range(1, kdim):
        acc = acc + x[:, t:t + 1] * w[t:t + 1, :]
    return acc


def _dot_f32x3(a, b):
    a_hi = a.astype(jnp.bfloat16)
    a_lo = (a - a_hi.astype(jnp.float32)).astype(jnp.bfloat16)
    b_hi = b.astype(jnp.bfloat16)
    b_lo = (b - b_hi.astype(jnp.float32)).astype(jnp.bfloat16)
    dot = lambda u, v: jnp.dot(u, v, preferred_element_type=jnp.float32)
    return dot(a_hi, b_hi) + (dot(a_hi, b_lo) + dot(a_lo, b_hi))


def _pad_w(v):
    return jnp.concatenate(
        [v, jnp.zeros((v.shape[0], _W - _H), jnp.float32)], axis=1)


def _xw_body(x_ref, w_ref, o_ref):
    o_ref[...] = _pad_w(_unrolled_mm(x_ref[...], w_ref[...], 39))


def _ew_body(x_ref, w_ref, o_ref):
    o_ref[...] = _unrolled_mm(x_ref[...], w_ref[...], 11)


def _t1_body(g_ref, e_ref, mi_ref, msg_ref):
    mi = g_ref[:, :_H] + e_ref[...]
    mi_ref[...] = mi
    msg_ref[...] = _pad_w(jnp.maximum(mi, 0.0))


def _t2_body(mi_ref, a_ref, wh_ref, msg_ref):
    r = jnp.maximum(mi_ref[...] + _dot_f32x3(a_ref[...], wh_ref[...]), 0.0)
    msg_ref[...] = _pad_w(r)


def _t3_body(x_ref, m_ref, wot_ref, wob_ref, bo_ref, h_ref):
    h = (_unrolled_mm(x_ref[...], wot_ref[...], 39)
         + _dot_f32x3(m_ref[...], wob_ref[...]) + bo_ref[...])
    h_ref[...] = _pad_w(jnp.maximum(h, 0.0))


def _t4_body(s_ref, r_ref, g_ref):
    g_ref[...] = s_ref[...] * r_ref[...]


def _bspec(blk, width):
    return pl.BlockSpec((blk, width), lambda i: (i, 0))


def _wspec(shape):
    return pl.BlockSpec(shape, lambda i: (0, 0))



def kernel(x, edge_x, edge_index, line_edge_index, graph_ids, W_i, W_h, W_o, b_o):
    f32, i32 = jnp.float32, jnp.int32
    src = edge_index[0]
    dst = edge_index[1]
    l_src = line_edge_index[0]
    l_dst = line_edge_index[1]

    perm_l = jnp.argsort(l_dst)
    sl_src = jnp.take(l_src, perm_l).astype(i32)
    sl_dst = jnp.take(l_dst, perm_l).astype(i32)
    lbounds = jnp.searchsorted(
        sl_dst, jnp.arange(513, dtype=i32) * 3136).astype(i32)
    lbounds = jnp.pad(lbounds, (0, 528 - 513))
    sl_src = jnp.pad(sl_src, (0, 3200128 - _N_LINE))
    sl_dst = jnp.pad(sl_dst, (0, 3200128 - _N_LINE))

    perm_e = jnp.argsort(dst)
    se_dst = jnp.take(dst, perm_e).astype(i32)
    ebounds = jnp.searchsorted(
        se_dst, jnp.arange(33, dtype=i32) * 3136).astype(i32)
    ebounds = jnp.pad(ebounds, (0, 56 - 33))
    se_idx = jnp.pad(perm_e.astype(i32), (0, 1600128 - _N_EDGES))
    se_dst = jnp.pad(se_dst, (0, 1600128 - _N_EDGES))

    gbounds = jnp.searchsorted(
        graph_ids, jnp.arange(33, dtype=i32) * 128).astype(i32)
    gbounds = jnp.pad(gbounds, (0, 56 - 33))
    g_idx = jnp.arange(_NPAD, dtype=i32)
    g_dst = jnp.clip(jnp.pad(graph_ids.astype(i32), (0, _NPAD - _N_NODES)),
                     0, _N_GRAPHS - 1)
    cptr = jnp.searchsorted(graph_ids, jnp.arange(_N_GRAPHS + 1, dtype=i32))
    counts = (cptr[1:] - cptr[:-1]).astype(f32)
    rcp = (1.0 / jnp.maximum(counts, 1.0)).reshape(_N_GRAPHS, 1)

    src_pad = jnp.pad(src.astype(i32), (0, _EPAD - _N_EDGES))

    xp = jnp.pad(x, ((0, _NPAD - _N_NODES), (0, 0)))
    exp_ = jnp.pad(edge_x, ((0, _EPAD - _N_EDGES), (0, 0)))
    xw = pl.pallas_call(
        _xw_body, grid=(_NPAD // 512,),
        in_specs=[_bspec(512, 39), _wspec((39, _H))],
        out_specs=_bspec(512, _W),
        out_shape=jax.ShapeDtypeStruct((_NPAD, _W), f32))(xp, W_i[:39])
    ew = pl.pallas_call(
        _ew_body, grid=(_EPAD // 512,),
        in_specs=[_bspec(512, 11), _wspec((11, _H))],
        out_specs=_bspec(512, _H),
        out_shape=jax.ShapeDtypeStruct((_EPAD, _H), f32))(exp_, W_i[39:])

    gathered = _gather_rows(xw, src_pad)
    msg_input, msg = pl.pallas_call(
        _t1_body, grid=(_EPAD // 512,),
        in_specs=[_bspec(512, _W), _bspec(512, _H)],
        out_specs=[_bspec(512, _H), _bspec(512, _W)],
        out_shape=[jax.ShapeDtypeStruct((_EPAD, _H), f32),
                   jax.ShapeDtypeStruct((_EPAD, _W), f32)])(gathered, ew)

    line_segsum = _make_segsum(3136, 512, _EPAD, 528)
    for _ in range(_DEPTH - 1):
        accum = line_segsum(msg, sl_src, sl_dst, lbounds).reshape(_EPAD, _H)
        msg = pl.pallas_call(
            _t2_body, grid=(_EPAD // 512,),
            in_specs=[_bspec(512, _H), _bspec(512, _H), _wspec((_H, _H))],
            out_specs=_bspec(512, _W),
            out_shape=jax.ShapeDtypeStruct((_EPAD, _W), f32))(
                msg_input, accum, W_h)

    m_segsum = _make_segsum(3136, 32, _NPAD, 56)
    m = m_segsum(msg, se_idx, se_dst, ebounds).reshape(_NPAD, _H)

    h = pl.pallas_call(
        _t3_body, grid=(_NPAD // 512,),
        in_specs=[_bspec(512, 39), _bspec(512, _H), _wspec((39, _H)),
                  _wspec((_H, _H)), _wspec((1, _H))],
        out_specs=_bspec(512, _W),
        out_shape=jax.ShapeDtypeStruct((_NPAD, _W), f32))(
            xp, m, W_o[:39], W_o[39:], b_o.reshape(1, _H))

    g_segsum = _make_segsum(128, 32, _N_GRAPHS, 56)
    sums = g_segsum(h, g_idx, g_dst, gbounds).reshape(_N_GRAPHS, _H)
    g_repr = pl.pallas_call(
        _t4_body, grid=(_N_GRAPHS // 512,),
        in_specs=[_bspec(512, _H), _bspec(512, 1)],
        out_specs=_bspec(512, _H),
        out_shape=jax.ShapeDtypeStruct((_N_GRAPHS, _H), f32))(sums, rcp)
    return g_repr

# --- scband reference (transcript-rebuilt; emitter-appended) ---
"""Pipeline reference for scband-dglmpn-2379411882639 (READ-ONLY COPY).

The authoritative reference and input builder live on the scoring server;
editing this copy changes nothing except your own understanding.
"""

import jax, jax.numpy as jnp
import numpy as np

ATOM_FDIM = 39
BOND_FDIM = 11
HIDDEN = 32
DEPTH = 4
N_GRAPHS = 4096
N_NODES = 100000
N_EDGES = 1600000
N_LINE_EDGES = 3200000


def setup_inputs(seed: int = 0) -> dict:
    key = jax.random.key(seed)
    ks = jax.random.split(key, 10)
    x = jax.random.normal(ks[0], (N_NODES, ATOM_FDIM), dtype=jnp.float32)
    edge_x = jax.random.uniform(ks[1], (N_EDGES, BOND_FDIM), dtype=jnp.float32)
    edge_index = jax.random.randint(ks[2], (2, N_EDGES), 0, N_NODES, dtype=jnp.int32)
    line_edge_index = jax.random.randint(ks[3], (2, N_LINE_EDGES), 0, N_EDGES, dtype=jnp.int32)
    graph_ids = jnp.sort(jax.random.randint(ks[4], (N_NODES,), 0, N_GRAPHS, dtype=jnp.int32))
    # learned parameters
    W_i = jax.random.normal(ks[5], (ATOM_FDIM + BOND_FDIM, HIDDEN), dtype=jnp.float32) * (1.0 / np.sqrt(ATOM_FDIM + BOND_FDIM))
    W_h = jax.random.normal(ks[6], (HIDDEN, HIDDEN), dtype=jnp.float32) * (1.0 / np.sqrt(HIDDEN))
    W_o = jax.random.normal(ks[7], (ATOM_FDIM + HIDDEN, HIDDEN), dtype=jnp.float32) * (1.0 / np.sqrt(ATOM_FDIM + HIDDEN))
    b_o = jnp.zeros((HIDDEN,), dtype=jnp.float32)
    return {
        'x': x,
        'edge_x': edge_x,
        'edge_index': edge_index,
        'line_edge_index': line_edge_index,
        'graph_ids': graph_ids,
        'W_i': W_i,
        'W_h': W_h,
        'W_o': W_o,
        'b_o': b_o,
    }


def reference(x, edge_x, edge_index, line_edge_index, graph_ids, W_i, W_h, W_o, b_o):
    # mol_graph.update_edge: src_x = x gathered at edge source
    src = edge_index[0]
    dst = edge_index[1]
    src_x = jnp.take(x, src, axis=0)                 # [E, ATOM_FDIM]
    feats = jnp.concatenate([src_x, edge_x], axis=1)  # [E, ATOM_FDIM+BOND_FDIM]
    msg_input = feats @ W_i                          # W_i has no bias
    msg = jax.nn.relu(msg_input)
    # loopy BP on line graph for depth-1 iterations
    l_src = line_edge_index[0]
    l_dst = line_edge_index[1]
    for _ in range(DEPTH - 1):
        # copy_src 'msg' along line-graph edges, sum into 'accum_msg'
        accum_msg = jax.ops.segment_sum(jnp.take(msg, l_src, axis=0), l_dst, num_segments=N_EDGES)
        msg_delta = accum_msg @ W_h                  # W_h no bias
        msg = jax.nn.relu(msg_input + msg_delta)
    # gather: copy_edge 'msg' -> sum into destination node 'm'
    m = jax.ops.segment_sum(msg, dst, num_segments=N_NODES)
    # GatherUpdate: h = relu(W_o([x, m]))
    h = jax.nn.relu(jnp.concatenate([x, m], axis=1) @ W_o + b_o)
    # per-molecule mean of node reprs h
    sums = jax.ops.segment_sum(h, graph_ids, num_segments=N_GRAPHS)
    counts = jax.ops.segment_sum(jnp.ones((N_NODES, 1), dtype=jnp.float32), graph_ids, num_segments=N_GRAPHS)
    g_repr = sums / jnp.maximum(counts, 1.0)
    return g_repr

if __name__ == "__main__":
    import jax
    _d = setup_inputs()
    print(jax.jit(kernel)(*tuple(_d.values())))

</pallas_src>

<mosaic_0001>
#map = affine_map<(d0, d1) -> (0, 0)>
#map1 = affine_map<(d0, d1) -> (0)>
module attributes {stable_mosaic.version = 14 : i64} {
  func.func @k(%arg0: i32, %arg1: i32, %arg2: memref<1605632x128xf32, #tpu.memory_space<hbm>>, %arg3: memref<3200128xi32, #tpu.memory_space<hbm>>, %arg4: memref<3200128xi32, #tpu.memory_space<hbm>>, %arg5: memref<528xi32, #tpu.memory_space<hbm>>, %arg6: memref<51380224xf32, #tpu.memory_space<hbm>>, %arg7: memref<528xi32, #tpu.memory_space<vmem>>, %arg8: memref<128xi32, #tpu.memory_space<vmem>>, %arg9: memref<144xi32, #tpu.memory_space<vmem>>, %arg10: memref<128x128xf32, #tpu.memory_space<vmem>>, %arg11: memref<100352xf32, #tpu.memory_space<vmem>>, %arg12: memref<!tpu.dma_semaphore, #tpu.memory_space<semaphore_mem>>) attributes {dimension_semantics = [#tpu.dimension_semantics<core_parallel>, #tpu.dimension_semantics<subcore_parallel>], iteration_bounds = array<i64: 2, 16>, scalar_prefetch = 0 : i64, scratch_operands = 6 : i64, tpu.core_type = #tpu.core_type<sc_vector_subcore>, window_params = [{transform_indices = #map}, {transform_indices = #map1}, {transform_indices = #map1}, {transform_indices = #map1}, {transform_indices = #map1}]} {
    %mul3A = arith.constant 2 : i32
    %mul3A_0 = arith.muli %arg1, %mul3A : i32
    %add3A = arith.addi %mul3A_0, %arg0 : i32
    "tpu.region"() ({
      %run_scoped3A = tpu.sem_alloc : memref<!tpu.dma_semaphore, #tpu.memory_space<semaphore_mem>>
      tpu.enqueue_dma source(%arg5 : memref<528xi32, #tpu.memory_space<hbm>>) target(%arg7 : memref<528xi32, #tpu.memory_space<vmem>>) target_semaphore(%run_scoped3A : memref<!tpu.dma_semaphore, #tpu.memory_space<semaphore_mem>>)
      tpu.wait_dma2 semaphore(%run_scoped3A : memref<!tpu.dma_semaphore, #tpu.memory_space<semaphore_mem>>) src(%arg5 : memref<528xi32, #tpu.memory_space<hbm>>) dst(%arg7 : memref<528xi32, #tpu.memory_space<vmem>>)
      tpu.yield
    }) : () -> ()
    %broadcast_in_dim3A = arith.constant 0.000000e+00 : f32
    %broadcast_in_dim3A_1 = vector.broadcast %broadcast_in_dim3A : f32 to vector<16xf32>
    %scan3A = arith.constant 0 : i32
    %scan3A_2 = arith.constant 0 : i32
    %scan3A_3 = arith.constant 16 : i32
    %scan3A_4 = arith.addi %scan3A_2, %scan3A_3 : i32
    %scan3A_5 = arith.constant 1 : i32
    scf.for %scan3A_7 = %scan3A_2 to %scan3A_4 step %scan3A_5  : i32 {
      %mul3A_8 = arith.constant 32 : i32
      %mul3A_9 = arith.muli %scan3A_7, %mul3A_8 : i32
      %add3A_10 = arith.addi %mul3A_9, %add3A : i32
      %mul3A_11 = arith.constant 3136 : i32
      %mul3A_12 = arith.muli %add3A_10, %mul3A_11 : i32
      %get3A = arith.index_cast %add3A_10 : i32 to index
      %get3A_13 = tpu.vector_load %arg7[%get3A] {strides = array<i32>} : memref<528xi32, #tpu.memory_space<vmem>>, vector<16xi32>,
      %get3A_14 = vector.shape_cast %get3A_13 : vector<16xi32> to vector<16xi32>
      %slice3A = vector.extract_strided_slice %get3A_14 {offsets = [0], sizes = [1], strides = [1]} : vector<16xi32> to vector<1xi32>
      %squeeze3A = vector.extract %slice3A[0] : i32 from vector<1xi32>
      %slice3A_15 = vector.extract_strided_slice %get3A_14 {offsets = [1], sizes = [1], strides = [1]} : vector<16xi32> to vector<1xi32>
      %squeeze3A_16 = vector.extract %slice3A_15[0] : i32 from vector<1xi32>
      %scan3A_17 = arith.constant 0 : i32
      %scan3A_18 = arith.constant 0 : i32
      %scan3A_19 = arith.constant 6272 : i32
      %scan3A_20 = arith.addi %scan3A_18, %scan3A_19 : i32
      %scan3A_21 = arith.constant 1 : i32
      scf.for %scan3A_82 = %scan3A_18 to %scan3A_20 step %scan3A_21  : i32 {
        %mul3A_83 = arith.constant 16 : i32
        %mul3A_84 = arith.muli %scan3A_82, %mul3A_83 : i32
        %swap3A = arith.index_cast %mul3A_84 : i32 to index
        %swap3A_85 = tpu.vector_load %arg11[%swap3A] {strides = array<i32>} : memref<100352xf32, #tpu.memory_space<vmem>>, vector<16xf32>,
        %swap3A_86 = vector.shape_cast %swap3A_85 : vector<16xf32> to vector<16xf32>
        %swap3A_87 = vector.shape_cast %broadcast_in_dim3A_1 : vector<16xf32> to vector<16xf32>
        tpu.vector_store %arg11[%swap3A], %swap3A_87 {strides = array<i32>} : memref<100352xf32, #tpu.memory_space<vmem>>, vector<16xf32>,
      }
      %scan3A_22 = arith.constant 6272 : i32
      %jit3A = arith.constant 128 : i32
      %div3A = arith.divsi %squeeze3A, %jit3A : i32
      %sign3A = arith.constant 0 : i32
      %sign3A_23 = arith.cmpi sgt, %squeeze3A, %sign3A : i32
      %sign3A_24 = arith.extui %sign3A_23 : i1 to i32
      %sign3A_25 = arith.constant 0 : i32
      %sign3A_26 = arith.cmpi slt, %squeeze3A, %sign3A_25 : i32
      %sign3A_27 = arith.extui %sign3A_26 : i1 to i32
      %sign3A_28 = arith.subi %sign3A_24, %sign3A_27 : i32
      %sign3A_29 = arith.constant 0 : i32
      %sign3A_30 = arith.cmpi sgt, %jit3A, %sign3A_29 : i32
      %sign3A_31 = arith.extui %sign3A_30 : i1 to i32
      %sign3A_32 = arith.constant 0 : i32
      %sign3A_33 = arith.cmpi slt, %jit3A, %sign3A_32 : i32
      %sign3A_34 = arith.extui %sign3A_33 : i1 to i32
      %sign3A_35 = arith.subi %sign3A_31, %sign3A_34 : i32
      %ne3A = arith.cmpi ne, %sign3A_28, %sign3A_35 : i32
      %rem3A = arith.remsi %squeeze3A, %jit3A : i32
      %ne3A_36 = arith.constant 0 : i32
      %ne3A_37 = arith.cmpi ne, %rem3A, %ne3A_36 : i32
      %and3A = arith.andi %ne3A, %ne3A_37 : i1
      %sub3A = arith.constant 1 : i32
      %sub3A_38 = arith.subi %div3A, %sub3A : i32
      %select_n3A = arith.select %and3A, %sub3A_38, %div3A : i32
      %mul3A_39 = arith.constant 128 : i32
      %mul3A_40 = arith.muli %select_n3A, %mul3A_39 : i32
      %sub3A_41 = arith.subi %squeeze3A_16, %mul3A_40 : i32
      %add3A_42 = arith.constant 128 : i32
      %add3A_43 = arith.addi %sub3A_41, %add3A_42 : i32
      %sub3A_44 = arith.constant 1 : i32
      %sub3A_45 = arith.subi %add3A_43, %sub3A_44 : i32
      %jit3A_46 = arith.constant 128 : i32
      %div3A_47 = arith.divsi %sub3A_45, %jit3A_46 : i32
      %sign3A_48 = arith.constant 0 : i32
      %sign3A_49 = arith.cmpi sgt, %sub3A_45, %sign3A_48 : i32
      %sign3A_50 = arith.extui %sign3A_49 : i1 to i32
      %sign3A_51 = arith.constant 0 : i32
      %sign3A_52 = arith.cmpi slt, %sub3A_45, %sign3A_51 : i32
      %sign3A_53 = arith.extui %sign3A_52 : i1 to i32
      %sign3A_54 = arith.subi %sign3A_50, %sign3A_53 : i32
      %sign3A_55 = arith.constant 0 : i32
      %sign3A_56 = arith.cmpi sgt, %jit3A_46, %sign3A_55 : i32
      %sign3A_57 = arith.extui %sign3A_56 : i1 to i32
      %sign3A_58 = arith.constant 0 : i32
      %sign3A_59 = arith.cmpi slt, %jit3A_46, %sign3A_58 : i32
      %sign3A_60 = arith.extui %sign3A_59 : i1 to i32
      %sign3A_61 = arith.subi %sign3A_57, %sign3A_60 : i32
      %ne3A_62 = arith.cmpi ne, %sign3A_54, %sign3A_61 : i32
      %rem3A_63 = arith.remsi %sub3A_45, %jit3A_46 : i32
      %ne3A_64 = arith.constant 0 : i32
      %ne3A_65 = arith.cmpi ne, %rem3A_63, %ne3A_64 : i32
      %and3A_66 = arith.andi %ne3A_62, %ne3A_65 : i1
      %sub3A_67 = arith.constant 1 : i32
      %sub3A_68 = arith.subi %div3A_47, %sub3A_67 : i32
      %select_n3A_69 = arith.select %and3A_66, %sub3A_68, %div3A_47 : i32
      %max3A = arith.constant 0 : i32
      %max3A_70 = arith.maxsi %select_n3A_69, %max3A : i32
      %while3A = arith.constant 0 : i32
      %while3A_71 = arith.constant 0 : i32
      %while3A_72 = arith.subi %max3A_70, %while3A_71 : i32
      %while3A_73 = arith.addi %while3A_71, %while3A_72 : i32
      %while3A_74 = arith.constant 1 : i32
      %while3A_75 = arith.divsi %while3A_72, %while3A_74 : i32
      %while3A_76 = arith.muli %while3A_75, %while3A_74 : i32
      %while3A_77 = arith.addi %while3A_71, %while3A_76 : i32
      %while3A_78 = arith.constant 1 : i32
      scf.for %while3A_82 = %while3A_71 to %while3A_77 step %while3A_78  : i32 {
        %mul3A_83 = arith.constant 128 : i32
        %mul3A_84 = arith.muli %while3A_82, %mul3A_83 : i32
        %add3A_85 = arith.addi %mul3A_40, %mul3A_84 : i32
        "tpu.region"() ({
          %run_scoped3A = tpu.sem_alloc : memref<!tpu.dma_semaphore, #tpu.memory_space<semaphore_mem>>
          %dma_start3A_105 = tpu.memref_slice %arg3[%add3A_85] : memref<3200128xi32, #tpu.memory_space<hbm>> -> memref<128xi32, #tpu.memory_space<hbm>>
          %dma_start3A_106 = tpu.memref_slice %arg3[%add3A_85] : memref<3200128xi32, #tpu.memory_space<hbm>> -> memref<128xi32, #tpu.memory_space<hbm>>
          tpu.enqueue_dma source(%dma_start3A_106 : memref<128xi32, #tpu.memory_space<hbm>>) target(%arg8 : memref<128xi32, #tpu.memory_space<vmem>>) target_semaphore(%run_scoped3A : memref<!tpu.dma_semaphore, #tpu.memory_space<semaphore_mem>>)
          %dma_wait3A_107 = tpu.memref_slice %arg3[%add3A_85] : memref<3200128xi32, #tpu.memory_space<hbm>> -> memref<128xi32, #tpu.memory_space<hbm>>
          %dma_wait3A_108 = tpu.memref_slice %arg3[%add3A_85] : memref<3200128xi32, #tpu.memory_space<hbm>> -> memref<128xi32, #tpu.memory_space<hbm>>
          tpu.wait_dma2 semaphore(%run_scoped3A : memref<!tpu.dma_semaphore, #tpu.memory_space<semaphore_mem>>) src(%dma_wait3A_108 : memref<128xi32, #tpu.memory_space<hbm>>) dst(%arg8 : memref<128xi32, #tpu.memory_space<vmem>>)
          tpu.yield
        }) : () -> ()
        "tpu.region"() ({
          %run_scoped3A = tpu.sem_alloc : memref<!tpu.dma_semaphore, #tpu.memory_space<semaphore_mem>>
          %dma_start3A_105 = arith.constant 0 : i32
          %dma_start3A_106 = tpu.memref_slice %arg9[%dma_start3A_105] : memref<144xi32, #tpu.memory_space<vmem>> -> memref<128xi32, #tpu.memory_space<vmem>>
          %dma_start3A_107 = tpu.memref_slice %arg4[%add3A_85] : memref<3200128xi32, #tpu.memory_space<hbm>> -> memref<128xi32, #tpu.memory_space<hbm>>
          %dma_start3A_108 = arith.constant 0 : i32
          %dma_start3A_109 = tpu.memref_slice %arg9[%dma_start3A_108] : memref<144xi32, #tpu.memory_space<vmem>> -> memref<128xi32, #tpu.memory_space<vmem>>
          %dma_start3A_110 = tpu.memref_slice %arg4[%add3A_85] : memref<3200128xi32, #tpu.memory_space<hbm>> -> memref<128xi32, #tpu.memory_space<hbm>>
          tpu.enqueue_dma source(%dma_start3A_110 : memref<128xi32, #tpu.memory_space<hbm>>) target(%dma_start3A_109 : memref<128xi32, #tpu.memory_space<vmem>>) target_semaphore(%run_scoped3A : memref<!tpu.dma_semaphore, #tpu.memory_space<semaphore_mem>>)
          %dma_wait3A_111 = arith.constant 0 : i32
          %dma_wait3A_112 = tpu.memref_slice %arg9[%dma_wait3A_111] : memref<144xi32, #tpu.memory_space<vmem>> -> memref<128xi32, #tpu.memory_space<vmem>>
          %dma_wait3A_113 = tpu.memref_slice %arg4[%add3A_85] : memref<3200128xi32, #tpu.memory_space<hbm>> -> memref<128xi32, #tpu.memory_space<hbm>>
          %dma_wait3A_114 = arith.constant 0 : i32
          %dma_wait3A_115 = tpu.memref_slice %arg9[%dma_wait3A_114] : memref<144xi32, #tpu.memory_space<vmem>> -> memref<128xi32, #tpu.memory_space<vmem>>
          %dma_wait3A_116 = tpu.memref_slice %arg4[%add3A_85] : memref<3200128xi32, #tpu.memory_space<hbm>> -> memref<128xi32, #tpu.memory_space<hbm>>
          tpu.wait_dma2 semaphore(%run_scoped3A : memref<!tpu.dma_semaphore, #tpu.memory_space<semaphore_mem>>) src(%dma_wait3A_116 : memref<128xi32, #tpu.memory_space<hbm>>) dst(%dma_wait3A_115 : memref<128xi32, #tpu.memory_space<vmem>>)
          tpu.yield
        }) : () -> ()
        %dma_start3A = arith.constant 0 : i32
        %dma_start3A_86 = arith.constant 0 : i32
        %dma_start3A_87 = tpu.memref_slice %arg2[%dma_start3A, %dma_start3A_86] : memref<1605632x128xf32, #tpu.memory_space<hbm>> -> memref<1605632x128xf32, #tpu.memory_space<hbm>>
        tpu.enqueue_indirect_dma source(%dma_start3A_87 : memref<1605632x128xf32, #tpu.memory_space<hbm>>) target(%arg10 : memref<128x128xf32, #tpu.memory_space<vmem>>) offsets(%arg8 : memref<128xi32, #tpu.memory_space<vmem>>) semaphore(%arg12 : memref<!tpu.dma_semaphore, #tpu.memory_space<semaphore_mem>>)
        %dma_wait3A = arith.constant 0 : i32
        %dma_wait3A_88 = arith.constant 0 : i32
        %dma_wait3A_89 = tpu.memref_slice %arg2[%dma_wait3A, %dma_wait3A_88] : memref<1605632x128xf32, #tpu.memory_space<hbm>> -> memref<1605632x128xf32, #tpu.memory_space<hbm>>
        tpu.wait_indirect_dma semaphore(%arg12 : memref<!tpu.dma_semaphore, #tpu.memory_space<semaphore_mem>>) src(%dma_wait3A_89 : memref<1605632x128xf32, #tpu.memory_space<hbm>>) dst(%arg10 : memref<128x128xf32, #tpu.memory_space<vmem>>)
        %sub3A_90 = arith.subi %squeeze3A, %add3A_85 : i32
        %max3A_91 = arith.constant 0 : i32
        %max3A_92 = arith.maxsi %sub3A_90, %max3A_91 : i32
        %sub3A_93 = arith.subi %squeeze3A_16, %add3A_85 : i32
        %min3A = arith.constant 128 : i32
        %min3A_94 = arith.minsi %sub3A_93, %min3A : i32
        %max3A_95 = arith.maxsi %max3A_92, %min3A_94 : i32
        %while3A_96 = arith.constant 0 : i32
        %while3A_97 = arith.subi %max3A_95, %max3A_92 : i32
        %while3A_98 = arith.addi %max3A_92, %while3A_97 : i32
        %while3A_99 = arith.constant 1 : i32
        %while3A_100 = arith.divsi %while3A_97, %while3A_99 : i32
        %while3A_101 = arith.muli %while3A_100, %while3A_99 : i32
        %while3A_102 = arith.addi %max3A_92, %while3A_101 : i32
        %while3A_103 = arith.constant 1 : i32
        scf.for %while3A_105 = %max3A_92 to %while3A_102 step %while3A_103  : i32 {
          %get3A_106 = arith.index_cast %while3A_105 : i32 to index
          %get3A_107 = tpu.vector_load %arg9[%get3A_106] {strides = array<i32>} : memref<144xi32, #tpu.memory_space<vmem>>, vector<16xi32>,
          %get3A_108 = vector.shape_cast %get3A_107 : vector<16xi32> to vector<16xi32>
          %slice3A_109 = vector.extract_strided_slice %get3A_108 {offsets = [0], sizes = [1], strides = [1]} : vector<16xi32> to vector<1xi32>
          %squeeze3A_110 = vector.extract %slice3A_109[0] : i32 from vector<1xi32>
          %sub3A_111 = arith.subi %squeeze3A_110, %mul3A_12 : i32
          %mul3A_112 = arith.constant 32 : i32
          %mul3A_113 = arith.muli %sub3A_111, %mul3A_112 : i32
          %get3A_114 = arith.index_cast %while3A_105 : i32 to index
          %get3A_115 = arith.constant 0 : index
          %get3A_116 = tpu.vector_load %arg10[%get3A_114, %get3A_115] {strides = array<i32>} : memref<128x128xf32, #tpu.memory_space<vmem>>, vector<1x16xf32>,
          %get3A_117 = vector.shape_cast %get3A_116 : vector<1x16xf32> to vector<16xf32>
          %get3A_118 = arith.index_cast %while3A_105 : i32 to index
          %get3A_119 = arith.constant 16 : index
          %get3A_120 = tpu.vector_load %arg10[%get3A_118, %get3A_119] {strides = array<i32>} : memref<128x128xf32, #tpu.memory_space<vmem>>, vector<1x16xf32>,
          %get3A_121 = vector.shape_cast %get3A_120 : vector<1x16xf32> to vector<16xf32>
          %get3A_122 = arith.index_cast %mul3A_113 : i32 to index
          %get3A_123 = tpu.vector_load %arg11[%get3A_122] {strides = array<i32>} : memref<100352xf32, #tpu.memory_space<vmem>>, vector<16xf32>,
          %get3A_124 = vector.shape_cast %get3A_123 : vector<16xf32> to vector<16xf32>
          %add3A_125 = arith.constant 16 : i32
          %add3A_126 = arith.addi %mul3A_113, %add3A_125 : i32
          %get3A_127 = arith.index_cast %add3A_126 : i32 to index
          %get3A_128 = tpu.vector_load %arg11[%get3A_127] {strides = array<i32>} : memref<100352xf32, #tpu.memory_space<vmem>>, vector<16xf32>,
          %get3A_129 = vector.shape_cast %get3A_128 : vector<16xf32> to vector<16xf32>
          %add3A_130 = arith.addf %get3A_124, %get3A_117 : vector<16xf32>
          %swap3A = arith.index_cast %mul3A_113 : i32 to index
          %swap3A_131 = tpu.vector_load %arg11[%swap3A] {strides = array<i32>} : memref<100352xf32, #tpu.memory_space<vmem>>, vector<16xf32>,
          %swap3A_132 = vector.shape_cast %swap3A_131 : vector<16xf32> to vector<16xf32>
          %swap3A_133 = vector.shape_cast %add3A_130 : vector<16xf32> to vector<16xf32>
          tpu.vector_store %arg11[%swap3A], %swap3A_133 {strides = array<i32>} : memref<100352xf32, #tpu.memory_space<vmem>>, vector<16xf32>,
          %add3A_134 = arith.addf %get3A_129, %get3A_121 : vector<16xf32>
          %add3A_135 = arith.constant 16 : i32
          %add3A_136 = arith.addi %mul3A_113, %add3A_135 : i32
          %swap3A_137 = arith.index_cast %add3A_136 : i32 to index
          %swap3A_138 = tpu.vector_load %arg11[%swap3A_137] {strides = array<i32>} : memref<100352xf32, #tpu.memory_space<vmem>>, vector<16xf32>,
          %swap3A_139 = vector.shape_cast %swap3A_138 : vector<16xf32> to vector<16xf32>
          %swap3A_140 = vector.shape_cast %add3A_134 : vector<16xf32> to vector<16xf32>
          tpu.vector_store %arg11[%swap3A_137], %swap3A_140 {strides = array<i32>} : memref<100352xf32, #tpu.memory_space<vmem>>, vector<16xf32>,
        }
        %while3A_104 = arith.constant 1 : i32
        scf.for %while3A_105 = %while3A_102 to %while3A_98 step %while3A_104  : i32 {
          %get3A_106 = arith.index_cast %while3A_105 : i32 to index
          %get3A_107 = tpu.vector_load %arg9[%get3A_106] {strides = array<i32>} : memref<144xi32, #tpu.memory_space<vmem>>, vector<16xi32>,
          %get3A_108 = vector.shape_cast %get3A_107 : vector<16xi32> to vector<16xi32>
          %slice3A_109 = vector.extract_strided_slice %get3A_108 {offsets = [0], sizes = [1], strides = [1]} : vector<16xi32> to vector<1xi32>
          %squeeze3A_110 = vector.extract %slice3A_109[0] : i32 from vector<1xi32>
          %sub3A_111 = arith.subi %squeeze3A_110, %mul3A_12 : i32
          %mul3A_112 = arith.constant 32 : i32
          %mul3A_113 = arith.muli %sub3A_111, %mul3A_112 : i32
          %get3A_114 = arith.index_cast %while3A_105 : i32 to index
          %get3A_115 = arith.constant 0 : index
          %get3A_116 = tpu.vector_load %arg10[%get3A_114, %get3A_115] {strides = array<i32>} : memref<128x128xf32, #tpu.memory_space<vmem>>, vector<1x16xf32>,
          %get3A_117 = vector.shape_cast %get3A_116 : vector<1x16xf32> to vector<16xf32>
          %get3A_118 = arith.index_cast %while3A_105 : i32 to index
          %get3A_119 = arith.constant 16 : index
          %get3A_120 = tpu.vector_load %arg10[%get3A_118, %get3A_119] {strides = array<i32>} : memref<128x128xf32, #tpu.memory_space<vmem>>, vector<1x16xf32>,
          %get3A_121 = vector.shape_cast %get3A_120 : vector<1x16xf32> to vector<16xf32>
          %get3A_122 = arith.index_cast %mul3A_113 : i32 to index
          %get3A_123 = tpu.vector_load %arg11[%get3A_122] {strides = array<i32>} : memref<100352xf32, #tpu.memory_space<vmem>>, vector<16xf32>,
          %get3A_124 = vector.shape_cast %get3A_123 : vector<16xf32> to vector<16xf32>
          %add3A_125 = arith.constant 16 : i32
          %add3A_126 = arith.addi %mul3A_113, %add3A_125 : i32
          %get3A_127 = arith.index_cast %add3A_126 : i32 to index
          %get3A_128 = tpu.vector_load %arg11[%get3A_127] {strides = array<i32>} : memref<100352xf32, #tpu.memory_space<vmem>>, vector<16xf32>,
          %get3A_129 = vector.shape_cast %get3A_128 : vector<16xf32> to vector<16xf32>
          %add3A_130 = arith.addf %get3A_124, %get3A_117 : vector<16xf32>
          %swap3A = arith.index_cast %mul3A_113 : i32 to index
          %swap3A_131 = tpu.vector_load %arg11[%swap3A] {strides = array<i32>} : memref<100352xf32, #tpu.memory_space<vmem>>, vector<16xf32>,
          %swap3A_132 = vector.shape_cast %swap3A_131 : vector<16xf32> to vector<16xf32>
          %swap3A_133 = vector.shape_cast %add3A_130 : vector<16xf32> to vector<16xf32>
          tpu.vector_store %arg11[%swap3A], %swap3A_133 {strides = array<i32>} : memref<100352xf32, #tpu.memory_space<vmem>>, vector<16xf32>,
          %add3A_134 = arith.addf %get3A_129, %get3A_121 : vector<16xf32>
          %add3A_135 = arith.constant 16 : i32
          %add3A_136 = arith.addi %mul3A_113, %add3A_135 : i32
          %swap3A_137 = arith.index_cast %add3A_136 : i32 to index
          %swap3A_138 = tpu.vector_load %arg11[%swap3A_137] {strides = array<i32>} : memref<100352xf32, #tpu.memory_space<vmem>>, vector<16xf32>,
          %swap3A_139 = vector.shape_cast %swap3A_138 : vector<16xf32> to vector<16xf32>
          %swap3A_140 = vector.shape_cast %add3A_134 : vector<16xf32> to vector<16xf32>
          tpu.vector_store %arg11[%swap3A_137], %swap3A_140 {strides = array<i32>} : memref<100352xf32, #tpu.memory_space<vmem>>, vector<16xf32>,
        }
      }
      %while3A_79 = arith.constant 1 : i32
      scf.for %while3A_82 = %while3A_77 to %while3A_73 step %while3A_79  : i32 {
        %mul3A_83 = arith.constant 128 : i32
        %mul3A_84 = arith.muli %while3A_82, %mul3A_83 : i32
        %add3A_85 = arith.addi %mul3A_40, %mul3A_84 : i32
        "tpu.region"() ({
          %run_scoped3A = tpu.sem_alloc : memref<!tpu.dma_semaphore, #tpu.memory_space<semaphore_mem>>
          %dma_start3A_105 = tpu.memref_slice %arg3[%add3A_85] : memref<3200128xi32, #tpu.memory_space<hbm>> -> memref<128xi32, #tpu.memory_space<hbm>>
          %dma_start3A_106 = tpu.memref_slice %arg3[%add3A_85] : memref<3200128xi32, #tpu.memory_space<hbm>> -> memref<128xi32, #tpu.memory_space<hbm>>
          tpu.enqueue_dma source(%dma_start3A_106 : memref<128xi32, #tpu.memory_space<hbm>>) target(%arg8 : memref<128xi32, #tpu.memory_space<vmem>>) target_semaphore(%run_scoped3A : memref<!tpu.dma_semaphore, #tpu.memory_space<semaphore_mem>>)
          %dma_wait3A_107 = tpu.memref_slice %arg3[%add3A_85] : memref<3200128xi32, #tpu.memory_space<hbm>> -> memref<128xi32, #tpu.memory_space<hbm>>
          %dma_wait3A_108 = tpu.memref_slice %arg3[%add3A_85] : memref<3200128xi32, #tpu.memory_space<hbm>> -> memref<128xi32, #tpu.memory_space<hbm>>
          tpu.wait_dma2 semaphore(%run_scoped3A : memref<!tpu.dma_semaphore, #tpu.memory_space<semaphore_mem>>) src(%dma_wait3A_108 : memref<128xi32, #tpu.memory_space<hbm>>) dst(%arg8 : memref<128xi32, #tpu.memory_space<vmem>>)
          tpu.yield
        }) : () -> ()
        "tpu.region"() ({
          %run_scoped3A = tpu.sem_alloc : memref<!tpu.dma_semaphore, #tpu.memory_space<semaphore_mem>>
          %dma_start3A_105 = arith.constant 0 : i32
          %dma_start3A_106 = tpu.memref_slice %arg9[%dma_start3A_105] : memref<144xi32, #tpu.memory_space<vmem>> -> memref<128xi32, #tpu.memory_space<vmem>>
          %dma_start3A_107 = tpu.memref_slice %arg4[%add3A_85] : memref<3200128xi32, #tpu.memory_space<hbm>> -> memref<128xi32, #tpu.memory_space<hbm>>
          %dma_start3A_108 = arith.constant 0 : i32
          %dma_start3A_109 = tpu.memref_slice %arg9[%dma_start3A_108] : memref<144xi32, #tpu.memory_space<vmem>> -> memref<128xi32, #tpu.memory_space<vmem>>
          %dma_start3A_110 = tpu.memref_slice %arg4[%add3A_85] : memref<3200128xi32, #tpu.memory_space<hbm>> -> memref<128xi32, #tpu.memory_space<hbm>>
          tpu.enqueue_dma source(%dma_start3A_110 : memref<128xi32, #tpu.memory_space<hbm>>) target(%dma_start3A_109 : memref<128xi32, #tpu.memory_space<vmem>>) target_semaphore(%run_scoped3A : memref<!tpu.dma_semaphore, #tpu.memory_space<semaphore_mem>>)
          %dma_wait3A_111 = arith.constant 0 : i32
          %dma_wait3A_112 = tpu.memref_slice %arg9[%dma_wait3A_111] : memref<144xi32, #tpu.memory_space<vmem>> -> memref<128xi32, #tpu.memory_space<vmem>>
          %dma_wait3A_113 = tpu.memref_slice %arg4[%add3A_85] : memref<3200128xi32, #tpu.memory_space<hbm>> -> memref<128xi32, #tpu.memory_space<hbm>>
          %dma_wait3A_114 = arith.constant 0 : i32
          %dma_wait3A_115 = tpu.memref_slice %arg9[%dma_wait3A_114] : memref<144xi32, #tpu.memory_space<vmem>> -> memref<128xi32, #tpu.memory_space<vmem>>
          %dma_wait3A_116 = tpu.memref_slice %arg4[%add3A_85] : memref<3200128xi32, #tpu.memory_space<hbm>> -> memref<128xi32, #tpu.memory_space<hbm>>
          tpu.wait_dma2 semaphore(%run_scoped3A : memref<!tpu.dma_semaphore, #tpu.memory_space<semaphore_mem>>) src(%dma_wait3A_116 : memref<128xi32, #tpu.memory_space<hbm>>) dst(%dma_wait3A_115 : memref<128xi32, #tpu.memory_space<vmem>>)
          tpu.yield
        }) : () -> ()
        %dma_start3A = arith.constant 0 : i32
        %dma_start3A_86 = arith.constant 0 : i32
        %dma_start3A_87 = tpu.memref_slice %arg2[%dma_start3A, %dma_start3A_86] : memref<1605632x128xf32, #tpu.memory_space<hbm>> -> memref<1605632x128xf32, #tpu.memory_space<hbm>>
        tpu.enqueue_indirect_dma source(%dma_start3A_87 : memref<1605632x128xf32, #tpu.memory_space<hbm>>) target(%arg10 : memref<128x128xf32, #tpu.memory_space<vmem>>) offsets(%arg8 : memref<128xi32, #tpu.memory_space<vmem>>) semaphore(%arg12 : memref<!tpu.dma_semaphore, #tpu.memory_space<semaphore_mem>>)
        %dma_wait3A = arith.constant 0 : i32
        %dma_wait3A_88 = arith.constant 0 : i32
        %dma_wait3A_89 = tpu.memref_slice %arg2[%dma_wait3A, %dma_wait3A_88] : memref<1605632x128xf32, #tpu.memory_space<hbm>> -> memref<1605632x128xf32, #tpu.memory_space<hbm>>
        tpu.wait_indirect_dma semaphore(%arg12 : memref<!tpu.dma_semaphore, #tpu.memory_space<semaphore_mem>>) src(%dma_wait3A_89 : memref<1605632x128xf32, #tpu.memory_space<hbm>>) dst(%arg10 : memref<128x128xf32, #tpu.memory_space<vmem>>)
        %sub3A_90 = arith.subi %squeeze3A, %add3A_85 : i32
        %max3A_91 = arith.constant 0 : i32
        %max3A_92 = arith.maxsi %sub3A_90, %max3A_91 : i32
        %sub3A_93 = arith.subi %squeeze3A_16, %add3A_85 : i32
        %min3A = arith.constant 128 : i32
        %min3A_94 = arith.minsi %sub3A_93, %min3A : i32
        %max3A_95 = arith.maxsi %max3A_92, %min3A_94 : i32
        %while3A_96 = arith.constant 0 : i32
        %while3A_97 = arith.subi %max3A_95, %max3A_92 : i32
        %while3A_98 = arith.addi %max3A_92, %while3A_97 : i32
        %while3A_99 = arith.constant 1 : i32
        %while3A_100 = arith.divsi %while3A_97, %while3A_99 : i32
        %while3A_101 = arith.muli %while3A_100, %while3A_99 : i32
        %while3A_102 = arith.addi %max3A_92, %while3A_101 : i32
        %while3A_103 = arith.constant 1 : i32
        scf.for %while3A_105 = %max3A_92 to %while3A_102 step %while3A_103  : i32 {
          %get3A_106 = arith.index_cast %while3A_105 : i32 to index
          %get3A_107 = tpu.vector_load %arg9[%get3A_106] {strides = array<i32>} : memref<144xi32, #tpu.memory_space<vmem>>, vector<16xi32>,
          %get3A_108 = vector.shape_cast %get3A_107 : vector<16xi32> to vector<16xi32>
          %slice3A_109 = vector.extract_strided_slice %get3A_108 {offsets = [0], sizes = [1], strides = [1]} : vector<16xi32> to vector<1xi32>
          %squeeze3A_110 = vector.extract %slice3A_109[0] : i32 from vector<1xi32>
          %sub3A_111 = arith.subi %squeeze3A_110, %mul3A_12 : i32
          %mul3A_112 = arith.constant 32 : i32
          %mul3A_113 = arith.muli %sub3A_111, %mul3A_112 : i32
          %get3A_114 = arith.index_cast %while3A_105 : i32 to index
          %get3A_115 = arith.constant 0 : index
          %get3A_116 = tpu.vector_load %arg10[%get3A_114, %get3A_115] {strides = array<i32>} : memref<128x128xf32, #tpu.memory_space<vmem>>, vector<1x16xf32>,
          %get3A_117 = vector.shape_cast %get3A_116 : vector<1x16xf32> to vector<16xf32>
          %get3A_118 = arith.index_cast %while3A_105 : i32 to index
          %get3A_119 = arith.constant 16 : index
          %get3A_120 = tpu.vector_load %arg10[%get3A_118, %get3A_119] {strides = array<i32>} : memref<128x128xf32, #tpu.memory_space<vmem>>, vector<1x16xf32>,
          %get3A_121 = vector.shape_cast %get3A_120 : vector<1x16xf32> to vector<16xf32>
          %get3A_122 = arith.index_cast %mul3A_113 : i32 to index
          %get3A_123 = tpu.vector_load %arg11[%get3A_122] {strides = array<i32>} : memref<100352xf32, #tpu.memory_space<vmem>>, vector<16xf32>,
          %get3A_124 = vector.shape_cast %get3A_123 : vector<16xf32> to vector<16xf32>
          %add3A_125 = arith.constant 16 : i32
          %add3A_126 = arith.addi %mul3A_113, %add3A_125 : i32
          %get3A_127 = arith.index_cast %add3A_126 : i32 to index
          %get3A_128 = tpu.vector_load %arg11[%get3A_127] {strides = array<i32>} : memref<100352xf32, #tpu.memory_space<vmem>>, vector<16xf32>,
          %get3A_129 = vector.shape_cast %get3A_128 : vector<16xf32> to vector<16xf32>
          %add3A_130 = arith.addf %get3A_124, %get3A_117 : vector<16xf32>
          %swap3A = arith.index_cast %mul3A_113 : i32 to index
          %swap3A_131 = tpu.vector_load %arg11[%swap3A] {strides = array<i32>} : memref<100352xf32, #tpu.memory_space<vmem>>, vector<16xf32>,
          %swap3A_132 = vector.shape_cast %swap3A_131 : vector<16xf32> to vector<16xf32>
          %swap3A_133 = vector.shape_cast %add3A_130 : vector<16xf32> to vector<16xf32>
          tpu.vector_store %arg11[%swap3A], %swap3A_133 {strides = array<i32>} : memref<100352xf32, #tpu.memory_space<vmem>>, vector<16xf32>,
          %add3A_134 = arith.addf %get3A_129, %get3A_121 : vector<16xf32>
          %add3A_135 = arith.constant 16 : i32
          %add3A_136 = arith.addi %mul3A_113, %add3A_135 : i32
          %swap3A_137 = arith.index_cast %add3A_136 : i32 to index
          %swap3A_138 = tpu.vector_load %arg11[%swap3A_137] {strides = array<i32>} : memref<100352xf32, #tpu.memory_space<vmem>>, vector<16xf32>,
          %swap3A_139 = vector.shape_cast %swap3A_138 : vector<16xf32> to vector<16xf32>
          %swap3A_140 = vector.shape_cast %add3A_134 : vector<16xf32> to vector<16xf32>
          tpu.vector_store %arg11[%swap3A_137], %swap3A_140 {strides = array<i32>} : memref<100352xf32, #tpu.memory_space<vmem>>, vector<16xf32>,
        }
        %while3A_104 = arith.constant 1 : i32
        scf.for %while3A_105 = %while3A_102 to %while3A_98 step %while3A_104  : i32 {
          %get3A_106 = arith.index_cast %while3A_105 : i32 to index
          %get3A_107 = tpu.vector_load %arg9[%get3A_106] {strides = array<i32>} : memref<144xi32, #tpu.memory_space<vmem>>, vector<16xi32>,
          %get3A_108 = vector.shape_cast %get3A_107 : vector<16xi32> to vector<16xi32>
          %slice3A_109 = vector.extract_strided_slice %get3A_108 {offsets = [0], sizes = [1], strides = [1]} : vector<16xi32> to vector<1xi32>
          %squeeze3A_110 = vector.extract %slice3A_109[0] : i32 from vector<1xi32>
          %sub3A_111 = arith.subi %squeeze3A_110, %mul3A_12 : i32
          %mul3A_112 = arith.constant 32 : i32
          %mul3A_113 = arith.muli %sub3A_111, %mul3A_112 : i32
          %get3A_114 = arith.index_cast %while3A_105 : i32 to index
          %get3A_115 = arith.constant 0 : index
          %get3A_116 = tpu.vector_load %arg10[%get3A_114, %get3A_115] {strides = array<i32>} : memref<128x128xf32, #tpu.memory_space<vmem>>, vector<1x16xf32>,
          %get3A_117 = vector.shape_cast %get3A_116 : vector<1x16xf32> to vector<16xf32>
          %get3A_118 = arith.index_cast %while3A_105 : i32 to index
          %get3A_119 = arith.constant 16 : index
          %get3A_120 = tpu.vector_load %arg10[%get3A_118, %get3A_119] {strides = array<i32>} : memref<128x128xf32, #tpu.memory_space<vmem>>, vector<1x16xf32>,
          %get3A_121 = vector.shape_cast %get3A_120 : vector<1x16xf32> to vector<16xf32>
          %get3A_122 = arith.index_cast %mul3A_113 : i32 to index
          %get3A_123 = tpu.vector_load %arg11[%get3A_122] {strides = array<i32>} : memref<100352xf32, #tpu.memory_space<vmem>>, vector<16xf32>,
          %get3A_124 = vector.shape_cast %get3A_123 : vector<16xf32> to vector<16xf32>
          %add3A_125 = arith.constant 16 : i32
          %add3A_126 = arith.addi %mul3A_113, %add3A_125 : i32
          %get3A_127 = arith.index_cast %add3A_126 : i32 to index
          %get3A_128 = tpu.vector_load %arg11[%get3A_127] {strides = array<i32>} : memref<100352xf32, #tpu.memory_space<vmem>>, vector<16xf32>,
          %get3A_129 = vector.shape_cast %get3A_128 : vector<16xf32> to vector<16xf32>
          %add3A_130 = arith.addf %get3A_124, %get3A_117 : vector<16xf32>
          %swap3A = arith.index_cast %mul3A_113 : i32 to index
          %swap3A_131 = tpu.vector_load %arg11[%swap3A] {strides = array<i32>} : memref<100352xf32, #tpu.memory_space<vmem>>, vector<16xf32>,
          %swap3A_132 = vector.shape_cast %swap3A_131 : vector<16xf32> to vector<16xf32>
          %swap3A_133 = vector.shape_cast %add3A_130 : vector<16xf32> to vector<16xf32>
          tpu.vector_store %arg11[%swap3A], %swap3A_133 {strides = array<i32>} : memref<100352xf32, #tpu.memory_space<vmem>>, vector<16xf32>,
          %add3A_134 = arith.addf %get3A_129, %get3A_121 : vector<16xf32>
          %add3A_135 = arith.constant 16 : i32
          %add3A_136 = arith.addi %mul3A_113, %add3A_135 : i32
          %swap3A_137 = arith.index_cast %add3A_136 : i32 to index
          %swap3A_138 = tpu.vector_load %arg11[%swap3A_137] {strides = array<i32>} : memref<100352xf32, #tpu.memory_space<vmem>>, vector<16xf32>,
          %swap3A_139 = vector.shape_cast %swap3A_138 : vector<16xf32> to vector<16xf32>
          %swap3A_140 = vector.shape_cast %add3A_134 : vector<16xf32> to vector<16xf32>
          tpu.vector_store %arg11[%swap3A_137], %swap3A_140 {strides = array<i32>} : memref<100352xf32, #tpu.memory_space<vmem>>, vector<16xf32>,
        }
      }
      %mul3A_80 = arith.constant 32 : i32
      %mul3A_81 = arith.muli %mul3A_12, %mul3A_80 : i32
      "tpu.region"() ({
        %run_scoped3A = tpu.sem_alloc : memref<!tpu.dma_semaphore, #tpu.memory_space<semaphore_mem>>
        %dma_start3A = tpu.memref_slice %arg6[%mul3A_81] : memref<51380224xf32, #tpu.memory_space<hbm>> -> memref<100352xf32, #tpu.memory_space<hbm>>
        %dma_start3A_82 = tpu.memref_slice %arg6[%mul3A_81] : memref<51380224xf32, #tpu.memory_space<hbm>> -> memref<100352xf32, #tpu.memory_space<hbm>>
        tpu.enqueue_dma source(%arg11 : memref<100352xf32, #tpu.memory_space<vmem>>) target(%dma_start3A_82 : memref<100352xf32, #tpu.memory_space<hbm>>) target_semaphore(%run_scoped3A : memref<!tpu.dma_semaphore, #tpu.memory_space<semaphore_mem>>)
        %dma_wait3A = tpu.memref_slice %arg6[%mul3A_81] : memref<51380224xf32, #tpu.memory_space<hbm>> -> memref<100352xf32, #tpu.memory_space<hbm>>
        %dma_wait3A_83 = tpu.memref_slice %arg6[%mul3A_81] : memref<51380224xf32, #tpu.memory_space<hbm>> -> memref<100352xf32, #tpu.memory_space<hbm>>
        tpu.wait_dma2 semaphore(%run_scoped3A : memref<!tpu.dma_semaphore, #tpu.memory_space<semaphore_mem>>) src(%arg11 : memref<100352xf32, #tpu.memory_space<vmem>>) dst(%dma_wait3A_83 : memref<100352xf32, #tpu.memory_space<hbm>>)
        tpu.yield
      }) : () -> ()
    }
    %scan3A_6 = arith.constant 16 : i32
    return
  }
}

#map = affine_map<(d0, d1) -> (0, 0)>
#map1 = affine_map<(d0, d1) -> (0)>
module attributes {stable_mosaic.version = 14 : i64} {
  func.func @k(%arg0: i32, %arg1: i32, %arg2: memref<100352x128xf32, #tpu.memory_space<hbm>>, %arg3: memref<1605632xi32, #tpu.memory_space<hbm>>, %arg4: memref<1605632x128xf32, #tpu.memory_space<hbm>>, %arg5: memref<128xi32, #tpu.memory_space<vmem>>, %arg6: memref<128x128xf32, #tpu.memory_space<vmem>>, %arg7: memref<!tpu.dma_semaphore, #tpu.memory_space<semaphore_mem>>) attributes {dimension_semantics = [#tpu.dimension_semantics<core_parallel>, #tpu.dimension_semantics<subcore_parallel>], iteration_bounds = array<i64: 2, 16>, scalar_prefetch = 0 : i64, scratch_operands = 3 : i64, tpu.core_type = #tpu.core_type<sc_vector_subcore>, window_params = [{transform_indices = #map}, {transform_indices = #map1}, {transform_indices = #map}]} {
    %mul3A = arith.constant 2 : i32
    %mul3A_0 = arith.muli %arg1, %mul3A : i32
    %add3A = arith.addi %mul3A_0, %arg0 : i32
    %mul3A_1 = arith.constant 50176 : i32
    %mul3A_2 = arith.muli %add3A, %mul3A_1 : i32
    %scan3A = arith.constant 0 : i32
    %scan3A_3 = arith.constant 0 : i32
    %scan3A_4 = arith.constant 392 : i32
    %scan3A_5 = arith.addi %scan3A_3, %scan3A_4 : i32
    %scan3A_6 = arith.constant 1 : i32
    scf.for %scan3A_8 = %scan3A_3 to %scan3A_5 step %scan3A_6  : i32 {
      %mul3A_9 = arith.constant 128 : i32
      %mul3A_10 = arith.muli %scan3A_8, %mul3A_9 : i32
      %add3A_11 = arith.addi %mul3A_2, %mul3A_10 : i32
      "tpu.region"() ({
        %run_scoped3A = tpu.sem_alloc : memref<!tpu.dma_semaphore, #tpu.memory_space<semaphore_mem>>
        %dma_start3A_16 = tpu.memref_slice %arg3[%add3A_11] : memref<1605632xi32, #tpu.memory_space<hbm>> -> memref<128xi32, #tpu.memory_space<hbm>>
        %dma_start3A_17 = tpu.memref_slice %arg3[%add3A_11] : memref<1605632xi32, #tpu.memory_space<hbm>> -> memref<128xi32, #tpu.memory_space<hbm>>
        tpu.enqueue_dma source(%dma_start3A_17 : memref<128xi32, #tpu.memory_space<hbm>>) target(%arg5 : memref<128xi32, #tpu.memory_space<vmem>>) target_semaphore(%run_scoped3A : memref<!tpu.dma_semaphore, #tpu.memory_space<semaphore_mem>>)
        %dma_wait3A_18 = tpu.memref_slice %arg3[%add3A_11] : memref<1605632xi32, #tpu.memory_space<hbm>> -> memref<128xi32, #tpu.memory_space<hbm>>
        %dma_wait3A_19 = tpu.memref_slice %arg3[%add3A_11] : memref<1605632xi32, #tpu.memory_space<hbm>> -> memref<128xi32, #tpu.memory_space<hbm>>
        tpu.wait_dma2 semaphore(%run_scoped3A : memref<!tpu.dma_semaphore, #tpu.memory_space<semaphore_mem>>) src(%dma_wait3A_19 : memref<128xi32, #tpu.memory_space<hbm>>) dst(%arg5 : memref<128xi32, #tpu.memory_space<vmem>>)
        tpu.yield
      }) : () -> ()
      %dma_start3A = arith.constant 0 : i32
      %dma_start3A_12 = arith.constant 0 : i32
      %dma_start3A_13 = tpu.memref_slice %arg2[%dma_start3A, %dma_start3A_12] : memref<100352x128xf32, #tpu.memory_space<hbm>> -> memref<100352x128xf32, #tpu.memory_space<hbm>>
      tpu.enqueue_indirect_dma source(%dma_start3A_13 : memref<100352x128xf32, #tpu.memory_space<hbm>>) target(%arg6 : memref<128x128xf32, #tpu.memory_space<vmem>>) offsets(%arg5 : memref<128xi32, #tpu.memory_space<vmem>>) semaphore(%arg7 : memref<!tpu.dma_semaphore, #tpu.memory_space<semaphore_mem>>)
      %dma_wait3A = arith.constant 0 : i32
      %dma_wait3A_14 = arith.constant 0 : i32
      %dma_wait3A_15 = tpu.memref_slice %arg2[%dma_wait3A, %dma_wait3A_14] : memref<100352x128xf32, #tpu.memory_space<hbm>> -> memref<100352x128xf32, #tpu.memory_space<hbm>>
      tpu.wait_indirect_dma semaphore(%arg7 : memref<!tpu.dma_semaphore, #tpu.memory_space<semaphore_mem>>) src(%dma_wait3A_15 : memref<100352x128xf32, #tpu.memory_space<hbm>>) dst(%arg6 : memref<128x128xf32, #tpu.memory_space<vmem>>)
      "tpu.region"() ({
        %run_scoped3A = tpu.sem_alloc : memref<!tpu.dma_semaphore, #tpu.memory_space<semaphore_mem>>
        %dma_start3A_16 = arith.constant 0 : i32
        %dma_start3A_17 = tpu.memref_slice %arg4[%add3A_11, %dma_start3A_16] : memref<1605632x128xf32, #tpu.memory_space<hbm>> -> memref<128x128xf32, #tpu.memory_space<hbm>>
        %dma_start3A_18 = arith.constant 0 : i32
        %dma_start3A_19 = tpu.memref_slice %arg4[%add3A_11, %dma_start3A_18] : memref<1605632x128xf32, #tpu.memory_space<hbm>> -> memref<128x128xf32, #tpu.memory_space<hbm>>
        tpu.enqueue_dma source(%arg6 : memref<128x128xf32, #tpu.memory_space<vmem>>) target(%dma_start3A_19 : memref<128x128xf32, #tpu.memory_space<hbm>>) target_semaphore(%run_scoped3A : memref<!tpu.dma_semaphore, #tpu.memory_space<semaphore_mem>>)
        %dma_wait3A_20 = arith.constant 0 : i32
        %dma_wait3A_21 = tpu.memref_slice %arg4[%add3A_11, %dma_wait3A_20] : memref<1605632x128xf32, #tpu.memory_space<hbm>> -> memref<128x128xf32, #tpu.memory_space<hbm>>
        %dma_wait3A_22 = arith.constant 0 : i32
        %dma_wait3A_23 = tpu.memref_slice %arg4[%add3A_11, %dma_wait3A_22] : memref<1605632x128xf32, #tpu.memory_space<hbm>> -> memref<128x128xf32, #tpu.memory_space<hbm>>
        tpu.wait_dma2 semaphore(%run_scoped3A : memref<!tpu.dma_semaphore, #tpu.memory_space<semaphore_mem>>) src(%arg6 : memref<128x128xf32, #tpu.memory_space<vmem>>) dst(%dma_wait3A_23 : memref<128x128xf32, #tpu.memory_space<hbm>>)
        tpu.yield
      }) : () -> ()
    }
    %scan3A_7 = arith.constant 392 : i32
    return
  }
}

#map = affine_map<(d0, d1) -> (0, 0)>
#map1 = affine_map<(d0, d1) -> (0)>
module attributes {stable_mosaic.version = 14 : i64} {
  func.func @k(%arg0: i32, %arg1: i32, %arg2: memref<1605632x128xf32, #tpu.memory_space<hbm>>, %arg3: memref<3200128xi32, #tpu.memory_space<hbm>>, %arg4: memref<3200128xi32, #tpu.memory_space<hbm>>, %arg5: memref<528xi32, #tpu.memory_space<hbm>>, %arg6: memref<51380224xf32, #tpu.memory_space<hbm>>, %arg7: memref<528xi32, #tpu.memory_space<vmem>>, %arg8: memref<128xi32, #tpu.memory_space<vmem>>, %arg9: memref<144xi32, #tpu.memory_space<vmem>>, %arg10: memref<128x128xf32, #tpu.memory_space<vmem>>, %arg11: memref<100352xf32, #tpu.memory_space<vmem>>, %arg12: memref<!tpu.dma_semaphore, #tpu.memory_space<semaphore_mem>>) attributes {dimension_semantics = [#tpu.dimension_semantics<core_parallel>, #tpu.dimension_semantics<subcore_parallel>], iteration_bounds = array<i64: 2, 16>, scalar_prefetch = 0 : i64, scratch_operands = 6 : i64, tpu.core_type = #tpu.core_type<sc_vector_subcore>, window_params = [{transform_indices = #map}, {transform_indices = #map1}, {transform_indices = #map1}, {transform_indices = #map1}, {transform_indices = #map1}]} {
    %mul3A = arith.constant 2 : i32
    %mul3A_0 = arith.muli %arg1, %mul3A : i32
    %add3A = arith.addi %mul3A_0, %arg0 : i32
    "tpu.region"() ({
      %run_scoped3A = tpu.sem_alloc : memref<!tpu.dma_semaphore, #tpu.memory_space<semaphore_mem>>
      tpu.enqueue_dma source(%arg5 : memref<528xi32, #tpu.memory_space<hbm>>) target(%arg7 : memref<528xi32, #tpu.memory_space<vmem>>) target_semaphore(%run_scoped3A : memref<!tpu.dma_semaphore, #tpu.memory_space<semaphore_mem>>)
      tpu.wait_dma2 semaphore(%run_scoped3A : memref<!tpu.dma_semaphore, #tpu.memory_space<semaphore_mem>>) src(%arg5 : memref<528xi32, #tpu.memory_space<hbm>>) dst(%arg7 : memref<528xi32, #tpu.memory_space<vmem>>)
      tpu.yield
    }) : () -> ()
    %broadcast_in_dim3A = arith.constant 0.000000e+00 : f32
    %broadcast_in_dim3A_1 = vector.broadcast %broadcast_in_dim3A : f32 to vector<16xf32>
    %scan3A = arith.constant 0 : i32
    %scan3A_2 = arith.constant 0 : i32
    %scan3A_3 = arith.constant 16 : i32
    %scan3A_4 = arith.addi %scan3A_2, %scan3A_3 : i32
    %scan3A_5 = arith.constant 1 : i32
    scf.for %scan3A_7 = %scan3A_2 to %scan3A_4 step %scan3A_5  : i32 {
      %mul3A_8 = arith.constant 32 : i32
      %mul3A_9 = arith.muli %scan3A_7, %mul3A_8 : i32
      %add3A_10 = arith.addi %mul3A_9, %add3A : i32
      %mul3A_11 = arith.constant 3136 : i32
      %mul3A_12 = arith.muli %add3A_10, %mul3A_11 : i32
      %get3A = arith.index_cast %add3A_10 : i32 to index
      %get3A_13 = tpu.vector_load %arg7[%get3A] {strides = array<i32>} : memref<528xi32, #tpu.memory_space<vmem>>, vector<16xi32>,
      %get3A_14 = vector.shape_cast %get3A_13 : vector<16xi32> to vector<16xi32>
      %slice3A = vector.extract_strided_slice %get3A_14 {offsets = [0], sizes = [1], strides = [1]} : vector<16xi32> to vector<1xi32>
      %squeeze3A = vector.extract %slice3A[0] : i32 from vector<1xi32>
      %slice3A_15 = vector.extract_strided_slice %get3A_14 {offsets = [1], sizes = [1], strides = [1]} : vector<16xi32> to vector<1xi32>
      %squeeze3A_16 = vector.extract %slice3A_15[0] : i32 from vector<1xi32>
      %scan3A_17 = arith.constant 0 : i32
      %scan3A_18 = arith.constant 0 : i32
      %scan3A_19 = arith.constant 6272 : i32
      %scan3A_20 = arith.addi %scan3A_18, %scan3A_19 : i32
      %scan3A_21 = arith.constant 1 : i32
      scf.for %scan3A_82 = %scan3A_18 to %scan3A_20 step %scan3A_21  : i32 {
        %mul3A_83 = arith.constant 16 : i32
        %mul3A_84 = arith.muli %scan3A_82, %mul3A_83 : i32
        %swap3A = arith.index_cast %mul3A_84 : i32 to index
        %swap3A_85 = tpu.vector_load %arg11[%swap3A] {strides = array<i32>} : memref<100352xf32, #tpu.memory_space<vmem>>, vector<16xf32>,
        %swap3A_86 = vector.shape_cast %swap3A_85 : vector<16xf32> to vector<16xf32>
        %swap3A_87 = vector.shape_cast %broadcast_in_dim3A_1 : vector<16xf32> to vector<16xf32>
        tpu.vector_store %arg11[%swap3A], %swap3A_87 {strides = array<i32>} : memref<100352xf32, #tpu.memory_space<vmem>>, vector<16xf32>,
      }
      %scan3A_22 = arith.constant 6272 : i32
      %jit3A = arith.constant 128 : i32
      %div3A = arith.divsi %squeeze3A, %jit3A : i32
      %sign3A = arith.constant 0 : i32
      %sign3A_23 = arith.cmpi sgt, %squeeze3A, %sign3A : i32
      %sign3A_24 = arith.extui %sign3A_23 : i1 to i32
      %sign3A_25 = arith.constant 0 : i32
      %sign3A_26 = arith.cmpi slt, %squeeze3A, %sign3A_25 : i32
      %sign3A_27 = arith.extui %sign3A_26 : i1 to i32
      %sign3A_28 = arith.subi %sign3A_24, %sign3A_27 : i32
      %sign3A_29 = arith.constant 0 : i32
      %sign3A_30 = arith.cmpi sgt, %jit3A, %sign3A_29 : i32
      %sign3A_31 = arith.extui %sign3A_30 : i1 to i32
      %sign3A_32 = arith.constant 0 : i32
      %sign3A_33 = arith.cmpi slt, %jit3A, %sign3A_32 : i32
      %sign3A_34 = arith.extui %sign3A_33 : i1 to i32
      %sign3A_35 = arith.subi %sign3A_31, %sign3A_34 : i32
      %ne3A = arith.cmpi ne, %sign3A_28, %sign3A_35 : i32
      %rem3A = arith.remsi %squeeze3A, %jit3A : i32
      %ne3A_36 = arith.constant 0 : i32
      %ne3A_37 = arith.cmpi ne, %rem3A, %ne3A_36 : i32
      %and3A = arith.andi %ne3A, %ne3A_37 : i1
      %sub3A = arith.constant 1 : i32
      %sub3A_38 = arith.subi %div3A, %sub3A : i32
      %select_n3A = arith.select %and3A, %sub3A_38, %div3A : i32
      %mul3A_39 = arith.constant 128 : i32
      %mul3A_40 = arith.muli %select_n3A, %mul3A_39 : i32
      %sub3A_41 = arith.subi %squeeze3A_16, %mul3A_40 : i32
      %add3A_42 = arith.constant 128 : i32
      %add3A_43 = arith.addi %sub3A_41, %add3A_42 : i32
      %sub3A_44 = arith.constant 1 : i32
      %sub3A_45 = arith.subi %add3A_43, %sub3A_44 : i32
      %jit3A_46 = arith.constant 128 : i32
      %div3A_47 = arith.divsi %sub3A_45, %jit3A_46 : i32
      %sign3A_48 = arith.constant 0 : i32
      %sign3A_49 = arith.cmpi sgt, %sub3A_45, %sign3A_48 : i32
      %sign3A_50 = arith.extui %sign3A_49 : i1 to i32
      %sign3A_51 = arith.constant 0 : i32
      %sign3A_52 = arith.cmpi slt, %sub3A_45, %sign3A_51 : i32
      %sign3A_53 = arith.extui %sign3A_52 : i1 to i32
      %sign3A_54 = arith.subi %sign3A_50, %sign3A_53 : i32
      %sign3A_55 = arith.constant 0 : i32
      %sign3A_56 = arith.cmpi sgt, %jit3A_46, %sign3A_55 : i32
      %sign3A_57 = arith.extui %sign3A_56 : i1 to i32
      %sign3A_58 = arith.constant 0 : i32
      %sign3A_59 = arith.cmpi slt, %jit3A_46, %sign3A_58 : i32
      %sign3A_60 = arith.extui %sign3A_59 : i1 to i32
      %sign3A_61 = arith.subi %sign3A_57, %sign3A_60 : i32
      %ne3A_62 = arith.cmpi ne, %sign3A_54, %sign3A_61 : i32
      %rem3A_63 = arith.remsi %sub3A_45, %jit3A_46 : i32
      %ne3A_64 = arith.constant 0 : i32
      %ne3A_65 = arith.cmpi ne, %rem3A_63, %ne3A_64 : i32
      %and3A_66 = arith.andi %ne3A_62, %ne3A_65 : i1
      %sub3A_67 = arith.constant 1 : i32
      %sub3A_68 = arith.subi %div3A_47, %sub3A_67 : i32
      %select_n3A_69 = arith.select %and3A_66, %sub3A_68, %div3A_47 : i32
      %max3A = arith.constant 0 : i32
      %max3A_70 = arith.maxsi %select_n3A_69, %max3A : i32
      %while3A = arith.constant 0 : i32
      %while3A_71 = arith.constant 0 : i32
      %while3A_72 = arith.subi %max3A_70, %while3A_71 : i32
      %while3A_73 = arith.addi %while3A_71, %while3A_72 : i32
      %while3A_74 = arith.constant 1 : i32
      %while3A_75 = arith.divsi %while3A_72, %while3A_74 : i32
      %while3A_76 = arith.muli %while3A_75, %while3A_74 : i32
      %while3A_77 = arith.addi %while3A_71, %while3A_76 : i32
      %while3A_78 = arith.constant 1 : i32
      scf.for %while3A_82 = %while3A_71 to %while3A_77 step %while3A_78  : i32 {
        %mul3A_83 = arith.constant 128 : i32
        %mul3A_84 = arith.muli %while3A_82, %mul3A_83 : i32
        %add3A_85 = arith.addi %mul3A_40, %mul3A_84 : i32
        "tpu.region"() ({
          %run_scoped3A = tpu.sem_alloc : memref<!tpu.dma_semaphore, #tpu.memory_space<semaphore_mem>>
          %dma_start3A_105 = tpu.memref_slice %arg3[%add3A_85] : memref<3200128xi32, #tpu.memory_space<hbm>> -> memref<128xi32, #tpu.memory_space<hbm>>
          %dma_start3A_106 = tpu.memref_slice %arg3[%add3A_85] : memref<3200128xi32, #tpu.memory_space<hbm>> -> memref<128xi32, #tpu.memory_space<hbm>>
          tpu.enqueue_dma source(%dma_start3A_106 : memref<128xi32, #tpu.memory_space<hbm>>) target(%arg8 : memref<128xi32, #tpu.memory_space<vmem>>) target_semaphore(%run_scoped3A : memref<!tpu.dma_semaphore, #tpu.memory_space<semaphore_mem>>)
          %dma_wait3A_107 = tpu.memref_slice %arg3[%add3A_85] : memref<3200128xi32, #tpu.memory_space<hbm>> -> memref<128xi32, #tpu.memory_space<hbm>>
          %dma_wait3A_108 = tpu.memref_slice %arg3[%add3A_85] : memref<3200128xi32, #tpu.memory_space<hbm>> -> memref<128xi32, #tpu.memory_space<hbm>>
          tpu.wait_dma2 semaphore(%run_scoped3A : memref<!tpu.dma_semaphore, #tpu.memory_space<semaphore_mem>>) src(%dma_wait3A_108 : memref<128xi32, #tpu.memory_space<hbm>>) dst(%arg8 : memref<128xi32, #tpu.memory_space<vmem>>)
          tpu.yield
        }) : () -> ()
        "tpu.region"() ({
          %run_scoped3A = tpu.sem_alloc : memref<!tpu.dma_semaphore, #tpu.memory_space<semaphore_mem>>
          %dma_start3A_105 = arith.constant 0 : i32
          %dma_start3A_106 = tpu.memref_slice %arg9[%dma_start3A_105] : memref<144xi32, #tpu.memory_space<vmem>> -> memref<128xi32, #tpu.memory_space<vmem>>
          %dma_start3A_107 = tpu.memref_slice %arg4[%add3A_85] : memref<3200128xi32, #tpu.memory_space<hbm>> -> memref<128xi32, #tpu.memory_space<hbm>>
          %dma_start3A_108 = arith.constant 0 : i32
          %dma_start3A_109 = tpu.memref_slice %arg9[%dma_start3A_108] : memref<144xi32, #tpu.memory_space<vmem>> -> memref<128xi32, #tpu.memory_space<vmem>>
          %dma_start3A_110 = tpu.memref_slice %arg4[%add3A_85] : memref<3200128xi32, #tpu.memory_space<hbm>> -> memref<128xi32, #tpu.memory_space<hbm>>
          tpu.enqueue_dma source(%dma_start3A_110 : memref<128xi32, #tpu.memory_space<hbm>>) target(%dma_start3A_109 : memref<128xi32, #tpu.memory_space<vmem>>) target_semaphore(%run_scoped3A : memref<!tpu.dma_semaphore, #tpu.memory_space<semaphore_mem>>)
          %dma_wait3A_111 = arith.constant 0 : i32
          %dma_wait3A_112 = tpu.memref_slice %arg9[%dma_wait3A_111] : memref<144xi32, #tpu.memory_space<vmem>> -> memref<128xi32, #tpu.memory_space<vmem>>
          %dma_wait3A_113 = tpu.memref_slice %arg4[%add3A_85] : memref<3200128xi32, #tpu.memory_space<hbm>> -> memref<128xi32, #tpu.memory_space<hbm>>
          %dma_wait3A_114 = arith.constant 0 : i32
          %dma_wait3A_115 = tpu.memref_slice %arg9[%dma_wait3A_114] : memref<144xi32, #tpu.memory_space<vmem>> -> memref<128xi32, #tpu.memory_space<vmem>>
          %dma_wait3A_116 = tpu.memref_slice %arg4[%add3A_85] : memref<3200128xi32, #tpu.memory_space<hbm>> -> memref<128xi32, #tpu.memory_space<hbm>>
          tpu.wait_dma2 semaphore(%run_scoped3A : memref<!tpu.dma_semaphore, #tpu.memory_space<semaphore_mem>>) src(%dma_wait3A_116 : memref<128xi32, #tpu.memory_space<hbm>>) dst(%dma_wait3A_115 : memref<128xi32, #tpu.memory_space<vmem>>)
          tpu.yield
        }) : () -> ()
        %dma_start3A = arith.constant 0 : i32
        %dma_start3A_86 = arith.constant 0 : i32
        %dma_start3A_87 = tpu.memref_slice %arg2[%dma_start3A, %dma_start3A_86] : memref<1605632x128xf32, #tpu.memory_space<hbm>> -> memref<1605632x128xf32, #tpu.memory_space<hbm>>
        tpu.enqueue_indirect_dma source(%dma_start3A_87 : memref<1605632x128xf32, #tpu.memory_space<hbm>>) target(%arg10 : memref<128x128xf32, #tpu.memory_space<vmem>>) offsets(%arg8 : memref<128xi32, #tpu.memory_space<vmem>>) semaphore(%arg12 : memref<!tpu.dma_semaphore, #tpu.memory_space<semaphore_mem>>)
        %dma_wait3A = arith.constant 0 : i32
        %dma_wait3A_88 = arith.constant 0 : i32
        %dma_wait3A_89 = tpu.memref_slice %arg2[%dma_wait3A, %dma_wait3A_88] : memref<1605632x128xf32, #tpu.memory_space<hbm>> -> memref<1605632x128xf32, #tpu.memory_space<hbm>>
        tpu.wait_indirect_dma semaphore(%arg12 : memref<!tpu.dma_semaphore, #tpu.memory_space<semaphore_mem>>) src(%dma_wait3A_89 : memref<1605632x128xf32, #tpu.memory_space<hbm>>) dst(%arg10 : memref<128x128xf32, #tpu.memory_space<vmem>>)
        %sub3A_90 = arith.subi %squeeze3A, %add3A_85 : i32
        %max3A_91 = arith.constant 0 : i32
        %max3A_92 = arith.maxsi %sub3A_90, %max3A_91 : i32
        %sub3A_93 = arith.subi %squeeze3A_16, %add3A_85 : i32
        %min3A = arith.constant 128 : i32
        %min3A_94 = arith.minsi %sub3A_93, %min3A : i32
        %max3A_95 = arith.maxsi %max3A_92, %min3A_94 : i32
        %while3A_96 = arith.constant 0 : i32
        %while3A_97 = arith.subi %max3A_95, %max3A_92 : i32
        %while3A_98 = arith.addi %max3A_92, %while3A_97 : i32
        %while3A_99 = arith.constant 1 : i32
        %while3A_100 = arith.divsi %while3A_97, %while3A_99 : i32
        %while3A_101 = arith.muli %while3A_100, %while3A_99 : i32
        %while3A_102 = arith.addi %max3A_92, %while3A_101 : i32
        %while3A_103 = arith.constant 1 : i32
        scf.for %while3A_105 = %max3A_92 to %while3A_102 step %while3A_103  : i32 {
          %get3A_106 = arith.index_cast %while3A_105 : i32 to index
          %get3A_107 = tpu.vector_load %arg9[%get3A_106] {strides = array<i32>} : memref<144xi32, #tpu.memory_space<vmem>>, vector<16xi32>,
          %get3A_108 = vector.shape_cast %get3A_107 : vector<16xi32> to vector<16xi32>
          %slice3A_109 = vector.extract_strided_slice %get3A_108 {offsets = [0], sizes = [1], strides = [1]} : vector<16xi32> to vector<1xi32>
          %squeeze3A_110 = vector.extract %slice3A_109[0] : i32 from vector<1xi32>
          %sub3A_111 = arith.subi %squeeze3A_110, %mul3A_12 : i32
          %mul3A_112 = arith.constant 32 : i32
          %mul3A_113 = arith.muli %sub3A_111, %mul3A_112 : i32
          %get3A_114 = arith.index_cast %while3A_105 : i32 to index
          %get3A_115 = arith.constant 0 : index
          %get3A_116 = tpu.vector_load %arg10[%get3A_114, %get3A_115] {strides = array<i32>} : memref<128x128xf32, #tpu.memory_space<vmem>>, vector<1x16xf32>,
          %get3A_117 = vector.shape_cast %get3A_116 : vector<1x16xf32> to vector<16xf32>
          %get3A_118 = arith.index_cast %while3A_105 : i32 to index
          %get3A_119 = arith.constant 16 : index
          %get3A_120 = tpu.vector_load %arg10[%get3A_118, %get3A_119] {strides = array<i32>} : memref<128x128xf32, #tpu.memory_space<vmem>>, vector<1x16xf32>,
          %get3A_121 = vector.shape_cast %get3A_120 : vector<1x16xf32> to vector<16xf32>
          %get3A_122 = arith.index_cast %mul3A_113 : i32 to index
          %get3A_123 = tpu.vector_load %arg11[%get3A_122] {strides = array<i32>} : memref<100352xf32, #tpu.memory_space<vmem>>, vector<16xf32>,
          %get3A_124 = vector.shape_cast %get3A_123 : vector<16xf32> to vector<16xf32>
          %add3A_125 = arith.constant 16 : i32
          %add3A_126 = arith.addi %mul3A_113, %add3A_125 : i32
          %get3A_127 = arith.index_cast %add3A_126 : i32 to index
          %get3A_128 = tpu.vector_load %arg11[%get3A_127] {strides = array<i32>} : memref<100352xf32, #tpu.memory_space<vmem>>, vector<16xf32>,
          %get3A_129 = vector.shape_cast %get3A_128 : vector<16xf32> to vector<16xf32>
          %add3A_130 = arith.addf %get3A_124, %get3A_117 : vector<16xf32>
          %swap3A = arith.index_cast %mul3A_113 : i32 to index
          %swap3A_131 = tpu.vector_load %arg11[%swap3A] {strides = array<i32>} : memref<100352xf32, #tpu.memory_space<vmem>>, vector<16xf32>,
          %swap3A_132 = vector.shape_cast %swap3A_131 : vector<16xf32> to vector<16xf32>
          %swap3A_133 = vector.shape_cast %add3A_130 : vector<16xf32> to vector<16xf32>
          tpu.vector_store %arg11[%swap3A], %swap3A_133 {strides = array<i32>} : memref<100352xf32, #tpu.memory_space<vmem>>, vector<16xf32>,
          %add3A_134 = arith.addf %get3A_129, %get3A_121 : vector<16xf32>
          %add3A_135 = arith.constant 16 : i32
          %add3A_136 = arith.addi %mul3A_113, %add3A_135 : i32
          %swap3A_137 = arith.index_cast %add3A_136 : i32 to index
          %swap3A_138 = tpu.vector_load %arg11[%swap3A_137] {strides = array<i32>} : memref<100352xf32, #tpu.memory_space<vmem>>, vector<16xf32>,
          %swap3A_139 = vector.shape_cast %swap3A_138 : vector<16xf32> to vector<16xf32>
          %swap3A_140 = vector.shape_cast %add3A_134 : vector<16xf32> to vector<16xf32>
          tpu.vector_store %arg11[%swap3A_137], %swap3A_140 {strides = array<i32>} : memref<100352xf32, #tpu.memory_space<vmem>>, vector<16xf32>,
        }
        %while3A_104 = arith.constant 1 : i32
        scf.for %while3A_105 = %while3A_102 to %while3A_98 step %while3A_104  : i32 {
          %get3A_106 = arith.index_cast %while3A_105 : i32 to index
          %get3A_107 = tpu.vector_load %arg9[%get3A_106] {strides = array<i32>} : memref<144xi32, #tpu.memory_space<vmem>>, vector<16xi32>,
          %get3A_108 = vector.shape_cast %get3A_107 : vector<16xi32> to vector<16xi32>
          %slice3A_109 = vector.extract_strided_slice %get3A_108 {offsets = [0], sizes = [1], strides = [1]} : vector<16xi32> to vector<1xi32>
          %squeeze3A_110 = vector.extract %slice3A_109[0] : i32 from vector<1xi32>
          %sub3A_111 = arith.subi %squeeze3A_110, %mul3A_12 : i32
          %mul3A_112 = arith.constant 32 : i32
          %mul3A_113 = arith.muli %sub3A_111, %mul3A_112 : i32
          %get3A_114 = arith.index_cast %while3A_105 : i32 to index
          %get3A_115 = arith.constant 0 : index
          %get3A_116 = tpu.vector_load %arg10[%get3A_114, %get3A_115] {strides = array<i32>} : memref<128x128xf32, #tpu.memory_space<vmem>>, vector<1x16xf32>,
          %get3A_117 = vector.shape_cast %get3A_116 : vector<1x16xf32> to vector<16xf32>
          %get3A_118 = arith.index_cast %while3A_105 : i32 to index
          %get3A_119 = arith.constant 16 : index
          %get3A_120 = tpu.vector_load %arg10[%get3A_118, %get3A_119] {strides = array<i32>} : memref<128x128xf32, #tpu.memory_space<vmem>>, vector<1x16xf32>,
          %get3A_121 = vector.shape_cast %get3A_120 : vector<1x16xf32> to vector<16xf32>
          %get3A_122 = arith.index_cast %mul3A_113 : i32 to index
          %get3A_123 = tpu.vector_load %arg11[%get3A_122] {strides = array<i32>} : memref<100352xf32, #tpu.memory_space<vmem>>, vector<16xf32>,
          %get3A_124 = vector.shape_cast %get3A_123 : vector<16xf32> to vector<16xf32>
          %add3A_125 = arith.constant 16 : i32
          %add3A_126 = arith.addi %mul3A_113, %add3A_125 : i32
          %get3A_127 = arith.index_cast %add3A_126 : i32 to index
          %get3A_128 = tpu.vector_load %arg11[%get3A_127] {strides = array<i32>} : memref<100352xf32, #tpu.memory_space<vmem>>, vector<16xf32>,
          %get3A_129 = vector.shape_cast %get3A_128 : vector<16xf32> to vector<16xf32>
          %add3A_130 = arith.addf %get3A_124, %get3A_117 : vector<16xf32>
          %swap3A = arith.index_cast %mul3A_113 : i32 to index
          %swap3A_131 = tpu.vector_load %arg11[%swap3A] {strides = array<i32>} : memref<100352xf32, #tpu.memory_space<vmem>>, vector<16xf32>,
          %swap3A_132 = vector.shape_cast %swap3A_131 : vector<16xf32> to vector<16xf32>
          %swap3A_133 = vector.shape_cast %add3A_130 : vector<16xf32> to vector<16xf32>
          tpu.vector_store %arg11[%swap3A], %swap3A_133 {strides = array<i32>} : memref<100352xf32, #tpu.memory_space<vmem>>, vector<16xf32>,
          %add3A_134 = arith.addf %get3A_129, %get3A_121 : vector<16xf32>
          %add3A_135 = arith.constant 16 : i32
          %add3A_136 = arith.addi %mul3A_113, %add3A_135 : i32
          %swap3A_137 = arith.index_cast %add3A_136 : i32 to index
          %swap3A_138 = tpu.vector_load %arg11[%swap3A_137] {strides = array<i32>} : memref<100352xf32, #tpu.memory_space<vmem>>, vector<16xf32>,
          %swap3A_139 = vector.shape_cast %swap3A_138 : vector<16xf32> to vector<16xf32>
          %swap3A_140 = vector.shape_cast %add3A_134 : vector<16xf32> to vector<16xf32>
          tpu.vector_store %arg11[%swap3A_137], %swap3A_140 {strides = array<i32>} : memref<100352xf32, #tpu.memory_space<vmem>>, vector<16xf32>,
        }
      }
      %while3A_79 = arith.constant 1 : i32
      scf.for %while3A_82 = %while3A_77 to %while3A_73 step %while3A_79  : i32 {
        %mul3A_83 = arith.constant 128 : i32
        %mul3A_84 = arith.muli %while3A_82, %mul3A_83 : i32
        %add3A_85 = arith.addi %mul3A_40, %mul3A_84 : i32
        "tpu.region"() ({
          %run_scoped3A = tpu.sem_alloc : memref<!tpu.dma_semaphore, #tpu.memory_space<semaphore_mem>>
          %dma_start3A_105 = tpu.memref_slice %arg3[%add3A_85] : memref<3200128xi32, #tpu.memory_space<hbm>> -> memref<128xi32, #tpu.memory_space<hbm>>
          %dma_start3A_106 = tpu.memref_slice %arg3[%add3A_85] : memref<3200128xi32, #tpu.memory_space<hbm>> -> memref<128xi32, #tpu.memory_space<hbm>>
          tpu.enqueue_dma source(%dma_start3A_106 : memref<128xi32, #tpu.memory_space<hbm>>) target(%arg8 : memref<128xi32, #tpu.memory_space<vmem>>) target_semaphore(%run_scoped3A : memref<!tpu.dma_semaphore, #tpu.memory_space<semaphore_mem>>)
          %dma_wait3A_107 = tpu.memref_slice %arg3[%add3A_85] : memref<3200128xi32, #tpu.memory_space<hbm>> -> memref<128xi32, #tpu.memory_space<hbm>>
          %dma_wait3A_108 = tpu.memref_slice %arg3[%add3A_85] : memref<3200128xi32, #tpu.memory_space<hbm>> -> memref<128xi32, #tpu.memory_space<hbm>>
          tpu.wait_dma2 semaphore(%run_scoped3A : memref<!tpu.dma_semaphore, #tpu.memory_space<semaphore_mem>>) src(%dma_wait3A_108 : memref<128xi32, #tpu.memory_space<hbm>>) dst(%arg8 : memref<128xi32, #tpu.memory_space<vmem>>)
          tpu.yield
        }) : () -> ()
        "tpu.region"() ({
          %run_scoped3A = tpu.sem_alloc : memref<!tpu.dma_semaphore, #tpu.memory_space<semaphore_mem>>
          %dma_start3A_105 = arith.constant 0 : i32
          %dma_start3A_106 = tpu.memref_slice %arg9[%dma_start3A_105] : memref<144xi32, #tpu.memory_space<vmem>> -> memref<128xi32, #tpu.memory_space<vmem>>
          %dma_start3A_107 = tpu.memref_slice %arg4[%add3A_85] : memref<3200128xi32, #tpu.memory_space<hbm>> -> memref<128xi32, #tpu.memory_space<hbm>>
          %dma_start3A_108 = arith.constant 0 : i32
          %dma_start3A_109 = tpu.memref_slice %arg9[%dma_start3A_108] : memref<144xi32, #tpu.memory_space<vmem>> -> memref<128xi32, #tpu.memory_space<vmem>>
          %dma_start3A_110 = tpu.memref_slice %arg4[%add3A_85] : memref<3200128xi32, #tpu.memory_space<hbm>> -> memref<128xi32, #tpu.memory_space<hbm>>
          tpu.enqueue_dma source(%dma_start3A_110 : memref<128xi32, #tpu.memory_space<hbm>>) target(%dma_start3A_109 : memref<128xi32, #tpu.memory_space<vmem>>) target_semaphore(%run_scoped3A : memref<!tpu.dma_semaphore, #tpu.memory_space<semaphore_mem>>)
          %dma_wait3A_111 = arith.constant 0 : i32
          %dma_wait3A_112 = tpu.memref_slice %arg9[%dma_wait3A_111] : memref<144xi32, #tpu.memory_space<vmem>> -> memref<128xi32, #tpu.memory_space<vmem>>
          %dma_wait3A_113 = tpu.memref_slice %arg4[%add3A_85] : memref<3200128xi32, #tpu.memory_space<hbm>> -> memref<128xi32, #tpu.memory_space<hbm>>
          %dma_wait3A_114 = arith.constant 0 : i32
          %dma_wait3A_115 = tpu.memref_slice %arg9[%dma_wait3A_114] : memref<144xi32, #tpu.memory_space<vmem>> -> memref<128xi32, #tpu.memory_space<vmem>>
          %dma_wait3A_116 = tpu.memref_slice %arg4[%add3A_85] : memref<3200128xi32, #tpu.memory_space<hbm>> -> memref<128xi32, #tpu.memory_space<hbm>>
          tpu.wait_dma2 semaphore(%run_scoped3A : memref<!tpu.dma_semaphore, #tpu.memory_space<semaphore_mem>>) src(%dma_wait3A_116 : memref<128xi32, #tpu.memory_space<hbm>>) dst(%dma_wait3A_115 : memref<128xi32, #tpu.memory_space<vmem>>)
          tpu.yield
        }) : () -> ()
        %dma_start3A = arith.constant 0 : i32
        %dma_start3A_86 = arith.constant 0 : i32
        %dma_start3A_87 = tpu.memref_slice %arg2[%dma_start3A, %dma_start3A_86] : memref<1605632x128xf32, #tpu.memory_space<hbm>> -> memref<1605632x128xf32, #tpu.memory_space<hbm>>
        tpu.enqueue_indirect_dma source(%dma_start3A_87 : memref<1605632x128xf32, #tpu.memory_space<hbm>>) target(%arg10 : memref<128x128xf32, #tpu.memory_space<vmem>>) offsets(%arg8 : memref<128xi32, #tpu.memory_space<vmem>>) semaphore(%arg12 : memref<!tpu.dma_semaphore, #tpu.memory_space<semaphore_mem>>)
        %dma_wait3A = arith.constant 0 : i32
        %dma_wait3A_88 = arith.constant 0 : i32
        %dma_wait3A_89 = tpu.memref_slice %arg2[%dma_wait3A, %dma_wait3A_88] : memref<1605632x128xf32, #tpu.memory_space<hbm>> -> memref<1605632x128xf32, #tpu.memory_space<hbm>>
        tpu.wait_indirect_dma semaphore(%arg12 : memref<!tpu.dma_semaphore, #tpu.memory_space<semaphore_mem>>) src(%dma_wait3A_89 : memref<1605632x128xf32, #tpu.memory_space<hbm>>) dst(%arg10 : memref<128x128xf32, #tpu.memory_space<vmem>>)
        %sub3A_90 = arith.subi %squeeze3A, %add3A_85 : i32
        %max3A_91 = arith.constant 0 : i32
        %max3A_92 = arith.maxsi %sub3A_90, %max3A_91 : i32
        %sub3A_93 = arith.subi %squeeze3A_16, %add3A_85 : i32
        %min3A = arith.constant 128 : i32
        %min3A_94 = arith.minsi %sub3A_93, %min3A : i32
        %max3A_95 = arith.maxsi %max3A_92, %min3A_94 : i32
        %while3A_96 = arith.constant 0 : i32
        %while3A_97 = arith.subi %max3A_95, %max3A_92 : i32
        %while3A_98 = arith.addi %max3A_92, %while3A_97 : i32
        %while3A_99 = arith.constant 1 : i32
        %while3A_100 = arith.divsi %while3A_97, %while3A_99 : i32
        %while3A_101 = arith.muli %while3A_100, %while3A_99 : i32
        %while3A_102 = arith.addi %max3A_92, %while3A_101 : i32
        %while3A_103 = arith.constant 1 : i32
        scf.for %while3A_105 = %max3A_92 to %while3A_102 step %while3A_103  : i32 {
          %get3A_106 = arith.index_cast %while3A_105 : i32 to index
          %get3A_107 = tpu.vector_load %arg9[%get3A_106] {strides = array<i32>} : memref<144xi32, #tpu.memory_space<vmem>>, vector<16xi32>,
          %get3A_108 = vector.shape_cast %get3A_107 : vector<16xi32> to vector<16xi32>
          %slice3A_109 = vector.extract_strided_slice %get3A_108 {offsets = [0], sizes = [1], strides = [1]} : vector<16xi32> to vector<1xi32>
          %squeeze3A_110 = vector.extract %slice3A_109[0] : i32 from vector<1xi32>
          %sub3A_111 = arith.subi %squeeze3A_110, %mul3A_12 : i32
          %mul3A_112 = arith.constant 32 : i32
          %mul3A_113 = arith.muli %sub3A_111, %mul3A_112 : i32
          %get3A_114 = arith.index_cast %while3A_105 : i32 to index
          %get3A_115 = arith.constant 0 : index
          %get3A_116 = tpu.vector_load %arg10[%get3A_114, %get3A_115] {strides = array<i32>} : memref<128x128xf32, #tpu.memory_space<vmem>>, vector<1x16xf32>,
          %get3A_117 = vector.shape_cast %get3A_116 : vector<1x16xf32> to vector<16xf32>
          %get3A_118 = arith.index_cast %while3A_105 : i32 to index
          %get3A_119 = arith.constant 16 : index
          %get3A_120 = tpu.vector_load %arg10[%get3A_118, %get3A_119] {strides = array<i32>} : memref<128x128xf32, #tpu.memory_space<vmem>>, vector<1x16xf32>,
          %get3A_121 = vector.shape_cast %get3A_120 : vector<1x16xf32> to vector<16xf32>
          %get3A_122 = arith.index_cast %mul3A_113 : i32 to index
          %get3A_123 = tpu.vector_load %arg11[%get3A_122] {strides = array<i32>} : memref<100352xf32, #tpu.memory_space<vmem>>, vector<16xf32>,
          %get3A_124 = vector.shape_cast %get3A_123 : vector<16xf32> to vector<16xf32>
          %add3A_125 = arith.constant 16 : i32
          %add3A_126 = arith.addi %mul3A_113, %add3A_125 : i32
          %get3A_127 = arith.index_cast %add3A_126 : i32 to index
          %get3A_128 = tpu.vector_load %arg11[%get3A_127] {strides = array<i32>} : memref<100352xf32, #tpu.memory_space<vmem>>, vector<16xf32>,
          %get3A_129 = vector.shape_cast %get3A_128 : vector<16xf32> to vector<16xf32>
          %add3A_130 = arith.addf %get3A_124, %get3A_117 : vector<16xf32>
          %swap3A = arith.index_cast %mul3A_113 : i32 to index
          %swap3A_131 = tpu.vector_load %arg11[%swap3A] {strides = array<i32>} : memref<100352xf32, #tpu.memory_space<vmem>>, vector<16xf32>,
          %swap3A_132 = vector.shape_cast %swap3A_131 : vector<16xf32> to vector<16xf32>
          %swap3A_133 = vector.shape_cast %add3A_130 : vector<16xf32> to vector<16xf32>
          tpu.vector_store %arg11[%swap3A], %swap3A_133 {strides = array<i32>} : memref<100352xf32, #tpu.memory_space<vmem>>, vector<16xf32>,
          %add3A_134 = arith.addf %get3A_129, %get3A_121 : vector<16xf32>
          %add3A_135 = arith.constant 16 : i32
          %add3A_136 = arith.addi %mul3A_113, %add3A_135 : i32
          %swap3A_137 = arith.index_cast %add3A_136 : i32 to index
          %swap3A_138 = tpu.vector_load %arg11[%swap3A_137] {strides = array<i32>} : memref<100352xf32, #tpu.memory_space<vmem>>, vector<16xf32>,
          %swap3A_139 = vector.shape_cast %swap3A_138 : vector<16xf32> to vector<16xf32>
          %swap3A_140 = vector.shape_cast %add3A_134 : vector<16xf32> to vector<16xf32>
          tpu.vector_store %arg11[%swap3A_137], %swap3A_140 {strides = array<i32>} : memref<100352xf32, #tpu.memory_space<vmem>>, vector<16xf32>,
        }
        %while3A_104 = arith.constant 1 : i32
        scf.for %while3A_105 = %while3A_102 to %while3A_98 step %while3A_104  : i32 {
          %get3A_106 = arith.index_cast %while3A_105 : i32 to index
          %get3A_107 = tpu.vector_load %arg9[%get3A_106] {strides = array<i32>} : memref<144xi32, #tpu.memory_space<vmem>>, vector<16xi32>,
          %get3A_108 = vector.shape_cast %get3A_107 : vector<16xi32> to vector<16xi32>
          %slice3A_109 = vector.extract_strided_slice %get3A_108 {offsets = [0], sizes = [1], strides = [1]} : vector<16xi32> to vector<1xi32>
          %squeeze3A_110 = vector.extract %slice3A_109[0] : i32 from vector<1xi32>
          %sub3A_111 = arith.subi %squeeze3A_110, %mul3A_12 : i32
          %mul3A_112 = arith.constant 32 : i32
          %mul3A_113 = arith.muli %sub3A_111, %mul3A_112 : i32
          %get3A_114 = arith.index_cast %while3A_105 : i32 to index
          %get3A_115 = arith.constant 0 : index
          %get3A_116 = tpu.vector_load %arg10[%get3A_114, %get3A_115] {strides = array<i32>} : memref<128x128xf32, #tpu.memory_space<vmem>>, vector<1x16xf32>,
          %get3A_117 = vector.shape_cast %get3A_116 : vector<1x16xf32> to vector<16xf32>
          %get3A_118 = arith.index_cast %while3A_105 : i32 to index
          %get3A_119 = arith.constant 16 : index
          %get3A_120 = tpu.vector_load %arg10[%get3A_118, %get3A_119] {strides = array<i32>} : memref<128x128xf32, #tpu.memory_space<vmem>>, vector<1x16xf32>,
          %get3A_121 = vector.shape_cast %get3A_120 : vector<1x16xf32> to vector<16xf32>
          %get3A_122 = arith.index_cast %mul3A_113 : i32 to index
          %get3A_123 = tpu.vector_load %arg11[%get3A_122] {strides = array<i32>} : memref<100352xf32, #tpu.memory_space<vmem>>, vector<16xf32>,
          %get3A_124 = vector.shape_cast %get3A_123 : vector<16xf32> to vector<16xf32>
          %add3A_125 = arith.constant 16 : i32
          %add3A_126 = arith.addi %mul3A_113, %add3A_125 : i32
          %get3A_127 = arith.index_cast %add3A_126 : i32 to index
          %get3A_128 = tpu.vector_load %arg11[%get3A_127] {strides = array<i32>} : memref<100352xf32, #tpu.memory_space<vmem>>, vector<16xf32>,
          %get3A_129 = vector.shape_cast %get3A_128 : vector<16xf32> to vector<16xf32>
          %add3A_130 = arith.addf %get3A_124, %get3A_117 : vector<16xf32>
          %swap3A = arith.index_cast %mul3A_113 : i32 to index
          %swap3A_131 = tpu.vector_load %arg11[%swap3A] {strides = array<i32>} : memref<100352xf32, #tpu.memory_space<vmem>>, vector<16xf32>,
          %swap3A_132 = vector.shape_cast %swap3A_131 : vector<16xf32> to vector<16xf32>
          %swap3A_133 = vector.shape_cast %add3A_130 : vector<16xf32> to vector<16xf32>
          tpu.vector_store %arg11[%swap3A], %swap3A_133 {strides = array<i32>} : memref<100352xf32, #tpu.memory_space<vmem>>, vector<16xf32>,
          %add3A_134 = arith.addf %get3A_129, %get3A_121 : vector<16xf32>
          %add3A_135 = arith.constant 16 : i32
          %add3A_136 = arith.addi %mul3A_113, %add3A_135 : i32
          %swap3A_137 = arith.index_cast %add3A_136 : i32 to index
          %swap3A_138 = tpu.vector_load %arg11[%swap3A_137] {strides = array<i32>} : memref<100352xf32, #tpu.memory_space<vmem>>, vector<16xf32>,
          %swap3A_139 = vector.shape_cast %swap3A_138 : vector<16xf32> to vector<16xf32>
          %swap3A_140 = vector.shape_cast %add3A_134 : vector<16xf32> to vector<16xf32>
          tpu.vector_store %arg11[%swap3A_137], %swap3A_140 {strides = array<i32>} : memref<100352xf32, #tpu.memory_space<vmem>>, vector<16xf32>,
        }
      }
      %mul3A_80 = arith.constant 32 : i32
      %mul3A_81 = arith.muli %mul3A_12, %mul3A_80 : i32
      "tpu.region"() ({
        %run_scoped3A = tpu.sem_alloc : memref<!tpu.dma_semaphore, #tpu.memory_space<semaphore_mem>>
        %dma_start3A = tpu.memref_slice %arg6[%mul3A_81] : memref<51380224xf32, #tpu.memory_space<hbm>> -> memref<100352xf32, #tpu.memory_space<hbm>>
        %dma_start3A_82 = tpu.memref_slice %arg6[%mul3A_81] : memref<51380224xf32, #tpu.memory_space<hbm>> -> memref<100352xf32, #tpu.memory_space<hbm>>
        tpu.enqueue_dma source(%arg11 : memref<100352xf32, #tpu.memory_space<vmem>>) target(%dma_start3A_82 : memref<100352xf32, #tpu.memory_space<hbm>>) target_semaphore(%run_scoped3A : memref<!tpu.dma_semaphore, #tpu.memory_space<semaphore_mem>>)
        %dma_wait3A = tpu.memref_slice %arg6[%mul3A_81] : memref<51380224xf32, #tpu.memory_space<hbm>> -> memref<100352xf32, #tpu.memory_space<hbm>>
        %dma_wait3A_83 = tpu.memref_slice %arg6[%mul3A_81] : memref<51380224xf32, #tpu.memory_space<hbm>> -> memref<100352xf32, #tpu.memory_space<hbm>>
        tpu.wait_dma2 semaphore(%run_scoped3A : memref<!tpu.dma_semaphore, #tpu.memory_space<semaphore_mem>>) src(%arg11 : memref<100352xf32, #tpu.memory_space<vmem>>) dst(%dma_wait3A_83 : memref<100352xf32, #tpu.memory_space<hbm>>)
        tpu.yield
      }) : () -> ()
    }
    %scan3A_6 = arith.constant 16 : i32
    return
  }
}

#map = affine_map<(d0, d1) -> (0, 0)>
#map1 = affine_map<(d0, d1) -> (0)>
module attributes {stable_mosaic.version = 14 : i64} {
  func.func @k(%arg0: i32, %arg1: i32, %arg2: memref<1605632x128xf32, #tpu.memory_space<hbm>>, %arg3: memref<3200128xi32, #tpu.memory_space<hbm>>, %arg4: memref<3200128xi32, #tpu.memory_space<hbm>>, %arg5: memref<528xi32, #tpu.memory_space<hbm>>, %arg6: memref<51380224xf32, #tpu.memory_space<hbm>>, %arg7: memref<528xi32, #tpu.memory_space<vmem>>, %arg8: memref<128xi32, #tpu.memory_space<vmem>>, %arg9: memref<144xi32, #tpu.memory_space<vmem>>, %arg10: memref<128x128xf32, #tpu.memory_space<vmem>>, %arg11: memref<100352xf32, #tpu.memory_space<vmem>>, %arg12: memref<!tpu.dma_semaphore, #tpu.memory_space<semaphore_mem>>) attributes {dimension_semantics = [#tpu.dimension_semantics<core_parallel>, #tpu.dimension_semantics<subcore_parallel>], iteration_bounds = array<i64: 2, 16>, scalar_prefetch = 0 : i64, scratch_operands = 6 : i64, tpu.core_type = #tpu.core_type<sc_vector_subcore>, window_params = [{transform_indices = #map}, {transform_indices = #map1}, {transform_indices = #map1}, {transform_indices = #map1}, {transform_indices = #map1}]} {
    %mul3A = arith.constant 2 : i32
    %mul3A_0 = arith.muli %arg1, %mul3A : i32
    %add3A = arith.addi %mul3A_0, %arg0 : i32
    "tpu.region"() ({
      %run_scoped3A = tpu.sem_alloc : memref<!tpu.dma_semaphore, #tpu.memory_space<semaphore_mem>>
      tpu.enqueue_dma source(%arg5 : memref<528xi32, #tpu.memory_space<hbm>>) target(%arg7 : memref<528xi32, #tpu.memory_space<vmem>>) target_semaphore(%run_scoped3A : memref<!tpu.dma_semaphore, #tpu.memory_space<semaphore_mem>>)
      tpu.wait_dma2 semaphore(%run_scoped3A : memref<!tpu.dma_semaphore, #tpu.memory_space<semaphore_mem>>) src(%arg5 : memref<528xi32, #tpu.memory_space<hbm>>) dst(%arg7 : memref<528xi32, #tpu.memory_space<vmem>>)
      tpu.yield
    }) : () -> ()
    %broadcast_in_dim3A = arith.constant 0.000000e+00 : f32
    %broadcast_in_dim3A_1 = vector.broadcast %broadcast_in_dim3A : f32 to vector<16xf32>
    %scan3A = arith.constant 0 : i32
    %scan3A_2 = arith.constant 0 : i32
    %scan3A_3 = arith.constant 16 : i32
    %scan3A_4 = arith.addi %scan3A_2, %scan3A_3 : i32
    %scan3A_5 = arith.constant 1 : i32
    scf.for %scan3A_7 = %scan3A_2 to %scan3A_4 step %scan3A_5  : i32 {
      %mul3A_8 = arith.constant 32 : i32
      %mul3A_9 = arith.muli %scan3A_7, %mul3A_8 : i32
      %add3A_10 = arith.addi %mul3A_9, %add3A : i32
      %mul3A_11 = arith.constant 3136 : i32
      %mul3A_12 = arith.muli %add3A_10, %mul3A_11 : i32
      %get3A = arith.index_cast %add3A_10 : i32 to index
      %get3A_13 = tpu.vector_load %arg7[%get3A] {strides = array<i32>} : memref<528xi32, #tpu.memory_space<vmem>>, vector<16xi32>,
      %get3A_14 = vector.shape_cast %get3A_13 : vector<16xi32> to vector<16xi32>
      %slice3A = vector.extract_strided_slice %get3A_14 {offsets = [0], sizes = [1], strides = [1]} : vector<16xi32> to vector<1xi32>
      %squeeze3A = vector.extract %slice3A[0] : i32 from vector<1xi32>
      %slice3A_15 = vector.extract_strided_slice %get3A_14 {offsets = [1], sizes = [1], strides = [1]} : vector<16xi32> to vector<1xi32>
      %squeeze3A_16 = vector.extract %slice3A_15[0] : i32 from vector<1xi32>
      %scan3A_17 = arith.constant 0 : i32
      %scan3A_18 = arith.constant 0 : i32
      %scan3A_19 = arith.constant 6272 : i32
      %scan3A_20 = arith.addi %scan3A_18, %scan3A_19 : i32
      %scan3A_21 = arith.constant 1 : i32
      scf.for %scan3A_82 = %scan3A_18 to %scan3A_20 step %scan3A_21  : i32 {
        %mul3A_83 = arith.constant 16 : i32
        %mul3A_84 = arith.muli %scan3A_82, %mul3A_83 : i32
        %swap3A = arith.index_cast %mul3A_84 : i32 to index
        %swap3A_85 = tpu.vector_load %arg11[%swap3A] {strides = array<i32>} : memref<100352xf32, #tpu.memory_space<vmem>>, vector<16xf32>,
        %swap3A_86 = vector.shape_cast %swap3A_85 : vector<16xf32> to vector<16xf32>
        %swap3A_87 = vector.shape_cast %broadcast_in_dim3A_1 : vector<16xf32> to vector<16xf32>
        tpu.vector_store %arg11[%swap3A], %swap3A_87 {strides = array<i32>} : memref<100352xf32, #tpu.memory_space<vmem>>, vector<16xf32>,
      }
      %scan3A_22 = arith.constant 6272 : i32
      %jit3A = arith.constant 128 : i32
      %div3A = arith.divsi %squeeze3A, %jit3A : i32
      %sign3A = arith.constant 0 : i32
      %sign3A_23 = arith.cmpi sgt, %squeeze3A, %sign3A : i32
      %sign3A_24 = arith.extui %sign3A_23 : i1 to i32
      %sign3A_25 = arith.constant 0 : i32
      %sign3A_26 = arith.cmpi slt, %squeeze3A, %sign3A_25 : i32
      %sign3A_27 = arith.extui %sign3A_26 : i1 to i32
      %sign3A_28 = arith.subi %sign3A_24, %sign3A_27 : i32
      %sign3A_29 = arith.constant 0 : i32
      %sign3A_30 = arith.cmpi sgt, %jit3A, %sign3A_29 : i32
      %sign3A_31 = arith.extui %sign3A_30 : i1 to i32
      %sign3A_32 = arith.constant 0 : i32
      %sign3A_33 = arith.cmpi slt, %jit3A, %sign3A_32 : i32
      %sign3A_34 = arith.extui %sign3A_33 : i1 to i32
      %sign3A_35 = arith.subi %sign3A_31, %sign3A_34 : i32
      %ne3A = arith.cmpi ne, %sign3A_28, %sign3A_35 : i32
      %rem3A = arith.remsi %squeeze3A, %jit3A : i32
      %ne3A_36 = arith.constant 0 : i32
      %ne3A_37 = arith.cmpi ne, %rem3A, %ne3A_36 : i32
      %and3A = arith.andi %ne3A, %ne3A_37 : i1
      %sub3A = arith.constant 1 : i32
      %sub3A_38 = arith.subi %div3A, %sub3A : i32
      %select_n3A = arith.select %and3A, %sub3A_38, %div3A : i32
      %mul3A_39 = arith.constant 128 : i32
      %mul3A_40 = arith.muli %select_n3A, %mul3A_39 : i32
      %sub3A_41 = arith.subi %squeeze3A_16, %mul3A_40 : i32
      %add3A_42 = arith.constant 128 : i32
      %add3A_43 = arith.addi %sub3A_41, %add3A_42 : i32
      %sub3A_44 = arith.constant 1 : i32
      %sub3A_45 = arith.subi %add3A_43, %sub3A_44 : i32
      %jit3A_46 = arith.constant 128 : i32
      %div3A_47 = arith.divsi %sub3A_45, %jit3A_46 : i32
      %sign3A_48 = arith.constant 0 : i32
      %sign3A_49 = arith.cmpi sgt, %sub3A_45, %sign3A_48 : i32
      %sign3A_50 = arith.extui %sign3A_49 : i1 to i32
      %sign3A_51 = arith.constant 0 : i32
      %sign3A_52 = arith.cmpi slt, %sub3A_45, %sign3A_51 : i32
      %sign3A_53 = arith.extui %sign3A_52 : i1 to i32
      %sign3A_54 = arith.subi %sign3A_50, %sign3A_53 : i32
      %sign3A_55 = arith.constant 0 : i32
      %sign3A_56 = arith.cmpi sgt, %jit3A_46, %sign3A_55 : i32
      %sign3A_57 = arith.extui %sign3A_56 : i1 to i32
      %sign3A_58 = arith.constant 0 : i32
      %sign3A_59 = arith.cmpi slt, %jit3A_46, %sign3A_58 : i32
      %sign3A_60 = arith.extui %sign3A_59 : i1 to i32
      %sign3A_61 = arith.subi %sign3A_57, %sign3A_60 : i32
      %ne3A_62 = arith.cmpi ne, %sign3A_54, %sign3A_61 : i32
      %rem3A_63 = arith.remsi %sub3A_45, %jit3A_46 : i32
      %ne3A_64 = arith.constant 0 : i32
      %ne3A_65 = arith.cmpi ne, %rem3A_63, %ne3A_64 : i32
      %and3A_66 = arith.andi %ne3A_62, %ne3A_65 : i1
      %sub3A_67 = arith.constant 1 : i32
      %sub3A_68 = arith.subi %div3A_47, %sub3A_67 : i32
      %select_n3A_69 = arith.select %and3A_66, %sub3A_68, %div3A_47 : i32
      %max3A = arith.constant 0 : i32
      %max3A_70 = arith.maxsi %select_n3A_69, %max3A : i32
      %while3A = arith.constant 0 : i32
      %while3A_71 = arith.constant 0 : i32
      %while3A_72 = arith.subi %max3A_70, %while3A_71 : i32
      %while3A_73 = arith.addi %while3A_71, %while3A_72 : i32
      %while3A_74 = arith.constant 1 : i32
      %while3A_75 = arith.divsi %while3A_72, %while3A_74 : i32
      %while3A_76 = arith.muli %while3A_75, %while3A_74 : i32
      %while3A_77 = arith.addi %while3A_71, %while3A_76 : i32
      %while3A_78 = arith.constant 1 : i32
      scf.for %while3A_82 = %while3A_71 to %while3A_77 step %while3A_78  : i32 {
        %mul3A_83 = arith.constant 128 : i32
        %mul3A_84 = arith.muli %while3A_82, %mul3A_83 : i32
        %add3A_85 = arith.addi %mul3A_40, %mul3A_84 : i32
        "tpu.region"() ({
          %run_scoped3A = tpu.sem_alloc : memref<!tpu.dma_semaphore, #tpu.memory_space<semaphore_mem>>
          %dma_start3A_105 = tpu.memref_slice %arg3[%add3A_85] : memref<3200128xi32, #tpu.memory_space<hbm>> -> memref<128xi32, #tpu.memory_space<hbm>>
          %dma_start3A_106 = tpu.memref_slice %arg3[%add3A_85] : memref<3200128xi32, #tpu.memory_space<hbm>> -> memref<128xi32, #tpu.memory_space<hbm>>
          tpu.enqueue_dma source(%dma_start3A_106 : memref<128xi32, #tpu.memory_space<hbm>>) target(%arg8 : memref<128xi32, #tpu.memory_space<vmem>>) target_semaphore(%run_scoped3A : memref<!tpu.dma_semaphore, #tpu.memory_space<semaphore_mem>>)
          %dma_wait3A_107 = tpu.memref_slice %arg3[%add3A_85] : memref<3200128xi32, #tpu.memory_space<hbm>> -> memref<128xi32, #tpu.memory_space<hbm>>
          %dma_wait3A_108 = tpu.memref_slice %arg3[%add3A_85] : memref<3200128xi32, #tpu.memory_space<hbm>> -> memref<128xi32, #tpu.memory_space<hbm>>
          tpu.wait_dma2 semaphore(%run_scoped3A : memref<!tpu.dma_semaphore, #tpu.memory_space<semaphore_mem>>) src(%dma_wait3A_108 : memref<128xi32, #tpu.memory_space<hbm>>) dst(%arg8 : memref<128xi32, #tpu.memory_space<vmem>>)
          tpu.yield
        }) : () -> ()
        "tpu.region"() ({
          %run_scoped3A = tpu.sem_alloc : memref<!tpu.dma_semaphore, #tpu.memory_space<semaphore_mem>>
          %dma_start3A_105 = arith.constant 0 : i32
          %dma_start3A_106 = tpu.memref_slice %arg9[%dma_start3A_105] : memref<144xi32, #tpu.memory_space<vmem>> -> memref<128xi32, #tpu.memory_space<vmem>>
          %dma_start3A_107 = tpu.memref_slice %arg4[%add3A_85] : memref<3200128xi32, #tpu.memory_space<hbm>> -> memref<128xi32, #tpu.memory_space<hbm>>
          %dma_start3A_108 = arith.constant 0 : i32
          %dma_start3A_109 = tpu.memref_slice %arg9[%dma_start3A_108] : memref<144xi32, #tpu.memory_space<vmem>> -> memref<128xi32, #tpu.memory_space<vmem>>
          %dma_start3A_110 = tpu.memref_slice %arg4[%add3A_85] : memref<3200128xi32, #tpu.memory_space<hbm>> -> memref<128xi32, #tpu.memory_space<hbm>>
          tpu.enqueue_dma source(%dma_start3A_110 : memref<128xi32, #tpu.memory_space<hbm>>) target(%dma_start3A_109 : memref<128xi32, #tpu.memory_space<vmem>>) target_semaphore(%run_scoped3A : memref<!tpu.dma_semaphore, #tpu.memory_space<semaphore_mem>>)
          %dma_wait3A_111 = arith.constant 0 : i32
          %dma_wait3A_112 = tpu.memref_slice %arg9[%dma_wait3A_111] : memref<144xi32, #tpu.memory_space<vmem>> -> memref<128xi32, #tpu.memory_space<vmem>>
          %dma_wait3A_113 = tpu.memref_slice %arg4[%add3A_85] : memref<3200128xi32, #tpu.memory_space<hbm>> -> memref<128xi32, #tpu.memory_space<hbm>>
          %dma_wait3A_114 = arith.constant 0 : i32
          %dma_wait3A_115 = tpu.memref_slice %arg9[%dma_wait3A_114] : memref<144xi32, #tpu.memory_space<vmem>> -> memref<128xi32, #tpu.memory_space<vmem>>
          %dma_wait3A_116 = tpu.memref_slice %arg4[%add3A_85] : memref<3200128xi32, #tpu.memory_space<hbm>> -> memref<128xi32, #tpu.memory_space<hbm>>
          tpu.wait_dma2 semaphore(%run_scoped3A : memref<!tpu.dma_semaphore, #tpu.memory_space<semaphore_mem>>) src(%dma_wait3A_116 : memref<128xi32, #tpu.memory_space<hbm>>) dst(%dma_wait3A_115 : memref<128xi32, #tpu.memory_space<vmem>>)
          tpu.yield
        }) : () -> ()
        %dma_start3A = arith.constant 0 : i32
        %dma_start3A_86 = arith.constant 0 : i32
        %dma_start3A_87 = tpu.memref_slice %arg2[%dma_start3A, %dma_start3A_86] : memref<1605632x128xf32, #tpu.memory_space<hbm>> -> memref<1605632x128xf32, #tpu.memory_space<hbm>>
        tpu.enqueue_indirect_dma source(%dma_start3A_87 : memref<1605632x128xf32, #tpu.memory_space<hbm>>) target(%arg10 : memref<128x128xf32, #tpu.memory_space<vmem>>) offsets(%arg8 : memref<128xi32, #tpu.memory_space<vmem>>) semaphore(%arg12 : memref<!tpu.dma_semaphore, #tpu.memory_space<semaphore_mem>>)
        %dma_wait3A = arith.constant 0 : i32
        %dma_wait3A_88 = arith.constant 0 : i32
        %dma_wait3A_89 = tpu.memref_slice %arg2[%dma_wait3A, %dma_wait3A_88] : memref<1605632x128xf32, #tpu.memory_space<hbm>> -> memref<1605632x128xf32, #tpu.memory_space<hbm>>
        tpu.wait_indirect_dma semaphore(%arg12 : memref<!tpu.dma_semaphore, #tpu.memory_space<semaphore_mem>>) src(%dma_wait3A_89 : memref<1605632x128xf32, #tpu.memory_space<hbm>>) dst(%arg10 : memref<128x128xf32, #tpu.memory_space<vmem>>)
        %sub3A_90 = arith.subi %squeeze3A, %add3A_85 : i32
        %max3A_91 = arith.constant 0 : i32
        %max3A_92 = arith.maxsi %sub3A_90, %max3A_91 : i32
        %sub3A_93 = arith.subi %squeeze3A_16, %add3A_85 : i32
        %min3A = arith.constant 128 : i32
        %min3A_94 = arith.minsi %sub3A_93, %min3A : i32
        %max3A_95 = arith.maxsi %max3A_92, %min3A_94 : i32
        %while3A_96 = arith.constant 0 : i32
        %while3A_97 = arith.subi %max3A_95, %max3A_92 : i32
        %while3A_98 = arith.addi %max3A_92, %while3A_97 : i32
        %while3A_99 = arith.constant 1 : i32
        %while3A_100 = arith.divsi %while3A_97, %while3A_99 : i32
        %while3A_101 = arith.muli %while3A_100, %while3A_99 : i32
        %while3A_102 = arith.addi %max3A_92, %while3A_101 : i32
        %while3A_103 = arith.constant 1 : i32
        scf.for %while3A_105 = %max3A_92 to %while3A_102 step %while3A_103  : i32 {
          %get3A_106 = arith.index_cast %while3A_105 : i32 to index
          %get3A_107 = tpu.vector_load %arg9[%get3A_106] {strides = array<i32>} : memref<144xi32, #tpu.memory_space<vmem>>, vector<16xi32>,
          %get3A_108 = vector.shape_cast %get3A_107 : vector<16xi32> to vector<16xi32>
          %slice3A_109 = vector.extract_strided_slice %get3A_108 {offsets = [0], sizes = [1], strides = [1]} : vector<16xi32> to vector<1xi32>
          %squeeze3A_110 = vector.extract %slice3A_109[0] : i32 from vector<1xi32>
          %sub3A_111 = arith.subi %squeeze3A_110, %mul3A_12 : i32
          %mul3A_112 = arith.constant 32 : i32
          %mul3A_113 = arith.muli %sub3A_111, %mul3A_112 : i32
          %get3A_114 = arith.index_cast %while3A_105 : i32 to index
          %get3A_115 = arith.constant 0 : index
          %get3A_116 = tpu.vector_load %arg10[%get3A_114, %get3A_115] {strides = array<i32>} : memref<128x128xf32, #tpu.memory_space<vmem>>, vector<1x16xf32>,
          %get3A_117 = vector.shape_cast %get3A_116 : vector<1x16xf32> to vector<16xf32>
          %get3A_118 = arith.index_cast %while3A_105 : i32 to index
          %get3A_119 = arith.constant 16 : index
          %get3A_120 = tpu.vector_load %arg10[%get3A_118, %get3A_119] {strides = array<i32>} : memref<128x128xf32, #tpu.memory_space<vmem>>, vector<1x16xf32>,
          %get3A_121 = vector.shape_cast %get3A_120 : vector<1x16xf32> to vector<16xf32>
          %get3A_122 = arith.index_cast %mul3A_113 : i32 to index
          %get3A_123 = tpu.vector_load %arg11[%get3A_122] {strides = array<i32>} : memref<100352xf32, #tpu.memory_space<vmem>>, vector<16xf32>,
          %get3A_124 = vector.shape_cast %get3A_123 : vector<16xf32> to vector<16xf32>
          %add3A_125 = arith.constant 16 : i32
          %add3A_126 = arith.addi %mul3A_113, %add3A_125 : i32
          %get3A_127 = arith.index_cast %add3A_126 : i32 to index
          %get3A_128 = tpu.vector_load %arg11[%get3A_127] {strides = array<i32>} : memref<100352xf32, #tpu.memory_space<vmem>>, vector<16xf32>,
          %get3A_129 = vector.shape_cast %get3A_128 : vector<16xf32> to vector<16xf32>
          %add3A_130 = arith.addf %get3A_124, %get3A_117 : vector<16xf32>
          %swap3A = arith.index_cast %mul3A_113 : i32 to index
          %swap3A_131 = tpu.vector_load %arg11[%swap3A] {strides = array<i32>} : memref<100352xf32, #tpu.memory_space<vmem>>, vector<16xf32>,
          %swap3A_132 = vector.shape_cast %swap3A_131 : vector<16xf32> to vector<16xf32>
          %swap3A_133 = vector.shape_cast %add3A_130 : vector<16xf32> to vector<16xf32>
          tpu.vector_store %arg11[%swap3A], %swap3A_133 {strides = array<i32>} : memref<100352xf32, #tpu.memory_space<vmem>>, vector<16xf32>,
          %add3A_134 = arith.addf %get3A_129, %get3A_121 : vector<16xf32>
          %add3A_135 = arith.constant 16 : i32
          %add3A_136 = arith.addi %mul3A_113, %add3A_135 : i32
          %swap3A_137 = arith.index_cast %add3A_136 : i32 to index
          %swap3A_138 = tpu.vector_load %arg11[%swap3A_137] {strides = array<i32>} : memref<100352xf32, #tpu.memory_space<vmem>>, vector<16xf32>,
          %swap3A_139 = vector.shape_cast %swap3A_138 : vector<16xf32> to vector<16xf32>
          %swap3A_140 = vector.shape_cast %add3A_134 : vector<16xf32> to vector<16xf32>
          tpu.vector_store %arg11[%swap3A_137], %swap3A_140 {strides = array<i32>} : memref<100352xf32, #tpu.memory_space<vmem>>, vector<16xf32>,
        }
        %while3A_104 = arith.constant 1 : i32
        scf.for %while3A_105 = %while3A_102 to %while3A_98 step %while3A_104  : i32 {
          %get3A_106 = arith.index_cast %while3A_105 : i32 to index
          %get3A_107 = tpu.vector_load %arg9[%get3A_106] {strides = array<i32>} : memref<144xi32, #tpu.memory_space<vmem>>, vector<16xi32>,
          %get3A_108 = vector.shape_cast %get3A_107 : vector<16xi32> to vector<16xi32>
          %slice3A_109 = vector.extract_strided_slice %get3A_108 {offsets = [0], sizes = [1], strides = [1]} : vector<16xi32> to vector<1xi32>
          %squeeze3A_110 = vector.extract %slice3A_109[0] : i32 from vector<1xi32>
          %sub3A_111 = arith.subi %squeeze3A_110, %mul3A_12 : i32
          %mul3A_112 = arith.constant 32 : i32
          %mul3A_113 = arith.muli %sub3A_111, %mul3A_112 : i32
          %get3A_114 = arith.index_cast %while3A_105 : i32 to index
          %get3A_115 = arith.constant 0 : index
          %get3A_116 = tpu.vector_load %arg10[%get3A_114, %get3A_115] {strides = array<i32>} : memref<128x128xf32, #tpu.memory_space<vmem>>, vector<1x16xf32>,
          %get3A_117 = vector.shape_cast %get3A_116 : vector<1x16xf32> to vector<16xf32>
          %get3A_118 = arith.index_cast %while3A_105 : i32 to index
          %get3A_119 = arith.constant 16 : index
          %get3A_120 = tpu.vector_load %arg10[%get3A_118, %get3A_119] {strides = array<i32>} : memref<128x128xf32, #tpu.memory_space<vmem>>, vector<1x16xf32>,
          %get3A_121 = vector.shape_cast %get3A_120 : vector<1x16xf32> to vector<16xf32>
          %get3A_122 = arith.index_cast %mul3A_113 : i32 to index
          %get3A_123 = tpu.vector_load %arg11[%get3A_122] {strides = array<i32>} : memref<100352xf32, #tpu.memory_space<vmem>>, vector<16xf32>,
          %get3A_124 = vector.shape_cast %get3A_123 : vector<16xf32> to vector<16xf32>
          %add3A_125 = arith.constant 16 : i32
          %add3A_126 = arith.addi %mul3A_113, %add3A_125 : i32
          %get3A_127 = arith.index_cast %add3A_126 : i32 to index
          %get3A_128 = tpu.vector_load %arg11[%get3A_127] {strides = array<i32>} : memref<100352xf32, #tpu.memory_space<vmem>>, vector<16xf32>,
          %get3A_129 = vector.shape_cast %get3A_128 : vector<16xf32> to vector<16xf32>
          %add3A_130 = arith.addf %get3A_124, %get3A_117 : vector<16xf32>
          %swap3A = arith.index_cast %mul3A_113 : i32 to index
          %swap3A_131 = tpu.vector_load %arg11[%swap3A] {strides = array<i32>} : memref<100352xf32, #tpu.memory_space<vmem>>, vector<16xf32>,
          %swap3A_132 = vector.shape_cast %swap3A_131 : vector<16xf32> to vector<16xf32>
          %swap3A_133 = vector.shape_cast %add3A_130 : vector<16xf32> to vector<16xf32>
          tpu.vector_store %arg11[%swap3A], %swap3A_133 {strides = array<i32>} : memref<100352xf32, #tpu.memory_space<vmem>>, vector<16xf32>,
          %add3A_134 = arith.addf %get3A_129, %get3A_121 : vector<16xf32>
          %add3A_135 = arith.constant 16 : i32
          %add3A_136 = arith.addi %mul3A_113, %add3A_135 : i32
          %swap3A_137 = arith.index_cast %add3A_136 : i32 to index
          %swap3A_138 = tpu.vector_load %arg11[%swap3A_137] {strides = array<i32>} : memref<100352xf32, #tpu.memory_space<vmem>>, vector<16xf32>,
          %swap3A_139 = vector.shape_cast %swap3A_138 : vector<16xf32> to vector<16xf32>
          %swap3A_140 = vector.shape_cast %add3A_134 : vector<16xf32> to vector<16xf32>
          tpu.vector_store %arg11[%swap3A_137], %swap3A_140 {strides = array<i32>} : memref<100352xf32, #tpu.memory_space<vmem>>, vector<16xf32>,
        }
      }
      %while3A_79 = arith.constant 1 : i32
      scf.for %while3A_82 = %while3A_77 to %while3A_73 step %while3A_79  : i32 {
        %mul3A_83 = arith.constant 128 : i32
        %mul3A_84 = arith.muli %while3A_82, %mul3A_83 : i32
        %add3A_85 = arith.addi %mul3A_40, %mul3A_84 : i32
        "tpu.region"() ({
          %run_scoped3A = tpu.sem_alloc : memref<!tpu.dma_semaphore, #tpu.memory_space<semaphore_mem>>
          %dma_start3A_105 = tpu.memref_slice %arg3[%add3A_85] : memref<3200128xi32, #tpu.memory_space<hbm>> -> memref<128xi32, #tpu.memory_space<hbm>>
          %dma_start3A_106 = tpu.memref_slice %arg3[%add3A_85] : memref<3200128xi32, #tpu.memory_space<hbm>> -> memref<128xi32, #tpu.memory_space<hbm>>
          tpu.enqueue_dma source(%dma_start3A_106 : memref<128xi32, #tpu.memory_space<hbm>>) target(%arg8 : memref<128xi32, #tpu.memory_space<vmem>>) target_semaphore(%run_scoped3A : memref<!tpu.dma_semaphore, #tpu.memory_space<semaphore_mem>>)
          %dma_wait3A_107 = tpu.memref_slice %arg3[%add3A_85] : memref<3200128xi32, #tpu.memory_space<hbm>> -> memref<128xi32, #tpu.memory_space<hbm>>
          %dma_wait3A_108 = tpu.memref_slice %arg3[%add3A_85] : memref<3200128xi32, #tpu.memory_space<hbm>> -> memref<128xi32, #tpu.memory_space<hbm>>
          tpu.wait_dma2 semaphore(%run_scoped3A : memref<!tpu.dma_semaphore, #tpu.memory_space<semaphore_mem>>) src(%dma_wait3A_108 : memref<128xi32, #tpu.memory_space<hbm>>) dst(%arg8 : memref<128xi32, #tpu.memory_space<vmem>>)
          tpu.yield
        }) : () -> ()
        "tpu.region"() ({
          %run_scoped3A = tpu.sem_alloc : memref<!tpu.dma_semaphore, #tpu.memory_space<semaphore_mem>>
          %dma_start3A_105 = arith.constant 0 : i32
          %dma_start3A_106 = tpu.memref_slice %arg9[%dma_start3A_105] : memref<144xi32, #tpu.memory_space<vmem>> -> memref<128xi32, #tpu.memory_space<vmem>>
          %dma_start3A_107 = tpu.memref_slice %arg4[%add3A_85] : memref<3200128xi32, #tpu.memory_space<hbm>> -> memref<128xi32, #tpu.memory_space<hbm>>
          %dma_start3A_108 = arith.constant 0 : i32
          %dma_start3A_109 = tpu.memref_slice %arg9[%dma_start3A_108] : memref<144xi32, #tpu.memory_space<vmem>> -> memref<128xi32, #tpu.memory_space<vmem>>
          %dma_start3A_110 = tpu.memref_slice %arg4[%add3A_85] : memref<3200128xi32, #tpu.memory_space<hbm>> -> memref<128xi32, #tpu.memory_space<hbm>>
          tpu.enqueue_dma source(%dma_start3A_110 : memref<128xi32, #tpu.memory_space<hbm>>) target(%dma_start3A_109 : memref<128xi32, #tpu.memory_space<vmem>>) target_semaphore(%run_scoped3A : memref<!tpu.dma_semaphore, #tpu.memory_space<semaphore_mem>>)
          %dma_wait3A_111 = arith.constant 0 : i32
          %dma_wait3A_112 = tpu.memref_slice %arg9[%dma_wait3A_111] : memref<144xi32, #tpu.memory_space<vmem>> -> memref<128xi32, #tpu.memory_space<vmem>>
          %dma_wait3A_113 = tpu.memref_slice %arg4[%add3A_85] : memref<3200128xi32, #tpu.memory_space<hbm>> -> memref<128xi32, #tpu.memory_space<hbm>>
          %dma_wait3A_114 = arith.constant 0 : i32
          %dma_wait3A_115 = tpu.memref_slice %arg9[%dma_wait3A_114] : memref<144xi32, #tpu.memory_space<vmem>> -> memref<128xi32, #tpu.memory_space<vmem>>
          %dma_wait3A_116 = tpu.memref_slice %arg4[%add3A_85] : memref<3200128xi32, #tpu.memory_space<hbm>> -> memref<128xi32, #tpu.memory_space<hbm>>
          tpu.wait_dma2 semaphore(%run_scoped3A : memref<!tpu.dma_semaphore, #tpu.memory_space<semaphore_mem>>) src(%dma_wait3A_116 : memref<128xi32, #tpu.memory_space<hbm>>) dst(%dma_wait3A_115 : memref<128xi32, #tpu.memory_space<vmem>>)
          tpu.yield
        }) : () -> ()
        %dma_start3A = arith.constant 0 : i32
        %dma_start3A_86 = arith.constant 0 : i32
        %dma_start3A_87 = tpu.memref_slice %arg2[%dma_start3A, %dma_start3A_86] : memref<1605632x128xf32, #tpu.memory_space<hbm>> -> memref<1605632x128xf32, #tpu.memory_space<hbm>>
        tpu.enqueue_indirect_dma source(%dma_start3A_87 : memref<1605632x128xf32, #tpu.memory_space<hbm>>) target(%arg10 : memref<128x128xf32, #tpu.memory_space<vmem>>) offsets(%arg8 : memref<128xi32, #tpu.memory_space<vmem>>) semaphore(%arg12 : memref<!tpu.dma_semaphore, #tpu.memory_space<semaphore_mem>>)
        %dma_wait3A = arith.constant 0 : i32
        %dma_wait3A_88 = arith.constant 0 : i32
        %dma_wait3A_89 = tpu.memref_slice %arg2[%dma_wait3A, %dma_wait3A_88] : memref<1605632x128xf32, #tpu.memory_space<hbm>> -> memref<1605632x128xf32, #tpu.memory_space<hbm>>
        tpu.wait_indirect_dma semaphore(%arg12 : memref<!tpu.dma_semaphore, #tpu.memory_space<semaphore_mem>>) src(%dma_wait3A_89 : memref<1605632x128xf32, #tpu.memory_space<hbm>>) dst(%arg10 : memref<128x128xf32, #tpu.memory_space<vmem>>)
        %sub3A_90 = arith.subi %squeeze3A, %add3A_85 : i32
        %max3A_91 = arith.constant 0 : i32
        %max3A_92 = arith.maxsi %sub3A_90, %max3A_91 : i32
        %sub3A_93 = arith.subi %squeeze3A_16, %add3A_85 : i32
        %min3A = arith.constant 128 : i32
        %min3A_94 = arith.minsi %sub3A_93, %min3A : i32
        %max3A_95 = arith.maxsi %max3A_92, %min3A_94 : i32
        %while3A_96 = arith.constant 0 : i32
        %while3A_97 = arith.subi %max3A_95, %max3A_92 : i32
        %while3A_98 = arith.addi %max3A_92, %while3A_97 : i32
        %while3A_99 = arith.constant 1 : i32
        %while3A_100 = arith.divsi %while3A_97, %while3A_99 : i32
        %while3A_101 = arith.muli %while3A_100, %while3A_99 : i32
        %while3A_102 = arith.addi %max3A_92, %while3A_101 : i32
        %while3A_103 = arith.constant 1 : i32
        scf.for %while3A_105 = %max3A_92 to %while3A_102 step %while3A_103  : i32 {
          %get3A_106 = arith.index_cast %while3A_105 : i32 to index
          %get3A_107 = tpu.vector_load %arg9[%get3A_106] {strides = array<i32>} : memref<144xi32, #tpu.memory_space<vmem>>, vector<16xi32>,
          %get3A_108 = vector.shape_cast %get3A_107 : vector<16xi32> to vector<16xi32>
          %slice3A_109 = vector.extract_strided_slice %get3A_108 {offsets = [0], sizes = [1], strides = [1]} : vector<16xi32> to vector<1xi32>
          %squeeze3A_110 = vector.extract %slice3A_109[0] : i32 from vector<1xi32>
          %sub3A_111 = arith.subi %squeeze3A_110, %mul3A_12 : i32
          %mul3A_112 = arith.constant 32 : i32
          %mul3A_113 = arith.muli %sub3A_111, %mul3A_112 : i32
          %get3A_114 = arith.index_cast %while3A_105 : i32 to index
          %get3A_115 = arith.constant 0 : index
          %get3A_116 = tpu.vector_load %arg10[%get3A_114, %get3A_115] {strides = array<i32>} : memref<128x128xf32, #tpu.memory_space<vmem>>, vector<1x16xf32>,
          %get3A_117 = vector.shape_cast %get3A_116 : vector<1x16xf32> to vector<16xf32>
          %get3A_118 = arith.index_cast %while3A_105 : i32 to index
          %get3A_119 = arith.constant 16 : index
          %get3A_120 = tpu.vector_load %arg10[%get3A_118, %get3A_119] {strides = array<i32>} : memref<128x128xf32, #tpu.memory_space<vmem>>, vector<1x16xf32>,
          %get3A_121 = vector.shape_cast %get3A_120 : vector<1x16xf32> to vector<16xf32>
          %get3A_122 = arith.index_cast %mul3A_113 : i32 to index
          %get3A_123 = tpu.vector_load %arg11[%get3A_122] {strides = array<i32>} : memref<100352xf32, #tpu.memory_space<vmem>>, vector<16xf32>,
          %get3A_124 = vector.shape_cast %get3A_123 : vector<16xf32> to vector<16xf32>
          %add3A_125 = arith.constant 16 : i32
          %add3A_126 = arith.addi %mul3A_113, %add3A_125 : i32
          %get3A_127 = arith.index_cast %add3A_126 : i32 to index
          %get3A_128 = tpu.vector_load %arg11[%get3A_127] {strides = array<i32>} : memref<100352xf32, #tpu.memory_space<vmem>>, vector<16xf32>,
          %get3A_129 = vector.shape_cast %get3A_128 : vector<16xf32> to vector<16xf32>
          %add3A_130 = arith.addf %get3A_124, %get3A_117 : vector<16xf32>
          %swap3A = arith.index_cast %mul3A_113 : i32 to index
          %swap3A_131 = tpu.vector_load %arg11[%swap3A] {strides = array<i32>} : memref<100352xf32, #tpu.memory_space<vmem>>, vector<16xf32>,
          %swap3A_132 = vector.shape_cast %swap3A_131 : vector<16xf32> to vector<16xf32>
          %swap3A_133 = vector.shape_cast %add3A_130 : vector<16xf32> to vector<16xf32>
          tpu.vector_store %arg11[%swap3A], %swap3A_133 {strides = array<i32>} : memref<100352xf32, #tpu.memory_space<vmem>>, vector<16xf32>,
          %add3A_134 = arith.addf %get3A_129, %get3A_121 : vector<16xf32>
          %add3A_135 = arith.constant 16 : i32
          %add3A_136 = arith.addi %mul3A_113, %add3A_135 : i32
          %swap3A_137 = arith.index_cast %add3A_136 : i32 to index
          %swap3A_138 = tpu.vector_load %arg11[%swap3A_137] {strides = array<i32>} : memref<100352xf32, #tpu.memory_space<vmem>>, vector<16xf32>,
          %swap3A_139 = vector.shape_cast %swap3A_138 : vector<16xf32> to vector<16xf32>
          %swap3A_140 = vector.shape_cast %add3A_134 : vector<16xf32> to vector<16xf32>
          tpu.vector_store %arg11[%swap3A_137], %swap3A_140 {strides = array<i32>} : memref<100352xf32, #tpu.memory_space<vmem>>, vector<16xf32>,
        }
        %while3A_104 = arith.constant 1 : i32
        scf.for %while3A_105 = %while3A_102 to %while3A_98 step %while3A_104  : i32 {
          %get3A_106 = arith.index_cast %while3A_105 : i32 to index
          %get3A_107 = tpu.vector_load %arg9[%get3A_106] {strides = array<i32>} : memref<144xi32, #tpu.memory_space<vmem>>, vector<16xi32>,
          %get3A_108 = vector.shape_cast %get3A_107 : vector<16xi32> to vector<16xi32>
          %slice3A_109 = vector.extract_strided_slice %get3A_108 {offsets = [0], sizes = [1], strides = [1]} : vector<16xi32> to vector<1xi32>
          %squeeze3A_110 = vector.extract %slice3A_109[0] : i32 from vector<1xi32>
          %sub3A_111 = arith.subi %squeeze3A_110, %mul3A_12 : i32
          %mul3A_112 = arith.constant 32 : i32
          %mul3A_113 = arith.muli %sub3A_111, %mul3A_112 : i32
          %get3A_114 = arith.index_cast %while3A_105 : i32 to index
          %get3A_115 = arith.constant 0 : index
          %get3A_116 = tpu.vector_load %arg10[%get3A_114, %get3A_115] {strides = array<i32>} : memref<128x128xf32, #tpu.memory_space<vmem>>, vector<1x16xf32>,
          %get3A_117 = vector.shape_cast %get3A_116 : vector<1x16xf32> to vector<16xf32>
          %get3A_118 = arith.index_cast %while3A_105 : i32 to index
          %get3A_119 = arith.constant 16 : index
          %get3A_120 = tpu.vector_load %arg10[%get3A_118, %get3A_119] {strides = array<i32>} : memref<128x128xf32, #tpu.memory_space<vmem>>, vector<1x16xf32>,
          %get3A_121 = vector.shape_cast %get3A_120 : vector<1x16xf32> to vector<16xf32>
          %get3A_122 = arith.index_cast %mul3A_113 : i32 to index
          %get3A_123 = tpu.vector_load %arg11[%get3A_122] {strides = array<i32>} : memref<100352xf32, #tpu.memory_space<vmem>>, vector<16xf32>,
          %get3A_124 = vector.shape_cast %get3A_123 : vector<16xf32> to vector<16xf32>
          %add3A_125 = arith.constant 16 : i32
          %add3A_126 = arith.addi %mul3A_113, %add3A_125 : i32
          %get3A_127 = arith.index_cast %add3A_126 : i32 to index
          %get3A_128 = tpu.vector_load %arg11[%get3A_127] {strides = array<i32>} : memref<100352xf32, #tpu.memory_space<vmem>>, vector<16xf32>,
          %get3A_129 = vector.shape_cast %get3A_128 : vector<16xf32> to vector<16xf32>
          %add3A_130 = arith.addf %get3A_124, %get3A_117 : vector<16xf32>
          %swap3A = arith.index_cast %mul3A_113 : i32 to index
          %swap3A_131 = tpu.vector_load %arg11[%swap3A] {strides = array<i32>} : memref<100352xf32, #tpu.memory_space<vmem>>, vector<16xf32>,
          %swap3A_132 = vector.shape_cast %swap3A_131 : vector<16xf32> to vector<16xf32>
          %swap3A_133 = vector.shape_cast %add3A_130 : vector<16xf32> to vector<16xf32>
          tpu.vector_store %arg11[%swap3A], %swap3A_133 {strides = array<i32>} : memref<100352xf32, #tpu.memory_space<vmem>>, vector<16xf32>,
          %add3A_134 = arith.addf %get3A_129, %get3A_121 : vector<16xf32>
          %add3A_135 = arith.constant 16 : i32
          %add3A_136 = arith.addi %mul3A_113, %add3A_135 : i32
          %swap3A_137 = arith.index_cast %add3A_136 : i32 to index
          %swap3A_138 = tpu.vector_load %arg11[%swap3A_137] {strides = array<i32>} : memref<100352xf32, #tpu.memory_space<vmem>>, vector<16xf32>,
          %swap3A_139 = vector.shape_cast %swap3A_138 : vector<16xf32> to vector<16xf32>
          %swap3A_140 = vector.shape_cast %add3A_134 : vector<16xf32> to vector<16xf32>
          tpu.vector_store %arg11[%swap3A_137], %swap3A_140 {strides = array<i32>} : memref<100352xf32, #tpu.memory_space<vmem>>, vector<16xf32>,
        }
      }
      %mul3A_80 = arith.constant 32 : i32
      %mul3A_81 = arith.muli %mul3A_12, %mul3A_80 : i32
      "tpu.region"() ({
        %run_scoped3A = tpu.sem_alloc : memref<!tpu.dma_semaphore, #tpu.memory_space<semaphore_mem>>
        %dma_start3A = tpu.memref_slice %arg6[%mul3A_81] : memref<51380224xf32, #tpu.memory_space<hbm>> -> memref<100352xf32, #tpu.memory_space<hbm>>
        %dma_start3A_82 = tpu.memref_slice %arg6[%mul3A_81] : memref<51380224xf32, #tpu.memory_space<hbm>> -> memref<100352xf32, #tpu.memory_space<hbm>>
        tpu.enqueue_dma source(%arg11 : memref<100352xf32, #tpu.memory_space<vmem>>) target(%dma_start3A_82 : memref<100352xf32, #tpu.memory_space<hbm>>) target_semaphore(%run_scoped3A : memref<!tpu.dma_semaphore, #tpu.memory_space<semaphore_mem>>)
        %dma_wait3A = tpu.memref_slice %arg6[%mul3A_81] : memref<51380224xf32, #tpu.memory_space<hbm>> -> memref<100352xf32, #tpu.memory_space<hbm>>
        %dma_wait3A_83 = tpu.memref_slice %arg6[%mul3A_81] : memref<51380224xf32, #tpu.memory_space<hbm>> -> memref<100352xf32, #tpu.memory_space<hbm>>
        tpu.wait_dma2 semaphore(%run_scoped3A : memref<!tpu.dma_semaphore, #tpu.memory_space<semaphore_mem>>) src(%arg11 : memref<100352xf32, #tpu.memory_space<vmem>>) dst(%dma_wait3A_83 : memref<100352xf32, #tpu.memory_space<hbm>>)
        tpu.yield
      }) : () -> ()
    }
    %scan3A_6 = arith.constant 16 : i32
    return
  }
}

#map = affine_map<(d0, d1) -> (0, 0)>
#map1 = affine_map<(d0, d1) -> (0)>
module attributes {stable_mosaic.version = 14 : i64} {
  func.func @k(%arg0: i32, %arg1: i32, %arg2: memref<1605632x128xf32, #tpu.memory_space<hbm>>, %arg3: memref<1600128xi32, #tpu.memory_space<hbm>>, %arg4: memref<1600128xi32, #tpu.memory_space<hbm>>, %arg5: memref<56xi32, #tpu.memory_space<hbm>>, %arg6: memref<3211264xf32, #tpu.memory_space<hbm>>, %arg7: memref<56xi32, #tpu.memory_space<vmem>>, %arg8: memref<128xi32, #tpu.memory_space<vmem>>, %arg9: memref<144xi32, #tpu.memory_space<vmem>>, %arg10: memref<128x128xf32, #tpu.memory_space<vmem>>, %arg11: memref<100352xf32, #tpu.memory_space<vmem>>, %arg12: memref<!tpu.dma_semaphore, #tpu.memory_space<semaphore_mem>>) attributes {dimension_semantics = [#tpu.dimension_semantics<core_parallel>, #tpu.dimension_semantics<subcore_parallel>], iteration_bounds = array<i64: 2, 16>, scalar_prefetch = 0 : i64, scratch_operands = 6 : i64, tpu.core_type = #tpu.core_type<sc_vector_subcore>, window_params = [{transform_indices = #map}, {transform_indices = #map1}, {transform_indices = #map1}, {transform_indices = #map1}, {transform_indices = #map1}]} {
    %mul3A = arith.constant 2 : i32
    %mul3A_0 = arith.muli %arg1, %mul3A : i32
    %add3A = arith.addi %mul3A_0, %arg0 : i32
    "tpu.region"() ({
      %run_scoped3A = tpu.sem_alloc : memref<!tpu.dma_semaphore, #tpu.memory_space<semaphore_mem>>
      tpu.enqueue_dma source(%arg5 : memref<56xi32, #tpu.memory_space<hbm>>) target(%arg7 : memref<56xi32, #tpu.memory_space<vmem>>) target_semaphore(%run_scoped3A : memref<!tpu.dma_semaphore, #tpu.memory_space<semaphore_mem>>)
      tpu.wait_dma2 semaphore(%run_scoped3A : memref<!tpu.dma_semaphore, #tpu.memory_space<semaphore_mem>>) src(%arg5 : memref<56xi32, #tpu.memory_space<hbm>>) dst(%arg7 : memref<56xi32, #tpu.memory_space<vmem>>)
      tpu.yield
    }) : () -> ()
    %broadcast_in_dim3A = arith.constant 0.000000e+00 : f32
    %broadcast_in_dim3A_1 = vector.broadcast %broadcast_in_dim3A : f32 to vector<16xf32>
    %scan3A = arith.constant 0 : i32
    %scan3A_2 = arith.constant 0 : i32
    %mul3A_3 = arith.constant 32 : i32
    %mul3A_4 = arith.muli %scan3A_2, %mul3A_3 : i32
    %add3A_5 = arith.addi %mul3A_4, %add3A : i32
    %mul3A_6 = arith.constant 3136 : i32
    %mul3A_7 = arith.muli %add3A_5, %mul3A_6 : i32
    %get3A = arith.index_cast %add3A_5 : i32 to index
    %get3A_8 = tpu.vector_load %arg7[%get3A] {strides = array<i32>} : memref<56xi32, #tpu.memory_space<vmem>>, vector<16xi32>,
    %get3A_9 = vector.shape_cast %get3A_8 : vector<16xi32> to vector<16xi32>
    %slice3A = vector.extract_strided_slice %get3A_9 {offsets = [0], sizes = [1], strides = [1]} : vector<16xi32> to vector<1xi32>
    %squeeze3A = vector.extract %slice3A[0] : i32 from vector<1xi32>
    %slice3A_10 = vector.extract_strided_slice %get3A_9 {offsets = [1], sizes = [1], strides = [1]} : vector<16xi32> to vector<1xi32>
    %squeeze3A_11 = vector.extract %slice3A_10[0] : i32 from vector<1xi32>
    %scan3A_12 = arith.constant 0 : i32
    %scan3A_13 = arith.constant 0 : i32
    %scan3A_14 = arith.constant 6272 : i32
    %scan3A_15 = arith.addi %scan3A_13, %scan3A_14 : i32
    %scan3A_16 = arith.constant 1 : i32
    scf.for %scan3A_78 = %scan3A_13 to %scan3A_15 step %scan3A_16  : i32 {
      %mul3A_79 = arith.constant 16 : i32
      %mul3A_80 = arith.muli %scan3A_78, %mul3A_79 : i32
      %swap3A = arith.index_cast %mul3A_80 : i32 to index
      %swap3A_81 = tpu.vector_load %arg11[%swap3A] {strides = array<i32>} : memref<100352xf32, #tpu.memory_space<vmem>>, vector<16xf32>,
      %swap3A_82 = vector.shape_cast %swap3A_81 : vector<16xf32> to vector<16xf32>
      %swap3A_83 = vector.shape_cast %broadcast_in_dim3A_1 : vector<16xf32> to vector<16xf32>
      tpu.vector_store %arg11[%swap3A], %swap3A_83 {strides = array<i32>} : memref<100352xf32, #tpu.memory_space<vmem>>, vector<16xf32>,
    }
    %scan3A_17 = arith.constant 6272 : i32
    %jit3A = arith.constant 128 : i32
    %div3A = arith.divsi %squeeze3A, %jit3A : i32
    %sign3A = arith.constant 0 : i32
    %sign3A_18 = arith.cmpi sgt, %squeeze3A, %sign3A : i32
    %sign3A_19 = arith.extui %sign3A_18 : i1 to i32
    %sign3A_20 = arith.constant 0 : i32
    %sign3A_21 = arith.cmpi slt, %squeeze3A, %sign3A_20 : i32
    %sign3A_22 = arith.extui %sign3A_21 : i1 to i32
    %sign3A_23 = arith.subi %sign3A_19, %sign3A_22 : i32
    %sign3A_24 = arith.constant 0 : i32
    %sign3A_25 = arith.cmpi sgt, %jit3A, %sign3A_24 : i32
    %sign3A_26 = arith.extui %sign3A_25 : i1 to i32
    %sign3A_27 = arith.constant 0 : i32
    %sign3A_28 = arith.cmpi slt, %jit3A, %sign3A_27 : i32
    %sign3A_29 = arith.extui %sign3A_28 : i1 to i32
    %sign3A_30 = arith.subi %sign3A_26, %sign3A_29 : i32
    %ne3A = arith.cmpi ne, %sign3A_23, %sign3A_30 : i32
    %rem3A = arith.remsi %squeeze3A, %jit3A : i32
    %ne3A_31 = arith.constant 0 : i32
    %ne3A_32 = arith.cmpi ne, %rem3A, %ne3A_31 : i32
    %and3A = arith.andi %ne3A, %ne3A_32 : i1
    %sub3A = arith.constant 1 : i32
    %sub3A_33 = arith.subi %div3A, %sub3A : i32
    %select_n3A = arith.select %and3A, %sub3A_33, %div3A : i32
    %mul3A_34 = arith.constant 128 : i32
    %mul3A_35 = arith.muli %select_n3A, %mul3A_34 : i32
    %sub3A_36 = arith.subi %squeeze3A_11, %mul3A_35 : i32
    %add3A_37 = arith.constant 128 : i32
    %add3A_38 = arith.addi %sub3A_36, %add3A_37 : i32
    %sub3A_39 = arith.constant 1 : i32
    %sub3A_40 = arith.subi %add3A_38, %sub3A_39 : i32
    %jit3A_41 = arith.constant 128 : i32
    %div3A_42 = arith.divsi %sub3A_40, %jit3A_41 : i32
    %sign3A_43 = arith.constant 0 : i32
    %sign3A_44 = arith.cmpi sgt, %sub3A_40, %sign3A_43 : i32
    %sign3A_45 = arith.extui %sign3A_44 : i1 to i32
    %sign3A_46 = arith.constant 0 : i32
    %sign3A_47 = arith.cmpi slt, %sub3A_40, %sign3A_46 : i32
    %sign3A_48 = arith.extui %sign3A_47 : i1 to i32
    %sign3A_49 = arith.subi %sign3A_45, %sign3A_48 : i32
    %sign3A_50 = arith.constant 0 : i32
    %sign3A_51 = arith.cmpi sgt, %jit3A_41, %sign3A_50 : i32
    %sign3A_52 = arith.extui %sign3A_51 : i1 to i32
    %sign3A_53 = arith.constant 0 : i32
    %sign3A_54 = arith.cmpi slt, %jit3A_41, %sign3A_53 : i32
    %sign3A_55 = arith.extui %sign3A_54 : i1 to i32
    %sign3A_56 = arith.subi %sign3A_52, %sign3A_55 : i32
    %ne3A_57 = arith.cmpi ne, %sign3A_49, %sign3A_56 : i32
    %rem3A_58 = arith.remsi %sub3A_40, %jit3A_41 : i32
    %ne3A_59 = arith.constant 0 : i32
    %ne3A_60 = arith.cmpi ne, %rem3A_58, %ne3A_59 : i32
    %and3A_61 = arith.andi %ne3A_57, %ne3A_60 : i1
    %sub3A_62 = arith.constant 1 : i32
    %sub3A_63 = arith.subi %div3A_42, %sub3A_62 : i32
    %select_n3A_64 = arith.select %and3A_61, %sub3A_63, %div3A_42 : i32
    %max3A = arith.constant 0 : i32
    %max3A_65 = arith.maxsi %select_n3A_64, %max3A : i32
    %while3A = arith.constant 0 : i32
    %while3A_66 = arith.constant 0 : i32
    %while3A_67 = arith.subi %max3A_65, %while3A_66 : i32
    %while3A_68 = arith.addi %while3A_66, %while3A_67 : i32
    %while3A_69 = arith.constant 1 : i32
    %while3A_70 = arith.divsi %while3A_67, %while3A_69 : i32
    %while3A_71 = arith.muli %while3A_70, %while3A_69 : i32
    %while3A_72 = arith.addi %while3A_66, %while3A_71 : i32
    %while3A_73 = arith.constant 1 : i32
    scf.for %while3A_78 = %while3A_66 to %while3A_72 step %while3A_73  : i32 {
      %mul3A_79 = arith.constant 128 : i32
      %mul3A_80 = arith.muli %while3A_78, %mul3A_79 : i32
      %add3A_81 = arith.addi %mul3A_35, %mul3A_80 : i32
      "tpu.region"() ({
        %run_scoped3A = tpu.sem_alloc : memref<!tpu.dma_semaphore, #tpu.memory_space<semaphore_mem>>
        %dma_start3A_101 = tpu.memref_slice %arg3[%add3A_81] : memref<1600128xi32, #tpu.memory_space<hbm>> -> memref<128xi32, #tpu.memory_space<hbm>>
        %dma_start3A_102 = tpu.memref_slice %arg3[%add3A_81] : memref<1600128xi32, #tpu.memory_space<hbm>> -> memref<128xi32, #tpu.memory_space<hbm>>
        tpu.enqueue_dma source(%dma_start3A_102 : memref<128xi32, #tpu.memory_space<hbm>>) target(%arg8 : memref<128xi32, #tpu.memory_space<vmem>>) target_semaphore(%run_scoped3A : memref<!tpu.dma_semaphore, #tpu.memory_space<semaphore_mem>>)
        %dma_wait3A_103 = tpu.memref_slice %arg3[%add3A_81] : memref<1600128xi32, #tpu.memory_space<hbm>> -> memref<128xi32, #tpu.memory_space<hbm>>
        %dma_wait3A_104 = tpu.memref_slice %arg3[%add3A_81] : memref<1600128xi32, #tpu.memory_space<hbm>> -> memref<128xi32, #tpu.memory_space<hbm>>
        tpu.wait_dma2 semaphore(%run_scoped3A : memref<!tpu.dma_semaphore, #tpu.memory_space<semaphore_mem>>) src(%dma_wait3A_104 : memref<128xi32, #tpu.memory_space<hbm>>) dst(%arg8 : memref<128xi32, #tpu.memory_space<vmem>>)
        tpu.yield
      }) : () -> ()
      "tpu.region"() ({
        %run_scoped3A = tpu.sem_alloc : memref<!tpu.dma_semaphore, #tpu.memory_space<semaphore_mem>>
        %dma_start3A_101 = arith.constant 0 : i32
        %dma_start3A_102 = tpu.memref_slice %arg9[%dma_start3A_101] : memref<144xi32, #tpu.memory_space<vmem>> -> memref<128xi32, #tpu.memory_space<vmem>>
        %dma_start3A_103 = tpu.memref_slice %arg4[%add3A_81] : memref<1600128xi32, #tpu.memory_space<hbm>> -> memref<128xi32, #tpu.memory_space<hbm>>
        %dma_start3A_104 = arith.constant 0 : i32
        %dma_start3A_105 = tpu.memref_slice %arg9[%dma_start3A_104] : memref<144xi32, #tpu.memory_space<vmem>> -> memref<128xi32, #tpu.memory_space<vmem>>
        %dma_start3A_106 = tpu.memref_slice %arg4[%add3A_81] : memref<1600128xi32, #tpu.memory_space<hbm>> -> memref<128xi32, #tpu.memory_space<hbm>>
        tpu.enqueue_dma source(%dma_start3A_106 : memref<128xi32, #tpu.memory_space<hbm>>) target(%dma_start3A_105 : memref<128xi32, #tpu.memory_space<vmem>>) target_semaphore(%run_scoped3A : memref<!tpu.dma_semaphore, #tpu.memory_space<semaphore_mem>>)
        %dma_wait3A_107 = arith.constant 0 : i32
        %dma_wait3A_108 = tpu.memref_slice %arg9[%dma_wait3A_107] : memref<144xi32, #tpu.memory_space<vmem>> -> memref<128xi32, #tpu.memory_space<vmem>>
        %dma_wait3A_109 = tpu.memref_slice %arg4[%add3A_81] : memref<1600128xi32, #tpu.memory_space<hbm>> -> memref<128xi32, #tpu.memory_space<hbm>>
        %dma_wait3A_110 = arith.constant 0 : i32
        %dma_wait3A_111 = tpu.memref_slice %arg9[%dma_wait3A_110] : memref<144xi32, #tpu.memory_space<vmem>> -> memref<128xi32, #tpu.memory_space<vmem>>
        %dma_wait3A_112 = tpu.memref_slice %arg4[%add3A_81] : memref<1600128xi32, #tpu.memory_space<hbm>> -> memref<128xi32, #tpu.memory_space<hbm>>
        tpu.wait_dma2 semaphore(%run_scoped3A : memref<!tpu.dma_semaphore, #tpu.memory_space<semaphore_mem>>) src(%dma_wait3A_112 : memref<128xi32, #tpu.memory_space<hbm>>) dst(%dma_wait3A_111 : memref<128xi32, #tpu.memory_space<vmem>>)
        tpu.yield
      }) : () -> ()
      %dma_start3A = arith.constant 0 : i32
      %dma_start3A_82 = arith.constant 0 : i32
      %dma_start3A_83 = tpu.memref_slice %arg2[%dma_start3A, %dma_start3A_82] : memref<1605632x128xf32, #tpu.memory_space<hbm>> -> memref<1605632x128xf32, #tpu.memory_space<hbm>>
      tpu.enqueue_indirect_dma source(%dma_start3A_83 : memref<1605632x128xf32, #tpu.memory_space<hbm>>) target(%arg10 : memref<128x128xf32, #tpu.memory_space<vmem>>) offsets(%arg8 : memref<128xi32, #tpu.memory_space<vmem>>) semaphore(%arg12 : memref<!tpu.dma_semaphore, #tpu.memory_space<semaphore_mem>>)
      %dma_wait3A = arith.constant 0 : i32
      %dma_wait3A_84 = arith.constant 0 : i32
      %dma_wait3A_85 = tpu.memref_slice %arg2[%dma_wait3A, %dma_wait3A_84] : memref<1605632x128xf32, #tpu.memory_space<hbm>> -> memref<1605632x128xf32, #tpu.memory_space<hbm>>
      tpu.wait_indirect_dma semaphore(%arg12 : memref<!tpu.dma_semaphore, #tpu.memory_space<semaphore_mem>>) src(%dma_wait3A_85 : memref<1605632x128xf32, #tpu.memory_space<hbm>>) dst(%arg10 : memref<128x128xf32, #tpu.memory_space<vmem>>)
      %sub3A_86 = arith.subi %squeeze3A, %add3A_81 : i32
      %max3A_87 = arith.constant 0 : i32
      %max3A_88 = arith.maxsi %sub3A_86, %max3A_87 : i32
      %sub3A_89 = arith.subi %squeeze3A_11, %add3A_81 : i32
      %min3A = arith.constant 128 : i32
      %min3A_90 = arith.minsi %sub3A_89, %min3A : i32
      %max3A_91 = arith.maxsi %max3A_88, %min3A_90 : i32
      %while3A_92 = arith.constant 0 : i32
      %while3A_93 = arith.subi %max3A_91, %max3A_88 : i32
      %while3A_94 = arith.addi %max3A_88, %while3A_93 : i32
      %while3A_95 = arith.constant 1 : i32
      %while3A_96 = arith.divsi %while3A_93, %while3A_95 : i32
      %while3A_97 = arith.muli %while3A_96, %while3A_95 : i32
      %while3A_98 = arith.addi %max3A_88, %while3A_97 : i32
      %while3A_99 = arith.constant 1 : i32
      scf.for %while3A_101 = %max3A_88 to %while3A_98 step %while3A_99  : i32 {
        %get3A_102 = arith.index_cast %while3A_101 : i32 to index
        %get3A_103 = tpu.vector_load %arg9[%get3A_102] {strides = array<i32>} : memref<144xi32, #tpu.memory_space<vmem>>, vector<16xi32>,
        %get3A_104 = vector.shape_cast %get3A_103 : vector<16xi32> to vector<16xi32>
        %slice3A_105 = vector.extract_strided_slice %get3A_104 {offsets = [0], sizes = [1], strides = [1]} : vector<16xi32> to vector<1xi32>
        %squeeze3A_106 = vector.extract %slice3A_105[0] : i32 from vector<1xi32>
        %sub3A_107 = arith.subi %squeeze3A_106, %mul3A_7 : i32
        %mul3A_108 = arith.constant 32 : i32
        %mul3A_109 = arith.muli %sub3A_107, %mul3A_108 : i32
        %get3A_110 = arith.index_cast %while3A_101 : i32 to index
        %get3A_111 = arith.constant 0 : index
        %get3A_112 = tpu.vector_load %arg10[%get3A_110, %get3A_111] {strides = array<i32>} : memref<128x128xf32, #tpu.memory_space<vmem>>, vector<1x16xf32>,
        %get3A_113 = vector.shape_cast %get3A_112 : vector<1x16xf32> to vector<16xf32>
        %get3A_114 = arith.index_cast %while3A_101 : i32 to index
        %get3A_115 = arith.constant 16 : index
        %get3A_116 = tpu.vector_load %arg10[%get3A_114, %get3A_115] {strides = array<i32>} : memref<128x128xf32, #tpu.memory_space<vmem>>, vector<1x16xf32>,
        %get3A_117 = vector.shape_cast %get3A_116 : vector<1x16xf32> to vector<16xf32>
        %get3A_118 = arith.index_cast %mul3A_109 : i32 to index
        %get3A_119 = tpu.vector_load %arg11[%get3A_118] {strides = array<i32>} : memref<100352xf32, #tpu.memory_space<vmem>>, vector<16xf32>,
        %get3A_120 = vector.shape_cast %get3A_119 : vector<16xf32> to vector<16xf32>
        %add3A_121 = arith.constant 16 : i32
        %add3A_122 = arith.addi %mul3A_109, %add3A_121 : i32
        %get3A_123 = arith.index_cast %add3A_122 : i32 to index
        %get3A_124 = tpu.vector_load %arg11[%get3A_123] {strides = array<i32>} : memref<100352xf32, #tpu.memory_space<vmem>>, vector<16xf32>,
        %get3A_125 = vector.shape_cast %get3A_124 : vector<16xf32> to vector<16xf32>
        %add3A_126 = arith.addf %get3A_120, %get3A_113 : vector<16xf32>
        %swap3A = arith.index_cast %mul3A_109 : i32 to index
        %swap3A_127 = tpu.vector_load %arg11[%swap3A] {strides = array<i32>} : memref<100352xf32, #tpu.memory_space<vmem>>, vector<16xf32>,
        %swap3A_128 = vector.shape_cast %swap3A_127 : vector<16xf32> to vector<16xf32>
        %swap3A_129 = vector.shape_cast %add3A_126 : vector<16xf32> to vector<16xf32>
        tpu.vector_store %arg11[%swap3A], %swap3A_129 {strides = array<i32>} : memref<100352xf32, #tpu.memory_space<vmem>>, vector<16xf32>,
        %add3A_130 = arith.addf %get3A_125, %get3A_117 : vector<16xf32>
        %add3A_131 = arith.constant 16 : i32
        %add3A_132 = arith.addi %mul3A_109, %add3A_131 : i32
        %swap3A_133 = arith.index_cast %add3A_132 : i32 to index
        %swap3A_134 = tpu.vector_load %arg11[%swap3A_133] {strides = array<i32>} : memref<100352xf32, #tpu.memory_space<vmem>>, vector<16xf32>,
        %swap3A_135 = vector.shape_cast %swap3A_134 : vector<16xf32> to vector<16xf32>
        %swap3A_136 = vector.shape_cast %add3A_130 : vector<16xf32> to vector<16xf32>
        tpu.vector_store %arg11[%swap3A_133], %swap3A_136 {strides = array<i32>} : memref<100352xf32, #tpu.memory_space<vmem>>, vector<16xf32>,
      }
      %while3A_100 = arith.constant 1 : i32
      scf.for %while3A_101 = %while3A_98 to %while3A_94 step %while3A_100  : i32 {
        %get3A_102 = arith.index_cast %while3A_101 : i32 to index
        %get3A_103 = tpu.vector_load %arg9[%get3A_102] {strides = array<i32>} : memref<144xi32, #tpu.memory_space<vmem>>, vector<16xi32>,
        %get3A_104 = vector.shape_cast %get3A_103 : vector<16xi32> to vector<16xi32>
        %slice3A_105 = vector.extract_strided_slice %get3A_104 {offsets = [0], sizes = [1], strides = [1]} : vector<16xi32> to vector<1xi32>
        %squeeze3A_106 = vector.extract %slice3A_105[0] : i32 from vector<1xi32>
        %sub3A_107 = arith.subi %squeeze3A_106, %mul3A_7 : i32
        %mul3A_108 = arith.constant 32 : i32
        %mul3A_109 = arith.muli %sub3A_107, %mul3A_108 : i32
        %get3A_110 = arith.index_cast %while3A_101 : i32 to index
        %get3A_111 = arith.constant 0 : index
        %get3A_112 = tpu.vector_load %arg10[%get3A_110, %get3A_111] {strides = array<i32>} : memref<128x128xf32, #tpu.memory_space<vmem>>, vector<1x16xf32>,
        %get3A_113 = vector.shape_cast %get3A_112 : vector<1x16xf32> to vector<16xf32>
        %get3A_114 = arith.index_cast %while3A_101 : i32 to index
        %get3A_115 = arith.constant 16 : index
        %get3A_116 = tpu.vector_load %arg10[%get3A_114, %get3A_115] {strides = array<i32>} : memref<128x128xf32, #tpu.memory_space<vmem>>, vector<1x16xf32>,
        %get3A_117 = vector.shape_cast %get3A_116 : vector<1x16xf32> to vector<16xf32>
        %get3A_118 = arith.index_cast %mul3A_109 : i32 to index
        %get3A_119 = tpu.vector_load %arg11[%get3A_118] {strides = array<i32>} : memref<100352xf32, #tpu.memory_space<vmem>>, vector<16xf32>,
        %get3A_120 = vector.shape_cast %get3A_119 : vector<16xf32> to vector<16xf32>
        %add3A_121 = arith.constant 16 : i32
        %add3A_122 = arith.addi %mul3A_109, %add3A_121 : i32
        %get3A_123 = arith.index_cast %add3A_122 : i32 to index
        %get3A_124 = tpu.vector_load %arg11[%get3A_123] {strides = array<i32>} : memref<100352xf32, #tpu.memory_space<vmem>>, vector<16xf32>,
        %get3A_125 = vector.shape_cast %get3A_124 : vector<16xf32> to vector<16xf32>
        %add3A_126 = arith.addf %get3A_120, %get3A_113 : vector<16xf32>
        %swap3A = arith.index_cast %mul3A_109 : i32 to index
        %swap3A_127 = tpu.vector_load %arg11[%swap3A] {strides = array<i32>} : memref<100352xf32, #tpu.memory_space<vmem>>, vector<16xf32>,
        %swap3A_128 = vector.shape_cast %swap3A_127 : vector<16xf32> to vector<16xf32>
        %swap3A_129 = vector.shape_cast %add3A_126 : vector<16xf32> to vector<16xf32>
        tpu.vector_store %arg11[%swap3A], %swap3A_129 {strides = array<i32>} : memref<100352xf32, #tpu.memory_space<vmem>>, vector<16xf32>,
        %add3A_130 = arith.addf %get3A_125, %get3A_117 : vector<16xf32>
        %add3A_131 = arith.constant 16 : i32
        %add3A_132 = arith.addi %mul3A_109, %add3A_131 : i32
        %swap3A_133 = arith.index_cast %add3A_132 : i32 to index
        %swap3A_134 = tpu.vector_load %arg11[%swap3A_133] {strides = array<i32>} : memref<100352xf32, #tpu.memory_space<vmem>>, vector<16xf32>,
        %swap3A_135 = vector.shape_cast %swap3A_134 : vector<16xf32> to vector<16xf32>
        %swap3A_136 = vector.shape_cast %add3A_130 : vector<16xf32> to vector<16xf32>
        tpu.vector_store %arg11[%swap3A_133], %swap3A_136 {strides = array<i32>} : memref<100352xf32, #tpu.memory_space<vmem>>, vector<16xf32>,
      }
    }
    %while3A_74 = arith.constant 1 : i32
    scf.for %while3A_78 = %while3A_72 to %while3A_68 step %while3A_74  : i32 {
      %mul3A_79 = arith.constant 128 : i32
      %mul3A_80 = arith.muli %while3A_78, %mul3A_79 : i32
      %add3A_81 = arith.addi %mul3A_35, %mul3A_80 : i32
      "tpu.region"() ({
        %run_scoped3A = tpu.sem_alloc : memref<!tpu.dma_semaphore, #tpu.memory_space<semaphore_mem>>
        %dma_start3A_101 = tpu.memref_slice %arg3[%add3A_81] : memref<1600128xi32, #tpu.memory_space<hbm>> -> memref<128xi32, #tpu.memory_space<hbm>>
        %dma_start3A_102 = tpu.memref_slice %arg3[%add3A_81] : memref<1600128xi32, #tpu.memory_space<hbm>> -> memref<128xi32, #tpu.memory_space<hbm>>
        tpu.enqueue_dma source(%dma_start3A_102 : memref<128xi32, #tpu.memory_space<hbm>>) target(%arg8 : memref<128xi32, #tpu.memory_space<vmem>>) target_semaphore(%run_scoped3A : memref<!tpu.dma_semaphore, #tpu.memory_space<semaphore_mem>>)
        %dma_wait3A_103 = tpu.memref_slice %arg3[%add3A_81] : memref<1600128xi32, #tpu.memory_space<hbm>> -> memref<128xi32, #tpu.memory_space<hbm>>
        %dma_wait3A_104 = tpu.memref_slice %arg3[%add3A_81] : memref<1600128xi32, #tpu.memory_space<hbm>> -> memref<128xi32, #tpu.memory_space<hbm>>
        tpu.wait_dma2 semaphore(%run_scoped3A : memref<!tpu.dma_semaphore, #tpu.memory_space<semaphore_mem>>) src(%dma_wait3A_104 : memref<128xi32, #tpu.memory_space<hbm>>) dst(%arg8 : memref<128xi32, #tpu.memory_space<vmem>>)
        tpu.yield
      }) : () -> ()
      "tpu.region"() ({
        %run_scoped3A = tpu.sem_alloc : memref<!tpu.dma_semaphore, #tpu.memory_space<semaphore_mem>>
        %dma_start3A_101 = arith.constant 0 : i32
        %dma_start3A_102 = tpu.memref_slice %arg9[%dma_start3A_101] : memref<144xi32, #tpu.memory_space<vmem>> -> memref<128xi32, #tpu.memory_space<vmem>>
        %dma_start3A_103 = tpu.memref_slice %arg4[%add3A_81] : memref<1600128xi32, #tpu.memory_space<hbm>> -> memref<128xi32, #tpu.memory_space<hbm>>
        %dma_start3A_104 = arith.constant 0 : i32
        %dma_start3A_105 = tpu.memref_slice %arg9[%dma_start3A_104] : memref<144xi32, #tpu.memory_space<vmem>> -> memref<128xi32, #tpu.memory_space<vmem>>
        %dma_start3A_106 = tpu.memref_slice %arg4[%add3A_81] : memref<1600128xi32, #tpu.memory_space<hbm>> -> memref<128xi32, #tpu.memory_space<hbm>>
        tpu.enqueue_dma source(%dma_start3A_106 : memref<128xi32, #tpu.memory_space<hbm>>) target(%dma_start3A_105 : memref<128xi32, #tpu.memory_space<vmem>>) target_semaphore(%run_scoped3A : memref<!tpu.dma_semaphore, #tpu.memory_space<semaphore_mem>>)
        %dma_wait3A_107 = arith.constant 0 : i32
        %dma_wait3A_108 = tpu.memref_slice %arg9[%dma_wait3A_107] : memref<144xi32, #tpu.memory_space<vmem>> -> memref<128xi32, #tpu.memory_space<vmem>>
        %dma_wait3A_109 = tpu.memref_slice %arg4[%add3A_81] : memref<1600128xi32, #tpu.memory_space<hbm>> -> memref<128xi32, #tpu.memory_space<hbm>>
        %dma_wait3A_110 = arith.constant 0 : i32
        %dma_wait3A_111 = tpu.memref_slice %arg9[%dma_wait3A_110] : memref<144xi32, #tpu.memory_space<vmem>> -> memref<128xi32, #tpu.memory_space<vmem>>
        %dma_wait3A_112 = tpu.memref_slice %arg4[%add3A_81] : memref<1600128xi32, #tpu.memory_space<hbm>> -> memref<128xi32, #tpu.memory_space<hbm>>
        tpu.wait_dma2 semaphore(%run_scoped3A : memref<!tpu.dma_semaphore, #tpu.memory_space<semaphore_mem>>) src(%dma_wait3A_112 : memref<128xi32, #tpu.memory_space<hbm>>) dst(%dma_wait3A_111 : memref<128xi32, #tpu.memory_space<vmem>>)
        tpu.yield
      }) : () -> ()
      %dma_start3A = arith.constant 0 : i32
      %dma_start3A_82 = arith.constant 0 : i32
      %dma_start3A_83 = tpu.memref_slice %arg2[%dma_start3A, %dma_start3A_82] : memref<1605632x128xf32, #tpu.memory_space<hbm>> -> memref<1605632x128xf32, #tpu.memory_space<hbm>>
      tpu.enqueue_indirect_dma source(%dma_start3A_83 : memref<1605632x128xf32, #tpu.memory_space<hbm>>) target(%arg10 : memref<128x128xf32, #tpu.memory_space<vmem>>) offsets(%arg8 : memref<128xi32, #tpu.memory_space<vmem>>) semaphore(%arg12 : memref<!tpu.dma_semaphore, #tpu.memory_space<semaphore_mem>>)
      %dma_wait3A = arith.constant 0 : i32
      %dma_wait3A_84 = arith.constant 0 : i32
      %dma_wait3A_85 = tpu.memref_slice %arg2[%dma_wait3A, %dma_wait3A_84] : memref<1605632x128xf32, #tpu.memory_space<hbm>> -> memref<1605632x128xf32, #tpu.memory_space<hbm>>
      tpu.wait_indirect_dma semaphore(%arg12 : memref<!tpu.dma_semaphore, #tpu.memory_space<semaphore_mem>>) src(%dma_wait3A_85 : memref<1605632x128xf32, #tpu.memory_space<hbm>>) dst(%arg10 : memref<128x128xf32, #tpu.memory_space<vmem>>)
      %sub3A_86 = arith.subi %squeeze3A, %add3A_81 : i32
      %max3A_87 = arith.constant 0 : i32
      %max3A_88 = arith.maxsi %sub3A_86, %max3A_87 : i32
      %sub3A_89 = arith.subi %squeeze3A_11, %add3A_81 : i32
      %min3A = arith.constant 128 : i32
      %min3A_90 = arith.minsi %sub3A_89, %min3A : i32
      %max3A_91 = arith.maxsi %max3A_88, %min3A_90 : i32
      %while3A_92 = arith.constant 0 : i32
      %while3A_93 = arith.subi %max3A_91, %max3A_88 : i32
      %while3A_94 = arith.addi %max3A_88, %while3A_93 : i32
      %while3A_95 = arith.constant 1 : i32
      %while3A_96 = arith.divsi %while3A_93, %while3A_95 : i32
      %while3A_97 = arith.muli %while3A_96, %while3A_95 : i32
      %while3A_98 = arith.addi %max3A_88, %while3A_97 : i32
      %while3A_99 = arith.constant 1 : i32
      scf.for %while3A_101 = %max3A_88 to %while3A_98 step %while3A_99  : i32 {
        %get3A_102 = arith.index_cast %while3A_101 : i32 to index
        %get3A_103 = tpu.vector_load %arg9[%get3A_102] {strides = array<i32>} : memref<144xi32, #tpu.memory_space<vmem>>, vector<16xi32>,
        %get3A_104 = vector.shape_cast %get3A_103 : vector<16xi32> to vector<16xi32>
        %slice3A_105 = vector.extract_strided_slice %get3A_104 {offsets = [0], sizes = [1], strides = [1]} : vector<16xi32> to vector<1xi32>
        %squeeze3A_106 = vector.extract %slice3A_105[0] : i32 from vector<1xi32>
        %sub3A_107 = arith.subi %squeeze3A_106, %mul3A_7 : i32
        %mul3A_108 = arith.constant 32 : i32
        %mul3A_109 = arith.muli %sub3A_107, %mul3A_108 : i32
        %get3A_110 = arith.index_cast %while3A_101 : i32 to index
        %get3A_111 = arith.constant 0 : index
        %get3A_112 = tpu.vector_load %arg10[%get3A_110, %get3A_111] {strides = array<i32>} : memref<128x128xf32, #tpu.memory_space<vmem>>, vector<1x16xf32>,
        %get3A_113 = vector.shape_cast %get3A_112 : vector<1x16xf32> to vector<16xf32>
        %get3A_114 = arith.index_cast %while3A_101 : i32 to index
        %get3A_115 = arith.constant 16 : index
        %get3A_116 = tpu.vector_load %arg10[%get3A_114, %get3A_115] {strides = array<i32>} : memref<128x128xf32, #tpu.memory_space<vmem>>, vector<1x16xf32>,
        %get3A_117 = vector.shape_cast %get3A_116 : vector<1x16xf32> to vector<16xf32>
        %get3A_118 = arith.index_cast %mul3A_109 : i32 to index
        %get3A_119 = tpu.vector_load %arg11[%get3A_118] {strides = array<i32>} : memref<100352xf32, #tpu.memory_space<vmem>>, vector<16xf32>,
        %get3A_120 = vector.shape_cast %get3A_119 : vector<16xf32> to vector<16xf32>
        %add3A_121 = arith.constant 16 : i32
        %add3A_122 = arith.addi %mul3A_109, %add3A_121 : i32
        %get3A_123 = arith.index_cast %add3A_122 : i32 to index
        %get3A_124 = tpu.vector_load %arg11[%get3A_123] {strides = array<i32>} : memref<100352xf32, #tpu.memory_space<vmem>>, vector<16xf32>,
        %get3A_125 = vector.shape_cast %get3A_124 : vector<16xf32> to vector<16xf32>
        %add3A_126 = arith.addf %get3A_120, %get3A_113 : vector<16xf32>
        %swap3A = arith.index_cast %mul3A_109 : i32 to index
        %swap3A_127 = tpu.vector_load %arg11[%swap3A] {strides = array<i32>} : memref<100352xf32, #tpu.memory_space<vmem>>, vector<16xf32>,
        %swap3A_128 = vector.shape_cast %swap3A_127 : vector<16xf32> to vector<16xf32>
        %swap3A_129 = vector.shape_cast %add3A_126 : vector<16xf32> to vector<16xf32>
        tpu.vector_store %arg11[%swap3A], %swap3A_129 {strides = array<i32>} : memref<100352xf32, #tpu.memory_space<vmem>>, vector<16xf32>,
        %add3A_130 = arith.addf %get3A_125, %get3A_117 : vector<16xf32>
        %add3A_131 = arith.constant 16 : i32
        %add3A_132 = arith.addi %mul3A_109, %add3A_131 : i32
        %swap3A_133 = arith.index_cast %add3A_132 : i32 to index
        %swap3A_134 = tpu.vector_load %arg11[%swap3A_133] {strides = array<i32>} : memref<100352xf32, #tpu.memory_space<vmem>>, vector<16xf32>,
        %swap3A_135 = vector.shape_cast %swap3A_134 : vector<16xf32> to vector<16xf32>
        %swap3A_136 = vector.shape_cast %add3A_130 : vector<16xf32> to vector<16xf32>
        tpu.vector_store %arg11[%swap3A_133], %swap3A_136 {strides = array<i32>} : memref<100352xf32, #tpu.memory_space<vmem>>, vector<16xf32>,
      }
      %while3A_100 = arith.constant 1 : i32
      scf.for %while3A_101 = %while3A_98 to %while3A_94 step %while3A_100  : i32 {
        %get3A_102 = arith.index_cast %while3A_101 : i32 to index
        %get3A_103 = tpu.vector_load %arg9[%get3A_102] {strides = array<i32>} : memref<144xi32, #tpu.memory_space<vmem>>, vector<16xi32>,
        %get3A_104 = vector.shape_cast %get3A_103 : vector<16xi32> to vector<16xi32>
        %slice3A_105 = vector.extract_strided_slice %get3A_104 {offsets = [0], sizes = [1], strides = [1]} : vector<16xi32> to vector<1xi32>
        %squeeze3A_106 = vector.extract %slice3A_105[0] : i32 from vector<1xi32>
        %sub3A_107 = arith.subi %squeeze3A_106, %mul3A_7 : i32
        %mul3A_108 = arith.constant 32 : i32
        %mul3A_109 = arith.muli %sub3A_107, %mul3A_108 : i32
        %get3A_110 = arith.index_cast %while3A_101 : i32 to index
        %get3A_111 = arith.constant 0 : index
        %get3A_112 = tpu.vector_load %arg10[%get3A_110, %get3A_111] {strides = array<i32>} : memref<128x128xf32, #tpu.memory_space<vmem>>, vector<1x16xf32>,
        %get3A_113 = vector.shape_cast %get3A_112 : vector<1x16xf32> to vector<16xf32>
        %get3A_114 = arith.index_cast %while3A_101 : i32 to index
        %get3A_115 = arith.constant 16 : index
        %get3A_116 = tpu.vector_load %arg10[%get3A_114, %get3A_115] {strides = array<i32>} : memref<128x128xf32, #tpu.memory_space<vmem>>, vector<1x16xf32>,
        %get3A_117 = vector.shape_cast %get3A_116 : vector<1x16xf32> to vector<16xf32>
        %get3A_118 = arith.index_cast %mul3A_109 : i32 to index
        %get3A_119 = tpu.vector_load %arg11[%get3A_118] {strides = array<i32>} : memref<100352xf32, #tpu.memory_space<vmem>>, vector<16xf32>,
        %get3A_120 = vector.shape_cast %get3A_119 : vector<16xf32> to vector<16xf32>
        %add3A_121 = arith.constant 16 : i32
        %add3A_122 = arith.addi %mul3A_109, %add3A_121 : i32
        %get3A_123 = arith.index_cast %add3A_122 : i32 to index
        %get3A_124 = tpu.vector_load %arg11[%get3A_123] {strides = array<i32>} : memref<100352xf32, #tpu.memory_space<vmem>>, vector<16xf32>,
        %get3A_125 = vector.shape_cast %get3A_124 : vector<16xf32> to vector<16xf32>
        %add3A_126 = arith.addf %get3A_120, %get3A_113 : vector<16xf32>
        %swap3A = arith.index_cast %mul3A_109 : i32 to index
        %swap3A_127 = tpu.vector_load %arg11[%swap3A] {strides = array<i32>} : memref<100352xf32, #tpu.memory_space<vmem>>, vector<16xf32>,
        %swap3A_128 = vector.shape_cast %swap3A_127 : vector<16xf32> to vector<16xf32>
        %swap3A_129 = vector.shape_cast %add3A_126 : vector<16xf32> to vector<16xf32>
        tpu.vector_store %arg11[%swap3A], %swap3A_129 {strides = array<i32>} : memref<100352xf32, #tpu.memory_space<vmem>>, vector<16xf32>,
        %add3A_130 = arith.addf %get3A_125, %get3A_117 : vector<16xf32>
        %add3A_131 = arith.constant 16 : i32
        %add3A_132 = arith.addi %mul3A_109, %add3A_131 : i32
        %swap3A_133 = arith.index_cast %add3A_132 : i32 to index
        %swap3A_134 = tpu.vector_load %arg11[%swap3A_133] {strides = array<i32>} : memref<100352xf32, #tpu.memory_space<vmem>>, vector<16xf32>,
        %swap3A_135 = vector.shape_cast %swap3A_134 : vector<16xf32> to vector<16xf32>
        %swap3A_136 = vector.shape_cast %add3A_130 : vector<16xf32> to vector<16xf32>
        tpu.vector_store %arg11[%swap3A_133], %swap3A_136 {strides = array<i32>} : memref<100352xf32, #tpu.memory_space<vmem>>, vector<16xf32>,
      }
    }
    %mul3A_75 = arith.constant 32 : i32
    %mul3A_76 = arith.muli %mul3A_7, %mul3A_75 : i32
    "tpu.region"() ({
      %run_scoped3A = tpu.sem_alloc : memref<!tpu.dma_semaphore, #tpu.memory_space<semaphore_mem>>
      %dma_start3A = tpu.memref_slice %arg6[%mul3A_76] : memref<3211264xf32, #tpu.memory_space<hbm>> -> memref<100352xf32, #tpu.memory_space<hbm>>
      %dma_start3A_78 = tpu.memref_slice %arg6[%mul3A_76] : memref<3211264xf32, #tpu.memory_space<hbm>> -> memref<100352xf32, #tpu.memory_space<hbm>>
      tpu.enqueue_dma source(%arg11 : memref<100352xf32, #tpu.memory_space<vmem>>) target(%dma_start3A_78 : memref<100352xf32, #tpu.memory_space<hbm>>) target_semaphore(%run_scoped3A : memref<!tpu.dma_semaphore, #tpu.memory_space<semaphore_mem>>)
      %dma_wait3A = tpu.memref_slice %arg6[%mul3A_76] : memref<3211264xf32, #tpu.memory_space<hbm>> -> memref<100352xf32, #tpu.memory_space<hbm>>
      %dma_wait3A_79 = tpu.memref_slice %arg6[%mul3A_76] : memref<3211264xf32, #tpu.memory_space<hbm>> -> memref<100352xf32, #tpu.memory_space<hbm>>
      tpu.wait_dma2 semaphore(%run_scoped3A : memref<!tpu.dma_semaphore, #tpu.memory_space<semaphore_mem>>) src(%arg11 : memref<100352xf32, #tpu.memory_space<vmem>>) dst(%dma_wait3A_79 : memref<100352xf32, #tpu.memory_space<hbm>>)
      tpu.yield
    }) : () -> ()
    %scan3A_77 = arith.constant 1 : i32
    return
  }
}

#map = affine_map<(d0, d1) -> (0, 0)>
#map1 = affine_map<(d0, d1) -> (0)>
module attributes {stable_mosaic.version = 14 : i64} {
  func.func @k(%arg0: i32, %arg1: i32, %arg2: memref<100352x128xf32, #tpu.memory_space<hbm>>, %arg3: memref<100352xi32, #tpu.memory_space<hbm>>, %arg4: memref<100352xi32, #tpu.memory_space<hbm>>, %arg5: memref<56xi32, #tpu.memory_space<hbm>>, %arg6: memref<131072xf32, #tpu.memory_space<hbm>>, %arg7: memref<56xi32, #tpu.memory_space<vmem>>, %arg8: memref<128xi32, #tpu.memory_space<vmem>>, %arg9: memref<144xi32, #tpu.memory_space<vmem>>, %arg10: memref<128x128xf32, #tpu.memory_space<vmem>>, %arg11: memref<4096xf32, #tpu.memory_space<vmem>>, %arg12: memref<!tpu.dma_semaphore, #tpu.memory_space<semaphore_mem>>) attributes {dimension_semantics = [#tpu.dimension_semantics<core_parallel>, #tpu.dimension_semantics<subcore_parallel>], iteration_bounds = array<i64: 2, 16>, scalar_prefetch = 0 : i64, scratch_operands = 6 : i64, tpu.core_type = #tpu.core_type<sc_vector_subcore>, window_params = [{transform_indices = #map}, {transform_indices = #map1}, {transform_indices = #map1}, {transform_indices = #map1}, {transform_indices = #map1}]} {
    %mul3A = arith.constant 2 : i32
    %mul3A_0 = arith.muli %arg1, %mul3A : i32
    %add3A = arith.addi %mul3A_0, %arg0 : i32
    "tpu.region"() ({
      %run_scoped3A = tpu.sem_alloc : memref<!tpu.dma_semaphore, #tpu.memory_space<semaphore_mem>>
      tpu.enqueue_dma source(%arg5 : memref<56xi32, #tpu.memory_space<hbm>>) target(%arg7 : memref<56xi32, #tpu.memory_space<vmem>>) target_semaphore(%run_scoped3A : memref<!tpu.dma_semaphore, #tpu.memory_space<semaphore_mem>>)
      tpu.wait_dma2 semaphore(%run_scoped3A : memref<!tpu.dma_semaphore, #tpu.memory_space<semaphore_mem>>) src(%arg5 : memref<56xi32, #tpu.memory_space<hbm>>) dst(%arg7 : memref<56xi32, #tpu.memory_space<vmem>>)
      tpu.yield
    }) : () -> ()
    %broadcast_in_dim3A = arith.constant 0.000000e+00 : f32
    %broadcast_in_dim3A_1 = vector.broadcast %broadcast_in_dim3A : f32 to vector<16xf32>
    %scan3A = arith.constant 0 : i32
    %scan3A_2 = arith.constant 0 : i32
    %mul3A_3 = arith.constant 32 : i32
    %mul3A_4 = arith.muli %scan3A_2, %mul3A_3 : i32
    %add3A_5 = arith.addi %mul3A_4, %add3A : i32
    %mul3A_6 = arith.constant 128 : i32
    %mul3A_7 = arith.muli %add3A_5, %mul3A_6 : i32
    %get3A = arith.index_cast %add3A_5 : i32 to index
    %get3A_8 = tpu.vector_load %arg7[%get3A] {strides = array<i32>} : memref<56xi32, #tpu.memory_space<vmem>>, vector<16xi32>,
    %get3A_9 = vector.shape_cast %get3A_8 : vector<16xi32> to vector<16xi32>
    %slice3A = vector.extract_strided_slice %get3A_9 {offsets = [0], sizes = [1], strides = [1]} : vector<16xi32> to vector<1xi32>
    %squeeze3A = vector.extract %slice3A[0] : i32 from vector<1xi32>
    %slice3A_10 = vector.extract_strided_slice %get3A_9 {offsets = [1], sizes = [1], strides = [1]} : vector<16xi32> to vector<1xi32>
    %squeeze3A_11 = vector.extract %slice3A_10[0] : i32 from vector<1xi32>
    %scan3A_12 = arith.constant 0 : i32
    %scan3A_13 = arith.constant 0 : i32
    %scan3A_14 = arith.constant 256 : i32
    %scan3A_15 = arith.addi %scan3A_13, %scan3A_14 : i32
    %scan3A_16 = arith.constant 1 : i32
    scf.for %scan3A_78 = %scan3A_13 to %scan3A_15 step %scan3A_16  : i32 {
      %mul3A_79 = arith.constant 16 : i32
      %mul3A_80 = arith.muli %scan3A_78, %mul3A_79 : i32
      %swap3A = arith.index_cast %mul3A_80 : i32 to index
      %swap3A_81 = tpu.vector_load %arg11[%swap3A] {strides = array<i32>} : memref<4096xf32, #tpu.memory_space<vmem>>, vector<16xf32>,
      %swap3A_82 = vector.shape_cast %swap3A_81 : vector<16xf32> to vector<16xf32>
      %swap3A_83 = vector.shape_cast %broadcast_in_dim3A_1 : vector<16xf32> to vector<16xf32>
      tpu.vector_store %arg11[%swap3A], %swap3A_83 {strides = array<i32>} : memref<4096xf32, #tpu.memory_space<vmem>>, vector<16xf32>,
    }
    %scan3A_17 = arith.constant 256 : i32
    %jit3A = arith.constant 128 : i32
    %div3A = arith.divsi %squeeze3A, %jit3A : i32
    %sign3A = arith.constant 0 : i32
    %sign3A_18 = arith.cmpi sgt, %squeeze3A, %sign3A : i32
    %sign3A_19 = arith.extui %sign3A_18 : i1 to i32
    %sign3A_20 = arith.constant 0 : i32
    %sign3A_21 = arith.cmpi slt, %squeeze3A, %sign3A_20 : i32
    %sign3A_22 = arith.extui %sign3A_21 : i1 to i32
    %sign3A_23 = arith.subi %sign3A_19, %sign3A_22 : i32
    %sign3A_24 = arith.constant 0 : i32
    %sign3A_25 = arith.cmpi sgt, %jit3A, %sign3A_24 : i32
    %sign3A_26 = arith.extui %sign3A_25 : i1 to i32
    %sign3A_27 = arith.constant 0 : i32
    %sign3A_28 = arith.cmpi slt, %jit3A, %sign3A_27 : i32
    %sign3A_29 = arith.extui %sign3A_28 : i1 to i32
    %sign3A_30 = arith.subi %sign3A_26, %sign3A_29 : i32
    %ne3A = arith.cmpi ne, %sign3A_23, %sign3A_30 : i32
    %rem3A = arith.remsi %squeeze3A, %jit3A : i32
    %ne3A_31 = arith.constant 0 : i32
    %ne3A_32 = arith.cmpi ne, %rem3A, %ne3A_31 : i32
    %and3A = arith.andi %ne3A, %ne3A_32 : i1
    %sub3A = arith.constant 1 : i32
    %sub3A_33 = arith.subi %div3A, %sub3A : i32
    %select_n3A = arith.select %and3A, %sub3A_33, %div3A : i32
    %mul3A_34 = arith.constant 128 : i32
    %mul3A_35 = arith.muli %select_n3A, %mul3A_34 : i32
    %sub3A_36 = arith.subi %squeeze3A_11, %mul3A_35 : i32
    %add3A_37 = arith.constant 128 : i32
    %add3A_38 = arith.addi %sub3A_36, %add3A_37 : i32
    %sub3A_39 = arith.constant 1 : i32
    %sub3A_40 = arith.subi %add3A_38, %sub3A_39 : i32
    %jit3A_41 = arith.constant 128 : i32
    %div3A_42 = arith.divsi %sub3A_40, %jit3A_41 : i32
    %sign3A_43 = arith.constant 0 : i32
    %sign3A_44 = arith.cmpi sgt, %sub3A_40, %sign3A_43 : i32
    %sign3A_45 = arith.extui %sign3A_44 : i1 to i32
    %sign3A_46 = arith.constant 0 : i32
    %sign3A_47 = arith.cmpi slt, %sub3A_40, %sign3A_46 : i32
    %sign3A_48 = arith.extui %sign3A_47 : i1 to i32
    %sign3A_49 = arith.subi %sign3A_45, %sign3A_48 : i32
    %sign3A_50 = arith.constant 0 : i32
    %sign3A_51 = arith.cmpi sgt, %jit3A_41, %sign3A_50 : i32
    %sign3A_52 = arith.extui %sign3A_51 : i1 to i32
    %sign3A_53 = arith.constant 0 : i32
    %sign3A_54 = arith.cmpi slt, %jit3A_41, %sign3A_53 : i32
    %sign3A_55 = arith.extui %sign3A_54 : i1 to i32
    %sign3A_56 = arith.subi %sign3A_52, %sign3A_55 : i32
    %ne3A_57 = arith.cmpi ne, %sign3A_49, %sign3A_56 : i32
    %rem3A_58 = arith.remsi %sub3A_40, %jit3A_41 : i32
    %ne3A_59 = arith.constant 0 : i32
    %ne3A_60 = arith.cmpi ne, %rem3A_58, %ne3A_59 : i32
    %and3A_61 = arith.andi %ne3A_57, %ne3A_60 : i1
    %sub3A_62 = arith.constant 1 : i32
    %sub3A_63 = arith.subi %div3A_42, %sub3A_62 : i32
    %select_n3A_64 = arith.select %and3A_61, %sub3A_63, %div3A_42 : i32
    %max3A = arith.constant 0 : i32
    %max3A_65 = arith.maxsi %select_n3A_64, %max3A : i32
    %while3A = arith.constant 0 : i32
    %while3A_66 = arith.constant 0 : i32
    %while3A_67 = arith.subi %max3A_65, %while3A_66 : i32
    %while3A_68 = arith.addi %while3A_66, %while3A_67 : i32
    %while3A_69 = arith.constant 1 : i32
    %while3A_70 = arith.divsi %while3A_67, %while3A_69 : i32
    %while3A_71 = arith.muli %while3A_70, %while3A_69 : i32
    %while3A_72 = arith.addi %while3A_66, %while3A_71 : i32
    %while3A_73 = arith.constant 1 : i32
    scf.for %while3A_78 = %while3A_66 to %while3A_72 step %while3A_73  : i32 {
      %mul3A_79 = arith.constant 128 : i32
      %mul3A_80 = arith.muli %while3A_78, %mul3A_79 : i32
      %add3A_81 = arith.addi %mul3A_35, %mul3A_80 : i32
      "tpu.region"() ({
        %run_scoped3A = tpu.sem_alloc : memref<!tpu.dma_semaphore, #tpu.memory_space<semaphore_mem>>
        %dma_start3A_101 = tpu.memref_slice %arg3[%add3A_81] : memref<100352xi32, #tpu.memory_space<hbm>> -> memref<128xi32, #tpu.memory_space<hbm>>
        %dma_start3A_102 = tpu.memref_slice %arg3[%add3A_81] : memref<100352xi32, #tpu.memory_space<hbm>> -> memref<128xi32, #tpu.memory_space<hbm>>
        tpu.enqueue_dma source(%dma_start3A_102 : memref<128xi32, #tpu.memory_space<hbm>>) target(%arg8 : memref<128xi32, #tpu.memory_space<vmem>>) target_semaphore(%run_scoped3A : memref<!tpu.dma_semaphore, #tpu.memory_space<semaphore_mem>>)
        %dma_wait3A_103 = tpu.memref_slice %arg3[%add3A_81] : memref<100352xi32, #tpu.memory_space<hbm>> -> memref<128xi32, #tpu.memory_space<hbm>>
        %dma_wait3A_104 = tpu.memref_slice %arg3[%add3A_81] : memref<100352xi32, #tpu.memory_space<hbm>> -> memref<128xi32, #tpu.memory_space<hbm>>
        tpu.wait_dma2 semaphore(%run_scoped3A : memref<!tpu.dma_semaphore, #tpu.memory_space<semaphore_mem>>) src(%dma_wait3A_104 : memref<128xi32, #tpu.memory_space<hbm>>) dst(%arg8 : memref<128xi32, #tpu.memory_space<vmem>>)
        tpu.yield
      }) : () -> ()
      "tpu.region"() ({
        %run_scoped3A = tpu.sem_alloc : memref<!tpu.dma_semaphore, #tpu.memory_space<semaphore_mem>>
        %dma_start3A_101 = arith.constant 0 : i32
        %dma_start3A_102 = tpu.memref_slice %arg9[%dma_start3A_101] : memref<144xi32, #tpu.memory_space<vmem>> -> memref<128xi32, #tpu.memory_space<vmem>>
        %dma_start3A_103 = tpu.memref_slice %arg4[%add3A_81] : memref<100352xi32, #tpu.memory_space<hbm>> -> memref<128xi32, #tpu.memory_space<hbm>>
        %dma_start3A_104 = arith.constant 0 : i32
        %dma_start3A_105 = tpu.memref_slice %arg9[%dma_start3A_104] : memref<144xi32, #tpu.memory_space<vmem>> -> memref<128xi32, #tpu.memory_space<vmem>>
        %dma_start3A_106 = tpu.memref_slice %arg4[%add3A_81] : memref<100352xi32, #tpu.memory_space<hbm>> -> memref<128xi32, #tpu.memory_space<hbm>>
        tpu.enqueue_dma source(%dma_start3A_106 : memref<128xi32, #tpu.memory_space<hbm>>) target(%dma_start3A_105 : memref<128xi32, #tpu.memory_space<vmem>>) target_semaphore(%run_scoped3A : memref<!tpu.dma_semaphore, #tpu.memory_space<semaphore_mem>>)
        %dma_wait3A_107 = arith.constant 0 : i32
        %dma_wait3A_108 = tpu.memref_slice %arg9[%dma_wait3A_107] : memref<144xi32, #tpu.memory_space<vmem>> -> memref<128xi32, #tpu.memory_space<vmem>>
        %dma_wait3A_109 = tpu.memref_slice %arg4[%add3A_81] : memref<100352xi32, #tpu.memory_space<hbm>> -> memref<128xi32, #tpu.memory_space<hbm>>
        %dma_wait3A_110 = arith.constant 0 : i32
        %dma_wait3A_111 = tpu.memref_slice %arg9[%dma_wait3A_110] : memref<144xi32, #tpu.memory_space<vmem>> -> memref<128xi32, #tpu.memory_space<vmem>>
        %dma_wait3A_112 = tpu.memref_slice %arg4[%add3A_81] : memref<100352xi32, #tpu.memory_space<hbm>> -> memref<128xi32, #tpu.memory_space<hbm>>
        tpu.wait_dma2 semaphore(%run_scoped3A : memref<!tpu.dma_semaphore, #tpu.memory_space<semaphore_mem>>) src(%dma_wait3A_112 : memref<128xi32, #tpu.memory_space<hbm>>) dst(%dma_wait3A_111 : memref<128xi32, #tpu.memory_space<vmem>>)
        tpu.yield
      }) : () -> ()
      %dma_start3A = arith.constant 0 : i32
      %dma_start3A_82 = arith.constant 0 : i32
      %dma_start3A_83 = tpu.memref_slice %arg2[%dma_start3A, %dma_start3A_82] : memref<100352x128xf32, #tpu.memory_space<hbm>> -> memref<100352x128xf32, #tpu.memory_space<hbm>>
      tpu.enqueue_indirect_dma source(%dma_start3A_83 : memref<100352x128xf32, #tpu.memory_space<hbm>>) target(%arg10 : memref<128x128xf32, #tpu.memory_space<vmem>>) offsets(%arg8 : memref<128xi32, #tpu.memory_space<vmem>>) semaphore(%arg12 : memref<!tpu.dma_semaphore, #tpu.memory_space<semaphore_mem>>)
      %dma_wait3A = arith.constant 0 : i32
      %dma_wait3A_84 = arith.constant 0 : i32
      %dma_wait3A_85 = tpu.memref_slice %arg2[%dma_wait3A, %dma_wait3A_84] : memref<100352x128xf32, #tpu.memory_space<hbm>> -> memref<100352x128xf32, #tpu.memory_space<hbm>>
      tpu.wait_indirect_dma semaphore(%arg12 : memref<!tpu.dma_semaphore, #tpu.memory_space<semaphore_mem>>) src(%dma_wait3A_85 : memref<100352x128xf32, #tpu.memory_space<hbm>>) dst(%arg10 : memref<128x128xf32, #tpu.memory_space<vmem>>)
      %sub3A_86 = arith.subi %squeeze3A, %add3A_81 : i32
      %max3A_87 = arith.constant 0 : i32
      %max3A_88 = arith.maxsi %sub3A_86, %max3A_87 : i32
      %sub3A_89 = arith.subi %squeeze3A_11, %add3A_81 : i32
      %min3A = arith.constant 128 : i32
      %min3A_90 = arith.minsi %sub3A_89, %min3A : i32
      %max3A_91 = arith.maxsi %max3A_88, %min3A_90 : i32
      %while3A_92 = arith.constant 0 : i32
      %while3A_93 = arith.subi %max3A_91, %max3A_88 : i32
      %while3A_94 = arith.addi %max3A_88, %while3A_93 : i32
      %while3A_95 = arith.constant 1 : i32
      %while3A_96 = arith.divsi %while3A_93, %while3A_95 : i32
      %while3A_97 = arith.muli %while3A_96, %while3A_95 : i32
      %while3A_98 = arith.addi %max3A_88, %while3A_97 : i32
      %while3A_99 = arith.constant 1 : i32
      scf.for %while3A_101 = %max3A_88 to %while3A_98 step %while3A_99  : i32 {
        %get3A_102 = arith.index_cast %while3A_101 : i32 to index
        %get3A_103 = tpu.vector_load %arg9[%get3A_102] {strides = array<i32>} : memref<144xi32, #tpu.memory_space<vmem>>, vector<16xi32>,
        %get3A_104 = vector.shape_cast %get3A_103 : vector<16xi32> to vector<16xi32>
        %slice3A_105 = vector.extract_strided_slice %get3A_104 {offsets = [0], sizes = [1], strides = [1]} : vector<16xi32> to vector<1xi32>
        %squeeze3A_106 = vector.extract %slice3A_105[0] : i32 from vector<1xi32>
        %sub3A_107 = arith.subi %squeeze3A_106, %mul3A_7 : i32
        %mul3A_108 = arith.constant 32 : i32
        %mul3A_109 = arith.muli %sub3A_107, %mul3A_108 : i32
        %get3A_110 = arith.index_cast %while3A_101 : i32 to index
        %get3A_111 = arith.constant 0 : index
        %get3A_112 = tpu.vector_load %arg10[%get3A_110, %get3A_111] {strides = array<i32>} : memref<128x128xf32, #tpu.memory_space<vmem>>, vector<1x16xf32>,
        %get3A_113 = vector.shape_cast %get3A_112 : vector<1x16xf32> to vector<16xf32>
        %get3A_114 = arith.index_cast %while3A_101 : i32 to index
        %get3A_115 = arith.constant 16 : index
        %get3A_116 = tpu.vector_load %arg10[%get3A_114, %get3A_115] {strides = array<i32>} : memref<128x128xf32, #tpu.memory_space<vmem>>, vector<1x16xf32>,
        %get3A_117 = vector.shape_cast %get3A_116 : vector<1x16xf32> to vector<16xf32>
        %get3A_118 = arith.index_cast %mul3A_109 : i32 to index
        %get3A_119 = tpu.vector_load %arg11[%get3A_118] {strides = array<i32>} : memref<4096xf32, #tpu.memory_space<vmem>>, vector<16xf32>,
        %get3A_120 = vector.shape_cast %get3A_119 : vector<16xf32> to vector<16xf32>
        %add3A_121 = arith.constant 16 : i32
        %add3A_122 = arith.addi %mul3A_109, %add3A_121 : i32
        %get3A_123 = arith.index_cast %add3A_122 : i32 to index
        %get3A_124 = tpu.vector_load %arg11[%get3A_123] {strides = array<i32>} : memref<4096xf32, #tpu.memory_space<vmem>>, vector<16xf32>,
        %get3A_125 = vector.shape_cast %get3A_124 : vector<16xf32> to vector<16xf32>
        %add3A_126 = arith.addf %get3A_120, %get3A_113 : vector<16xf32>
        %swap3A = arith.index_cast %mul3A_109 : i32 to index
        %swap3A_127 = tpu.vector_load %arg11[%swap3A] {strides = array<i32>} : memref<4096xf32, #tpu.memory_space<vmem>>, vector<16xf32>,
        %swap3A_128 = vector.shape_cast %swap3A_127 : vector<16xf32> to vector<16xf32>
        %swap3A_129 = vector.shape_cast %add3A_126 : vector<16xf32> to vector<16xf32>
        tpu.vector_store %arg11[%swap3A], %swap3A_129 {strides = array<i32>} : memref<4096xf32, #tpu.memory_space<vmem>>, vector<16xf32>,
        %add3A_130 = arith.addf %get3A_125, %get3A_117 : vector<16xf32>
        %add3A_131 = arith.constant 16 : i32
        %add3A_132 = arith.addi %mul3A_109, %add3A_131 : i32
        %swap3A_133 = arith.index_cast %add3A_132 : i32 to index
        %swap3A_134 = tpu.vector_load %arg11[%swap3A_133] {strides = array<i32>} : memref<4096xf32, #tpu.memory_space<vmem>>, vector<16xf32>,
        %swap3A_135 = vector.shape_cast %swap3A_134 : vector<16xf32> to vector<16xf32>
        %swap3A_136 = vector.shape_cast %add3A_130 : vector<16xf32> to vector<16xf32>
        tpu.vector_store %arg11[%swap3A_133], %swap3A_136 {strides = array<i32>} : memref<4096xf32, #tpu.memory_space<vmem>>, vector<16xf32>,
      }
      %while3A_100 = arith.constant 1 : i32
      scf.for %while3A_101 = %while3A_98 to %while3A_94 step %while3A_100  : i32 {
        %get3A_102 = arith.index_cast %while3A_101 : i32 to index
        %get3A_103 = tpu.vector_load %arg9[%get3A_102] {strides = array<i32>} : memref<144xi32, #tpu.memory_space<vmem>>, vector<16xi32>,
        %get3A_104 = vector.shape_cast %get3A_103 : vector<16xi32> to vector<16xi32>
        %slice3A_105 = vector.extract_strided_slice %get3A_104 {offsets = [0], sizes = [1], strides = [1]} : vector<16xi32> to vector<1xi32>
        %squeeze3A_106 = vector.extract %slice3A_105[0] : i32 from vector<1xi32>
        %sub3A_107 = arith.subi %squeeze3A_106, %mul3A_7 : i32
        %mul3A_108 = arith.constant 32 : i32
        %mul3A_109 = arith.muli %sub3A_107, %mul3A_108 : i32
        %get3A_110 = arith.index_cast %while3A_101 : i32 to index
        %get3A_111 = arith.constant 0 : index
        %get3A_112 = tpu.vector_load %arg10[%get3A_110, %get3A_111] {strides = array<i32>} : memref<128x128xf32, #tpu.memory_space<vmem>>, vector<1x16xf32>,
        %get3A_113 = vector.shape_cast %get3A_112 : vector<1x16xf32> to vector<16xf32>
        %get3A_114 = arith.index_cast %while3A_101 : i32 to index
        %get3A_115 = arith.constant 16 : index
        %get3A_116 = tpu.vector_load %arg10[%get3A_114, %get3A_115] {strides = array<i32>} : memref<128x128xf32, #tpu.memory_space<vmem>>, vector<1x16xf32>,
        %get3A_117 = vector.shape_cast %get3A_116 : vector<1x16xf32> to vector<16xf32>
        %get3A_118 = arith.index_cast %mul3A_109 : i32 to index
        %get3A_119 = tpu.vector_load %arg11[%get3A_118] {strides = array<i32>} : memref<4096xf32, #tpu.memory_space<vmem>>, vector<16xf32>,
        %get3A_120 = vector.shape_cast %get3A_119 : vector<16xf32> to vector<16xf32>
        %add3A_121 = arith.constant 16 : i32
        %add3A_122 = arith.addi %mul3A_109, %add3A_121 : i32
        %get3A_123 = arith.index_cast %add3A_122 : i32 to index
        %get3A_124 = tpu.vector_load %arg11[%get3A_123] {strides = array<i32>} : memref<4096xf32, #tpu.memory_space<vmem>>, vector<16xf32>,
        %get3A_125 = vector.shape_cast %get3A_124 : vector<16xf32> to vector<16xf32>
        %add3A_126 = arith.addf %get3A_120, %get3A_113 : vector<16xf32>
        %swap3A = arith.index_cast %mul3A_109 : i32 to index
        %swap3A_127 = tpu.vector_load %arg11[%swap3A] {strides = array<i32>} : memref<4096xf32, #tpu.memory_space<vmem>>, vector<16xf32>,
        %swap3A_128 = vector.shape_cast %swap3A_127 : vector<16xf32> to vector<16xf32>
        %swap3A_129 = vector.shape_cast %add3A_126 : vector<16xf32> to vector<16xf32>
        tpu.vector_store %arg11[%swap3A], %swap3A_129 {strides = array<i32>} : memref<4096xf32, #tpu.memory_space<vmem>>, vector<16xf32>,
        %add3A_130 = arith.addf %get3A_125, %get3A_117 : vector<16xf32>
        %add3A_131 = arith.constant 16 : i32
        %add3A_132 = arith.addi %mul3A_109, %add3A_131 : i32
        %swap3A_133 = arith.index_cast %add3A_132 : i32 to index
        %swap3A_134 = tpu.vector_load %arg11[%swap3A_133] {strides = array<i32>} : memref<4096xf32, #tpu.memory_space<vmem>>, vector<16xf32>,
        %swap3A_135 = vector.shape_cast %swap3A_134 : vector<16xf32> to vector<16xf32>
        %swap3A_136 = vector.shape_cast %add3A_130 : vector<16xf32> to vector<16xf32>
        tpu.vector_store %arg11[%swap3A_133], %swap3A_136 {strides = array<i32>} : memref<4096xf32, #tpu.memory_space<vmem>>, vector<16xf32>,
      }
    }
    %while3A_74 = arith.constant 1 : i32
    scf.for %while3A_78 = %while3A_72 to %while3A_68 step %while3A_74  : i32 {
      %mul3A_79 = arith.constant 128 : i32
      %mul3A_80 = arith.muli %while3A_78, %mul3A_79 : i32
      %add3A_81 = arith.addi %mul3A_35, %mul3A_80 : i32
      "tpu.region"() ({
        %run_scoped3A = tpu.sem_alloc : memref<!tpu.dma_semaphore, #tpu.memory_space<semaphore_mem>>
        %dma_start3A_101 = tpu.memref_slice %arg3[%add3A_81] : memref<100352xi32, #tpu.memory_space<hbm>> -> memref<128xi32, #tpu.memory_space<hbm>>
        %dma_start3A_102 = tpu.memref_slice %arg3[%add3A_81] : memref<100352xi32, #tpu.memory_space<hbm>> -> memref<128xi32, #tpu.memory_space<hbm>>
        tpu.enqueue_dma source(%dma_start3A_102 : memref<128xi32, #tpu.memory_space<hbm>>) target(%arg8 : memref<128xi32, #tpu.memory_space<vmem>>) target_semaphore(%run_scoped3A : memref<!tpu.dma_semaphore, #tpu.memory_space<semaphore_mem>>)
        %dma_wait3A_103 = tpu.memref_slice %arg3[%add3A_81] : memref<100352xi32, #tpu.memory_space<hbm>> -> memref<128xi32, #tpu.memory_space<hbm>>
        %dma_wait3A_104 = tpu.memref_slice %arg3[%add3A_81] : memref<100352xi32, #tpu.memory_space<hbm>> -> memref<128xi32, #tpu.memory_space<hbm>>
        tpu.wait_dma2 semaphore(%run_scoped3A : memref<!tpu.dma_semaphore, #tpu.memory_space<semaphore_mem>>) src(%dma_wait3A_104 : memref<128xi32, #tpu.memory_space<hbm>>) dst(%arg8 : memref<128xi32, #tpu.memory_space<vmem>>)
        tpu.yield
      }) : () -> ()
      "tpu.region"() ({
        %run_scoped3A = tpu.sem_alloc : memref<!tpu.dma_semaphore, #tpu.memory_space<semaphore_mem>>
        %dma_start3A_101 = arith.constant 0 : i32
        %dma_start3A_102 = tpu.memref_slice %arg9[%dma_start3A_101] : memref<144xi32, #tpu.memory_space<vmem>> -> memref<128xi32, #tpu.memory_space<vmem>>
        %dma_start3A_103 = tpu.memref_slice %arg4[%add3A_81] : memref<100352xi32, #tpu.memory_space<hbm>> -> memref<128xi32, #tpu.memory_space<hbm>>
        %dma_start3A_104 = arith.constant 0 : i32
        %dma_start3A_105 = tpu.memref_slice %arg9[%dma_start3A_104] : memref<144xi32, #tpu.memory_space<vmem>> -> memref<128xi32, #tpu.memory_space<vmem>>
        %dma_start3A_106 = tpu.memref_slice %arg4[%add3A_81] : memref<100352xi32, #tpu.memory_space<hbm>> -> memref<128xi32, #tpu.memory_space<hbm>>
        tpu.enqueue_dma source(%dma_start3A_106 : memref<128xi32, #tpu.memory_space<hbm>>) target(%dma_start3A_105 : memref<128xi32, #tpu.memory_space<vmem>>) target_semaphore(%run_scoped3A : memref<!tpu.dma_semaphore, #tpu.memory_space<semaphore_mem>>)
        %dma_wait3A_107 = arith.constant 0 : i32
        %dma_wait3A_108 = tpu.memref_slice %arg9[%dma_wait3A_107] : memref<144xi32, #tpu.memory_space<vmem>> -> memref<128xi32, #tpu.memory_space<vmem>>
        %dma_wait3A_109 = tpu.memref_slice %arg4[%add3A_81] : memref<100352xi32, #tpu.memory_space<hbm>> -> memref<128xi32, #tpu.memory_space<hbm>>
        %dma_wait3A_110 = arith.constant 0 : i32
        %dma_wait3A_111 = tpu.memref_slice %arg9[%dma_wait3A_110] : memref<144xi32, #tpu.memory_space<vmem>> -> memref<128xi32, #tpu.memory_space<vmem>>
        %dma_wait3A_112 = tpu.memref_slice %arg4[%add3A_81] : memref<100352xi32, #tpu.memory_space<hbm>> -> memref<128xi32, #tpu.memory_space<hbm>>
        tpu.wait_dma2 semaphore(%run_scoped3A : memref<!tpu.dma_semaphore, #tpu.memory_space<semaphore_mem>>) src(%dma_wait3A_112 : memref<128xi32, #tpu.memory_space<hbm>>) dst(%dma_wait3A_111 : memref<128xi32, #tpu.memory_space<vmem>>)
        tpu.yield
      }) : () -> ()
      %dma_start3A = arith.constant 0 : i32
      %dma_start3A_82 = arith.constant 0 : i32
      %dma_start3A_83 = tpu.memref_slice %arg2[%dma_start3A, %dma_start3A_82] : memref<100352x128xf32, #tpu.memory_space<hbm>> -> memref<100352x128xf32, #tpu.memory_space<hbm>>
      tpu.enqueue_indirect_dma source(%dma_start3A_83 : memref<100352x128xf32, #tpu.memory_space<hbm>>) target(%arg10 : memref<128x128xf32, #tpu.memory_space<vmem>>) offsets(%arg8 : memref<128xi32, #tpu.memory_space<vmem>>) semaphore(%arg12 : memref<!tpu.dma_semaphore, #tpu.memory_space<semaphore_mem>>)
      %dma_wait3A = arith.constant 0 : i32
      %dma_wait3A_84 = arith.constant 0 : i32
      %dma_wait3A_85 = tpu.memref_slice %arg2[%dma_wait3A, %dma_wait3A_84] : memref<100352x128xf32, #tpu.memory_space<hbm>> -> memref<100352x128xf32, #tpu.memory_space<hbm>>
      tpu.wait_indirect_dma semaphore(%arg12 : memref<!tpu.dma_semaphore, #tpu.memory_space<semaphore_mem>>) src(%dma_wait3A_85 : memref<100352x128xf32, #tpu.memory_space<hbm>>) dst(%arg10 : memref<128x128xf32, #tpu.memory_space<vmem>>)
      %sub3A_86 = arith.subi %squeeze3A, %add3A_81 : i32
      %max3A_87 = arith.constant 0 : i32
      %max3A_88 = arith.maxsi %sub3A_86, %max3A_87 : i32
      %sub3A_89 = arith.subi %squeeze3A_11, %add3A_81 : i32
      %min3A = arith.constant 128 : i32
      %min3A_90 = arith.minsi %sub3A_89, %min3A : i32
      %max3A_91 = arith.maxsi %max3A_88, %min3A_90 : i32
      %while3A_92 = arith.constant 0 : i32
      %while3A_93 = arith.subi %max3A_91, %max3A_88 : i32
      %while3A_94 = arith.addi %max3A_88, %while3A_93 : i32
      %while3A_95 = arith.constant 1 : i32
      %while3A_96 = arith.divsi %while3A_93, %while3A_95 : i32
      %while3A_97 = arith.muli %while3A_96, %while3A_95 : i32
      %while3A_98 = arith.addi %max3A_88, %while3A_97 : i32
      %while3A_99 = arith.constant 1 : i32
      scf.for %while3A_101 = %max3A_88 to %while3A_98 step %while3A_99  : i32 {
        %get3A_102 = arith.index_cast %while3A_101 : i32 to index
        %get3A_103 = tpu.vector_load %arg9[%get3A_102] {strides = array<i32>} : memref<144xi32, #tpu.memory_space<vmem>>, vector<16xi32>,
        %get3A_104 = vector.shape_cast %get3A_103 : vector<16xi32> to vector<16xi32>
        %slice3A_105 = vector.extract_strided_slice %get3A_104 {offsets = [0], sizes = [1], strides = [1]} : vector<16xi32> to vector<1xi32>
        %squeeze3A_106 = vector.extract %slice3A_105[0] : i32 from vector<1xi32>
        %sub3A_107 = arith.subi %squeeze3A_106, %mul3A_7 : i32
        %mul3A_108 = arith.constant 32 : i32
        %mul3A_109 = arith.muli %sub3A_107, %mul3A_108 : i32
        %get3A_110 = arith.index_cast %while3A_101 : i32 to index
        %get3A_111 = arith.constant 0 : index
        %get3A_112 = tpu.vector_load %arg10[%get3A_110, %get3A_111] {strides = array<i32>} : memref<128x128xf32, #tpu.memory_space<vmem>>, vector<1x16xf32>,
        %get3A_113 = vector.shape_cast %get3A_112 : vector<1x16xf32> to vector<16xf32>
        %get3A_114 = arith.index_cast %while3A_101 : i32 to index
        %get3A_115 = arith.constant 16 : index
        %get3A_116 = tpu.vector_load %arg10[%get3A_114, %get3A_115] {strides = array<i32>} : memref<128x128xf32, #tpu.memory_space<vmem>>, vector<1x16xf32>,
        %get3A_117 = vector.shape_cast %get3A_116 : vector<1x16xf32> to vector<16xf32>
        %get3A_118 = arith.index_cast %mul3A_109 : i32 to index
        %get3A_119 = tpu.vector_load %arg11[%get3A_118] {strides = array<i32>} : memref<4096xf32, #tpu.memory_space<vmem>>, vector<16xf32>,
        %get3A_120 = vector.shape_cast %get3A_119 : vector<16xf32> to vector<16xf32>
        %add3A_121 = arith.constant 16 : i32
        %add3A_122 = arith.addi %mul3A_109, %add3A_121 : i32
        %get3A_123 = arith.index_cast %add3A_122 : i32 to index
        %get3A_124 = tpu.vector_load %arg11[%get3A_123] {strides = array<i32>} : memref<4096xf32, #tpu.memory_space<vmem>>, vector<16xf32>,
        %get3A_125 = vector.shape_cast %get3A_124 : vector<16xf32> to vector<16xf32>
        %add3A_126 = arith.addf %get3A_120, %get3A_113 : vector<16xf32>
        %swap3A = arith.index_cast %mul3A_109 : i32 to index
        %swap3A_127 = tpu.vector_load %arg11[%swap3A] {strides = array<i32>} : memref<4096xf32, #tpu.memory_space<vmem>>, vector<16xf32>,
        %swap3A_128 = vector.shape_cast %swap3A_127 : vector<16xf32> to vector<16xf32>
        %swap3A_129 = vector.shape_cast %add3A_126 : vector<16xf32> to vector<16xf32>
        tpu.vector_store %arg11[%swap3A], %swap3A_129 {strides = array<i32>} : memref<4096xf32, #tpu.memory_space<vmem>>, vector<16xf32>,
        %add3A_130 = arith.addf %get3A_125, %get3A_117 : vector<16xf32>
        %add3A_131 = arith.constant 16 : i32
        %add3A_132 = arith.addi %mul3A_109, %add3A_131 : i32
        %swap3A_133 = arith.index_cast %add3A_132 : i32 to index
        %swap3A_134 = tpu.vector_load %arg11[%swap3A_133] {strides = array<i32>} : memref<4096xf32, #tpu.memory_space<vmem>>, vector<16xf32>,
        %swap3A_135 = vector.shape_cast %swap3A_134 : vector<16xf32> to vector<16xf32>
        %swap3A_136 = vector.shape_cast %add3A_130 : vector<16xf32> to vector<16xf32>
        tpu.vector_store %arg11[%swap3A_133], %swap3A_136 {strides = array<i32>} : memref<4096xf32, #tpu.memory_space<vmem>>, vector<16xf32>,
      }
      %while3A_100 = arith.constant 1 : i32
      scf.for %while3A_101 = %while3A_98 to %while3A_94 step %while3A_100  : i32 {
        %get3A_102 = arith.index_cast %while3A_101 : i32 to index
        %get3A_103 = tpu.vector_load %arg9[%get3A_102] {strides = array<i32>} : memref<144xi32, #tpu.memory_space<vmem>>, vector<16xi32>,
        %get3A_104 = vector.shape_cast %get3A_103 : vector<16xi32> to vector<16xi32>
        %slice3A_105 = vector.extract_strided_slice %get3A_104 {offsets = [0], sizes = [1], strides = [1]} : vector<16xi32> to vector<1xi32>
        %squeeze3A_106 = vector.extract %slice3A_105[0] : i32 from vector<1xi32>
        %sub3A_107 = arith.subi %squeeze3A_106, %mul3A_7 : i32
        %mul3A_108 = arith.constant 32 : i32
        %mul3A_109 = arith.muli %sub3A_107, %mul3A_108 : i32
        %get3A_110 = arith.index_cast %while3A_101 : i32 to index
        %get3A_111 = arith.constant 0 : index
        %get3A_112 = tpu.vector_load %arg10[%get3A_110, %get3A_111] {strides = array<i32>} : memref<128x128xf32, #tpu.memory_space<vmem>>, vector<1x16xf32>,
        %get3A_113 = vector.shape_cast %get3A_112 : vector<1x16xf32> to vector<16xf32>
        %get3A_114 = arith.index_cast %while3A_101 : i32 to index
        %get3A_115 = arith.constant 16 : index
        %get3A_116 = tpu.vector_load %arg10[%get3A_114, %get3A_115] {strides = array<i32>} : memref<128x128xf32, #tpu.memory_space<vmem>>, vector<1x16xf32>,
        %get3A_117 = vector.shape_cast %get3A_116 : vector<1x16xf32> to vector<16xf32>
        %get3A_118 = arith.index_cast %mul3A_109 : i32 to index
        %get3A_119 = tpu.vector_load %arg11[%get3A_118] {strides = array<i32>} : memref<4096xf32, #tpu.memory_space<vmem>>, vector<16xf32>,
        %get3A_120 = vector.shape_cast %get3A_119 : vector<16xf32> to vector<16xf32>
        %add3A_121 = arith.constant 16 : i32
        %add3A_122 = arith.addi %mul3A_109, %add3A_121 : i32
        %get3A_123 = arith.index_cast %add3A_122 : i32 to index
        %get3A_124 = tpu.vector_load %arg11[%get3A_123] {strides = array<i32>} : memref<4096xf32, #tpu.memory_space<vmem>>, vector<16xf32>,
        %get3A_125 = vector.shape_cast %get3A_124 : vector<16xf32> to vector<16xf32>
        %add3A_126 = arith.addf %get3A_120, %get3A_113 : vector<16xf32>
        %swap3A = arith.index_cast %mul3A_109 : i32 to index
        %swap3A_127 = tpu.vector_load %arg11[%swap3A] {strides = array<i32>} : memref<4096xf32, #tpu.memory_space<vmem>>, vector<16xf32>,
        %swap3A_128 = vector.shape_cast %swap3A_127 : vector<16xf32> to vector<16xf32>
        %swap3A_129 = vector.shape_cast %add3A_126 : vector<16xf32> to vector<16xf32>
        tpu.vector_store %arg11[%swap3A], %swap3A_129 {strides = array<i32>} : memref<4096xf32, #tpu.memory_space<vmem>>, vector<16xf32>,
        %add3A_130 = arith.addf %get3A_125, %get3A_117 : vector<16xf32>
        %add3A_131 = arith.constant 16 : i32
        %add3A_132 = arith.addi %mul3A_109, %add3A_131 : i32
        %swap3A_133 = arith.index_cast %add3A_132 : i32 to index
        %swap3A_134 = tpu.vector_load %arg11[%swap3A_133] {strides = array<i32>} : memref<4096xf32, #tpu.memory_space<vmem>>, vector<16xf32>,
        %swap3A_135 = vector.shape_cast %swap3A_134 : vector<16xf32> to vector<16xf32>
        %swap3A_136 = vector.shape_cast %add3A_130 : vector<16xf32> to vector<16xf32>
        tpu.vector_store %arg11[%swap3A_133], %swap3A_136 {strides = array<i32>} : memref<4096xf32, #tpu.memory_space<vmem>>, vector<16xf32>,
      }
    }
    %mul3A_75 = arith.constant 32 : i32
    %mul3A_76 = arith.muli %mul3A_7, %mul3A_75 : i32
    "tpu.region"() ({
      %run_scoped3A = tpu.sem_alloc : memref<!tpu.dma_semaphore, #tpu.memory_space<semaphore_mem>>
      %dma_start3A = tpu.memref_slice %arg6[%mul3A_76] : memref<131072xf32, #tpu.memory_space<hbm>> -> memref<4096xf32, #tpu.memory_space<hbm>>
      %dma_start3A_78 = tpu.memref_slice %arg6[%mul3A_76] : memref<131072xf32, #tpu.memory_space<hbm>> -> memref<4096xf32, #tpu.memory_space<hbm>>
      tpu.enqueue_dma source(%arg11 : memref<4096xf32, #tpu.memory_space<vmem>>) target(%dma_start3A_78 : memref<4096xf32, #tpu.memory_space<hbm>>) target_semaphore(%run_scoped3A : memref<!tpu.dma_semaphore, #tpu.memory_space<semaphore_mem>>)
      %dma_wait3A = tpu.memref_slice %arg6[%mul3A_76] : memref<131072xf32, #tpu.memory_space<hbm>> -> memref<4096xf32, #tpu.memory_space<hbm>>
      %dma_wait3A_79 = tpu.memref_slice %arg6[%mul3A_76] : memref<131072xf32, #tpu.memory_space<hbm>> -> memref<4096xf32, #tpu.memory_space<hbm>>
      tpu.wait_dma2 semaphore(%run_scoped3A : memref<!tpu.dma_semaphore, #tpu.memory_space<semaphore_mem>>) src(%arg11 : memref<4096xf32, #tpu.memory_space<vmem>>) dst(%dma_wait3A_79 : memref<4096xf32, #tpu.memory_space<hbm>>)
      tpu.yield
    }) : () -> ()
    %scan3A_77 = arith.constant 1 : i32
    return
  }
}

module attributes {stable_mosaic.version = 14 : i64} {
  func.func @_xw_body(%arg0: i32, %arg1: memref<512x39xf32, #tpu.memory_space<vmem>>, %arg2: memref<39x32xf32, #tpu.memory_space<vmem>>, %arg3: memref<512x128xf32, #tpu.memory_space<vmem>>) attributes {dimension_semantics = [#tpu.dimension_semantics<arbitrary>], iteration_bounds = array<i64: 196>, scalar_prefetch = 0 : i64, scratch_operands = 0 : i64, tpu.core_type = #tpu.core_type<tc>, window_params = [{transform_indices = @transform_0, window_bounds = array<i64: 512, 39>}, {pipeline_mode = #tpu.pipeline_mode<synchronous>, transform_indices = @transform_1, window_bounds = array<i64: 39, 32>}, {transform_indices = @transform_2, window_bounds = array<i64: 512, 128>}]} {
    %get3A = arith.constant 0 : index
    %get3A_0 = arith.constant 0 : index
    %get3A_1 = vector.load %arg1[%get3A, %get3A_0] : memref<512x39xf32, #tpu.memory_space<vmem>>, vector<512x39xf32>
    %get3A_2 = arith.constant 0 : index
    %get3A_3 = arith.constant 0 : index
    %get3A_4 = vector.load %arg2[%get3A_2, %get3A_3] : memref<39x32xf32, #tpu.memory_space<vmem>>, vector<39x32xf32>
    %slice3A = vector.extract_strided_slice %get3A_1 {offsets = [0, 0], sizes = [512, 1], strides = [1, 1]} : vector<512x39xf32> to vector<512x1xf32>
    %slice3A_5 = vector.extract_strided_slice %get3A_4 {offsets = [0, 0], sizes = [1, 32], strides = [1, 1]} : vector<39x32xf32> to vector<1x32xf32>
    %mul3A = vector.broadcast %slice3A : vector<512x1xf32> to vector<512x32xf32>
    %mul3A_6 = vector.broadcast %slice3A_5 : vector<1x32xf32> to vector<512x32xf32>
    %mul3A_7 = arith.mulf %mul3A, %mul3A_6 : vector<512x32xf32>
    %slice3A_8 = vector.extract_strided_slice %get3A_1 {offsets = [0, 1], sizes = [512, 1], strides = [1, 1]} : vector<512x39xf32> to vector<512x1xf32>
    %slice3A_9 = vector.extract_strided_slice %get3A_4 {offsets = [1, 0], sizes = [1, 32], strides = [1, 1]} : vector<39x32xf32> to vector<1x32xf32>
    %mul3A_10 = vector.broadcast %slice3A_8 : vector<512x1xf32> to vector<512x32xf32>
    %mul3A_11 = vector.broadcast %slice3A_9 : vector<1x32xf32> to vector<512x32xf32>
    %mul3A_12 = arith.mulf %mul3A_10, %mul3A_11 : vector<512x32xf32>
    %add3A = arith.addf %mul3A_7, %mul3A_12 : vector<512x32xf32>
    %slice3A_13 = vector.extract_strided_slice %get3A_1 {offsets = [0, 2], sizes = [512, 1], strides = [1, 1]} : vector<512x39xf32> to vector<512x1xf32>
    %slice3A_14 = vector.extract_strided_slice %get3A_4 {offsets = [2, 0], sizes = [1, 32], strides = [1, 1]} : vector<39x32xf32> to vector<1x32xf32>
    %mul3A_15 = vector.broadcast %slice3A_13 : vector<512x1xf32> to vector<512x32xf32>
    %mul3A_16 = vector.broadcast %slice3A_14 : vector<1x32xf32> to vector<512x32xf32>
    %mul3A_17 = arith.mulf %mul3A_15, %mul3A_16 : vector<512x32xf32>
    %add3A_18 = arith.addf %add3A, %mul3A_17 : vector<512x32xf32>
    %slice3A_19 = vector.extract_strided_slice %get3A_1 {offsets = [0, 3], sizes = [512, 1], strides = [1, 1]} : vector<512x39xf32> to vector<512x1xf32>
    %slice3A_20 = vector.extract_strided_slice %get3A_4 {offsets = [3, 0], sizes = [1, 32], strides = [1, 1]} : vector<39x32xf32> to vector<1x32xf32>
    %mul3A_21 = vector.broadcast %slice3A_19 : vector<512x1xf32> to vector<512x32xf32>
    %mul3A_22 = vector.broadcast %slice3A_20 : vector<1x32xf32> to vector<512x32xf32>
    %mul3A_23 = arith.mulf %mul3A_21, %mul3A_22 : vector<512x32xf32>
    %add3A_24 = arith.addf %add3A_18, %mul3A_23 : vector<512x32xf32>
    %slice3A_25 = vector.extract_strided_slice %get3A_1 {offsets = [0, 4], sizes = [512, 1], strides = [1, 1]} : vector<512x39xf32> to vector<512x1xf32>
    %slice3A_26 = vector.extract_strided_slice %get3A_4 {offsets = [4, 0], sizes = [1, 32], strides = [1, 1]} : vector<39x32xf32> to vector<1x32xf32>
    %mul3A_27 = vector.broadcast %slice3A_25 : vector<512x1xf32> to vector<512x32xf32>
    %mul3A_28 = vector.broadcast %slice3A_26 : vector<1x32xf32> to vector<512x32xf32>
    %mul3A_29 = arith.mulf %mul3A_27, %mul3A_28 : vector<512x32xf32>
    %add3A_30 = arith.addf %add3A_24, %mul3A_29 : vector<512x32xf32>
    %slice3A_31 = vector.extract_strided_slice %get3A_1 {offsets = [0, 5], sizes = [512, 1], strides = [1, 1]} : vector<512x39xf32> to vector<512x1xf32>
    %slice3A_32 = vector.extract_strided_slice %get3A_4 {offsets = [5, 0], sizes = [1, 32], strides = [1, 1]} : vector<39x32xf32> to vector<1x32xf32>
    %mul3A_33 = vector.broadcast %slice3A_31 : vector<512x1xf32> to vector<512x32xf32>
    %mul3A_34 = vector.broadcast %slice3A_32 : vector<1x32xf32> to vector<512x32xf32>
    %mul3A_35 = arith.mulf %mul3A_33, %mul3A_34 : vector<512x32xf32>
    %add3A_36 = arith.addf %add3A_30, %mul3A_35 : vector<512x32xf32>
    %slice3A_37 = vector.extract_strided_slice %get3A_1 {offsets = [0, 6], sizes = [512, 1], strides = [1, 1]} : vector<512x39xf32> to vector<512x1xf32>
    %slice3A_38 = vector.extract_strided_slice %get3A_4 {offsets = [6, 0], sizes = [1, 32], strides = [1, 1]} : vector<39x32xf32> to vector<1x32xf32>
    %mul3A_39 = vector.broadcast %slice3A_37 : vector<512x1xf32> to vector<512x32xf32>
    %mul3A_40 = vector.broadcast %slice3A_38 : vector<1x32xf32> to vector<512x32xf32>
    %mul3A_41 = arith.mulf %mul3A_39, %mul3A_40 : vector<512x32xf32>
    %add3A_42 = arith.addf %add3A_36, %mul3A_41 : vector<512x32xf32>
    %slice3A_43 = vector.extract_strided_slice %get3A_1 {offsets = [0, 7], sizes = [512, 1], strides = [1, 1]} : vector<512x39xf32> to vector<512x1xf32>
    %slice3A_44 = vector.extract_strided_slice %get3A_4 {offsets = [7, 0], sizes = [1, 32], strides = [1, 1]} : vector<39x32xf32> to vector<1x32xf32>
    %mul3A_45 = vector.broadcast %slice3A_43 : vector<512x1xf32> to vector<512x32xf32>
    %mul3A_46 = vector.broadcast %slice3A_44 : vector<1x32xf32> to vector<512x32xf32>
    %mul3A_47 = arith.mulf %mul3A_45, %mul3A_46 : vector<512x32xf32>
    %add3A_48 = arith.addf %add3A_42, %mul3A_47 : vector<512x32xf32>
    %slice3A_49 = vector.extract_strided_slice %get3A_1 {offsets = [0, 8], sizes = [512, 1], strides = [1, 1]} : vector<512x39xf32> to vector<512x1xf32>
    %slice3A_50 = vector.extract_strided_slice %get3A_4 {offsets = [8, 0], sizes = [1, 32], strides = [1, 1]} : vector<39x32xf32> to vector<1x32xf32>
    %mul3A_51 = vector.broadcast %slice3A_49 : vector<512x1xf32> to vector<512x32xf32>
    %mul3A_52 = vector.broadcast %slice3A_50 : vector<1x32xf32> to vector<512x32xf32>
    %mul3A_53 = arith.mulf %mul3A_51, %mul3A_52 : vector<512x32xf32>
    %add3A_54 = arith.addf %add3A_48, %mul3A_53 : vector<512x32xf32>
    %slice3A_55 = vector.extract_strided_slice %get3A_1 {offsets = [0, 9], sizes = [512, 1], strides = [1, 1]} : vector<512x39xf32> to vector<512x1xf32>
    %slice3A_56 = vector.extract_strided_slice %get3A_4 {offsets = [9, 0], sizes = [1, 32], strides = [1, 1]} : vector<39x32xf32> to vector<1x32xf32>
    %mul3A_57 = vector.broadcast %slice3A_55 : vector<512x1xf32> to vector<512x32xf32>
    %mul3A_58 = vector.broadcast %slice3A_56 : vector<1x32xf32> to vector<512x32xf32>
    %mul3A_59 = arith.mulf %mul3A_57, %mul3A_58 : vector<512x32xf32>
    %add3A_60 = arith.addf %add3A_54, %mul3A_59 : vector<512x32xf32>
    %slice3A_61 = vector.extract_strided_slice %get3A_1 {offsets = [0, 10], sizes = [512, 1], strides = [1, 1]} : vector<512x39xf32> to vector<512x1xf32>
    %slice3A_62 = vector.extract_strided_slice %get3A_4 {offsets = [10, 0], sizes = [1, 32], strides = [1, 1]} : vector<39x32xf32> to vector<1x32xf32>
    %mul3A_63 = vector.broadcast %slice3A_61 : vector<512x1xf32> to vector<512x32xf32>
    %mul3A_64 = vector.broadcast %slice3A_62 : vector<1x32xf32> to vector<512x32xf32>
    %mul3A_65 = arith.mulf %mul3A_63, %mul3A_64 : vector<512x32xf32>
    %add3A_66 = arith.addf %add3A_60, %mul3A_65 : vector<512x32xf32>
    %slice3A_67 = vector.extract_strided_slice %get3A_1 {offsets = [0, 11], sizes = [512, 1], strides = [1, 1]} : vector<512x39xf32> to vector<512x1xf32>
    %slice3A_68 = vector.extract_strided_slice %get3A_4 {offsets = [11, 0], sizes = [1, 32], strides = [1, 1]} : vector<39x32xf32> to vector<1x32xf32>
    %mul3A_69 = vector.broadcast %slice3A_67 : vector<512x1xf32> to vector<512x32xf32>
    %mul3A_70 = vector.broadcast %slice3A_68 : vector<1x32xf32> to vector<512x32xf32>
    %mul3A_71 = arith.mulf %mul3A_69, %mul3A_70 : vector<512x32xf32>
    %add3A_72 = arith.addf %add3A_66, %mul3A_71 : vector<512x32xf32>
    %slice3A_73 = vector.extract_strided_slice %get3A_1 {offsets = [0, 12], sizes = [512, 1], strides = [1, 1]} : vector<512x39xf32> to vector<512x1xf32>
    %slice3A_74 = vector.extract_strided_slice %get3A_4 {offsets = [12, 0], sizes = [1, 32], strides = [1, 1]} : vector<39x32xf32> to vector<1x32xf32>
    %mul3A_75 = vector.broadcast %slice3A_73 : vector<512x1xf32> to vector<512x32xf32>
    %mul3A_76 = vector.broadcast %slice3A_74 : vector<1x32xf32> to vector<512x32xf32>
    %mul3A_77 = arith.mulf %mul3A_75, %mul3A_76 : vector<512x32xf32>
    %add3A_78 = arith.addf %add3A_72, %mul3A_77 : vector<512x32xf32>
    %slice3A_79 = vector.extract_strided_slice %get3A_1 {offsets = [0, 13], sizes = [512, 1], strides = [1, 1]} : vector<512x39xf32> to vector<512x1xf32>
    %slice3A_80 = vector.extract_strided_slice %get3A_4 {offsets = [13, 0], sizes = [1, 32], strides = [1, 1]} : vector<39x32xf32> to vector<1x32xf32>
    %mul3A_81 = vector.broadcast %slice3A_79 : vector<512x1xf32> to vector<512x32xf32>
    %mul3A_82 = vector.broadcast %slice3A_80 : vector<1x32xf32> to vector<512x32xf32>
    %mul3A_83 = arith.mulf %mul3A_81, %mul3A_82 : vector<512x32xf32>
    %add3A_84 = arith.addf %add3A_78, %mul3A_83 : vector<512x32xf32>
    %slice3A_85 = vector.extract_strided_slice %get3A_1 {offsets = [0, 14], sizes = [512, 1], strides = [1, 1]} : vector<512x39xf32> to vector<512x1xf32>
    %slice3A_86 = vector.extract_strided_slice %get3A_4 {offsets = [14, 0], sizes = [1, 32], strides = [1, 1]} : vector<39x32xf32> to vector<1x32xf32>
    %mul3A_87 = vector.broadcast %slice3A_85 : vector<512x1xf32> to vector<512x32xf32>
    %mul3A_88 = vector.broadcast %slice3A_86 : vector<1x32xf32> to vector<512x32xf32>
    %mul3A_89 = arith.mulf %mul3A_87, %mul3A_88 : vector<512x32xf32>
    %add3A_90 = arith.addf %add3A_84, %mul3A_89 : vector<512x32xf32>
    %slice3A_91 = vector.extract_strided_slice %get3A_1 {offsets = [0, 15], sizes = [512, 1], strides = [1, 1]} : vector<512x39xf32> to vector<512x1xf32>
    %slice3A_92 = vector.extract_strided_slice %get3A_4 {offsets = [15, 0], sizes = [1, 32], strides = [1, 1]} : vector<39x32xf32> to vector<1x32xf32>
    %mul3A_93 = vector.broadcast %slice3A_91 : vector<512x1xf32> to vector<512x32xf32>
    %mul3A_94 = vector.broadcast %slice3A_92 : vector<1x32xf32> to vector<512x32xf32>
    %mul3A_95 = arith.mulf %mul3A_93, %mul3A_94 : vector<512x32xf32>
    %add3A_96 = arith.addf %add3A_90, %mul3A_95 : vector<512x32xf32>
    %slice3A_97 = vector.extract_strided_slice %get3A_1 {offsets = [0, 16], sizes = [512, 1], strides = [1, 1]} : vector<512x39xf32> to vector<512x1xf32>
    %slice3A_98 = vector.extract_strided_slice %get3A_4 {offsets = [16, 0], sizes = [1, 32], strides = [1, 1]} : vector<39x32xf32> to vector<1x32xf32>
    %mul3A_99 = vector.broadcast %slice3A_97 : vector<512x1xf32> to vector<512x32xf32>
    %mul3A_100 = vector.broadcast %slice3A_98 : vector<1x32xf32> to vector<512x32xf32>
    %mul3A_101 = arith.mulf %mul3A_99, %mul3A_100 : vector<512x32xf32>
    %add3A_102 = arith.addf %add3A_96, %mul3A_101 : vector<512x32xf32>
    %slice3A_103 = vector.extract_strided_slice %get3A_1 {offsets = [0, 17], sizes = [512, 1], strides = [1, 1]} : vector<512x39xf32> to vector<512x1xf32>
    %slice3A_104 = vector.extract_strided_slice %get3A_4 {offsets = [17, 0], sizes = [1, 32], strides = [1, 1]} : vector<39x32xf32> to vector<1x32xf32>
    %mul3A_105 = vector.broadcast %slice3A_103 : vector<512x1xf32> to vector<512x32xf32>
    %mul3A_106 = vector.broadcast %slice3A_104 : vector<1x32xf32> to vector<512x32xf32>
    %mul3A_107 = arith.mulf %mul3A_105, %mul3A_106 : vector<512x32xf32>
    %add3A_108 = arith.addf %add3A_102, %mul3A_107 : vector<512x32xf32>
    %slice3A_109 = vector.extract_strided_slice %get3A_1 {offsets = [0, 18], sizes = [512, 1], strides = [1, 1]} : vector<512x39xf32> to vector<512x1xf32>
    %slice3A_110 = vector.extract_strided_slice %get3A_4 {offsets = [18, 0], sizes = [1, 32], strides = [1, 1]} : vector<39x32xf32> to vector<1x32xf32>
    %mul3A_111 = vector.broadcast %slice3A_109 : vector<512x1xf32> to vector<512x32xf32>
    %mul3A_112 = vector.broadcast %slice3A_110 : vector<1x32xf32> to vector<512x32xf32>
    %mul3A_113 = arith.mulf %mul3A_111, %mul3A_112 : vector<512x32xf32>
    %add3A_114 = arith.addf %add3A_108, %mul3A_113 : vector<512x32xf32>
    %slice3A_115 = vector.extract_strided_slice %get3A_1 {offsets = [0, 19], sizes = [512, 1], strides = [1, 1]} : vector<512x39xf32> to vector<512x1xf32>
    %slice3A_116 = vector.extract_strided_slice %get3A_4 {offsets = [19, 0], sizes = [1, 32], strides = [1, 1]} : vector<39x32xf32> to vector<1x32xf32>
    %mul3A_117 = vector.broadcast %slice3A_115 : vector<512x1xf32> to vector<512x32xf32>
    %mul3A_118 = vector.broadcast %slice3A_116 : vector<1x32xf32> to vector<512x32xf32>
    %mul3A_119 = arith.mulf %mul3A_117, %mul3A_118 : vector<512x32xf32>
    %add3A_120 = arith.addf %add3A_114, %mul3A_119 : vector<512x32xf32>
    %slice3A_121 = vector.extract_strided_slice %get3A_1 {offsets = [0, 20], sizes = [512, 1], strides = [1, 1]} : vector<512x39xf32> to vector<512x1xf32>
    %slice3A_122 = vector.extract_strided_slice %get3A_4 {offsets = [20, 0], sizes = [1, 32], strides = [1, 1]} : vector<39x32xf32> to vector<1x32xf32>
    %mul3A_123 = vector.broadcast %slice3A_121 : vector<512x1xf32> to vector<512x32xf32>
    %mul3A_124 = vector.broadcast %slice3A_122 : vector<1x32xf32> to vector<512x32xf32>
    %mul3A_125 = arith.mulf %mul3A_123, %mul3A_124 : vector<512x32xf32>
    %add3A_126 = arith.addf %add3A_120, %mul3A_125 : vector<512x32xf32>
    %slice3A_127 = vector.extract_strided_slice %get3A_1 {offsets = [0, 21], sizes = [512, 1], strides = [1, 1]} : vector<512x39xf32> to vector<512x1xf32>
    %slice3A_128 = vector.extract_strided_slice %get3A_4 {offsets = [21, 0], sizes = [1, 32], strides = [1, 1]} : vector<39x32xf32> to vector<1x32xf32>
    %mul3A_129 = vector.broadcast %slice3A_127 : vector<512x1xf32> to vector<512x32xf32>
    %mul3A_130 = vector.broadcast %slice3A_128 : vector<1x32xf32> to vector<512x32xf32>
    %mul3A_131 = arith.mulf %mul3A_129, %mul3A_130 : vector<512x32xf32>
    %add3A_132 = arith.addf %add3A_126, %mul3A_131 : vector<512x32xf32>
    %slice3A_133 = vector.extract_strided_slice %get3A_1 {offsets = [0, 22], sizes = [512, 1], strides = [1, 1]} : vector<512x39xf32> to vector<512x1xf32>
    %slice3A_134 = vector.extract_strided_slice %get3A_4 {offsets = [22, 0], sizes = [1, 32], strides = [1, 1]} : vector<39x32xf32> to vector<1x32xf32>
    %mul3A_135 = vector.broadcast %slice3A_133 : vector<512x1xf32> to vector<512x32xf32>
    %mul3A_136 = vector.broadcast %slice3A_134 : vector<1x32xf32> to vector<512x32xf32>
    %mul3A_137 = arith.mulf %mul3A_135, %mul3A_136 : vector<512x32xf32>
    %add3A_138 = arith.addf %add3A_132, %mul3A_137 : vector<512x32xf32>
    %slice3A_139 = vector.extract_strided_slice %get3A_1 {offsets = [0, 23], sizes = [512, 1], strides = [1, 1]} : vector<512x39xf32> to vector<512x1xf32>
    %slice3A_140 = vector.extract_strided_slice %get3A_4 {offsets = [23, 0], sizes = [1, 32], strides = [1, 1]} : vector<39x32xf32> to vector<1x32xf32>
    %mul3A_141 = vector.broadcast %slice3A_139 : vector<512x1xf32> to vector<512x32xf32>
    %mul3A_142 = vector.broadcast %slice3A_140 : vector<1x32xf32> to vector<512x32xf32>
    %mul3A_143 = arith.mulf %mul3A_141, %mul3A_142 : vector<512x32xf32>
    %add3A_144 = arith.addf %add3A_138, %mul3A_143 : vector<512x32xf32>
    %slice3A_145 = vector.extract_strided_slice %get3A_1 {offsets = [0, 24], sizes = [512, 1], strides = [1, 1]} : vector<512x39xf32> to vector<512x1xf32>
    %slice3A_146 = vector.extract_strided_slice %get3A_4 {offsets = [24, 0], sizes = [1, 32], strides = [1, 1]} : vector<39x32xf32> to vector<1x32xf32>
    %mul3A_147 = vector.broadcast %slice3A_145 : vector<512x1xf32> to vector<512x32xf32>
    %mul3A_148 = vector.broadcast %slice3A_146 : vector<1x32xf32> to vector<512x32xf32>
    %mul3A_149 = arith.mulf %mul3A_147, %mul3A_148 : vector<512x32xf32>
    %add3A_150 = arith.addf %add3A_144, %mul3A_149 : vector<512x32xf32>
    %slice3A_151 = vector.extract_strided_slice %get3A_1 {offsets = [0, 25], sizes = [512, 1], strides = [1, 1]} : vector<512x39xf32> to vector<512x1xf32>
    %slice3A_152 = vector.extract_strided_slice %get3A_4 {offsets = [25, 0], sizes = [1, 32], strides = [1, 1]} : vector<39x32xf32> to vector<1x32xf32>
    %mul3A_153 = vector.broadcast %slice3A_151 : vector<512x1xf32> to vector<512x32xf32>
    %mul3A_154 = vector.broadcast %slice3A_152 : vector<1x32xf32> to vector<512x32xf32>
    %mul3A_155 = arith.mulf %mul3A_153, %mul3A_154 : vector<512x32xf32>
    %add3A_156 = arith.addf %add3A_150, %mul3A_155 : vector<512x32xf32>
    %slice3A_157 = vector.extract_strided_slice %get3A_1 {offsets = [0, 26], sizes = [512, 1], strides = [1, 1]} : vector<512x39xf32> to vector<512x1xf32>
    %slice3A_158 = vector.extract_strided_slice %get3A_4 {offsets = [26, 0], sizes = [1, 32], strides = [1, 1]} : vector<39x32xf32> to vector<1x32xf32>
    %mul3A_159 = vector.broadcast %slice3A_157 : vector<512x1xf32> to vector<512x32xf32>
    %mul3A_160 = vector.broadcast %slice3A_158 : vector<1x32xf32> to vector<512x32xf32>
    %mul3A_161 = arith.mulf %mul3A_159, %mul3A_160 : vector<512x32xf32>
    %add3A_162 = arith.addf %add3A_156, %mul3A_161 : vector<512x32xf32>
    %slice3A_163 = vector.extract_strided_slice %get3A_1 {offsets = [0, 27], sizes = [512, 1], strides = [1, 1]} : vector<512x39xf32> to vector<512x1xf32>
    %slice3A_164 = vector.extract_strided_slice %get3A_4 {offsets = [27, 0], sizes = [1, 32], strides = [1, 1]} : vector<39x32xf32> to vector<1x32xf32>
    %mul3A_165 = vector.broadcast %slice3A_163 : vector<512x1xf32> to vector<512x32xf32>
    %mul3A_166 = vector.broadcast %slice3A_164 : vector<1x32xf32> to vector<512x32xf32>
    %mul3A_167 = arith.mulf %mul3A_165, %mul3A_166 : vector<512x32xf32>
    %add3A_168 = arith.addf %add3A_162, %mul3A_167 : vector<512x32xf32>
    %slice3A_169 = vector.extract_strided_slice %get3A_1 {offsets = [0, 28], sizes = [512, 1], strides = [1, 1]} : vector<512x39xf32> to vector<512x1xf32>
    %slice3A_170 = vector.extract_strided_slice %get3A_4 {offsets = [28, 0], sizes = [1, 32], strides = [1, 1]} : vector<39x32xf32> to vector<1x32xf32>
    %mul3A_171 = vector.broadcast %slice3A_169 : vector<512x1xf32> to vector<512x32xf32>
    %mul3A_172 = vector.broadcast %slice3A_170 : vector<1x32xf32> to vector<512x32xf32>
    %mul3A_173 = arith.mulf %mul3A_171, %mul3A_172 : vector<512x32xf32>
    %add3A_174 = arith.addf %add3A_168, %mul3A_173 : vector<512x32xf32>
    %slice3A_175 = vector.extract_strided_slice %get3A_1 {offsets = [0, 29], sizes = [512, 1], strides = [1, 1]} : vector<512x39xf32> to vector<512x1xf32>
    %slice3A_176 = vector.extract_strided_slice %get3A_4 {offsets = [29, 0], sizes = [1, 32], strides = [1, 1]} : vector<39x32xf32> to vector<1x32xf32>
    %mul3A_177 = vector.broadcast %slice3A_175 : vector<512x1xf32> to vector<512x32xf32>
    %mul3A_178 = vector.broadcast %slice3A_176 : vector<1x32xf32> to vector<512x32xf32>
    %mul3A_179 = arith.mulf %mul3A_177, %mul3A_178 : vector<512x32xf32>
    %add3A_180 = arith.addf %add3A_174, %mul3A_179 : vector<512x32xf32>
    %slice3A_181 = vector.extract_strided_slice %get3A_1 {offsets = [0, 30], sizes = [512, 1], strides = [1, 1]} : vector<512x39xf32> to vector<512x1xf32>
    %slice3A_182 = vector.extract_strided_slice %get3A_4 {offsets = [30, 0], sizes = [1, 32], strides = [1, 1]} : vector<39x32xf32> to vector<1x32xf32>
    %mul3A_183 = vector.broadcast %slice3A_181 : vector<512x1xf32> to vector<512x32xf32>
    %mul3A_184 = vector.broadcast %slice3A_182 : vector<1x32xf32> to vector<512x32xf32>
    %mul3A_185 = arith.mulf %mul3A_183, %mul3A_184 : vector<512x32xf32>
    %add3A_186 = arith.addf %add3A_180, %mul3A_185 : vector<512x32xf32>
    %slice3A_187 = vector.extract_strided_slice %get3A_1 {offsets = [0, 31], sizes = [512, 1], strides = [1, 1]} : vector<512x39xf32> to vector<512x1xf32>
    %slice3A_188 = vector.extract_strided_slice %get3A_4 {offsets = [31, 0], sizes = [1, 32], strides = [1, 1]} : vector<39x32xf32> to vector<1x32xf32>
    %mul3A_189 = vector.broadcast %slice3A_187 : vector<512x1xf32> to vector<512x32xf32>
    %mul3A_190 = vector.broadcast %slice3A_188 : vector<1x32xf32> to vector<512x32xf32>
    %mul3A_191 = arith.mulf %mul3A_189, %mul3A_190 : vector<512x32xf32>
    %add3A_192 = arith.addf %add3A_186, %mul3A_191 : vector<512x32xf32>
    %slice3A_193 = vector.extract_strided_slice %get3A_1 {offsets = [0, 32], sizes = [512, 1], strides = [1, 1]} : vector<512x39xf32> to vector<512x1xf32>
    %slice3A_194 = vector.extract_strided_slice %get3A_4 {offsets = [32, 0], sizes = [1, 32], strides = [1, 1]} : vector<39x32xf32> to vector<1x32xf32>
    %mul3A_195 = vector.broadcast %slice3A_193 : vector<512x1xf32> to vector<512x32xf32>
    %mul3A_196 = vector.broadcast %slice3A_194 : vector<1x32xf32> to vector<512x32xf32>
    %mul3A_197 = arith.mulf %mul3A_195, %mul3A_196 : vector<512x32xf32>
    %add3A_198 = arith.addf %add3A_192, %mul3A_197 : vector<512x32xf32>
    %slice3A_199 = vector.extract_strided_slice %get3A_1 {offsets = [0, 33], sizes = [512, 1], strides = [1, 1]} : vector<512x39xf32> to vector<512x1xf32>
    %slice3A_200 = vector.extract_strided_slice %get3A_4 {offsets = [33, 0], sizes = [1, 32], strides = [1, 1]} : vector<39x32xf32> to vector<1x32xf32>
    %mul3A_201 = vector.broadcast %slice3A_199 : vector<512x1xf32> to vector<512x32xf32>
    %mul3A_202 = vector.broadcast %slice3A_200 : vector<1x32xf32> to vector<512x32xf32>
    %mul3A_203 = arith.mulf %mul3A_201, %mul3A_202 : vector<512x32xf32>
    %add3A_204 = arith.addf %add3A_198, %mul3A_203 : vector<512x32xf32>
    %slice3A_205 = vector.extract_strided_slice %get3A_1 {offsets = [0, 34], sizes = [512, 1], strides = [1, 1]} : vector<512x39xf32> to vector<512x1xf32>
    %slice3A_206 = vector.extract_strided_slice %get3A_4 {offsets = [34, 0], sizes = [1, 32], strides = [1, 1]} : vector<39x32xf32> to vector<1x32xf32>
    %mul3A_207 = vector.broadcast %slice3A_205 : vector<512x1xf32> to vector<512x32xf32>
    %mul3A_208 = vector.broadcast %slice3A_206 : vector<1x32xf32> to vector<512x32xf32>
    %mul3A_209 = arith.mulf %mul3A_207, %mul3A_208 : vector<512x32xf32>
    %add3A_210 = arith.addf %add3A_204, %mul3A_209 : vector<512x32xf32>
    %slice3A_211 = vector.extract_strided_slice %get3A_1 {offsets = [0, 35], sizes = [512, 1], strides = [1, 1]} : vector<512x39xf32> to vector<512x1xf32>
    %slice3A_212 = vector.extract_strided_slice %get3A_4 {offsets = [35, 0], sizes = [1, 32], strides = [1, 1]} : vector<39x32xf32> to vector<1x32xf32>
    %mul3A_213 = vector.broadcast %slice3A_211 : vector<512x1xf32> to vector<512x32xf32>
    %mul3A_214 = vector.broadcast %slice3A_212 : vector<1x32xf32> to vector<512x32xf32>
    %mul3A_215 = arith.mulf %mul3A_213, %mul3A_214 : vector<512x32xf32>
    %add3A_216 = arith.addf %add3A_210, %mul3A_215 : vector<512x32xf32>
    %slice3A_217 = vector.extract_strided_slice %get3A_1 {offsets = [0, 36], sizes = [512, 1], strides = [1, 1]} : vector<512x39xf32> to vector<512x1xf32>
    %slice3A_218 = vector.extract_strided_slice %get3A_4 {offsets = [36, 0], sizes = [1, 32], strides = [1, 1]} : vector<39x32xf32> to vector<1x32xf32>
    %mul3A_219 = vector.broadcast %slice3A_217 : vector<512x1xf32> to vector<512x32xf32>
    %mul3A_220 = vector.broadcast %slice3A_218 : vector<1x32xf32> to vector<512x32xf32>
    %mul3A_221 = arith.mulf %mul3A_219, %mul3A_220 : vector<512x32xf32>
    %add3A_222 = arith.addf %add3A_216, %mul3A_221 : vector<512x32xf32>
    %slice3A_223 = vector.extract_strided_slice %get3A_1 {offsets = [0, 37], sizes = [512, 1], strides = [1, 1]} : vector<512x39xf32> to vector<512x1xf32>
    %slice3A_224 = vector.extract_strided_slice %get3A_4 {offsets = [37, 0], sizes = [1, 32], strides = [1, 1]} : vector<39x32xf32> to vector<1x32xf32>
    %mul3A_225 = vector.broadcast %slice3A_223 : vector<512x1xf32> to vector<512x32xf32>
    %mul3A_226 = vector.broadcast %slice3A_224 : vector<1x32xf32> to vector<512x32xf32>
    %mul3A_227 = arith.mulf %mul3A_225, %mul3A_226 : vector<512x32xf32>
    %add3A_228 = arith.addf %add3A_222, %mul3A_227 : vector<512x32xf32>
    %slice3A_229 = vector.extract_strided_slice %get3A_1 {offsets = [0, 38], sizes = [512, 1], strides = [1, 1]} : vector<512x39xf32> to vector<512x1xf32>
    %slice3A_230 = vector.extract_strided_slice %get3A_4 {offsets = [38, 0], sizes = [1, 32], strides = [1, 1]} : vector<39x32xf32> to vector<1x32xf32>
    %mul3A_231 = vector.broadcast %slice3A_229 : vector<512x1xf32> to vector<512x32xf32>
    %mul3A_232 = vector.broadcast %slice3A_230 : vector<1x32xf32> to vector<512x32xf32>
    %mul3A_233 = arith.mulf %mul3A_231, %mul3A_232 : vector<512x32xf32>
    %add3A_234 = arith.addf %add3A_228, %mul3A_233 : vector<512x32xf32>
    %broadcast_in_dim3A = arith.constant 0.000000e+00 : f32
    %broadcast_in_dim3A_235 = vector.broadcast %broadcast_in_dim3A : f32 to vector<512x96xf32>
    %concatenate3A = tpu.concatenate %add3A_234, %broadcast_in_dim3A_235 in 1 : vector<512x32xf32>, vector<512x96xf32> -> vector<512x128xf32>
    %swap3A = arith.constant 0 : index
    %swap3A_236 = arith.constant 0 : index
    %swap3A_237 = vector.load %arg3[%swap3A, %swap3A_236] : memref<512x128xf32, #tpu.memory_space<vmem>>, vector<512x128xf32>
    tpu.vector_store %arg3[%swap3A, %swap3A_236], %concatenate3A {strides = array<i32>} : memref<512x128xf32, #tpu.memory_space<vmem>>, vector<512x128xf32>,
    return
  }
  func.func @transform_0(%arg0: i32) -> (i32, i32) {
    %c0_i32 = arith.constant 0 : i32
    %c0_i32_0 = arith.constant 0 : i32
    return %arg0, %c0_i32 : i32, i32
  }
  func.func @transform_1(%arg0: i32) -> (i32, i32) {
    %c0_i32 = arith.constant 0 : i32
    %c0_i32_0 = arith.constant 0 : i32
    %c0_i32_1 = arith.constant 0 : i32
    return %c0_i32, %c0_i32_0 : i32, i32
  }
  func.func @transform_2(%arg0: i32) -> (i32, i32) {
    %c0_i32 = arith.constant 0 : i32
    %c0_i32_0 = arith.constant 0 : i32
    return %arg0, %c0_i32 : i32, i32
  }
}

module attributes {stable_mosaic.version = 14 : i64} {
  func.func @_ew_body(%arg0: i32, %arg1: memref<512x11xf32, #tpu.memory_space<vmem>>, %arg2: memref<11x32xf32, #tpu.memory_space<vmem>>, %arg3: memref<512x32xf32, #tpu.memory_space<vmem>>) attributes {dimension_semantics = [#tpu.dimension_semantics<arbitrary>], iteration_bounds = array<i64: 3136>, scalar_prefetch = 0 : i64, scratch_operands = 0 : i64, tpu.core_type = #tpu.core_type<tc>, window_params = [{transform_indices = @transform_0, window_bounds = array<i64: 512, 11>}, {pipeline_mode = #tpu.pipeline_mode<synchronous>, transform_indices = @transform_1, window_bounds = array<i64: 11, 32>}, {transform_indices = @transform_2, window_bounds = array<i64: 512, 32>}]} {
    %get3A = arith.constant 0 : index
    %get3A_0 = arith.constant 0 : index
    %get3A_1 = vector.load %arg1[%get3A, %get3A_0] : memref<512x11xf32, #tpu.memory_space<vmem>>, vector<512x11xf32>
    %get3A_2 = arith.constant 0 : index
    %get3A_3 = arith.constant 0 : index
    %get3A_4 = vector.load %arg2[%get3A_2, %get3A_3] : memref<11x32xf32, #tpu.memory_space<vmem>>, vector<11x32xf32>
    %slice3A = vector.extract_strided_slice %get3A_1 {offsets = [0, 0], sizes = [512, 1], strides = [1, 1]} : vector<512x11xf32> to vector<512x1xf32>
    %slice3A_5 = vector.extract_strided_slice %get3A_4 {offsets = [0, 0], sizes = [1, 32], strides = [1, 1]} : vector<11x32xf32> to vector<1x32xf32>
    %mul3A = vector.broadcast %slice3A : vector<512x1xf32> to vector<512x32xf32>
    %mul3A_6 = vector.broadcast %slice3A_5 : vector<1x32xf32> to vector<512x32xf32>
    %mul3A_7 = arith.mulf %mul3A, %mul3A_6 : vector<512x32xf32>
    %slice3A_8 = vector.extract_strided_slice %get3A_1 {offsets = [0, 1], sizes = [512, 1], strides = [1, 1]} : vector<512x11xf32> to vector<512x1xf32>
    %slice3A_9 = vector.extract_strided_slice %get3A_4 {offsets = [1, 0], sizes = [1, 32], strides = [1, 1]} : vector<11x32xf32> to vector<1x32xf32>
    %mul3A_10 = vector.broadcast %slice3A_8 : vector<512x1xf32> to vector<512x32xf32>
    %mul3A_11 = vector.broadcast %slice3A_9 : vector<1x32xf32> to vector<512x32xf32>
    %mul3A_12 = arith.mulf %mul3A_10, %mul3A_11 : vector<512x32xf32>
    %add3A = arith.addf %mul3A_7, %mul3A_12 : vector<512x32xf32>
    %slice3A_13 = vector.extract_strided_slice %get3A_1 {offsets = [0, 2], sizes = [512, 1], strides = [1, 1]} : vector<512x11xf32> to vector<512x1xf32>
    %slice3A_14 = vector.extract_strided_slice %get3A_4 {offsets = [2, 0], sizes = [1, 32], strides = [1, 1]} : vector<11x32xf32> to vector<1x32xf32>
    %mul3A_15 = vector.broadcast %slice3A_13 : vector<512x1xf32> to vector<512x32xf32>
    %mul3A_16 = vector.broadcast %slice3A_14 : vector<1x32xf32> to vector<512x32xf32>
    %mul3A_17 = arith.mulf %mul3A_15, %mul3A_16 : vector<512x32xf32>
    %add3A_18 = arith.addf %add3A, %mul3A_17 : vector<512x32xf32>
    %slice3A_19 = vector.extract_strided_slice %get3A_1 {offsets = [0, 3], sizes = [512, 1], strides = [1, 1]} : vector<512x11xf32> to vector<512x1xf32>
    %slice3A_20 = vector.extract_strided_slice %get3A_4 {offsets = [3, 0], sizes = [1, 32], strides = [1, 1]} : vector<11x32xf32> to vector<1x32xf32>
    %mul3A_21 = vector.broadcast %slice3A_19 : vector<512x1xf32> to vector<512x32xf32>
    %mul3A_22 = vector.broadcast %slice3A_20 : vector<1x32xf32> to vector<512x32xf32>
    %mul3A_23 = arith.mulf %mul3A_21, %mul3A_22 : vector<512x32xf32>
    %add3A_24 = arith.addf %add3A_18, %mul3A_23 : vector<512x32xf32>
    %slice3A_25 = vector.extract_strided_slice %get3A_1 {offsets = [0, 4], sizes = [512, 1], strides = [1, 1]} : vector<512x11xf32> to vector<512x1xf32>
    %slice3A_26 = vector.extract_strided_slice %get3A_4 {offsets = [4, 0], sizes = [1, 32], strides = [1, 1]} : vector<11x32xf32> to vector<1x32xf32>
    %mul3A_27 = vector.broadcast %slice3A_25 : vector<512x1xf32> to vector<512x32xf32>
    %mul3A_28 = vector.broadcast %slice3A_26 : vector<1x32xf32> to vector<512x32xf32>
    %mul3A_29 = arith.mulf %mul3A_27, %mul3A_28 : vector<512x32xf32>
    %add3A_30 = arith.addf %add3A_24, %mul3A_29 : vector<512x32xf32>
    %slice3A_31 = vector.extract_strided_slice %get3A_1 {offsets = [0, 5], sizes = [512, 1], strides = [1, 1]} : vector<512x11xf32> to vector<512x1xf32>
    %slice3A_32 = vector.extract_strided_slice %get3A_4 {offsets = [5, 0], sizes = [1, 32], strides = [1, 1]} : vector<11x32xf32> to vector<1x32xf32>
    %mul3A_33 = vector.broadcast %slice3A_31 : vector<512x1xf32> to vector<512x32xf32>
    %mul3A_34 = vector.broadcast %slice3A_32 : vector<1x32xf32> to vector<512x32xf32>
    %mul3A_35 = arith.mulf %mul3A_33, %mul3A_34 : vector<512x32xf32>
    %add3A_36 = arith.addf %add3A_30, %mul3A_35 : vector<512x32xf32>
    %slice3A_37 = vector.extract_strided_slice %get3A_1 {offsets = [0, 6], sizes = [512, 1], strides = [1, 1]} : vector<512x11xf32> to vector<512x1xf32>
    %slice3A_38 = vector.extract_strided_slice %get3A_4 {offsets = [6, 0], sizes = [1, 32], strides = [1, 1]} : vector<11x32xf32> to vector<1x32xf32>
    %mul3A_39 = vector.broadcast %slice3A_37 : vector<512x1xf32> to vector<512x32xf32>
    %mul3A_40 = vector.broadcast %slice3A_38 : vector<1x32xf32> to vector<512x32xf32>
    %mul3A_41 = arith.mulf %mul3A_39, %mul3A_40 : vector<512x32xf32>
    %add3A_42 = arith.addf %add3A_36, %mul3A_41 : vector<512x32xf32>
    %slice3A_43 = vector.extract_strided_slice %get3A_1 {offsets = [0, 7], sizes = [512, 1], strides = [1, 1]} : vector<512x11xf32> to vector<512x1xf32>
    %slice3A_44 = vector.extract_strided_slice %get3A_4 {offsets = [7, 0], sizes = [1, 32], strides = [1, 1]} : vector<11x32xf32> to vector<1x32xf32>
    %mul3A_45 = vector.broadcast %slice3A_43 : vector<512x1xf32> to vector<512x32xf32>
    %mul3A_46 = vector.broadcast %slice3A_44 : vector<1x32xf32> to vector<512x32xf32>
    %mul3A_47 = arith.mulf %mul3A_45, %mul3A_46 : vector<512x32xf32>
    %add3A_48 = arith.addf %add3A_42, %mul3A_47 : vector<512x32xf32>
    %slice3A_49 = vector.extract_strided_slice %get3A_1 {offsets = [0, 8], sizes = [512, 1], strides = [1, 1]} : vector<512x11xf32> to vector<512x1xf32>
    %slice3A_50 = vector.extract_strided_slice %get3A_4 {offsets = [8, 0], sizes = [1, 32], strides = [1, 1]} : vector<11x32xf32> to vector<1x32xf32>
    %mul3A_51 = vector.broadcast %slice3A_49 : vector<512x1xf32> to vector<512x32xf32>
    %mul3A_52 = vector.broadcast %slice3A_50 : vector<1x32xf32> to vector<512x32xf32>
    %mul3A_53 = arith.mulf %mul3A_51, %mul3A_52 : vector<512x32xf32>
    %add3A_54 = arith.addf %add3A_48, %mul3A_53 : vector<512x32xf32>
    %slice3A_55 = vector.extract_strided_slice %get3A_1 {offsets = [0, 9], sizes = [512, 1], strides = [1, 1]} : vector<512x11xf32> to vector<512x1xf32>
    %slice3A_56 = vector.extract_strided_slice %get3A_4 {offsets = [9, 0], sizes = [1, 32], strides = [1, 1]} : vector<11x32xf32> to vector<1x32xf32>
    %mul3A_57 = vector.broadcast %slice3A_55 : vector<512x1xf32> to vector<512x32xf32>
    %mul3A_58 = vector.broadcast %slice3A_56 : vector<1x32xf32> to vector<512x32xf32>
    %mul3A_59 = arith.mulf %mul3A_57, %mul3A_58 : vector<512x32xf32>
    %add3A_60 = arith.addf %add3A_54, %mul3A_59 : vector<512x32xf32>
    %slice3A_61 = vector.extract_strided_slice %get3A_1 {offsets = [0, 10], sizes = [512, 1], strides = [1, 1]} : vector<512x11xf32> to vector<512x1xf32>
    %slice3A_62 = vector.extract_strided_slice %get3A_4 {offsets = [10, 0], sizes = [1, 32], strides = [1, 1]} : vector<11x32xf32> to vector<1x32xf32>
    %mul3A_63 = vector.broadcast %slice3A_61 : vector<512x1xf32> to vector<512x32xf32>
    %mul3A_64 = vector.broadcast %slice3A_62 : vector<1x32xf32> to vector<512x32xf32>
    %mul3A_65 = arith.mulf %mul3A_63, %mul3A_64 : vector<512x32xf32>
    %add3A_66 = arith.addf %add3A_60, %mul3A_65 : vector<512x32xf32>
    %swap3A = arith.constant 0 : index
    %swap3A_67 = arith.constant 0 : index
    %swap3A_68 = vector.load %arg3[%swap3A, %swap3A_67] : memref<512x32xf32, #tpu.memory_space<vmem>>, vector<512x32xf32>
    tpu.vector_store %arg3[%swap3A, %swap3A_67], %add3A_66 {strides = array<i32>} : memref<512x32xf32, #tpu.memory_space<vmem>>, vector<512x32xf32>,
    return
  }
  func.func @transform_0(%arg0: i32) -> (i32, i32) {
    %c0_i32 = arith.constant 0 : i32
    %c0_i32_0 = arith.constant 0 : i32
    return %arg0, %c0_i32 : i32, i32
  }
  func.func @transform_1(%arg0: i32) -> (i32, i32) {
    %c0_i32 = arith.constant 0 : i32
    %c0_i32_0 = arith.constant 0 : i32
    %c0_i32_1 = arith.constant 0 : i32
    return %c0_i32, %c0_i32_0 : i32, i32
  }
  func.func @transform_2(%arg0: i32) -> (i32, i32) {
    %c0_i32 = arith.constant 0 : i32
    %c0_i32_0 = arith.constant 0 : i32
    return %arg0, %c0_i32 : i32, i32
  }
}

module attributes {stable_mosaic.version = 14 : i64} {
  func.func @_t1_body(%arg0: i32, %arg1: memref<512x128xf32, #tpu.memory_space<vmem>>, %arg2: memref<512x32xf32, #tpu.memory_space<vmem>>, %arg3: memref<512x32xf32, #tpu.memory_space<vmem>>, %arg4: memref<512x128xf32, #tpu.memory_space<vmem>>) attributes {dimension_semantics = [#tpu.dimension_semantics<arbitrary>], iteration_bounds = array<i64: 3136>, scalar_prefetch = 0 : i64, scratch_operands = 0 : i64, tpu.core_type = #tpu.core_type<tc>, window_params = [{transform_indices = @transform_0, window_bounds = array<i64: 512, 128>}, {transform_indices = @transform_1, window_bounds = array<i64: 512, 32>}, {transform_indices = @transform_2, window_bounds = array<i64: 512, 32>}, {transform_indices = @transform_3, window_bounds = array<i64: 512, 128>}]} {
    %get3A = arith.constant 0 : index
    %get3A_0 = arith.constant 0 : index
    %get3A_1 = vector.load %arg1[%get3A, %get3A_0] : memref<512x128xf32, #tpu.memory_space<vmem>>, vector<512x32xf32>
    %get3A_2 = arith.constant 0 : index
    %get3A_3 = arith.constant 0 : index
    %get3A_4 = vector.load %arg2[%get3A_2, %get3A_3] : memref<512x32xf32, #tpu.memory_space<vmem>>, vector<512x32xf32>
    %add3A = arith.addf %get3A_1, %get3A_4 : vector<512x32xf32>
    %swap3A = arith.constant 0 : index
    %swap3A_5 = arith.constant 0 : index
    %swap3A_6 = vector.load %arg3[%swap3A, %swap3A_5] : memref<512x32xf32, #tpu.memory_space<vmem>>, vector<512x32xf32>
    tpu.vector_store %arg3[%swap3A, %swap3A_5], %add3A {strides = array<i32>} : memref<512x32xf32, #tpu.memory_space<vmem>>, vector<512x32xf32>,
    %max3A = arith.constant 0.000000e+00 : f32
    %max3A_7 = vector.broadcast %max3A : f32 to vector<512x32xf32>
    %max3A_8 = arith.maximumf %add3A, %max3A_7 : vector<512x32xf32>
    %broadcast_in_dim3A = arith.constant 0.000000e+00 : f32
    %broadcast_in_dim3A_9 = vector.broadcast %broadcast_in_dim3A : f32 to vector<512x96xf32>
    %concatenate3A = tpu.concatenate %max3A_8, %broadcast_in_dim3A_9 in 1 : vector<512x32xf32>, vector<512x96xf32> -> vector<512x128xf32>
    %swap3A_10 = arith.constant 0 : index
    %swap3A_11 = arith.constant 0 : index
    %swap3A_12 = vector.load %arg4[%swap3A_10, %swap3A_11] : memref<512x128xf32, #tpu.memory_space<vmem>>, vector<512x128xf32>
    tpu.vector_store %arg4[%swap3A_10, %swap3A_11], %concatenate3A {strides = array<i32>} : memref<512x128xf32, #tpu.memory_space<vmem>>, vector<512x128xf32>,
    return
  }
  func.func @transform_0(%arg0: i32) -> (i32, i32) {
    %c0_i32 = arith.constant 0 : i32
    %c0_i32_0 = arith.constant 0 : i32
    return %arg0, %c0_i32 : i32, i32
  }
  func.func @transform_1(%arg0: i32) -> (i32, i32) {
    %c0_i32 = arith.constant 0 : i32
    %c0_i32_0 = arith.constant 0 : i32
    return %arg0, %c0_i32 : i32, i32
  }
  func.func @transform_2(%arg0: i32) -> (i32, i32) {
    %c0_i32 = arith.constant 0 : i32
    %c0_i32_0 = arith.constant 0 : i32
    return %arg0, %c0_i32 : i32, i32
  }
  func.func @transform_3(%arg0: i32) -> (i32, i32) {
    %c0_i32 = arith.constant 0 : i32
    %c0_i32_0 = arith.constant 0 : i32
    return %arg0, %c0_i32 : i32, i32
  }
}

module attributes {stable_mosaic.version = 14 : i64} {
  func.func @_t2_body(%arg0: i32, %arg1: memref<512x32xf32, #tpu.memory_space<vmem>>, %arg2: memref<512x32xf32, #tpu.memory_space<vmem>>, %arg3: memref<32x32xf32, #tpu.memory_space<vmem>>, %arg4: memref<512x128xf32, #tpu.memory_space<vmem>>) attributes {dimension_semantics = [#tpu.dimension_semantics<arbitrary>], iteration_bounds = array<i64: 3136>, scalar_prefetch = 0 : i64, scratch_operands = 0 : i64, tpu.core_type = #tpu.core_type<tc>, window_params = [{transform_indices = @transform_0, window_bounds = array<i64: 512, 32>}, {transform_indices = @transform_1, window_bounds = array<i64: 512, 32>}, {pipeline_mode = #tpu.pipeline_mode<synchronous>, transform_indices = @transform_2, window_bounds = array<i64: 32, 32>}, {transform_indices = @transform_3, window_bounds = array<i64: 512, 128>}]} {
    %get3A = arith.constant 0 : index
    %get3A_0 = arith.constant 0 : index
    %get3A_1 = vector.load %arg1[%get3A, %get3A_0] : memref<512x32xf32, #tpu.memory_space<vmem>>, vector<512x32xf32>
    %get3A_2 = arith.constant 0 : index
    %get3A_3 = arith.constant 0 : index
    %get3A_4 = vector.load %arg2[%get3A_2, %get3A_3] : memref<512x32xf32, #tpu.memory_space<vmem>>, vector<512x32xf32>
    %get3A_5 = arith.constant 0 : index
    %get3A_6 = arith.constant 0 : index
    %get3A_7 = vector.load %arg3[%get3A_5, %get3A_6] : memref<32x32xf32, #tpu.memory_space<vmem>>, vector<32x32xf32>
    %convert_element_type3A = arith.truncf %get3A_4 : vector<512x32xf32> to vector<512x32xbf16>
    %convert_element_type3A_8 = arith.extf %convert_element_type3A : vector<512x32xbf16> to vector<512x32xf32>
    %sub3A = arith.subf %get3A_4, %convert_element_type3A_8 : vector<512x32xf32>
    %convert_element_type3A_9 = arith.truncf %sub3A : vector<512x32xf32> to vector<512x32xbf16>
    %convert_element_type3A_10 = arith.truncf %get3A_7 : vector<32x32xf32> to vector<32x32xbf16>
    %convert_element_type3A_11 = arith.extf %convert_element_type3A_10 : vector<32x32xbf16> to vector<32x32xf32>
    %sub3A_12 = arith.subf %get3A_7, %convert_element_type3A_11 : vector<32x32xf32>
    %convert_element_type3A_13 = arith.truncf %sub3A_12 : vector<32x32xf32> to vector<32x32xbf16>
    %dot_general3A = arith.constant dense<0.000000e+00> : vector<512x32xf32>
    %dot_general3A_14 = tpu.matmul %convert_element_type3A, %convert_element_type3A_10, %dot_general3A {dimension_numbers = #tpu.dot_dimension_numbers<[1], [0], [0], [1], [0, 0, 1, 1], [], []>, transpose_lhs_hint = false} : vector<512x32xbf16>, vector<32x32xbf16>, vector<512x32xf32> -> vector<512x32xf32>
    %dot_general3A_15 = arith.constant dense<0.000000e+00> : vector<512x32xf32>
    %dot_general3A_16 = tpu.matmul %convert_element_type3A, %convert_element_type3A_13, %dot_general3A_15 {dimension_numbers = #tpu.dot_dimension_numbers<[1], [0], [0], [1], [0, 0, 1, 1], [], []>, transpose_lhs_hint = false} : vector<512x32xbf16>, vector<32x32xbf16>, vector<512x32xf32> -> vector<512x32xf32>
    %dot_general3A_17 = arith.constant dense<0.000000e+00> : vector<512x32xf32>
    %dot_general3A_18 = tpu.matmul %convert_element_type3A_9, %convert_element_type3A_10, %dot_general3A_17 {dimension_numbers = #tpu.dot_dimension_numbers<[1], [0], [0], [1], [0, 0, 1, 1], [], []>, transpose_lhs_hint = false} : vector<512x32xbf16>, vector<32x32xbf16>, vector<512x32xf32> -> vector<512x32xf32>
    %add3A = arith.addf %dot_general3A_16, %dot_general3A_18 : vector<512x32xf32>
    %add3A_19 = arith.addf %dot_general3A_14, %add3A : vector<512x32xf32>
    %add3A_20 = arith.addf %get3A_1, %add3A_19 : vector<512x32xf32>
    %max3A = arith.constant 0.000000e+00 : f32
    %max3A_21 = vector.broadcast %max3A : f32 to vector<512x32xf32>
    %max3A_22 = arith.maximumf %add3A_20, %max3A_21 : vector<512x32xf32>
    %broadcast_in_dim3A = arith.constant 0.000000e+00 : f32
    %broadcast_in_dim3A_23 = vector.broadcast %broadcast_in_dim3A : f32 to vector<512x96xf32>
    %concatenate3A = tpu.concatenate %max3A_22, %broadcast_in_dim3A_23 in 1 : vector<512x32xf32>, vector<512x96xf32> -> vector<512x128xf32>
    %swap3A = arith.constant 0 : index
    %swap3A_24 = arith.constant 0 : index
    %swap3A_25 = vector.load %arg4[%swap3A, %swap3A_24] : memref<512x128xf32, #tpu.memory_space<vmem>>, vector<512x128xf32>
    tpu.vector_store %arg4[%swap3A, %swap3A_24], %concatenate3A {strides = array<i32>} : memref<512x128xf32, #tpu.memory_space<vmem>>, vector<512x128xf32>,
    return
  }
  func.func @transform_0(%arg0: i32) -> (i32, i32) {
    %c0_i32 = arith.constant 0 : i32
    %c0_i32_0 = arith.constant 0 : i32
    return %arg0, %c0_i32 : i32, i32
  }
  func.func @transform_1(%arg0: i32) -> (i32, i32) {
    %c0_i32 = arith.constant 0 : i32
    %c0_i32_0 = arith.constant 0 : i32
    return %arg0, %c0_i32 : i32, i32
  }
  func.func @transform_2(%arg0: i32) -> (i32, i32) {
    %c0_i32 = arith.constant 0 : i32
    %c0_i32_0 = arith.constant 0 : i32
    %c0_i32_1 = arith.constant 0 : i32
    return %c0_i32, %c0_i32_0 : i32, i32
  }
  func.func @transform_3(%arg0: i32) -> (i32, i32) {
    %c0_i32 = arith.constant 0 : i32
    %c0_i32_0 = arith.constant 0 : i32
    return %arg0, %c0_i32 : i32, i32
  }
}

module attributes {stable_mosaic.version = 14 : i64} {
  func.func @_t3_body(%arg0: i32, %arg1: memref<512x39xf32, #tpu.memory_space<vmem>>, %arg2: memref<512x32xf32, #tpu.memory_space<vmem>>, %arg3: memref<39x32xf32, #tpu.memory_space<vmem>>, %arg4: memref<32x32xf32, #tpu.memory_space<vmem>>, %arg5: memref<1x32xf32, #tpu.memory_space<vmem>>, %arg6: memref<512x128xf32, #tpu.memory_space<vmem>>) attributes {dimension_semantics = [#tpu.dimension_semantics<arbitrary>], iteration_bounds = array<i64: 196>, scalar_prefetch = 0 : i64, scratch_operands = 0 : i64, tpu.core_type = #tpu.core_type<tc>, window_params = [{transform_indices = @transform_0, window_bounds = array<i64: 512, 39>}, {transform_indices = @transform_1, window_bounds = array<i64: 512, 32>}, {pipeline_mode = #tpu.pipeline_mode<synchronous>, transform_indices = @transform_2, window_bounds = array<i64: 39, 32>}, {pipeline_mode = #tpu.pipeline_mode<synchronous>, transform_indices = @transform_3, window_bounds = array<i64: 32, 32>}, {pipeline_mode = #tpu.pipeline_mode<synchronous>, transform_indices = @transform_4, window_bounds = array<i64: 1, 32>}, {transform_indices = @transform_5, window_bounds = array<i64: 512, 128>}]} {
    %get3A = arith.constant 0 : index
    %get3A_0 = arith.constant 0 : index
    %get3A_1 = vector.load %arg1[%get3A, %get3A_0] : memref<512x39xf32, #tpu.memory_space<vmem>>, vector<512x39xf32>
    %get3A_2 = arith.constant 0 : index
    %get3A_3 = arith.constant 0 : index
    %get3A_4 = vector.load %arg3[%get3A_2, %get3A_3] : memref<39x32xf32, #tpu.memory_space<vmem>>, vector<39x32xf32>
    %slice3A = vector.extract_strided_slice %get3A_1 {offsets = [0, 0], sizes = [512, 1], strides = [1, 1]} : vector<512x39xf32> to vector<512x1xf32>
    %slice3A_5 = vector.extract_strided_slice %get3A_4 {offsets = [0, 0], sizes = [1, 32], strides = [1, 1]} : vector<39x32xf32> to vector<1x32xf32>
    %mul3A = vector.broadcast %slice3A : vector<512x1xf32> to vector<512x32xf32>
    %mul3A_6 = vector.broadcast %slice3A_5 : vector<1x32xf32> to vector<512x32xf32>
    %mul3A_7 = arith.mulf %mul3A, %mul3A_6 : vector<512x32xf32>
    %slice3A_8 = vector.extract_strided_slice %get3A_1 {offsets = [0, 1], sizes = [512, 1], strides = [1, 1]} : vector<512x39xf32> to vector<512x1xf32>
    %slice3A_9 = vector.extract_strided_slice %get3A_4 {offsets = [1, 0], sizes = [1, 32], strides = [1, 1]} : vector<39x32xf32> to vector<1x32xf32>
    %mul3A_10 = vector.broadcast %slice3A_8 : vector<512x1xf32> to vector<512x32xf32>
    %mul3A_11 = vector.broadcast %slice3A_9 : vector<1x32xf32> to vector<512x32xf32>
    %mul3A_12 = arith.mulf %mul3A_10, %mul3A_11 : vector<512x32xf32>
    %add3A = arith.addf %mul3A_7, %mul3A_12 : vector<512x32xf32>
    %slice3A_13 = vector.extract_strided_slice %get3A_1 {offsets = [0, 2], sizes = [512, 1], strides = [1, 1]} : vector<512x39xf32> to vector<512x1xf32>
    %slice3A_14 = vector.extract_strided_slice %get3A_4 {offsets = [2, 0], sizes = [1, 32], strides = [1, 1]} : vector<39x32xf32> to vector<1x32xf32>
    %mul3A_15 = vector.broadcast %slice3A_13 : vector<512x1xf32> to vector<512x32xf32>
    %mul3A_16 = vector.broadcast %slice3A_14 : vector<1x32xf32> to vector<512x32xf32>
    %mul3A_17 = arith.mulf %mul3A_15, %mul3A_16 : vector<512x32xf32>
    %add3A_18 = arith.addf %add3A, %mul3A_17 : vector<512x32xf32>
    %slice3A_19 = vector.extract_strided_slice %get3A_1 {offsets = [0, 3], sizes = [512, 1], strides = [1, 1]} : vector<512x39xf32> to vector<512x1xf32>
    %slice3A_20 = vector.extract_strided_slice %get3A_4 {offsets = [3, 0], sizes = [1, 32], strides = [1, 1]} : vector<39x32xf32> to vector<1x32xf32>
    %mul3A_21 = vector.broadcast %slice3A_19 : vector<512x1xf32> to vector<512x32xf32>
    %mul3A_22 = vector.broadcast %slice3A_20 : vector<1x32xf32> to vector<512x32xf32>
    %mul3A_23 = arith.mulf %mul3A_21, %mul3A_22 : vector<512x32xf32>
    %add3A_24 = arith.addf %add3A_18, %mul3A_23 : vector<512x32xf32>
    %slice3A_25 = vector.extract_strided_slice %get3A_1 {offsets = [0, 4], sizes = [512, 1], strides = [1, 1]} : vector<512x39xf32> to vector<512x1xf32>
    %slice3A_26 = vector.extract_strided_slice %get3A_4 {offsets = [4, 0], sizes = [1, 32], strides = [1, 1]} : vector<39x32xf32> to vector<1x32xf32>
    %mul3A_27 = vector.broadcast %slice3A_25 : vector<512x1xf32> to vector<512x32xf32>
    %mul3A_28 = vector.broadcast %slice3A_26 : vector<1x32xf32> to vector<512x32xf32>
    %mul3A_29 = arith.mulf %mul3A_27, %mul3A_28 : vector<512x32xf32>
    %add3A_30 = arith.addf %add3A_24, %mul3A_29 : vector<512x32xf32>
    %slice3A_31 = vector.extract_strided_slice %get3A_1 {offsets = [0, 5], sizes = [512, 1], strides = [1, 1]} : vector<512x39xf32> to vector<512x1xf32>
    %slice3A_32 = vector.extract_strided_slice %get3A_4 {offsets = [5, 0], sizes = [1, 32], strides = [1, 1]} : vector<39x32xf32> to vector<1x32xf32>
    %mul3A_33 = vector.broadcast %slice3A_31 : vector<512x1xf32> to vector<512x32xf32>
    %mul3A_34 = vector.broadcast %slice3A_32 : vector<1x32xf32> to vector<512x32xf32>
    %mul3A_35 = arith.mulf %mul3A_33, %mul3A_34 : vector<512x32xf32>
    %add3A_36 = arith.addf %add3A_30, %mul3A_35 : vector<512x32xf32>
    %slice3A_37 = vector.extract_strided_slice %get3A_1 {offsets = [0, 6], sizes = [512, 1], strides = [1, 1]} : vector<512x39xf32> to vector<512x1xf32>
    %slice3A_38 = vector.extract_strided_slice %get3A_4 {offsets = [6, 0], sizes = [1, 32], strides = [1, 1]} : vector<39x32xf32> to vector<1x32xf32>
    %mul3A_39 = vector.broadcast %slice3A_37 : vector<512x1xf32> to vector<512x32xf32>
    %mul3A_40 = vector.broadcast %slice3A_38 : vector<1x32xf32> to vector<512x32xf32>
    %mul3A_41 = arith.mulf %mul3A_39, %mul3A_40 : vector<512x32xf32>
    %add3A_42 = arith.addf %add3A_36, %mul3A_41 : vector<512x32xf32>
    %slice3A_43 = vector.extract_strided_slice %get3A_1 {offsets = [0, 7], sizes = [512, 1], strides = [1, 1]} : vector<512x39xf32> to vector<512x1xf32>
    %slice3A_44 = vector.extract_strided_slice %get3A_4 {offsets = [7, 0], sizes = [1, 32], strides = [1, 1]} : vector<39x32xf32> to vector<1x32xf32>
    %mul3A_45 = vector.broadcast %slice3A_43 : vector<512x1xf32> to vector<512x32xf32>
    %mul3A_46 = vector.broadcast %slice3A_44 : vector<1x32xf32> to vector<512x32xf32>
    %mul3A_47 = arith.mulf %mul3A_45, %mul3A_46 : vector<512x32xf32>
    %add3A_48 = arith.addf %add3A_42, %mul3A_47 : vector<512x32xf32>
    %slice3A_49 = vector.extract_strided_slice %get3A_1 {offsets = [0, 8], sizes = [512, 1], strides = [1, 1]} : vector<512x39xf32> to vector<512x1xf32>
    %slice3A_50 = vector.extract_strided_slice %get3A_4 {offsets = [8, 0], sizes = [1, 32], strides = [1, 1]} : vector<39x32xf32> to vector<1x32xf32>
    %mul3A_51 = vector.broadcast %slice3A_49 : vector<512x1xf32> to vector<512x32xf32>
    %mul3A_52 = vector.broadcast %slice3A_50 : vector<1x32xf32> to vector<512x32xf32>
    %mul3A_53 = arith.mulf %mul3A_51, %mul3A_52 : vector<512x32xf32>
    %add3A_54 = arith.addf %add3A_48, %mul3A_53 : vector<512x32xf32>
    %slice3A_55 = vector.extract_strided_slice %get3A_1 {offsets = [0, 9], sizes = [512, 1], strides = [1, 1]} : vector<512x39xf32> to vector<512x1xf32>
    %slice3A_56 = vector.extract_strided_slice %get3A_4 {offsets = [9, 0], sizes = [1, 32], strides = [1, 1]} : vector<39x32xf32> to vector<1x32xf32>
    %mul3A_57 = vector.broadcast %slice3A_55 : vector<512x1xf32> to vector<512x32xf32>
    %mul3A_58 = vector.broadcast %slice3A_56 : vector<1x32xf32> to vector<512x32xf32>
    %mul3A_59 = arith.mulf %mul3A_57, %mul3A_58 : vector<512x32xf32>
    %add3A_60 = arith.addf %add3A_54, %mul3A_59 : vector<512x32xf32>
    %slice3A_61 = vector.extract_strided_slice %get3A_1 {offsets = [0, 10], sizes = [512, 1], strides = [1, 1]} : vector<512x39xf32> to vector<512x1xf32>
    %slice3A_62 = vector.extract_strided_slice %get3A_4 {offsets = [10, 0], sizes = [1, 32], strides = [1, 1]} : vector<39x32xf32> to vector<1x32xf32>
    %mul3A_63 = vector.broadcast %slice3A_61 : vector<512x1xf32> to vector<512x32xf32>
    %mul3A_64 = vector.broadcast %slice3A_62 : vector<1x32xf32> to vector<512x32xf32>
    %mul3A_65 = arith.mulf %mul3A_63, %mul3A_64 : vector<512x32xf32>
    %add3A_66 = arith.addf %add3A_60, %mul3A_65 : vector<512x32xf32>
    %slice3A_67 = vector.extract_strided_slice %get3A_1 {offsets = [0, 11], sizes = [512, 1], strides = [1, 1]} : vector<512x39xf32> to vector<512x1xf32>
    %slice3A_68 = vector.extract_strided_slice %get3A_4 {offsets = [11, 0], sizes = [1, 32], strides = [1, 1]} : vector<39x32xf32> to vector<1x32xf32>
    %mul3A_69 = vector.broadcast %slice3A_67 : vector<512x1xf32> to vector<512x32xf32>
    %mul3A_70 = vector.broadcast %slice3A_68 : vector<1x32xf32> to vector<512x32xf32>
    %mul3A_71 = arith.mulf %mul3A_69, %mul3A_70 : vector<512x32xf32>
    %add3A_72 = arith.addf %add3A_66, %mul3A_71 : vector<512x32xf32>
    %slice3A_73 = vector.extract_strided_slice %get3A_1 {offsets = [0, 12], sizes = [512, 1], strides = [1, 1]} : vector<512x39xf32> to vector<512x1xf32>
    %slice3A_74 = vector.extract_strided_slice %get3A_4 {offsets = [12, 0], sizes = [1, 32], strides = [1, 1]} : vector<39x32xf32> to vector<1x32xf32>
    %mul3A_75 = vector.broadcast %slice3A_73 : vector<512x1xf32> to vector<512x32xf32>
    %mul3A_76 = vector.broadcast %slice3A_74 : vector<1x32xf32> to vector<512x32xf32>
    %mul3A_77 = arith.mulf %mul3A_75, %mul3A_76 : vector<512x32xf32>
    %add3A_78 = arith.addf %add3A_72, %mul3A_77 : vector<512x32xf32>
    %slice3A_79 = vector.extract_strided_slice %get3A_1 {offsets = [0, 13], sizes = [512, 1], strides = [1, 1]} : vector<512x39xf32> to vector<512x1xf32>
    %slice3A_80 = vector.extract_strided_slice %get3A_4 {offsets = [13, 0], sizes = [1, 32], strides = [1, 1]} : vector<39x32xf32> to vector<1x32xf32>
    %mul3A_81 = vector.broadcast %slice3A_79 : vector<512x1xf32> to vector<512x32xf32>
    %mul3A_82 = vector.broadcast %slice3A_80 : vector<1x32xf32> to vector<512x32xf32>
    %mul3A_83 = arith.mulf %mul3A_81, %mul3A_82 : vector<512x32xf32>
    %add3A_84 = arith.addf %add3A_78, %mul3A_83 : vector<512x32xf32>
    %slice3A_85 = vector.extract_strided_slice %get3A_1 {offsets = [0, 14], sizes = [512, 1], strides = [1, 1]} : vector<512x39xf32> to vector<512x1xf32>
    %slice3A_86 = vector.extract_strided_slice %get3A_4 {offsets = [14, 0], sizes = [1, 32], strides = [1, 1]} : vector<39x32xf32> to vector<1x32xf32>
    %mul3A_87 = vector.broadcast %slice3A_85 : vector<512x1xf32> to vector<512x32xf32>
    %mul3A_88 = vector.broadcast %slice3A_86 : vector<1x32xf32> to vector<512x32xf32>
    %mul3A_89 = arith.mulf %mul3A_87, %mul3A_88 : vector<512x32xf32>
    %add3A_90 = arith.addf %add3A_84, %mul3A_89 : vector<512x32xf32>
    %slice3A_91 = vector.extract_strided_slice %get3A_1 {offsets = [0, 15], sizes = [512, 1], strides = [1, 1]} : vector<512x39xf32> to vector<512x1xf32>
    %slice3A_92 = vector.extract_strided_slice %get3A_4 {offsets = [15, 0], sizes = [1, 32], strides = [1, 1]} : vector<39x32xf32> to vector<1x32xf32>
    %mul3A_93 = vector.broadcast %slice3A_91 : vector<512x1xf32> to vector<512x32xf32>
    %mul3A_94 = vector.broadcast %slice3A_92 : vector<1x32xf32> to vector<512x32xf32>
    %mul3A_95 = arith.mulf %mul3A_93, %mul3A_94 : vector<512x32xf32>
    %add3A_96 = arith.addf %add3A_90, %mul3A_95 : vector<512x32xf32>
    %slice3A_97 = vector.extract_strided_slice %get3A_1 {offsets = [0, 16], sizes = [512, 1], strides = [1, 1]} : vector<512x39xf32> to vector<512x1xf32>
    %slice3A_98 = vector.extract_strided_slice %get3A_4 {offsets = [16, 0], sizes = [1, 32], strides = [1, 1]} : vector<39x32xf32> to vector<1x32xf32>
    %mul3A_99 = vector.broadcast %slice3A_97 : vector<512x1xf32> to vector<512x32xf32>
    %mul3A_100 = vector.broadcast %slice3A_98 : vector<1x32xf32> to vector<512x32xf32>
    %mul3A_101 = arith.mulf %mul3A_99, %mul3A_100 : vector<512x32xf32>
    %add3A_102 = arith.addf %add3A_96, %mul3A_101 : vector<512x32xf32>
    %slice3A_103 = vector.extract_strided_slice %get3A_1 {offsets = [0, 17], sizes = [512, 1], strides = [1, 1]} : vector<512x39xf32> to vector<512x1xf32>
    %slice3A_104 = vector.extract_strided_slice %get3A_4 {offsets = [17, 0], sizes = [1, 32], strides = [1, 1]} : vector<39x32xf32> to vector<1x32xf32>
    %mul3A_105 = vector.broadcast %slice3A_103 : vector<512x1xf32> to vector<512x32xf32>
    %mul3A_106 = vector.broadcast %slice3A_104 : vector<1x32xf32> to vector<512x32xf32>
    %mul3A_107 = arith.mulf %mul3A_105, %mul3A_106 : vector<512x32xf32>
    %add3A_108 = arith.addf %add3A_102, %mul3A_107 : vector<512x32xf32>
    %slice3A_109 = vector.extract_strided_slice %get3A_1 {offsets = [0, 18], sizes = [512, 1], strides = [1, 1]} : vector<512x39xf32> to vector<512x1xf32>
    %slice3A_110 = vector.extract_strided_slice %get3A_4 {offsets = [18, 0], sizes = [1, 32], strides = [1, 1]} : vector<39x32xf32> to vector<1x32xf32>
    %mul3A_111 = vector.broadcast %slice3A_109 : vector<512x1xf32> to vector<512x32xf32>
    %mul3A_112 = vector.broadcast %slice3A_110 : vector<1x32xf32> to vector<512x32xf32>
    %mul3A_113 = arith.mulf %mul3A_111, %mul3A_112 : vector<512x32xf32>
    %add3A_114 = arith.addf %add3A_108, %mul3A_113 : vector<512x32xf32>
    %slice3A_115 = vector.extract_strided_slice %get3A_1 {offsets = [0, 19], sizes = [512, 1], strides = [1, 1]} : vector<512x39xf32> to vector<512x1xf32>
    %slice3A_116 = vector.extract_strided_slice %get3A_4 {offsets = [19, 0], sizes = [1, 32], strides = [1, 1]} : vector<39x32xf32> to vector<1x32xf32>
    %mul3A_117 = vector.broadcast %slice3A_115 : vector<512x1xf32> to vector<512x32xf32>
    %mul3A_118 = vector.broadcast %slice3A_116 : vector<1x32xf32> to vector<512x32xf32>
    %mul3A_119 = arith.mulf %mul3A_117, %mul3A_118 : vector<512x32xf32>
    %add3A_120 = arith.addf %add3A_114, %mul3A_119 : vector<512x32xf32>
    %slice3A_121 = vector.extract_strided_slice %get3A_1 {offsets = [0, 20], sizes = [512, 1], strides = [1, 1]} : vector<512x39xf32> to vector<512x1xf32>
    %slice3A_122 = vector.extract_strided_slice %get3A_4 {offsets = [20, 0], sizes = [1, 32], strides = [1, 1]} : vector<39x32xf32> to vector<1x32xf32>
    %mul3A_123 = vector.broadcast %slice3A_121 : vector<512x1xf32> to vector<512x32xf32>
    %mul3A_124 = vector.broadcast %slice3A_122 : vector<1x32xf32> to vector<512x32xf32>
    %mul3A_125 = arith.mulf %mul3A_123, %mul3A_124 : vector<512x32xf32>
    %add3A_126 = arith.addf %add3A_120, %mul3A_125 : vector<512x32xf32>
    %slice3A_127 = vector.extract_strided_slice %get3A_1 {offsets = [0, 21], sizes = [512, 1], strides = [1, 1]} : vector<512x39xf32> to vector<512x1xf32>
    %slice3A_128 = vector.extract_strided_slice %get3A_4 {offsets = [21, 0], sizes = [1, 32], strides = [1, 1]} : vector<39x32xf32> to vector<1x32xf32>
    %mul3A_129 = vector.broadcast %slice3A_127 : vector<512x1xf32> to vector<512x32xf32>
    %mul3A_130 = vector.broadcast %slice3A_128 : vector<1x32xf32> to vector<512x32xf32>
    %mul3A_131 = arith.mulf %mul3A_129, %mul3A_130 : vector<512x32xf32>
    %add3A_132 = arith.addf %add3A_126, %mul3A_131 : vector<512x32xf32>
    %slice3A_133 = vector.extract_strided_slice %get3A_1 {offsets = [0, 22], sizes = [512, 1], strides = [1, 1]} : vector<512x39xf32> to vector<512x1xf32>
    %slice3A_134 = vector.extract_strided_slice %get3A_4 {offsets = [22, 0], sizes = [1, 32], strides = [1, 1]} : vector<39x32xf32> to vector<1x32xf32>
    %mul3A_135 = vector.broadcast %slice3A_133 : vector<512x1xf32> to vector<512x32xf32>
    %mul3A_136 = vector.broadcast %slice3A_134 : vector<1x32xf32> to vector<512x32xf32>
    %mul3A_137 = arith.mulf %mul3A_135, %mul3A_136 : vector<512x32xf32>
    %add3A_138 = arith.addf %add3A_132, %mul3A_137 : vector<512x32xf32>
    %slice3A_139 = vector.extract_strided_slice %get3A_1 {offsets = [0, 23], sizes = [512, 1], strides = [1, 1]} : vector<512x39xf32> to vector<512x1xf32>
    %slice3A_140 = vector.extract_strided_slice %get3A_4 {offsets = [23, 0], sizes = [1, 32], strides = [1, 1]} : vector<39x32xf32> to vector<1x32xf32>
    %mul3A_141 = vector.broadcast %slice3A_139 : vector<512x1xf32> to vector<512x32xf32>
    %mul3A_142 = vector.broadcast %slice3A_140 : vector<1x32xf32> to vector<512x32xf32>
    %mul3A_143 = arith.mulf %mul3A_141, %mul3A_142 : vector<512x32xf32>
    %add3A_144 = arith.addf %add3A_138, %mul3A_143 : vector<512x32xf32>
    %slice3A_145 = vector.extract_strided_slice %get3A_1 {offsets = [0, 24], sizes = [512, 1], strides = [1, 1]} : vector<512x39xf32> to vector<512x1xf32>
    %slice3A_146 = vector.extract_strided_slice %get3A_4 {offsets = [24, 0], sizes = [1, 32], strides = [1, 1]} : vector<39x32xf32> to vector<1x32xf32>
    %mul3A_147 = vector.broadcast %slice3A_145 : vector<512x1xf32> to vector<512x32xf32>
    %mul3A_148 = vector.broadcast %slice3A_146 : vector<1x32xf32> to vector<512x32xf32>
    %mul3A_149 = arith.mulf %mul3A_147, %mul3A_148 : vector<512x32xf32>
    %add3A_150 = arith.addf %add3A_144, %mul3A_149 : vector<512x32xf32>
    %slice3A_151 = vector.extract_strided_slice %get3A_1 {offsets = [0, 25], sizes = [512, 1], strides = [1, 1]} : vector<512x39xf32> to vector<512x1xf32>
    %slice3A_152 = vector.extract_strided_slice %get3A_4 {offsets = [25, 0], sizes = [1, 32], strides = [1, 1]} : vector<39x32xf32> to vector<1x32xf32>
    %mul3A_153 = vector.broadcast %slice3A_151 : vector<512x1xf32> to vector<512x32xf32>
    %mul3A_154 = vector.broadcast %slice3A_152 : vector<1x32xf32> to vector<512x32xf32>
    %mul3A_155 = arith.mulf %mul3A_153, %mul3A_154 : vector<512x32xf32>
    %add3A_156 = arith.addf %add3A_150, %mul3A_155 : vector<512x32xf32>
    %slice3A_157 = vector.extract_strided_slice %get3A_1 {offsets = [0, 26], sizes = [512, 1], strides = [1, 1]} : vector<512x39xf32> to vector<512x1xf32>
    %slice3A_158 = vector.extract_strided_slice %get3A_4 {offsets = [26, 0], sizes = [1, 32], strides = [1, 1]} : vector<39x32xf32> to vector<1x32xf32>
    %mul3A_159 = vector.broadcast %slice3A_157 : vector<512x1xf32> to vector<512x32xf32>
    %mul3A_160 = vector.broadcast %slice3A_158 : vector<1x32xf32> to vector<512x32xf32>
    %mul3A_161 = arith.mulf %mul3A_159, %mul3A_160 : vector<512x32xf32>
    %add3A_162 = arith.addf %add3A_156, %mul3A_161 : vector<512x32xf32>
    %slice3A_163 = vector.extract_strided_slice %get3A_1 {offsets = [0, 27], sizes = [512, 1], strides = [1, 1]} : vector<512x39xf32> to vector<512x1xf32>
    %slice3A_164 = vector.extract_strided_slice %get3A_4 {offsets = [27, 0], sizes = [1, 32], strides = [1, 1]} : vector<39x32xf32> to vector<1x32xf32>
    %mul3A_165 = vector.broadcast %slice3A_163 : vector<512x1xf32> to vector<512x32xf32>
    %mul3A_166 = vector.broadcast %slice3A_164 : vector<1x32xf32> to vector<512x32xf32>
    %mul3A_167 = arith.mulf %mul3A_165, %mul3A_166 : vector<512x32xf32>
    %add3A_168 = arith.addf %add3A_162, %mul3A_167 : vector<512x32xf32>
    %slice3A_169 = vector.extract_strided_slice %get3A_1 {offsets = [0, 28], sizes = [512, 1], strides = [1, 1]} : vector<512x39xf32> to vector<512x1xf32>
    %slice3A_170 = vector.extract_strided_slice %get3A_4 {offsets = [28, 0], sizes = [1, 32], strides = [1, 1]} : vector<39x32xf32> to vector<1x32xf32>
    %mul3A_171 = vector.broadcast %slice3A_169 : vector<512x1xf32> to vector<512x32xf32>
    %mul3A_172 = vector.broadcast %slice3A_170 : vector<1x32xf32> to vector<512x32xf32>
    %mul3A_173 = arith.mulf %mul3A_171, %mul3A_172 : vector<512x32xf32>
    %add3A_174 = arith.addf %add3A_168, %mul3A_173 : vector<512x32xf32>
    %slice3A_175 = vector.extract_strided_slice %get3A_1 {offsets = [0, 29], sizes = [512, 1], strides = [1, 1]} : vector<512x39xf32> to vector<512x1xf32>
    %slice3A_176 = vector.extract_strided_slice %get3A_4 {offsets = [29, 0], sizes = [1, 32], strides = [1, 1]} : vector<39x32xf32> to vector<1x32xf32>
    %mul3A_177 = vector.broadcast %slice3A_175 : vector<512x1xf32> to vector<512x32xf32>
    %mul3A_178 = vector.broadcast %slice3A_176 : vector<1x32xf32> to vector<512x32xf32>
    %mul3A_179 = arith.mulf %mul3A_177, %mul3A_178 : vector<512x32xf32>
    %add3A_180 = arith.addf %add3A_174, %mul3A_179 : vector<512x32xf32>
    %slice3A_181 = vector.extract_strided_slice %get3A_1 {offsets = [0, 30], sizes = [512, 1], strides = [1, 1]} : vector<512x39xf32> to vector<512x1xf32>
    %slice3A_182 = vector.extract_strided_slice %get3A_4 {offsets = [30, 0], sizes = [1, 32], strides = [1, 1]} : vector<39x32xf32> to vector<1x32xf32>
    %mul3A_183 = vector.broadcast %slice3A_181 : vector<512x1xf32> to vector<512x32xf32>
    %mul3A_184 = vector.broadcast %slice3A_182 : vector<1x32xf32> to vector<512x32xf32>
    %mul3A_185 = arith.mulf %mul3A_183, %mul3A_184 : vector<512x32xf32>
    %add3A_186 = arith.addf %add3A_180, %mul3A_185 : vector<512x32xf32>
    %slice3A_187 = vector.extract_strided_slice %get3A_1 {offsets = [0, 31], sizes = [512, 1], strides = [1, 1]} : vector<512x39xf32> to vector<512x1xf32>
    %slice3A_188 = vector.extract_strided_slice %get3A_4 {offsets = [31, 0], sizes = [1, 32], strides = [1, 1]} : vector<39x32xf32> to vector<1x32xf32>
    %mul3A_189 = vector.broadcast %slice3A_187 : vector<512x1xf32> to vector<512x32xf32>
    %mul3A_190 = vector.broadcast %slice3A_188 : vector<1x32xf32> to vector<512x32xf32>
    %mul3A_191 = arith.mulf %mul3A_189, %mul3A_190 : vector<512x32xf32>
    %add3A_192 = arith.addf %add3A_186, %mul3A_191 : vector<512x32xf32>
    %slice3A_193 = vector.extract_strided_slice %get3A_1 {offsets = [0, 32], sizes = [512, 1], strides = [1, 1]} : vector<512x39xf32> to vector<512x1xf32>
    %slice3A_194 = vector.extract_strided_slice %get3A_4 {offsets = [32, 0], sizes = [1, 32], strides = [1, 1]} : vector<39x32xf32> to vector<1x32xf32>
    %mul3A_195 = vector.broadcast %slice3A_193 : vector<512x1xf32> to vector<512x32xf32>
    %mul3A_196 = vector.broadcast %slice3A_194 : vector<1x32xf32> to vector<512x32xf32>
    %mul3A_197 = arith.mulf %mul3A_195, %mul3A_196 : vector<512x32xf32>
    %add3A_198 = arith.addf %add3A_192, %mul3A_197 : vector<512x32xf32>
    %slice3A_199 = vector.extract_strided_slice %get3A_1 {offsets = [0, 33], sizes = [512, 1], strides = [1, 1]} : vector<512x39xf32> to vector<512x1xf32>
    %slice3A_200 = vector.extract_strided_slice %get3A_4 {offsets = [33, 0], sizes = [1, 32], strides = [1, 1]} : vector<39x32xf32> to vector<1x32xf32>
    %mul3A_201 = vector.broadcast %slice3A_199 : vector<512x1xf32> to vector<512x32xf32>
    %mul3A_202 = vector.broadcast %slice3A_200 : vector<1x32xf32> to vector<512x32xf32>
    %mul3A_203 = arith.mulf %mul3A_201, %mul3A_202 : vector<512x32xf32>
    %add3A_204 = arith.addf %add3A_198, %mul3A_203 : vector<512x32xf32>
    %slice3A_205 = vector.extract_strided_slice %get3A_1 {offsets = [0, 34], sizes = [512, 1], strides = [1, 1]} : vector<512x39xf32> to vector<512x1xf32>
    %slice3A_206 = vector.extract_strided_slice %get3A_4 {offsets = [34, 0], sizes = [1, 32], strides = [1, 1]} : vector<39x32xf32> to vector<1x32xf32>
    %mul3A_207 = vector.broadcast %slice3A_205 : vector<512x1xf32> to vector<512x32xf32>
    %mul3A_208 = vector.broadcast %slice3A_206 : vector<1x32xf32> to vector<512x32xf32>
    %mul3A_209 = arith.mulf %mul3A_207, %mul3A_208 : vector<512x32xf32>
    %add3A_210 = arith.addf %add3A_204, %mul3A_209 : vector<512x32xf32>
    %slice3A_211 = vector.extract_strided_slice %get3A_1 {offsets = [0, 35], sizes = [512, 1], strides = [1, 1]} : vector<512x39xf32> to vector<512x1xf32>
    %slice3A_212 = vector.extract_strided_slice %get3A_4 {offsets = [35, 0], sizes = [1, 32], strides = [1, 1]} : vector<39x32xf32> to vector<1x32xf32>
    %mul3A_213 = vector.broadcast %slice3A_211 : vector<512x1xf32> to vector<512x32xf32>
    %mul3A_214 = vector.broadcast %slice3A_212 : vector<1x32xf32> to vector<512x32xf32>
    %mul3A_215 = arith.mulf %mul3A_213, %mul3A_214 : vector<512x32xf32>
    %add3A_216 = arith.addf %add3A_210, %mul3A_215 : vector<512x32xf32>
    %slice3A_217 = vector.extract_strided_slice %get3A_1 {offsets = [0, 36], sizes = [512, 1], strides = [1, 1]} : vector<512x39xf32> to vector<512x1xf32>
    %slice3A_218 = vector.extract_strided_slice %get3A_4 {offsets = [36, 0], sizes = [1, 32], strides = [1, 1]} : vector<39x32xf32> to vector<1x32xf32>
    %mul3A_219 = vector.broadcast %slice3A_217 : vector<512x1xf32> to vector<512x32xf32>
    %mul3A_220 = vector.broadcast %slice3A_218 : vector<1x32xf32> to vector<512x32xf32>
    %mul3A_221 = arith.mulf %mul3A_219, %mul3A_220 : vector<512x32xf32>
    %add3A_222 = arith.addf %add3A_216, %mul3A_221 : vector<512x32xf32>
    %slice3A_223 = vector.extract_strided_slice %get3A_1 {offsets = [0, 37], sizes = [512, 1], strides = [1, 1]} : vector<512x39xf32> to vector<512x1xf32>
    %slice3A_224 = vector.extract_strided_slice %get3A_4 {offsets = [37, 0], sizes = [1, 32], strides = [1, 1]} : vector<39x32xf32> to vector<1x32xf32>
    %mul3A_225 = vector.broadcast %slice3A_223 : vector<512x1xf32> to vector<512x32xf32>
    %mul3A_226 = vector.broadcast %slice3A_224 : vector<1x32xf32> to vector<512x32xf32>
    %mul3A_227 = arith.mulf %mul3A_225, %mul3A_226 : vector<512x32xf32>
    %add3A_228 = arith.addf %add3A_222, %mul3A_227 : vector<512x32xf32>
    %slice3A_229 = vector.extract_strided_slice %get3A_1 {offsets = [0, 38], sizes = [512, 1], strides = [1, 1]} : vector<512x39xf32> to vector<512x1xf32>
    %slice3A_230 = vector.extract_strided_slice %get3A_4 {offsets = [38, 0], sizes = [1, 32], strides = [1, 1]} : vector<39x32xf32> to vector<1x32xf32>
    %mul3A_231 = vector.broadcast %slice3A_229 : vector<512x1xf32> to vector<512x32xf32>
    %mul3A_232 = vector.broadcast %slice3A_230 : vector<1x32xf32> to vector<512x32xf32>
    %mul3A_233 = arith.mulf %mul3A_231, %mul3A_232 : vector<512x32xf32>
    %add3A_234 = arith.addf %add3A_228, %mul3A_233 : vector<512x32xf32>
    %get3A_235 = arith.constant 0 : index
    %get3A_236 = arith.constant 0 : index
    %get3A_237 = vector.load %arg2[%get3A_235, %get3A_236] : memref<512x32xf32, #tpu.memory_space<vmem>>, vector<512x32xf32>
    %get3A_238 = arith.constant 0 : index
    %get3A_239 = arith.constant 0 : index
    %get3A_240 = vector.load %arg4[%get3A_238, %get3A_239] : memref<32x32xf32, #tpu.memory_space<vmem>>, vector<32x32xf32>
    %convert_element_type3A = arith.truncf %get3A_237 : vector<512x32xf32> to vector<512x32xbf16>
    %convert_element_type3A_241 = arith.extf %convert_element_type3A : vector<512x32xbf16> to vector<512x32xf32>
    %sub3A = arith.subf %get3A_237, %convert_element_type3A_241 : vector<512x32xf32>
    %convert_element_type3A_242 = arith.truncf %sub3A : vector<512x32xf32> to vector<512x32xbf16>
    %convert_element_type3A_243 = arith.truncf %get3A_240 : vector<32x32xf32> to vector<32x32xbf16>
    %convert_element_type3A_244 = arith.extf %convert_element_type3A_243 : vector<32x32xbf16> to vector<32x32xf32>
    %sub3A_245 = arith.subf %get3A_240, %convert_element_type3A_244 : vector<32x32xf32>
    %convert_element_type3A_246 = arith.truncf %sub3A_245 : vector<32x32xf32> to vector<32x32xbf16>
    %dot_general3A = arith.constant dense<0.000000e+00> : vector<512x32xf32>
    %dot_general3A_247 = tpu.matmul %convert_element_type3A, %convert_element_type3A_243, %dot_general3A {dimension_numbers = #tpu.dot_dimension_numbers<[1], [0], [0], [1], [0, 0, 1, 1], [], []>, transpose_lhs_hint = false} : vector<512x32xbf16>, vector<32x32xbf16>, vector<512x32xf32> -> vector<512x32xf32>
    %dot_general3A_248 = arith.constant dense<0.000000e+00> : vector<512x32xf32>
    %dot_general3A_249 = tpu.matmul %convert_element_type3A, %convert_element_type3A_246, %dot_general3A_248 {dimension_numbers = #tpu.dot_dimension_numbers<[1], [0], [0], [1], [0, 0, 1, 1], [], []>, transpose_lhs_hint = false} : vector<512x32xbf16>, vector<32x32xbf16>, vector<512x32xf32> -> vector<512x32xf32>
    %dot_general3A_250 = arith.constant dense<0.000000e+00> : vector<512x32xf32>
    %dot_general3A_251 = tpu.matmul %convert_element_type3A_242, %convert_element_type3A_243, %dot_general3A_250 {dimension_numbers = #tpu.dot_dimension_numbers<[1], [0], [0], [1], [0, 0, 1, 1], [], []>, transpose_lhs_hint = false} : vector<512x32xbf16>, vector<32x32xbf16>, vector<512x32xf32> -> vector<512x32xf32>
    %add3A_252 = arith.addf %dot_general3A_249, %dot_general3A_251 : vector<512x32xf32>
    %add3A_253 = arith.addf %dot_general3A_247, %add3A_252 : vector<512x32xf32>
    %add3A_254 = arith.addf %add3A_234, %add3A_253 : vector<512x32xf32>
    %get3A_255 = arith.constant 0 : index
    %get3A_256 = arith.constant 0 : index
    %get3A_257 = vector.load %arg5[%get3A_255, %get3A_256] : memref<1x32xf32, #tpu.memory_space<vmem>>, vector<1x32xf32>
    %add3A_258 = vector.broadcast %get3A_257 : vector<1x32xf32> to vector<512x32xf32>
    %add3A_259 = arith.addf %add3A_254, %add3A_258 : vector<512x32xf32>
    %max3A = arith.constant 0.000000e+00 : f32
    %max3A_260 = vector.broadcast %max3A : f32 to vector<512x32xf32>
    %max3A_261 = arith.maximumf %add3A_259, %max3A_260 : vector<512x32xf32>
    %broadcast_in_dim3A = arith.constant 0.000000e+00 : f32
    %broadcast_in_dim3A_262 = vector.broadcast %broadcast_in_dim3A : f32 to vector<512x96xf32>
    %concatenate3A = tpu.concatenate %max3A_261, %broadcast_in_dim3A_262 in 1 : vector<512x32xf32>, vector<512x96xf32> -> vector<512x128xf32>
    %swap3A = arith.constant 0 : index
    %swap3A_263 = arith.constant 0 : index
    %swap3A_264 = vector.load %arg6[%swap3A, %swap3A_263] : memref<512x128xf32, #tpu.memory_space<vmem>>, vector<512x128xf32>
    tpu.vector_store %arg6[%swap3A, %swap3A_263], %concatenate3A {strides = array<i32>} : memref<512x128xf32, #tpu.memory_space<vmem>>, vector<512x128xf32>,
    return
  }
  func.func @transform_0(%arg0: i32) -> (i32, i32) {
    %c0_i32 = arith.constant 0 : i32
    %c0_i32_0 = arith.constant 0 : i32
    return %arg0, %c0_i32 : i32, i32
  }
  func.func @transform_1(%arg0: i32) -> (i32, i32) {
    %c0_i32 = arith.constant 0 : i32
    %c0_i32_0 = arith.constant 0 : i32
    return %arg0, %c0_i32 : i32, i32
  }
  func.func @transform_2(%arg0: i32) -> (i32, i32) {
    %c0_i32 = arith.constant 0 : i32
    %c0_i32_0 = arith.constant 0 : i32
    %c0_i32_1 = arith.constant 0 : i32
    return %c0_i32, %c0_i32_0 : i32, i32
  }
  func.func @transform_3(%arg0: i32) -> (i32, i32) {
    %c0_i32 = arith.constant 0 : i32
    %c0_i32_0 = arith.constant 0 : i32
    %c0_i32_1 = arith.constant 0 : i32
    return %c0_i32, %c0_i32_0 : i32, i32
  }
  func.func @transform_4(%arg0: i32) -> (i32, i32) {
    %c0_i32 = arith.constant 0 : i32
    %c0_i32_0 = arith.constant 0 : i32
    %c0_i32_1 = arith.constant 0 : i32
    return %c0_i32, %c0_i32_0 : i32, i32
  }
  func.func @transform_5(%arg0: i32) -> (i32, i32) {
    %c0_i32 = arith.constant 0 : i32
    %c0_i32_0 = arith.constant 0 : i32
    return %arg0, %c0_i32 : i32, i32
  }
}

module attributes {stable_mosaic.version = 14 : i64} {
  func.func @_t4_body(%arg0: i32, %arg1: memref<512x32xf32, #tpu.memory_space<vmem>>, %arg2: memref<512x1xf32, #tpu.memory_space<vmem>>, %arg3: memref<512x32xf32, #tpu.memory_space<vmem>>) attributes {dimension_semantics = [#tpu.dimension_semantics<arbitrary>], iteration_bounds = array<i64: 8>, scalar_prefetch = 0 : i64, scratch_operands = 0 : i64, tpu.core_type = #tpu.core_type<tc>, window_params = [{transform_indices = @transform_0, window_bounds = array<i64: 512, 32>}, {transform_indices = @transform_1, window_bounds = array<i64: 512, 1>}, {transform_indices = @transform_2, window_bounds = array<i64: 512, 32>}]} {
    %get3A = arith.constant 0 : index
    %get3A_0 = arith.constant 0 : index
    %get3A_1 = vector.load %arg1[%get3A, %get3A_0] : memref<512x32xf32, #tpu.memory_space<vmem>>, vector<512x32xf32>
    %get3A_2 = arith.constant 0 : index
    %get3A_3 = arith.constant 0 : index
    %get3A_4 = vector.load %arg2[%get3A_2, %get3A_3] : memref<512x1xf32, #tpu.memory_space<vmem>>, vector<512x1xf32>
    %mul3A = vector.broadcast %get3A_4 : vector<512x1xf32> to vector<512x32xf32>
    %mul3A_5 = arith.mulf %get3A_1, %mul3A : vector<512x32xf32>
    %swap3A = arith.constant 0 : index
    %swap3A_6 = arith.constant 0 : index
    %swap3A_7 = vector.load %arg3[%swap3A, %swap3A_6] : memref<512x32xf32, #tpu.memory_space<vmem>>, vector<512x32xf32>
    tpu.vector_store %arg3[%swap3A, %swap3A_6], %mul3A_5 {strides = array<i32>} : memref<512x32xf32, #tpu.memory_space<vmem>>, vector<512x32xf32>,
    return
  }
  func.func @transform_0(%arg0: i32) -> (i32, i32) {
    %c0_i32 = arith.constant 0 : i32
    %c0_i32_0 = arith.constant 0 : i32
    return %arg0, %c0_i32 : i32, i32
  }
  func.func @transform_1(%arg0: i32) -> (i32, i32) {
    %c0_i32 = arith.constant 0 : i32
    %c0_i32_0 = arith.constant 0 : i32
    return %arg0, %c0_i32 : i32, i32
  }
  func.func @transform_2(%arg0: i32) -> (i32, i32) {
    %c0_i32 = arith.constant 0 : i32
    %c0_i32_0 = arith.constant 0 : i32
    return %arg0, %c0_i32 : i32, i32
  }
}

</mosaic_0001>

<sc_bundles>
// kernel: gather_offload_async_start.1
scs
__scs_entry_jumppad:
0x0: {  	(pc) =	sbr.rel $0x88, $3  }
0x1: {  	(tag) =	ssettag $0x0;
	lr =	simm.s32 $0x1  }
0x2: {  	[smem:$0x3F98] =	sst lr;
	_ =	strace $0xD0000000  }
0x3: {  	_ = 	snop  }
0x4: {  	_ = 	snop  }
0x5: {  	_ = 	snop  }
0x6: {  	_ = 	snop  }
0x7: {  	_ = 	snop  }
__scs_overlays_trampoline_lowered:
0x8: {  	[smem:$0x3FA7] =	sst s0  }
0x9: {  	[smem:$0x3FA8] =	sst s1  }
0xa: {  	[smem:$0x3FA9] =	sst s2  }
0xb: {  	[smem:$0x3FAA] =	sst s3  }
0xc: {  	[smem:$0x3FAB] =	sst s4  }
0xd: {  	[smem:$0x3FAC] =	sst s5  }
0xe: {  	[smem:$0x3FAD] =	sst s6  }
0xf: {  	[smem:$0x3FAE] =	sst s7  }
0x10: {  	[smem:$0x3FAF] =	sst s8  }
0x11: {  	[smem:$0x3FB0] =	sst s9;
	s0 =	simm.s32 @!p0 $0x0  }
0x12: {  	s1 =	sld [smem:$0x3F96];
	s0 =	simm.s32 @p0 $0x1  }
0x13: {  	[smem:$0x3FB1] =	sst s0;
	s0 =	simm.s32 @!p1 $0x0  }
0x14: {  	s2 =	sld [smem:$0x3F95];
	s0 =	simm.s32 @p1 $0x1  }
0x15: {  	[smem:$0x3FB2] =	sst s0;
	s0 =	simm.s32 @!p2 $0x0  }
0x16: {  	s3 =	sld [smem:$0x3FDB];
	s0 =	simm.s32 @p2 $0x1  }
0x17: {  	s4 =	simm.s32 $0x1BF5;
	[smem:$0x3FB4] =	sst s0  }
0x18: {  	s0 =	sld [smem:$0x3F97];
	_ =	swait.ge [sflag:s4], $0x0  }
0x19: {  	s7 =	sld [smem:$0x3F98]  }
0x1a: {  	s8 =	sadd.s32 $0xFFFFE003, lr  }
0x1b: {  	s9 =	sadd.s32 $0xFFFFFEF7, lr;
	s5 =	simm.s32 $0xFFFFFFFF;
	p2 =	slt.u32 s8, $0xFFFFF086  }
0x1c: {  	p1 =	slt.u32 s9, $0xF7A;
	s5 =	simm.s32 @!p2 $0x0  }
0x1d: {  	s5 =	simm.s32 @p1 $0x1;
	p0 =	seq.s32 s7, s2  }
0x1e: {  	s7 =	smul.u32 @!p0 $0xF7A, s2;
	p2 =	seq.s32 @!p0 s5, $0x0  }
0x1f: {  	s9 =	smul.u32 $0xF7A, s1;
	s8 =	simm.s32 @!p0 $0x1BF5;
	p2 =	por !p2, p0  }
0x20: {  	[sflag:s8] =	ssyncset.s32 @!p0 $0xFFFFF086;
	s6 =	sadd.s32 @!p0 s3, s7;
	s7 =	simm.s32 @!p0 $0x108  }
0x21: {  	s3 =	sadd.s32 s3, s9;
	s6 =	sadd.s32 @!p0 $0x88, s6;
	s7 =	simm.s32 @p2 $0x1082  }
0x22: {  	[simem:s7], [sflag:s8] =	dma.local @!p0 [hbm:s6], $0xF7A  }
0x23: {  	s9 =	sor.u32 $0xD0000000, s2;
	s6 =	simm.s32 $0x108;
	_ =	swait.ge @!p0 [sflag:s8], $0x0  }
0x24: {  	s3 =	sadd.s32 $0x88, s3;
	s6 =	simm.s32 @!p1 $0x1082;
	[sflag:s4] =	ssyncset.s32 $0xFFFFF086  }
0x25: {  	[simem:s6], [sflag:s4] =	dma.local [hbm:s3], $0xF7A  }
0x26: {  	[smem:$0x3F98] =	sst s1;
	(tag) =	ssettag s2;
	_ =	strace s9  }
0x27: {  	s1 =	sld [smem:$0x3FA8]  }
0x28: {  	s2 =	sld [smem:$0x3FA9]  }
0x29: {  	s4 =	sld [smem:$0x3FAB]  }
0x2a: {  	p0 =	seq.s32 s5, $0x0;
	s5 =	sld [smem:$0x3FAC]  }
0x2b: {  	s6 =	sld [smem:$0x3FAD]  }
0x2c: {  	s7 =	sld [smem:$0x3FAE]  }
0x2d: {  	s3 =	simm.s32 $0x108;
	s8 =	sld [smem:$0x3FAF]  }
0x2e: {  	s3 =	simm.s32 @!p0 $0x1082;
	s9 =	sld [smem:$0x3FB0]  }
0x2f: {  	lr =	sadd.s32 s0, s3;
	s0 =	sld [smem:$0x3FA7]  }
0x30: {  	s3 =	sld [smem:$0x3FAA]  }
0x31: {  	[smem:$0x3FB3] =	sst s10  }
0x32: {  	s10 =	sld [smem:$0x3FB1];
	_ =	sdelay $0x3  }
0x33: {  	p0 =	seq.s32 s10, $0x1;
	s10 =	sld [smem:$0x3FB3];
	_ =	sdelay $0x3  }
0x34: {  	[smem:$0x3FB3] =	sst s10  }
0x35: {  	s10 =	sld [smem:$0x3FB2];
	_ =	sdelay $0x3  }
0x36: {  	p1 =	seq.s32 s10, $0x1;
	s10 =	sld [smem:$0x3FB3];
	_ =	sdelay $0x3  }
0x37: {  	[smem:$0x3FB3] =	sst s10  }
0x38: {  	s10 =	sld [smem:$0x3FB4]  }
0x39: {  	_ = 	snop;
	(pc) =	sbr.ind lr, $3  }
0x3a: {  	_ = 	snop  }
0x3b: {  	_ = 	snop  }
0x3c: {  	p2 =	seq.s32 s10, $0x1;
	s10 =	sld [smem:$0x3FB3]  }
0x3d: {  	_ =	shalt  }
0x3e: {  	_ =	shalt  }
0x3f: {  	_ =	shalt  }
0x40: {  	_ =	shalt  }
0x41: {  	_ =	shalt  }
0x42: {  	_ =	shalt  }
0x43: {  	_ =	shalt  }
0x44: {  	_ =	shalt  }
0x45: {  	_ =	shalt  }
0x46: {  	_ =	shalt  }
0x47: {  	_ =	shalt  }
0x48: {  	_ =	shalt  }
0x49: {  	_ =	shalt  }
0x4a: {  	_ =	shalt  }
0x4b: {  	_ =	shalt  }
0x4c: {  	_ =	shalt  }
0x4d: {  	_ =	shalt  }
0x4e: {  	_ =	shalt  }
0x4f: {  	_ =	shalt  }
0x50: {  	_ =	shalt  }
0x51: {  	_ =	shalt  }
0x52: {  	_ =	shalt  }
0x53: {  	_ =	shalt  }
0x54: {  	_ =	shalt  }
0x55: {  	_ =	shalt  }
0x56: {  	_ =	shalt  }
0x57: {  	_ =	shalt  }
0x58: {  	_ =	shalt  }
0x59: {  	_ =	shalt  }
0x5a: {  	_ =	shalt  }
0x5b: {  	_ =	shalt  }
0x5c: {  	_ =	shalt  }
0x5d: {  	_ =	shalt  }
0x5e: {  	_ =	shalt  }
0x5f: {  	_ =	shalt  }
0x60: {  	_ =	shalt  }
0x61: {  	_ =	shalt  }
0x62: {  	_ =	shalt  }
0x63: {  	_ =	shalt  }
0x64: {  	_ =	shalt  }
0x65: {  	_ =	shalt  }
0x66: {  	_ =	shalt  }
0x67: {  	_ =	shalt  }
0x68: {  	_ =	shalt  }
0x69: {  	_ =	shalt  }
0x6a: {  	_ =	shalt  }
0x6b: {  	_ =	shalt  }
0x6c: {  	_ =	shalt  }
0x6d: {  	_ =	shalt  }
0x6e: {  	_ =	shalt  }
0x6f: {  	_ =	shalt  }
0x70: {  	_ =	shalt  }
0x71: {  	_ =	shalt  }
0x72: {  	_ =	shalt  }
0x73: {  	_ =	shalt  }
0x74: {  	_ =	shalt  }
0x75: {  	_ =	shalt  }
0x76: {  	_ =	shalt  }
0x77: {  	_ =	shalt  }
0x78: {  	_ =	shalt  }
0x79: {  	_ =	shalt  }
0x7a: {  	_ =	shalt  }
0x7b: {  	_ =	shalt  }
0x7c: {  	_ =	shalt  }
0x7d: {  	_ =	shalt  }
0x7e: {  	_ =	shalt  }
0x7f: {  	_ =	shalt  }
0x80: {  	_ =	shalt  }
0x81: {  	_ =	shalt  }
0x82: {  	_ =	shalt  }
0x83: {  	_ =	shalt  }
0x84: {  	_ =	shalt  }
0x85: {  	_ =	shalt  }
0x86: {  	_ =	shalt  }
0x87: {  	_ =	shalt  }
.Lfunc_end0:
.L_simem_size_0:
called_computation.1_lowered:
.L_overlay_start_0:
0x88: {  	s2 =	sld [smem:$0x3FD9]  }
0x89: {  	s3 =	sld [smem:$0x3FFE];
	_ =	sdelay $0x1  }
0x8a: {  	s1 =	srdreg.scid  }
0x8b: {  	s0 =	sand.u32 $0x1, s1  }
0x8c: {  	s17 =	sshll.u32 s0, $0xA;
	s2 =	sadd.s32 s3, s2  }
0x8d: {  	s2 =	sadd.s32 s2, s17  }
0x8e: {  	[smem:$0x3FBF] =	sst s2  }
0x8f: {  	_ = 	snop  }
0x90: {  	(tm) =	ssettm $0x1  }
0x91: {  	s18 =	sld [smem:$0x3FFB];
	_ =	sdelay $0x3  }
0x92: {  	_ =	strace s18  }
0x93: {  	s2 =	sld [smem:$0x3FFC];
	_ =	sdelay $0x3  }
0x94: {  	_ =	strace s2  }
0x95: {  	s2 =	sld [smem:$0x3FFD];
	_ =	sdelay $0x3  }
0x96: {  	_ =	strace s2  }
0x97: {  	_ =	strace $0x8FFFFFFF  }
0x98: {  	s19 =	sld [smem:$0x3FDB];
	_ =	sdelay $0x1  }
0x99: {  	s20 =	simm.s32 $_scs_section_size  }
0x9a: {  	s4 =	simm.s32 $_size__tile_overlayer_lowered;
	s5 =	simm.s32 $_tile_overlayer_lowered  }
0x9b: {  	s6 =	simm.s32 $0x1BFF;
	s21 =	sshll.u32 s5, $0x1;
	s3 =	sadd.s32 s20, s19  }
0x9c: {  	s22 =	simm.s32 $0x0;
	s4 =	sshll.u32 s4, $0x1;
	s5 =	sadd.s32 s21, s3  }
0x9d: {  	[timem:s22], [sflag:s6] =	dma.local [hbm:s5], s4  }
0x9e: {  	_ =	swait.ge [sflag:s6], s4  }
0x9f: {  	s4 =	ssub.s32 $0x0, s4;
	[sflag:s6] =	ssyncset.done $0x0  }
0xa0: {  	[sflag:s6] =	ssyncadd.s32 s4;
	_ =	sdelay $0x1  }
0xa1: {  	s23 =	simm.s32 $0x1B8B  }
0xa2: {  	_ =	swait.ge [sflag:s23], $0x1  }
0xa3: {  	[sflag:s23] =	ssyncset.done $0x0  }
0xa4: {  	[sflag:s23] =	ssyncadd.s32 $0xFFFFFFFF  }
0xa5: {  	s4 =	sld [smem:$0x0]  }
0xa6: {  	s5 =	sand.u32 $0xFFFFFFFE, s1  }
0xa7: {  	p0 =	sne.s32 s1, s5  }
0xa8: {  	s5 =	sshll.u32 @p0 s5, $0xE  }
0xa9: {  	s5 =	sadd.s32 @p0 $0x11B8D, s5;
	s6 =	sshll.u32 @p0 s4, $0x11  }
0xaa: {  	s5 =	sor.u32 @p0 s6, s5  }
0xab: {  	[sflag:s5] =	ssyncadd.remote.s32 @p0 $0x1;
	_ =	sdelay $0x1  }
0xac: {  	s5 =	simm.s32 @p0 $0x1B8D  }
0xad: {  	_ =	swait.eq @p0 [sflag:s5], $0x1  }
0xae: {  	[sflag:s5] =	ssyncadd.s32 @p0 $0xFFFFFFFF  }
0xaf: {  	s6 =	sshll.u32 @!p0 s1, $0xE  }
0xb0: {  	s6 =	sor.u32 @!p0 $0x4000, s6;
	s5 =	simm.s32 @!p0 $0x1B8D  }
0xb1: {  	s4 =	sshll.u32 @!p0 s4, $0x11;
	s6 =	sadd.s32 @!p0 $0x11B8D, s6;
	_ =	swait.eq @!p0 [sflag:s5], $0x1  }
0xb2: {  	s4 =	sor.u32 @!p0 s4, s6;
	[sflag:s5] =	ssyncadd.s32 @!p0 $0xFFFFFFFF  }
0xb3: {  	s25 =	simm.s32 $0x1B8E;
	s24 =	sld [smem:$0x3FFE];
	[sflag:s4] =	ssyncadd.remote.s32 @!p0 $0x1  }
0xb4: {  	s26 =	simm.s32 $execute0_lowered;
	[smem:$0x3FD2] =	sst s25  }
0xb5: {  	s5 =	sshll.u32 s26, $0x1;
	_ =	strace $0x80000049;
	[dreg:$0x1] =	wrdreg $0xFFFFFFFF  }
0xb6: {  	s28 =	simm.s32 $_size_execute0_lowered;
	s3 =	sadd.s32 s3, s5;
	[dreg:$0x0] =	wrdreg $0x0  }
0xb7: {  	s5 =	sshll.u32 s28, $0x1;
	[dreg:$0x2] =	wrdreg s3  }
0xb8: {  	[dreg:$0x3] =	wrdreg s5  }
0xb9: {  	[dreg:$0x4] =	wrdreg $0xC0  }
0xba: {  	_ =	task [dreg:s22], $0x5FFFF  }
0xbb: {  	[dreg:$0x1] =	wrdreg $0xFFFFFFFF  }
0xbc: {  	[dreg:$0x0] =	wrdreg $0x60  }
0xbd: {  	[dreg:$0x2] =	wrdreg s24  }
0xbe: {  	[dreg:$0x3] =	wrdreg $0x9  }
0xbf: {  	_ =	task.clear_ibuf [dreg:s22], $0x4FFFF;
	_ =	strace $0x90000049  }
0xc0: {  	s29 =	simm.s32 $0x9;
	_ =	strace $0x8000004B  }
0xc1: {  	_ =	swait.ge [sflag:s29], $0x1  }
0xc2: {  	[sflag:s29] =	ssyncadd.s32 $0xFFFFFFFF  }
0xc3: {  	_ =	strace $0x9000004B  }
0xc4: {  	_ =	sfence  }
0xc5: {  	s30 =	sld [smem:$0x0];
	_ =	sdelay $0x2  }
0xc6: {  	s31 =	sshll.u32 s1, $0xD;
	s1 =	sshrl.u32 s1, $0x2  }
0xc7: {  	s4 =	sand.u32 $0x4000, s31;
	s1 =	sadd.s32 s1, s30  }
0xc8: {  	s0 =	sor.u32 s4, s0;
	s1 =	sshll.u32 s1, $0x11  }
0xc9: {  	s0 =	sor.u32 s1, s0  }
0xca: {  	s0 =	sadd.s32 $0x8F2B, s0  }
0xcb: {  	[sflag:s0] =	ssyncadd.remote.s32 $0x1  }
0xcc: {  	_ =	sfence.sel $0xFFFF  }
0xcd: {  	[dreg:$0x0] =	wrdreg $0xFFFFFFFF;
	(pc) =	sbr.abs _section_cstart, $3  }
0xce: {  	[dreg:$0x1] =	wrdreg $0xFFFFFFFF  }
0xcf: {  	_ =	task.clear_ibuf [dreg:s22], $0x2FFFF;
	_ =	strace $0x9FFFFFFF  }
0xd0: {  	(tm) =	ssettm $0x7FFFFFFF  }
0xd1: {  	_ =	shalt  }
tec
execute0_lowered:
.L_overlay_start_1:
0x0: {  	(tag) =	ssettag $0x1  }
0x1: {  	s0 =	stileid.u32;
	s1 =	srdreg.scid  }
0x2: {  	s1 =	sand.u32 $0x1, s1;
	s2 =	sshll.u32 s0, $0x1  }
0x3: {  	s1 =	sor.u32 s2, s1  }
0x4: {  	s2 =	smul.u32 $0x7D00, s1;
	_ =	sdelay $0x1  }
0x5: {  	s6 =	ssub.s32 $0x30D400, s2  }
0x6: {  	s3 =	smulhi.u32 $0x83127, s6  }
0x7: {  	s8 =	rddreg [dreg:$0x0];
	s5 =	simm.s32 $0x1;
	s10 =	simm.s32 $0x3  }
0x8: {  	s13 =	simm.s32 $0x0;
	s12 =	simm.s32 $0x0;
	s7 =	sshrl.u32 s3, $0x7  }
0x9: {  	s1 =	rddreg [dreg:$0x1];
	_ =	strace $0x8000004A;
	s9 =	smul.u32 $0xFA000, s7  }
.Ltmp0:
0xa: {  	s4 =	sadd.s32 $0x311200, s8;
	[sflag:s5] =	ssyncpa.u1 $0x0;
	(pc) =	sbr.rel .LBB2_1-.Ltmp0, $4  }
0xb: {  	s11 =	smov.u32 s2;
	p0 =	sne.s32 s6, s9;
	s9 =	simm.s32 $0x1  }
0xc: {  	s3 =	sadd.s32 $0x1EBE00, s8;
	s6 =	simm.s32 $0x2;
	s9 =	simm.s32 @!p0 $0x0  }
0xd: {  	s8 =	sadd.s32 $0x65400, s8;
	[sflag:s6] =	ssyncpa.u1 $0x0;
	s7 =	sadd.s32 s9, s7  }
0xe: {  	vm0 =	vmmov $0xffff;
	[sflag:s10] =	ssyncpa.u1 $0x0;
	s10 =	simm.s32 $0x0;
	s9 =	sadd.s32 $0x1, s7  }
.LBB2_4:
0xf: {  	v2 =	vnsel vm1, $0x0, v2  }
0x10: {  	vm1 =	vgt.s32 v0, $0x0;
	v2 =	vmin.u32 v2, $0x30D3FF  }
0x11: {  	v0 =	vnsel vm1, $0x0, v0  }
0x12: {  	v0 =	vmin.u32 v0, $0x30D3FF  }
0x13: {  	[tilespmem:s18], [sflag:$0x1] =	stream.indirect_vreg.gather [hbm4b:s3+s10], $0x1, v1, vm0, $0x4038;
	[tilespmem:$0x1F400] =	vst v63  }
0x14: {  	(ifvalue) =	ssetifvalue $0x7FFFFFFF  }
0x15: {  	[tilespmem:s15], [sflag:$0x1] =	stream.indirect_vreg.gather [hbm4b:s3+s10], $0x1, v2, vm0, $0x4038;
	[tilespmem:$0x1F400] =	vst v63  }
0x16: {  	s29 =	sadd.s32 $0x10, s15;
	(ifvalue) =	ssetifvalue $0x7FFFFFFF  }
0x17: {  	[tilespmem:s29], [sflag:$0x1] =	stream.indirect_vreg.gather [hbm4b:s3+s10], $0x1, v0, vm0, $0x4038;
	[tilespmem:$0x1F400] =	vst v63  }
0x18: {  	_ =	swait.ge [sflag:s5], $0x7D00  }
0x19: {  	s30 =	sshrl.u32 s13, $0x3;
	[sflag:s5] =	ssyncset.done $0x0  }
0x1a: {  	s31 =	sand.u32 $0x7, s13;
	s15 =	sadd.s32 s8, s30;
	[sflag:s5] =	ssyncadd.s32 $0xFFFF8300  }
0x1b: {  	[hbm4b:s15+s31] =	stream.linear.scatter [tilespmem:s14], [sflag:$0x3], $0x7D00, $0x38;
	[tilespmem:$0x1F400] =	vst v63  }
.LBB2_5:
0x1c: {  	s15 =	sadd.s32 $0xFA000, s11  }
0x1d: {  	p1 =	sgt.s32 s15, $0x30D3FF  }
0x1e: {  	s15 =	smov.u32 @p1 s2;
	p1 =	sne.s32 s12, s9  }
.Ltmp1:
0x1f: {  	p0 =	slt.u32 s12, $0x2;
	(pc) =	sbr.rel @!p1 .LBB2_6-.Ltmp1, $4  }
0x20: {  	s14 =	simm.s32 @!p0 $0x3  }
0x21: {  	_ =	swait.ge @!p0 [sflag:s14], $0x7D00  }
0x22: {  	s16 =	sadd.s32 $0x1, s12;
	s13 =	smov.u32 s11;
	[sflag:s14] =	ssyncset.done @!p0 $0x0  }
0x23: {  	s12 =	smov.u32 s16;
	s11 =	smov.u32 s15;
	[sflag:s14] =	ssyncadd.s32 @!p0 $0xFFFF8300  }
.LBB2_1:
0x24: {  	p0 =	sge.u32 s12, s7  }
0x25: {  	s14 =	sxor.u32 @!p0 $0xFFFFFFFF, s12  }
0x26: {  	s14 =	sand.u32 @!p0 $0x1, s14  }
0x27: {  	s14 =	smul.u32 @!p0 $0x1F400, s14  }
0x28: {  	s31 =	sadd.s32 $0xFFFFFFFF, s12;
	s15 =	sshrl.u32 @!p0 s11, $0x3  }
0x29: {  	s16 =	sand.u32 @!p0 $0x7, s11;
	s15 =	sadd.s32 @!p0 s4, s15;
	s14 =	sshrl.u32 @!p0 s14, $0x2  }
0x2a: {  	[tilespmem:s14], [sflag:$0x2] =	stream.linear.gather @!p0 [hbm4b:s15+s16], $0x7D00, $0x38;
	[tilespmem:$0x1F400] =	vst v63  }
0x2b: {  	p0 =	sge.u32 s31, s7  }
.Ltmp2:
0x2c: {  	_ = 	snop;
	(pc) =	sbr.rel @p0 .LBB2_5-.Ltmp2, $1  }
0x2d: {  	_ =	sdelay $0x3  }
0x2e: {  	s14 =	sand.u32 $0x1, s12  }
0x2f: {  	_ =	swait.ge [sflag:s6], $0x7D00;
	p0 =	seq.s32 s14, $0x1;
	s14 =	simm.s32 $0x7D00  }
0x30: {  	[sflag:s6] =	ssyncset.done $0x0;
	s14 =	simm.s32 @!p0 $0x0  }
0x31: {  	[sflag:s6] =	ssyncadd.s32 $0xFFFF8300;
	(ifvalue) =	ssetifvalue $0x7FFFFFFF;
	v0 =	vld.msk [tilespmem:s14+$0x0 ss:$0x1], $0xffff;
	_ =	sdelay $0x4  }
0x32: {  	s15 =	sadd.s32 $0x10, s14;
	vm1 =	vgt.s32 v0, $0x0  }
0x33: {  	v2 =	vld.msk [tilespmem:s15+$0x0 ss:$0x1], $0xffff;
	v1 =	vnsel vm1, $0x0, v0  }
0x34: {  	v1 =	vmin.u32 v1, $0x30D3FF;
	_ =	sdelay $0x2  }
0x35: {  	s17 =	simm.s32 $0x20;
	s14 =	sadd.s32 $0xFA00, s14;
	s16 =	sadd.s32 $0x10, s15  }
0x36: {  	s15 =	sadd.s32 $0x10, s14;
	s18 =	smov.u32 s14;
	v0 =	vld.msk [tilespmem:s16+$0x0 ss:$0x1], $0xffff;
	vm1 =	vgt.s32 v2, $0x0;
	(ifvalue) =	ssetifvalue $0x7FFFFFFF  }
.LBB2_3:
0x37: {  	[tilespmem:s18], [sflag:$0x1] =	stream.indirect_vreg.gather [hbm4b:s3+s10], $0x1, v1, vm0, $0x4038;
	[tilespmem:$0x1F400] =	vst v63  }
0x38: {  	s17 =	sadd.s32 $0x10, s17  }
0x39: {  	v2 =	vnsel vm1, $0x0, v2;
	p0 =	slt.u32 s17, $0x7CF0  }
.Ltmp3:
0x3a: {  	s18 =	smov.u32 s15;
	v1 =	vmin.u32 v2, $0x30D3FF;
	(pc) =	sbr.rel @p0 .LBB2_3-.Ltmp3, $3  }
0x3b: {  	_ =	sdelay $0x1  }
0x3c: {  	s16 =	sadd.s32 $0x10, s16  }
0x3d: {  	vm1 =	vgt.s32 v0, $0x0;
	s15 =	sadd.s32 $0x10, s15;
	v2 =	vmov v0;
	(ifvalue) =	ssetifvalue $0x7FFFFFFF;
	v0 =	vld.msk [tilespmem:s16+$0x0 ss:$0x1], $0xffff  }
.Ltmp4:
0x3e: {  	_ = 	snop;
	(pc) =	sbr.rel .LBB2_4-.Ltmp4, $1  }
0x3f: {  	_ =	sdelay $0x3  }
.LBB2_6:
0x40: {  	_ =	sfence.sel $0x180000  }
0x41: {  	s2 =	simm.s32 $0x2;
	[bflag:$0x0] =	sbarrier.arrive $0xFFFF  }
0x42: {  	s30 =	simm.s32 $0x3;
	[sflag:s2] =	ssyncpa.u1 $0x1  }
0x43: {  	s31 =	simm.s32 $0x1;
	[sflag:s30] =	ssyncpa.u1 $0x1  }
0x44: {  	[sflag:s31] =	ssyncpa.u1 $0x1  }
0x45: {  	p0 =	sne.s32 s0, $0x0;
	_ =	strace $0x9000004A  }
0x46: {  	s0 =	sadd.s32 @!p0 $0x100000, s1;
	[bflag:$0x2] =	sbarrier.arrive $0xFFFF  }
0x47: {  	[sflag:s0] =	ssyncadd.tile.s32 @!p0 $0x1;
	_ =	shalt  }
.Lfunc_end2:
_tile_overlayer_lowered:
.L_overlay_start_2:
0x48: {  	(tag) =	ssettag $0x2  }
0x49: {  	s0 =	rddreg [dreg:$0x0];
	s2 =	stileid.u32  }
0x4a: {  	s1 =	rddreg [dreg:$0x1];
	p0 =	sne.s32 s2, $0x0  }
0x4b: {  	s3 =	rddreg [dreg:$0x2];
	[bflag:$0x3] =	sbarrier.arrive $0xFFFF;
	s2 =	simm.s32 @!p0 $0x1C01  }
0x4c: {  	[timem:s3], [sflag:s2] =	dma.local @!p0 [hbm:s0], s1  }
0x4d: {  	s0 =	simm.s32 @!p0 $0x1  }
0x4e: {  	_ =	swait.ge @!p0 [sflag:s0], s1  }
0x4f: {  	s1 =	ssub.s32 @!p0 $0x0, s1;
	[sflag:s0] =	ssyncset.done @!p0 $0x0  }
0x50: {  	[sflag:s0] =	ssyncadd.s32 @!p0 s1  }
0x51: {  	[bflag:$0x3] =	sbarrier.arrive $0xFFFF  }
0x52: {  	_ =	shalt  }

// kernel: gather_offload_async_start.2
scs
__scs_entry_jumppad:
0x0: {  	(pc) =	sbr.rel $0x88, $3  }
0x1: {  	(tag) =	ssettag $0x0;
	lr =	simm.s32 $0x1  }
0x2: {  	[smem:$0x3F98] =	sst lr;
	_ =	strace $0xD0000000  }
0x3: {  	_ = 	snop  }
0x4: {  	_ = 	snop  }
0x5: {  	_ = 	snop  }
0x6: {  	_ = 	snop  }
0x7: {  	_ = 	snop  }
__scs_overlays_trampoline_lowered:
0x8: {  	[smem:$0x3FA7] =	sst s0  }
0x9: {  	[smem:$0x3FA8] =	sst s1  }
0xa: {  	[smem:$0x3FA9] =	sst s2  }
0xb: {  	[smem:$0x3FAA] =	sst s3  }
0xc: {  	[smem:$0x3FAB] =	sst s4  }
0xd: {  	[smem:$0x3FAC] =	sst s5  }
0xe: {  	[smem:$0x3FAD] =	sst s6  }
0xf: {  	[smem:$0x3FAE] =	sst s7  }
0x10: {  	[smem:$0x3FAF] =	sst s8  }
0x11: {  	[smem:$0x3FB0] =	sst s9;
	s0 =	simm.s32 @!p0 $0x0  }
0x12: {  	s1 =	sld [smem:$0x3F96];
	s0 =	simm.s32 @p0 $0x1  }
0x13: {  	[smem:$0x3FB1] =	sst s0;
	s0 =	simm.s32 @!p1 $0x0  }
0x14: {  	s2 =	sld [smem:$0x3F95];
	s0 =	simm.s32 @p1 $0x1  }
0x15: {  	[smem:$0x3FB2] =	sst s0;
	s0 =	simm.s32 @!p2 $0x0  }
0x16: {  	s3 =	sld [smem:$0x3FDB];
	s0 =	simm.s32 @p2 $0x1  }
0x17: {  	s4 =	simm.s32 $0x1BF5;
	[smem:$0x3FB4] =	sst s0  }
0x18: {  	s0 =	sld [smem:$0x3F97];
	_ =	swait.ge [sflag:s4], $0x0  }
0x19: {  	s7 =	sld [smem:$0x3F98]  }
0x1a: {  	s8 =	sadd.s32 $0xFFFFE003, lr  }
0x1b: {  	s9 =	sadd.s32 $0xFFFFFEF7, lr;
	s5 =	simm.s32 $0xFFFFFFFF;
	p2 =	slt.u32 s8, $0xFFFFF086  }
0x1c: {  	p1 =	slt.u32 s9, $0xF7A;
	s5 =	simm.s32 @!p2 $0x0  }
0x1d: {  	s5 =	simm.s32 @p1 $0x1;
	p0 =	seq.s32 s7, s2  }
0x1e: {  	s7 =	smul.u32 @!p0 $0xF7A, s2;
	p2 =	seq.s32 @!p0 s5, $0x0  }
0x1f: {  	s9 =	smul.u32 $0xF7A, s1;
	s8 =	simm.s32 @!p0 $0x1BF5;
	p2 =	por !p2, p0  }
0x20: {  	[sflag:s8] =	ssyncset.s32 @!p0 $0xFFFFF086;
	s6 =	sadd.s32 @!p0 s3, s7;
	s7 =	simm.s32 @!p0 $0x108  }
0x21: {  	s3 =	sadd.s32 s3, s9;
	s6 =	sadd.s32 @!p0 $0x88, s6;
	s7 =	simm.s32 @p2 $0x1082  }
0x22: {  	[simem:s7], [sflag:s8] =	dma.local @!p0 [hbm:s6], $0xF7A  }
0x23: {  	s9 =	sor.u32 $0xD0000000, s2;
	s6 =	simm.s32 $0x108;
	_ =	swait.ge @!p0 [sflag:s8], $0x0  }
0x24: {  	s3 =	sadd.s32 $0x88, s3;
	s6 =	simm.s32 @!p1 $0x1082;
	[sflag:s4] =	ssyncset.s32 $0xFFFFF086  }
0x25: {  	[simem:s6], [sflag:s4] =	dma.local [hbm:s3], $0xF7A  }
0x26: {  	[smem:$0x3F98] =	sst s1;
	(tag) =	ssettag s2;
	_ =	strace s9  }
0x27: {  	s1 =	sld [smem:$0x3FA8]  }
0x28: {  	s2 =	sld [smem:$0x3FA9]  }
0x29: {  	s4 =	sld [smem:$0x3FAB]  }
0x2a: {  	p0 =	seq.s32 s5, $0x0;
	s5 =	sld [smem:$0x3FAC]  }
0x2b: {  	s6 =	sld [smem:$0x3FAD]  }
0x2c: {  	s7 =	sld [smem:$0x3FAE]  }
0x2d: {  	s3 =	simm.s32 $0x108;
	s8 =	sld [smem:$0x3FAF]  }
0x2e: {  	s3 =	simm.s32 @!p0 $0x1082;
	s9 =	sld [smem:$0x3FB0]  }
0x2f: {  	lr =	sadd.s32 s0, s3;
	s0 =	sld [smem:$0x3FA7]  }
0x30: {  	s3 =	sld [smem:$0x3FAA]  }
0x31: {  	[smem:$0x3FB3] =	sst s10  }
0x32: {  	s10 =	sld [smem:$0x3FB1];
	_ =	sdelay $0x3  }
0x33: {  	p0 =	seq.s32 s10, $0x1;
	s10 =	sld [smem:$0x3FB3];
	_ =	sdelay $0x3  }
0x34: {  	[smem:$0x3FB3] =	sst s10  }
0x35: {  	s10 =	sld [smem:$0x3FB2];
	_ =	sdelay $0x3  }
0x36: {  	p1 =	seq.s32 s10, $0x1;
	s10 =	sld [smem:$0x3FB3];
	_ =	sdelay $0x3  }
0x37: {  	[smem:$0x3FB3] =	sst s10  }
0x38: {  	s10 =	sld [smem:$0x3FB4]  }
0x39: {  	_ = 	snop;
	(pc) =	sbr.ind lr, $3  }
0x3a: {  	_ = 	snop  }
0x3b: {  	_ = 	snop  }
0x3c: {  	p2 =	seq.s32 s10, $0x1;
	s10 =	sld [smem:$0x3FB3]  }
0x3d: {  	_ =	shalt  }
0x3e: {  	_ =	shalt  }
0x3f: {  	_ =	shalt  }
0x40: {  	_ =	shalt  }
0x41: {  	_ =	shalt  }
0x42: {  	_ =	shalt  }
0x43: {  	_ =	shalt  }
0x44: {  	_ =	shalt  }
0x45: {  	_ =	shalt  }
0x46: {  	_ =	shalt  }
0x47: {  	_ =	shalt  }
0x48: {  	_ =	shalt  }
0x49: {  	_ =	shalt  }
0x4a: {  	_ =	shalt  }
0x4b: {  	_ =	shalt  }
0x4c: {  	_ =	shalt  }
0x4d: {  	_ =	shalt  }
0x4e: {  	_ =	shalt  }
0x4f: {  	_ =	shalt  }
0x50: {  	_ =	shalt  }
0x51: {  	_ =	shalt  }
0x52: {  	_ =	shalt  }
0x53: {  	_ =	shalt  }
0x54: {  	_ =	shalt  }
0x55: {  	_ =	shalt  }
0x56: {  	_ =	shalt  }
0x57: {  	_ =	shalt  }
0x58: {  	_ =	shalt  }
0x59: {  	_ =	shalt  }
0x5a: {  	_ =	shalt  }
0x5b: {  	_ =	shalt  }
0x5c: {  	_ =	shalt  }
0x5d: {  	_ =	shalt  }
0x5e: {  	_ =	shalt  }
0x5f: {  	_ =	shalt  }
0x60: {  	_ =	shalt  }
0x61: {  	_ =	shalt  }
0x62: {  	_ =	shalt  }
0x63: {  	_ =	shalt  }
0x64: {  	_ =	shalt  }
0x65: {  	_ =	shalt  }
0x66: {  	_ =	shalt  }
0x67: {  	_ =	shalt  }
0x68: {  	_ =	shalt  }
0x69: {  	_ =	shalt  }
0x6a: {  	_ =	shalt  }
0x6b: {  	_ =	shalt  }
0x6c: {  	_ =	shalt  }
0x6d: {  	_ =	shalt  }
0x6e: {  	_ =	shalt  }
0x6f: {  	_ =	shalt  }
0x70: {  	_ =	shalt  }
0x71: {  	_ =	shalt  }
0x72: {  	_ =	shalt  }
0x73: {  	_ =	shalt  }
0x74: {  	_ =	shalt  }
0x75: {  	_ =	shalt  }
0x76: {  	_ =	shalt  }
0x77: {  	_ =	shalt  }
0x78: {  	_ =	shalt  }
0x79: {  	_ =	shalt  }
0x7a: {  	_ =	shalt  }
0x7b: {  	_ =	shalt  }
0x7c: {  	_ =	shalt  }
0x7d: {  	_ =	shalt  }
0x7e: {  	_ =	shalt  }
0x7f: {  	_ =	shalt  }
0x80: {  	_ =	shalt  }
0x81: {  	_ =	shalt  }
0x82: {  	_ =	shalt  }
0x83: {  	_ =	shalt  }
0x84: {  	_ =	shalt  }
0x85: {  	_ =	shalt  }
0x86: {  	_ =	shalt  }
0x87: {  	_ =	shalt  }
.Lfunc_end0:
.L_simem_size_0:
called_computation.2_lowered:
.L_overlay_start_0:
0x88: {  	s2 =	sld [smem:$0x3FD9]  }
0x89: {  	s3 =	sld [smem:$0x3FFE];
	_ =	sdelay $0x1  }
0x8a: {  	s1 =	srdreg.scid  }
0x8b: {  	s0 =	sand.u32 $0x1, s1  }
0x8c: {  	s16 =	sshll.u32 s0, $0xA;
	s2 =	sadd.s32 s3, s2  }
0x8d: {  	s2 =	sadd.s32 s2, s16  }
0x8e: {  	[smem:$0x3FBF] =	sst s2  }
0x8f: {  	_ = 	snop  }
0x90: {  	(tm) =	ssettm $0x1  }
0x91: {  	s17 =	sld [smem:$0x3FFB];
	_ =	sdelay $0x3  }
0x92: {  	_ =	strace s17  }
0x93: {  	s2 =	sld [smem:$0x3FFC];
	_ =	sdelay $0x3  }
0x94: {  	_ =	strace s2  }
0x95: {  	s2 =	sld [smem:$0x3FFD];
	_ =	sdelay $0x3  }
0x96: {  	_ =	strace s2  }
0x97: {  	_ =	strace $0x8FFFFFFF  }
0x98: {  	s18 =	sld [smem:$0x3FDB];
	_ =	sdelay $0x1  }
0x99: {  	s19 =	simm.s32 $_scs_section_size  }
0x9a: {  	s4 =	simm.s32 $_size__tile_overlayer_lowered;
	s5 =	simm.s32 $_tile_overlayer_lowered  }
0x9b: {  	s22 =	simm.s32 $0x1BFF;
	s21 =	sshll.u32 s5, $0x1;
	s2 =	sadd.s32 s19, s18  }
0x9c: {  	s6 =	simm.s32 $0x0;
	s20 =	sshll.u32 s4, $0x1;
	s4 =	sadd.s32 s21, s2  }
0x9d: {  	[timem:s6], [sflag:s22] =	dma.local [hbm:s4], s20  }
0x9e: {  	_ =	swait.ge [sflag:s22], s20  }
0x9f: {  	s3 =	ssub.s32 $0x0, s20;
	[sflag:s22] =	ssyncset.done $0x0  }
0xa0: {  	[sflag:s22] =	ssyncadd.s32 s3;
	_ =	sdelay $0x1  }
0xa1: {  	s23 =	simm.s32 $0x1B8B  }
0xa2: {  	_ =	swait.ge [sflag:s23], $0x1  }
0xa3: {  	[sflag:s23] =	ssyncset.done $0x0  }
0xa4: {  	s25 =	simm.s32 $0x1B8E;
	s24 =	sld [smem:$0x3FFE];
	[sflag:s23] =	ssyncadd.s32 $0xFFFFFFFF  }
0xa5: {  	s26 =	simm.s32 $execute0_lowered;
	[smem:$0x3FD2] =	sst s25  }
0xa6: {  	s4 =	sshll.u32 s26, $0x1;
	_ =	strace $0x80000046;
	[dreg:$0x1] =	wrdreg $0xFFFFFFFF  }
0xa7: {  	s28 =	simm.s32 $_size_execute0_lowered;
	s2 =	sadd.s32 s2, s4;
	[dreg:$0x0] =	wrdreg $0x0  }
0xa8: {  	s4 =	sshll.u32 s28, $0x1;
	[dreg:$0x2] =	wrdreg s2  }
0xa9: {  	[dreg:$0x3] =	wrdreg s4  }
0xaa: {  	[dreg:$0x4] =	wrdreg $0xC0  }
0xab: {  	_ =	task [dreg:s6], $0x5FFFF  }
0xac: {  	[dreg:$0x1] =	wrdreg $0xFFFFFFFF  }
0xad: {  	[dreg:$0x0] =	wrdreg $0x60  }
0xae: {  	[dreg:$0x2] =	wrdreg s24  }
0xaf: {  	[dreg:$0x3] =	wrdreg $0xA  }
0xb0: {  	_ =	task.clear_ibuf [dreg:s6], $0x4FFFF;
	_ =	strace $0x90000046  }
0xb1: {  	s29 =	simm.s32 $0xA;
	_ =	strace $0x80000048  }
0xb2: {  	_ =	swait.ge [sflag:s29], $0x1  }
0xb3: {  	[sflag:s29] =	ssyncadd.s32 $0xFFFFFFFF  }
0xb4: {  	_ =	strace $0x90000048  }
0xb5: {  	_ =	sfence  }
0xb6: {  	s30 =	sld [smem:$0x0];
	_ =	sdelay $0x2  }
0xb7: {  	s31 =	sshll.u32 s1, $0xD;
	s1 =	sshrl.u32 s1, $0x2  }
0xb8: {  	s3 =	sand.u32 $0x4000, s31;
	s1 =	sadd.s32 s1, s30  }
0xb9: {  	s0 =	sor.u32 s3, s0;
	s1 =	sshll.u32 s1, $0x11  }
0xba: {  	s0 =	sor.u32 s1, s0  }
0xbb: {  	s0 =	sadd.s32 $0x8F2B, s0  }
0xbc: {  	[sflag:s0] =	ssyncadd.remote.s32 $0x1  }
0xbd: {  	_ =	sfence.sel $0xFFFF  }
0xbe: {  	[dreg:$0x0] =	wrdreg $0xFFFFFFFF;
	(pc) =	sbr.abs _section_cstart, $3  }
0xbf: {  	[dreg:$0x1] =	wrdreg $0xFFFFFFFF  }
0xc0: {  	_ =	task.clear_ibuf [dreg:s6], $0x2FFFF;
	_ =	strace $0x9FFFFFFF  }
0xc1: {  	(tm) =	ssettm $0x7FFFFFFF  }
tec
execute0_lowered:
.L_overlay_start_1:
0x0: {  	(tag) =	ssettag $0x1  }
0x1: {  	s0 =	stileid.u32;
	s1 =	srdreg.scid  }
0x2: {  	s1 =	sand.u32 $0x1, s1;
	s2 =	sshll.u32 s0, $0x1  }
0x3: {  	s1 =	sor.u32 s2, s1  }
0x4: {  	s2 =	smul.u32 $0x7D00, s1;
	_ =	sdelay $0x1  }
0x5: {  	s6 =	ssub.s32 $0x30D400, s2  }
0x6: {  	s3 =	smulhi.u32 $0x83127, s6  }
0x7: {  	s8 =	rddreg [dreg:$0x0];
	s5 =	simm.s32 $0x1;
	s10 =	simm.s32 $0x3  }
0x8: {  	s13 =	simm.s32 $0x0;
	s12 =	simm.s32 $0x0;
	s7 =	sshrl.u32 s3, $0x7  }
0x9: {  	s1 =	rddreg [dreg:$0x1];
	_ =	strace $0x80000047;
	s9 =	smul.u32 $0xFA000, s7  }
.Ltmp0:
0xa: {  	s4 =	sadd.s32 $0x311200, s8;
	[sflag:s5] =	ssyncpa.u1 $0x0;
	(pc) =	sbr.rel .LBB2_1-.Ltmp0, $4  }
0xb: {  	s11 =	smov.u32 s2;
	p0 =	sne.s32 s6, s9;
	s9 =	simm.s32 $0x1  }
0xc: {  	s3 =	sadd.s32 $0x24DA00, s8;
	s6 =	simm.s32 $0x2;
	s9 =	simm.s32 @!p0 $0x0  }
0xd: {  	s8 =	sadd.s32 $0x3800, s8;
	[sflag:s6] =	ssyncpa.u1 $0x0;
	s7 =	sadd.s32 s9, s7  }
0xe: {  	vm0 =	vmmov $0xffff;
	[sflag:s10] =	ssyncpa.u1 $0x0;
	s10 =	simm.s32 $0x0;
	s9 =	sadd.s32 $0x1, s7  }
.LBB2_4:
0xf: {  	v2 =	vnsel vm1, $0x0, v2  }
0x10: {  	vm1 =	vgt.s32 v0, $0x0;
	v2 =	vmin.u32 v2, $0x30D3FF  }
0x11: {  	v0 =	vnsel vm1, $0x0, v0  }
0x12: {  	v0 =	vmin.u32 v0, $0x30D3FF  }
0x13: {  	[tilespmem:s18], [sflag:$0x1] =	stream.indirect_vreg.gather [hbm4b:s3+s10], $0x1, v1, vm0, $0x4038;
	[tilespmem:$0x1F400] =	vst v63  }
0x14: {  	(ifvalue) =	ssetifvalue $0x7FFFFFFF  }
0x15: {  	[tilespmem:s15], [sflag:$0x1] =	stream.indirect_vreg.gather [hbm4b:s3+s10], $0x1, v2, vm0, $0x4038;
	[tilespmem:$0x1F400] =	vst v63  }
0x16: {  	s29 =	sadd.s32 $0x10, s15;
	(ifvalue) =	ssetifvalue $0x7FFFFFFF  }
0x17: {  	[tilespmem:s29], [sflag:$0x1] =	stream.indirect_vreg.gather [hbm4b:s3+s10], $0x1, v0, vm0, $0x4038;
	[tilespmem:$0x1F400] =	vst v63  }
0x18: {  	_ =	swait.ge [sflag:s5], $0x7D00  }
0x19: {  	s30 =	sshrl.u32 s13, $0x3;
	[sflag:s5] =	ssyncset.done $0x0  }
0x1a: {  	s31 =	sand.u32 $0x7, s13;
	s15 =	sadd.s32 s8, s30;
	[sflag:s5] =	ssyncadd.s32 $0xFFFF8300  }
0x1b: {  	[hbm4b:s15+s31] =	stream.linear.scatter [tilespmem:s14], [sflag:$0x3], $0x7D00, $0x38;
	[tilespmem:$0x1F400] =	vst v63  }
.LBB2_5:
0x1c: {  	s15 =	sadd.s32 $0xFA000, s11  }
0x1d: {  	p1 =	sgt.s32 s15, $0x30D3FF  }
0x1e: {  	s15 =	smov.u32 @p1 s2;
	p1 =	sne.s32 s12, s9  }
.Ltmp1:
0x1f: {  	p0 =	slt.u32 s12, $0x2;
	(pc) =	sbr.rel @!p1 .LBB2_6-.Ltmp1, $4  }
0x20: {  	s14 =	simm.s32 @!p0 $0x3  }
0x21: {  	_ =	swait.ge @!p0 [sflag:s14], $0x7D00  }
0x22: {  	s16 =	sadd.s32 $0x1, s12;
	s13 =	smov.u32 s11;
	[sflag:s14] =	ssyncset.done @!p0 $0x0  }
0x23: {  	s12 =	smov.u32 s16;
	s11 =	smov.u32 s15;
	[sflag:s14] =	ssyncadd.s32 @!p0 $0xFFFF8300  }
.LBB2_1:
0x24: {  	p0 =	sge.u32 s12, s7  }
0x25: {  	s14 =	sxor.u32 @!p0 $0xFFFFFFFF, s12  }
0x26: {  	s14 =	sand.u32 @!p0 $0x1, s14  }
0x27: {  	s14 =	smul.u32 @!p0 $0x1F400, s14  }
0x28: {  	s31 =	sadd.s32 $0xFFFFFFFF, s12;
	s15 =	sshrl.u32 @!p0 s11, $0x3  }
0x29: {  	s16 =	sand.u32 @!p0 $0x7, s11;
	s15 =	sadd.s32 @!p0 s4, s15;
	s14 =	sshrl.u32 @!p0 s14, $0x2  }
0x2a: {  	[tilespmem:s14], [sflag:$0x2] =	stream.linear.gather @!p0 [hbm4b:s15+s16], $0x7D00, $0x38;
	[tilespmem:$0x1F400] =	vst v63  }
0x2b: {  	p0 =	sge.u32 s31, s7  }
.Ltmp2:
0x2c: {  	_ = 	snop;
	(pc) =	sbr.rel @p0 .LBB2_5-.Ltmp2, $1  }
0x2d: {  	_ =	sdelay $0x3  }
0x2e: {  	s14 =	sand.u32 $0x1, s12  }
0x2f: {  	_ =	swait.ge [sflag:s6], $0x7D00;
	p0 =	seq.s32 s14, $0x1;
	s14 =	simm.s32 $0x7D00  }
0x30: {  	[sflag:s6] =	ssyncset.done $0x0;
	s14 =	simm.s32 @!p0 $0x0  }
0x31: {  	[sflag:s6] =	ssyncadd.s32 $0xFFFF8300;
	(ifvalue) =	ssetifvalue $0x7FFFFFFF;
	v0 =	vld.msk [tilespmem:s14+$0x0 ss:$0x1], $0xffff;
	_ =	sdelay $0x4  }
0x32: {  	s15 =	sadd.s32 $0x10, s14;
	vm1 =	vgt.s32 v0, $0x0  }
0x33: {  	v2 =	vld.msk [tilespmem:s15+$0x0 ss:$0x1], $0xffff;
	v1 =	vnsel vm1, $0x0, v0  }
0x34: {  	v1 =	vmin.u32 v1, $0x30D3FF;
	_ =	sdelay $0x2  }
0x35: {  	s17 =	simm.s32 $0x20;
	s14 =	sadd.s32 $0xFA00, s14;
	s16 =	sadd.s32 $0x10, s15  }
0x36: {  	s15 =	sadd.s32 $0x10, s14;
	s18 =	smov.u32 s14;
	v0 =	vld.msk [tilespmem:s16+$0x0 ss:$0x1], $0xffff;
	vm1 =	vgt.s32 v2, $0x0;
	(ifvalue) =	ssetifvalue $0x7FFFFFFF  }
.LBB2_3:
0x37: {  	[tilespmem:s18], [sflag:$0x1] =	stream.indirect_vreg.gather [hbm4b:s3+s10], $0x1, v1, vm0, $0x4038;
	[tilespmem:$0x1F400] =	vst v63  }
0x38: {  	s17 =	sadd.s32 $0x10, s17  }
0x39: {  	v2 =	vnsel vm1, $0x0, v2;
	p0 =	slt.u32 s17, $0x7CF0  }
.Ltmp3:
0x3a: {  	s18 =	smov.u32 s15;
	v1 =	vmin.u32 v2, $0x30D3FF;
	(pc) =	sbr.rel @p0 .LBB2_3-.Ltmp3, $3  }
0x3b: {  	_ =	sdelay $0x1  }
0x3c: {  	s16 =	sadd.s32 $0x10, s16  }
0x3d: {  	vm1 =	vgt.s32 v0, $0x0;
	s15 =	sadd.s32 $0x10, s15;
	v2 =	vmov v0;
	(ifvalue) =	ssetifvalue $0x7FFFFFFF;
	v0 =	vld.msk [tilespmem:s16+$0x0 ss:$0x1], $0xffff  }
.Ltmp4:
0x3e: {  	_ = 	snop;
	(pc) =	sbr.rel .LBB2_4-.Ltmp4, $1  }
0x3f: {  	_ =	sdelay $0x3  }
.LBB2_6:
0x40: {  	_ =	sfence.sel $0x180000  }
0x41: {  	s2 =	simm.s32 $0x2;
	[bflag:$0x0] =	sbarrier.arrive $0xFFFF  }
0x42: {  	s30 =	simm.s32 $0x3;
	[sflag:s2] =	ssyncpa.u1 $0x1  }
0x43: {  	s31 =	simm.s32 $0x1;
	[sflag:s30] =	ssyncpa.u1 $0x1  }
0x44: {  	[sflag:s31] =	ssyncpa.u1 $0x1  }
0x45: {  	p0 =	sne.s32 s0, $0x0;
	_ =	strace $0x90000047  }
0x46: {  	s0 =	sadd.s32 @!p0 $0x100000, s1;
	[bflag:$0x2] =	sbarrier.arrive $0xFFFF  }
0x47: {  	[sflag:s0] =	ssyncadd.tile.s32 @!p0 $0x1;
	_ =	shalt  }
.Lfunc_end2:
_tile_overlayer_lowered:
.L_overlay_start_2:
0x48: {  	(tag) =	ssettag $0x2  }
0x49: {  	s0 =	rddreg [dreg:$0x0];
	s2 =	stileid.u32  }
0x4a: {  	s1 =	rddreg [dreg:$0x1];
	p0 =	sne.s32 s2, $0x0  }
0x4b: {  	s3 =	rddreg [dreg:$0x2];
	[bflag:$0x3] =	sbarrier.arrive $0xFFFF;
	s2 =	simm.s32 @!p0 $0x1C01  }
0x4c: {  	[timem:s3], [sflag:s2] =	dma.local @!p0 [hbm:s0], s1  }
0x4d: {  	s0 =	simm.s32 @!p0 $0x1  }
0x4e: {  	_ =	swait.ge @!p0 [sflag:s0], s1  }
0x4f: {  	s1 =	ssub.s32 @!p0 $0x0, s1;
	[sflag:s0] =	ssyncset.done @!p0 $0x0  }
0x50: {  	[sflag:s0] =	ssyncadd.s32 @!p0 s1  }
0x51: {  	[bflag:$0x3] =	sbarrier.arrive $0xFFFF  }
0x52: {  	_ =	shalt  }

// kernel: gather_offload_async_start
scs
__scs_entry_jumppad:
0x0: {  	(pc) =	sbr.rel $0x88, $3  }
0x1: {  	(tag) =	ssettag $0x0;
	lr =	simm.s32 $0x1  }
0x2: {  	[smem:$0x3F98] =	sst lr;
	_ =	strace $0xD0000000  }
0x3: {  	_ = 	snop  }
0x4: {  	_ = 	snop  }
0x5: {  	_ = 	snop  }
0x6: {  	_ = 	snop  }
0x7: {  	_ = 	snop  }
__scs_overlays_trampoline_lowered:
0x8: {  	[smem:$0x3FA7] =	sst s0  }
0x9: {  	[smem:$0x3FA8] =	sst s1  }
0xa: {  	[smem:$0x3FA9] =	sst s2  }
0xb: {  	[smem:$0x3FAA] =	sst s3  }
0xc: {  	[smem:$0x3FAB] =	sst s4  }
0xd: {  	[smem:$0x3FAC] =	sst s5  }
0xe: {  	[smem:$0x3FAD] =	sst s6  }
0xf: {  	[smem:$0x3FAE] =	sst s7  }
0x10: {  	[smem:$0x3FAF] =	sst s8  }
0x11: {  	[smem:$0x3FB0] =	sst s9;
	s0 =	simm.s32 @!p0 $0x0  }
0x12: {  	s1 =	sld [smem:$0x3F96];
	s0 =	simm.s32 @p0 $0x1  }
0x13: {  	[smem:$0x3FB1] =	sst s0;
	s0 =	simm.s32 @!p1 $0x0  }
0x14: {  	s2 =	sld [smem:$0x3F95];
	s0 =	simm.s32 @p1 $0x1  }
0x15: {  	[smem:$0x3FB2] =	sst s0;
	s0 =	simm.s32 @!p2 $0x0  }
0x16: {  	s3 =	sld [smem:$0x3FDB];
	s0 =	simm.s32 @p2 $0x1  }
0x17: {  	s4 =	simm.s32 $0x1BF5;
	[smem:$0x3FB4] =	sst s0  }
0x18: {  	s0 =	sld [smem:$0x3F97];
	_ =	swait.ge [sflag:s4], $0x0  }
0x19: {  	s7 =	sld [smem:$0x3F98]  }
0x1a: {  	s8 =	sadd.s32 $0xFFFFE003, lr  }
0x1b: {  	s9 =	sadd.s32 $0xFFFFFEF7, lr;
	s5 =	simm.s32 $0xFFFFFFFF;
	p2 =	slt.u32 s8, $0xFFFFF086  }
0x1c: {  	p1 =	slt.u32 s9, $0xF7A;
	s5 =	simm.s32 @!p2 $0x0  }
0x1d: {  	s5 =	simm.s32 @p1 $0x1;
	p0 =	seq.s32 s7, s2  }
0x1e: {  	s7 =	smul.u32 @!p0 $0xF7A, s2;
	p2 =	seq.s32 @!p0 s5, $0x0  }
0x1f: {  	s9 =	smul.u32 $0xF7A, s1;
	s8 =	simm.s32 @!p0 $0x1BF5;
	p2 =	por !p2, p0  }
0x20: {  	[sflag:s8] =	ssyncset.s32 @!p0 $0xFFFFF086;
	s6 =	sadd.s32 @!p0 s3, s7;
	s7 =	simm.s32 @!p0 $0x108  }
0x21: {  	s3 =	sadd.s32 s3, s9;
	s6 =	sadd.s32 @!p0 $0x88, s6;
	s7 =	simm.s32 @p2 $0x1082  }
0x22: {  	[simem:s7], [sflag:s8] =	dma.local @!p0 [hbm:s6], $0xF7A  }
0x23: {  	s9 =	sor.u32 $0xD0000000, s2;
	s6 =	simm.s32 $0x108;
	_ =	swait.ge @!p0 [sflag:s8], $0x0  }
0x24: {  	s3 =	sadd.s32 $0x88, s3;
	s6 =	simm.s32 @!p1 $0x1082;
	[sflag:s4] =	ssyncset.s32 $0xFFFFF086  }
0x25: {  	[simem:s6], [sflag:s4] =	dma.local [hbm:s3], $0xF7A  }
0x26: {  	[smem:$0x3F98] =	sst s1;
	(tag) =	ssettag s2;
	_ =	strace s9  }
0x27: {  	s1 =	sld [smem:$0x3FA8]  }
0x28: {  	s2 =	sld [smem:$0x3FA9]  }
0x29: {  	s4 =	sld [smem:$0x3FAB]  }
0x2a: {  	p0 =	seq.s32 s5, $0x0;
	s5 =	sld [smem:$0x3FAC]  }
0x2b: {  	s6 =	sld [smem:$0x3FAD]  }
0x2c: {  	s7 =	sld [smem:$0x3FAE]  }
0x2d: {  	s3 =	simm.s32 $0x108;
	s8 =	sld [smem:$0x3FAF]  }
0x2e: {  	s3 =	simm.s32 @!p0 $0x1082;
	s9 =	sld [smem:$0x3FB0]  }
0x2f: {  	lr =	sadd.s32 s0, s3;
	s0 =	sld [smem:$0x3FA7]  }
0x30: {  	s3 =	sld [smem:$0x3FAA]  }
0x31: {  	[smem:$0x3FB3] =	sst s10  }
0x32: {  	s10 =	sld [smem:$0x3FB1];
	_ =	sdelay $0x3  }
0x33: {  	p0 =	seq.s32 s10, $0x1;
	s10 =	sld [smem:$0x3FB3];
	_ =	sdelay $0x3  }
0x34: {  	[smem:$0x3FB3] =	sst s10  }
0x35: {  	s10 =	sld [smem:$0x3FB2];
	_ =	sdelay $0x3  }
0x36: {  	p1 =	seq.s32 s10, $0x1;
	s10 =	sld [smem:$0x3FB3];
	_ =	sdelay $0x3  }
0x37: {  	[smem:$0x3FB3] =	sst s10  }
0x38: {  	s10 =	sld [smem:$0x3FB4]  }
0x39: {  	_ = 	snop;
	(pc) =	sbr.ind lr, $3  }
0x3a: {  	_ = 	snop  }
0x3b: {  	_ = 	snop  }
0x3c: {  	p2 =	seq.s32 s10, $0x1;
	s10 =	sld [smem:$0x3FB3]  }
0x3d: {  	_ =	shalt  }
0x3e: {  	_ =	shalt  }
0x3f: {  	_ =	shalt  }
0x40: {  	_ =	shalt  }
0x41: {  	_ =	shalt  }
0x42: {  	_ =	shalt  }
0x43: {  	_ =	shalt  }
0x44: {  	_ =	shalt  }
0x45: {  	_ =	shalt  }
0x46: {  	_ =	shalt  }
0x47: {  	_ =	shalt  }
0x48: {  	_ =	shalt  }
0x49: {  	_ =	shalt  }
0x4a: {  	_ =	shalt  }
0x4b: {  	_ =	shalt  }
0x4c: {  	_ =	shalt  }
0x4d: {  	_ =	shalt  }
0x4e: {  	_ =	shalt  }
0x4f: {  	_ =	shalt  }
0x50: {  	_ =	shalt  }
0x51: {  	_ =	shalt  }
0x52: {  	_ =	shalt  }
0x53: {  	_ =	shalt  }
0x54: {  	_ =	shalt  }
0x55: {  	_ =	shalt  }
0x56: {  	_ =	shalt  }
0x57: {  	_ =	shalt  }
0x58: {  	_ =	shalt  }
0x59: {  	_ =	shalt  }
0x5a: {  	_ =	shalt  }
0x5b: {  	_ =	shalt  }
0x5c: {  	_ =	shalt  }
0x5d: {  	_ =	shalt  }
0x5e: {  	_ =	shalt  }
0x5f: {  	_ =	shalt  }
0x60: {  	_ =	shalt  }
0x61: {  	_ =	shalt  }
0x62: {  	_ =	shalt  }
0x63: {  	_ =	shalt  }
0x64: {  	_ =	shalt  }
0x65: {  	_ =	shalt  }
0x66: {  	_ =	shalt  }
0x67: {  	_ =	shalt  }
0x68: {  	_ =	shalt  }
0x69: {  	_ =	shalt  }
0x6a: {  	_ =	shalt  }
0x6b: {  	_ =	shalt  }
0x6c: {  	_ =	shalt  }
0x6d: {  	_ =	shalt  }
0x6e: {  	_ =	shalt  }
0x6f: {  	_ =	shalt  }
0x70: {  	_ =	shalt  }
0x71: {  	_ =	shalt  }
0x72: {  	_ =	shalt  }
0x73: {  	_ =	shalt  }
0x74: {  	_ =	shalt  }
0x75: {  	_ =	shalt  }
0x76: {  	_ =	shalt  }
0x77: {  	_ =	shalt  }
0x78: {  	_ =	shalt  }
0x79: {  	_ =	shalt  }
0x7a: {  	_ =	shalt  }
0x7b: {  	_ =	shalt  }
0x7c: {  	_ =	shalt  }
0x7d: {  	_ =	shalt  }
0x7e: {  	_ =	shalt  }
0x7f: {  	_ =	shalt  }
0x80: {  	_ =	shalt  }
0x81: {  	_ =	shalt  }
0x82: {  	_ =	shalt  }
0x83: {  	_ =	shalt  }
0x84: {  	_ =	shalt  }
0x85: {  	_ =	shalt  }
0x86: {  	_ =	shalt  }
0x87: {  	_ =	shalt  }
.Lfunc_end0:
.L_simem_size_0:
called_computation_lowered:
.L_overlay_start_0:
0x88: {  	s2 =	sld [smem:$0x3FD9]  }
0x89: {  	s3 =	sld [smem:$0x3FFE];
	_ =	sdelay $0x1  }
0x8a: {  	s1 =	srdreg.scid  }
0x8b: {  	s0 =	sand.u32 $0x1, s1  }
0x8c: {  	s16 =	sshll.u32 s0, $0xA;
	s2 =	sadd.s32 s3, s2  }
0x8d: {  	s2 =	sadd.s32 s2, s16  }
0x8e: {  	[smem:$0x3FBF] =	sst s2  }
0x8f: {  	_ = 	snop  }
0x90: {  	(tm) =	ssettm $0x1  }
0x91: {  	s17 =	sld [smem:$0x3FFB];
	_ =	sdelay $0x3  }
0x92: {  	_ =	strace s17  }
0x93: {  	s2 =	sld [smem:$0x3FFC];
	_ =	sdelay $0x3  }
0x94: {  	_ =	strace s2  }
0x95: {  	s2 =	sld [smem:$0x3FFD];
	_ =	sdelay $0x3  }
0x96: {  	_ =	strace s2  }
0x97: {  	_ =	strace $0x8FFFFFFF  }
0x98: {  	s18 =	sld [smem:$0x3FDB];
	_ =	sdelay $0x1  }
0x99: {  	s19 =	simm.s32 $_scs_section_size  }
0x9a: {  	s4 =	simm.s32 $_size__tile_overlayer_lowered;
	s5 =	simm.s32 $_tile_overlayer_lowered  }
0x9b: {  	s22 =	simm.s32 $0x1BFF;
	s21 =	sshll.u32 s5, $0x1;
	s2 =	sadd.s32 s19, s18  }
0x9c: {  	s6 =	simm.s32 $0x0;
	s20 =	sshll.u32 s4, $0x1;
	s4 =	sadd.s32 s21, s2  }
0x9d: {  	[timem:s6], [sflag:s22] =	dma.local [hbm:s4], s20  }
0x9e: {  	_ =	swait.ge [sflag:s22], s20  }
0x9f: {  	s3 =	ssub.s32 $0x0, s20;
	[sflag:s22] =	ssyncset.done $0x0  }
0xa0: {  	[sflag:s22] =	ssyncadd.s32 s3;
	_ =	sdelay $0x1  }
0xa1: {  	s23 =	simm.s32 $0x1B8B  }
0xa2: {  	_ =	swait.ge [sflag:s23], $0x1  }
0xa3: {  	[sflag:s23] =	ssyncset.done $0x0  }
0xa4: {  	s25 =	simm.s32 $0x1B8E;
	s24 =	sld [smem:$0x3FFE];
	[sflag:s23] =	ssyncadd.s32 $0xFFFFFFFF  }
0xa5: {  	s26 =	simm.s32 $execute0_lowered;
	[smem:$0x3FD2] =	sst s25  }
0xa6: {  	s4 =	sshll.u32 s26, $0x1;
	_ =	strace $0x80000055;
	[dreg:$0x1] =	wrdreg $0xFFFFFFFF  }
0xa7: {  	s28 =	simm.s32 $_size_execute0_lowered;
	s2 =	sadd.s32 s2, s4;
	[dreg:$0x0] =	wrdreg $0x0  }
0xa8: {  	s4 =	sshll.u32 s28, $0x1;
	[dreg:$0x2] =	wrdreg s2  }
0xa9: {  	[dreg:$0x3] =	wrdreg s4  }
0xaa: {  	[dreg:$0x4] =	wrdreg $0xC0  }
0xab: {  	_ =	task [dreg:s6], $0x5FFFF  }
0xac: {  	[dreg:$0x1] =	wrdreg $0xFFFFFFFF  }
0xad: {  	[dreg:$0x0] =	wrdreg $0x60  }
0xae: {  	[dreg:$0x2] =	wrdreg s24  }
0xaf: {  	[dreg:$0x3] =	wrdreg $0x9  }
0xb0: {  	_ =	task.clear_ibuf [dreg:s6], $0x4FFFF;
	_ =	strace $0x90000055  }
0xb1: {  	s29 =	simm.s32 $0x9;
	_ =	strace $0x80000057  }
0xb2: {  	_ =	swait.ge [sflag:s29], $0x1  }
0xb3: {  	[sflag:s29] =	ssyncadd.s32 $0xFFFFFFFF  }
0xb4: {  	_ =	strace $0x90000057  }
0xb5: {  	_ =	sfence  }
0xb6: {  	s30 =	sld [smem:$0x0];
	_ =	sdelay $0x2  }
0xb7: {  	s31 =	sshll.u32 s1, $0xD;
	s1 =	sshrl.u32 s1, $0x2  }
0xb8: {  	s3 =	sand.u32 $0x4000, s31;
	s1 =	sadd.s32 s1, s30  }
0xb9: {  	s0 =	sor.u32 s3, s0;
	s1 =	sshll.u32 s1, $0x11  }
0xba: {  	s0 =	sor.u32 s1, s0  }
0xbb: {  	s0 =	sadd.s32 $0x8F2B, s0  }
0xbc: {  	[sflag:s0] =	ssyncadd.remote.s32 $0x1  }
0xbd: {  	_ =	sfence.sel $0xFFFF  }
0xbe: {  	[dreg:$0x0] =	wrdreg $0xFFFFFFFF;
	(pc) =	sbr.abs _section_cstart, $3  }
0xbf: {  	[dreg:$0x1] =	wrdreg $0xFFFFFFFF  }
0xc0: {  	_ =	task.clear_ibuf [dreg:s6], $0x2FFFF;
	_ =	strace $0x9FFFFFFF  }
0xc1: {  	(tm) =	ssettm $0x7FFFFFFF  }
tec
execute0_lowered:
.L_overlay_start_1:
0x0: {  	(tag) =	ssettag $0x1  }
0x1: {  	s8 =	rddreg [dreg:$0x0]  }
0x2: {  	s0 =	rddreg [dreg:$0x1];
	_ =	strace $0x80000056;
	s1 =	stileid.u32  }
0x3: {  	s3 =	srdreg.scid;
	s4 =	simm.s32 $0x1;
	s7 =	simm.s32 $0x1  }
0x4: {  	s9 =	simm.s32 $0x1;
	s10 =	simm.s32 $0x3;
	s13 =	simm.s32 $0x0  }
0x5: {  	s12 =	simm.s32 $0x0;
	s5 =	sand.u32 $0x1, s3;
	s6 =	sshll.u32 s1, $0x1  }
0x6: {  	s2 =	sadd.s32 $0x1BB000, s8;
	s3 =	sadd.s32 $0x65400, s8;
	s5 =	sor.u32 s6, s5  }
.Ltmp0:
0x7: {  	[sflag:s4] =	ssyncpa.u1 $0x0;
	p0 =	slt.u32 s5, $0x13;
	(pc) =	sbr.rel .LBB2_1-.Ltmp0, $4  }
0x8: {  	s6 =	simm.s32 $0x2;
	s7 =	simm.s32 @!p0 $0x0;
	p0 =	sne.s32 s5, $0x12  }
0x9: {  	[sflag:s6] =	ssyncpa.u1 $0x0;
	s5 =	smul.u32 $0x7D00, s5;
	s9 =	simm.s32 @!p0 $0x0  }
0xa: {  	s8 =	sadd.s32 $0x96200, s8;
	[sflag:s10] =	ssyncpa.u1 $0x0;
	s7 =	sadd.s32 s9, s7  }
0xb: {  	vm0 =	vmmov $0xffff;
	s10 =	simm.s32 $0x0;
	s11 =	smov.u32 s5;
	s9 =	sadd.s32 $0x1, s7  }
.LBB2_4:
0xc: {  	v2 =	vnsel vm1, $0x0, v2  }
0xd: {  	vm1 =	vgt.s32 v0, $0x0;
	v2 =	vmin.u32 v2, $0x1869FF  }
0xe: {  	v0 =	vnsel vm1, $0x0, v0  }
0xf: {  	v0 =	vmin.u32 v0, $0x1869FF  }
0x10: {  	[tilespmem:s18], [sflag:$0x1] =	stream.indirect_vreg.gather [hbm4b:s2+s10], $0x1, v1, vm0, $0x4038;
	[tilespmem:$0x1F400] =	vst v63  }
0x11: {  	(ifvalue) =	ssetifvalue $0x7FFFFFFF  }
0x12: {  	[tilespmem:s15], [sflag:$0x1] =	stream.indirect_vreg.gather [hbm4b:s2+s10], $0x1, v2, vm0, $0x4038;
	[tilespmem:$0x1F400] =	vst v63  }
0x13: {  	s29 =	sadd.s32 $0x10, s15;
	(ifvalue) =	ssetifvalue $0x7FFFFFFF  }
0x14: {  	[tilespmem:s29], [sflag:$0x1] =	stream.indirect_vreg.gather [hbm4b:s2+s10], $0x1, v0, vm0, $0x4038;
	[tilespmem:$0x1F400] =	vst v63  }
0x15: {  	_ =	swait.ge [sflag:s4], $0x7D00  }
0x16: {  	s30 =	sshrl.u32 s13, $0x3;
	[sflag:s4] =	ssyncset.done $0x0  }
0x17: {  	s31 =	sand.u32 $0x7, s13;
	s15 =	sadd.s32 s8, s30;
	[sflag:s4] =	ssyncadd.s32 $0xFFFF8300  }
0x18: {  	[hbm4b:s15+s31] =	stream.linear.scatter [tilespmem:s14], [sflag:$0x3], $0x7D00, $0x38;
	[tilespmem:$0x1F400] =	vst v63  }
.LBB2_5:
0x19: {  	s15 =	sadd.s32 $0xFA000, s11  }
0x1a: {  	p1 =	sgt.s32 s15, $0x1869FF  }
0x1b: {  	s15 =	smov.u32 @p1 s5;
	p1 =	sne.s32 s12, s9  }
.Ltmp1:
0x1c: {  	p0 =	slt.u32 s12, $0x2;
	(pc) =	sbr.rel @!p1 .LBB2_6-.Ltmp1, $4  }
0x1d: {  	s14 =	simm.s32 @!p0 $0x3  }
0x1e: {  	_ =	swait.ge @!p0 [sflag:s14], $0x7D00  }
0x1f: {  	s16 =	sadd.s32 $0x1, s12;
	s13 =	smov.u32 s11;
	[sflag:s14] =	ssyncset.done @!p0 $0x0  }
0x20: {  	s12 =	smov.u32 s16;
	s11 =	smov.u32 s15;
	[sflag:s14] =	ssyncadd.s32 @!p0 $0xFFFF8300  }
.LBB2_1:
0x21: {  	p0 =	sge.u32 s12, s7  }
0x22: {  	s14 =	sxor.u32 @!p0 $0x1, s12  }
0x23: {  	s14 =	smul.u32 @!p0 $0x1F400, s14  }
0x24: {  	s31 =	sadd.s32 $0xFFFFFFFF, s12;
	s15 =	sshrl.u32 @!p0 s11, $0x3  }
0x25: {  	s16 =	sand.u32 @!p0 $0x7, s11;
	s15 =	sadd.s32 @!p0 s3, s15;
	s14 =	sshra.s32 @!p0 s14, $0x2  }
0x26: {  	[tilespmem:s14], [sflag:$0x2] =	stream.linear.gather @!p0 [hbm4b:s15+s16], $0x7D00, $0x38;
	[tilespmem:$0x1F400] =	vst v63  }
0x27: {  	p0 =	sge.u32 s31, s7  }
.Ltmp2:
0x28: {  	_ = 	snop;
	(pc) =	sbr.rel @p0 .LBB2_5-.Ltmp2, $1  }
0x29: {  	_ =	sdelay $0x3  }
0x2a: {  	s14 =	sand.u32 $0x1, s12  }
0x2b: {  	_ =	swait.ge [sflag:s6], $0x7D00;
	p0 =	seq.s32 s14, $0x1;
	s14 =	simm.s32 $0x7D00  }
0x2c: {  	[sflag:s6] =	ssyncset.done $0x0;
	s14 =	simm.s32 @!p0 $0x0  }
0x2d: {  	[sflag:s6] =	ssyncadd.s32 $0xFFFF8300;
	(ifvalue) =	ssetifvalue $0x7FFFFFFF;
	v0 =	vld.msk [tilespmem:s14+$0x0 ss:$0x1], $0xffff;
	_ =	sdelay $0x4  }
0x2e: {  	s15 =	sadd.s32 $0x10, s14;
	vm1 =	vgt.s32 v0, $0x0  }
0x2f: {  	v2 =	vld.msk [tilespmem:s15+$0x0 ss:$0x1], $0xffff;
	v1 =	vnsel vm1, $0x0, v0  }
0x30: {  	v1 =	vmin.u32 v1, $0x1869FF;
	_ =	sdelay $0x2  }
0x31: {  	s17 =	simm.s32 $0x20;
	s14 =	sadd.s32 $0xFA00, s14;
	s16 =	sadd.s32 $0x10, s15  }
0x32: {  	s15 =	sadd.s32 $0x10, s14;
	s18 =	smov.u32 s14;
	v0 =	vld.msk [tilespmem:s16+$0x0 ss:$0x1], $0xffff;
	vm1 =	vgt.s32 v2, $0x0;
	(ifvalue) =	ssetifvalue $0x7FFFFFFF  }
.LBB2_3:
0x33: {  	[tilespmem:s18], [sflag:$0x1] =	stream.indirect_vreg.gather [hbm4b:s2+s10], $0x1, v1, vm0, $0x4038;
	[tilespmem:$0x1F400] =	vst v63  }
0x34: {  	s17 =	sadd.s32 $0x10, s17  }
0x35: {  	v2 =	vnsel vm1, $0x0, v2;
	p0 =	slt.u32 s17, $0x7CF0  }
.Ltmp3:
0x36: {  	s18 =	smov.u32 s15;
	v1 =	vmin.u32 v2, $0x1869FF;
	(pc) =	sbr.rel @p0 .LBB2_3-.Ltmp3, $3  }
0x37: {  	_ =	sdelay $0x1  }
0x38: {  	s16 =	sadd.s32 $0x10, s16  }
0x39: {  	vm1 =	vgt.s32 v0, $0x0;
	s15 =	sadd.s32 $0x10, s15;
	v2 =	vmov v0;
	(ifvalue) =	ssetifvalue $0x7FFFFFFF;
	v0 =	vld.msk [tilespmem:s16+$0x0 ss:$0x1], $0xffff  }
.Ltmp4:
0x3a: {  	_ = 	snop;
	(pc) =	sbr.rel .LBB2_4-.Ltmp4, $1  }
0x3b: {  	_ =	sdelay $0x3  }
.LBB2_6:
0x3c: {  	_ =	sfence.sel $0x180000  }
0x3d: {  	s2 =	simm.s32 $0x2;
	[bflag:$0x0] =	sbarrier.arrive $0xFFFF  }
0x3e: {  	s30 =	simm.s32 $0x3;
	[sflag:s2] =	ssyncpa.u1 $0x1  }
0x3f: {  	s31 =	simm.s32 $0x1;
	[sflag:s30] =	ssyncpa.u1 $0x1  }
0x40: {  	[sflag:s31] =	ssyncpa.u1 $0x1  }
0x41: {  	p0 =	sne.s32 s1, $0x0;
	_ =	strace $0x90000056  }
0x42: {  	s0 =	sadd.s32 @!p0 $0x100000, s0;
	[bflag:$0x2] =	sbarrier.arrive $0xFFFF  }
0x43: {  	[sflag:s0] =	ssyncadd.tile.s32 @!p0 $0x1;
	_ =	shalt  }
.Lfunc_end2:
_tile_overlayer_lowered:
.L_overlay_start_2:
0x44: {  	(tag) =	ssettag $0x2  }
0x45: {  	s0 =	rddreg [dreg:$0x0];
	s2 =	stileid.u32  }
0x46: {  	s1 =	rddreg [dreg:$0x1];
	p0 =	sne.s32 s2, $0x0  }
0x47: {  	s3 =	rddreg [dreg:$0x2];
	[bflag:$0x3] =	sbarrier.arrive $0xFFFF;
	s2 =	simm.s32 @!p0 $0x1C01  }
0x48: {  	[timem:s3], [sflag:s2] =	dma.local @!p0 [hbm:s0], s1  }
0x49: {  	s0 =	simm.s32 @!p0 $0x1  }
0x4a: {  	_ =	swait.ge @!p0 [sflag:s0], s1  }
0x4b: {  	s1 =	ssub.s32 @!p0 $0x0, s1;
	[sflag:s0] =	ssyncset.done @!p0 $0x0  }
0x4c: {  	[sflag:s0] =	ssyncadd.s32 @!p0 s1  }
0x4d: {  	[bflag:$0x3] =	sbarrier.arrive $0xFFFF  }
0x4e: {  	_ =	shalt  }

// kernel: kernel.16.cloned.1.call-start
scs
__scs_entry_jumppad:
0x0: {  	(pc) =	sbr.rel $0x88, $3  }
0x1: {  	(tag) =	ssettag $0x0;
	lr =	simm.s32 $0x1  }
0x2: {  	[smem:$0x3F98] =	sst lr;
	_ =	strace $0xD0000000  }
0x3: {  	_ = 	snop  }
0x4: {  	_ = 	snop  }
0x5: {  	_ = 	snop  }
0x6: {  	_ = 	snop  }
0x7: {  	_ = 	snop  }
__scs_overlays_trampoline_lowered:
0x8: {  	[smem:$0x3FA7] =	sst s0  }
0x9: {  	[smem:$0x3FA8] =	sst s1  }
0xa: {  	[smem:$0x3FA9] =	sst s2  }
0xb: {  	[smem:$0x3FAA] =	sst s3  }
0xc: {  	[smem:$0x3FAB] =	sst s4  }
0xd: {  	[smem:$0x3FAC] =	sst s5  }
0xe: {  	[smem:$0x3FAD] =	sst s6  }
0xf: {  	[smem:$0x3FAE] =	sst s7  }
0x10: {  	[smem:$0x3FAF] =	sst s8  }
0x11: {  	[smem:$0x3FB0] =	sst s9;
	s0 =	simm.s32 @!p0 $0x0  }
0x12: {  	s1 =	sld [smem:$0x3F96];
	s0 =	simm.s32 @p0 $0x1  }
0x13: {  	[smem:$0x3FB1] =	sst s0;
	s0 =	simm.s32 @!p1 $0x0  }
0x14: {  	s2 =	sld [smem:$0x3F95];
	s0 =	simm.s32 @p1 $0x1  }
0x15: {  	[smem:$0x3FB2] =	sst s0;
	s0 =	simm.s32 @!p2 $0x0  }
0x16: {  	s3 =	sld [smem:$0x3FDB];
	s0 =	simm.s32 @p2 $0x1  }
0x17: {  	s4 =	simm.s32 $0x1BF5;
	[smem:$0x3FB4] =	sst s0  }
0x18: {  	s0 =	sld [smem:$0x3F97];
	_ =	swait.ge [sflag:s4], $0x0  }
0x19: {  	s7 =	sld [smem:$0x3F98]  }
0x1a: {  	s8 =	sadd.s32 $0xFFFFE003, lr  }
0x1b: {  	s9 =	sadd.s32 $0xFFFFFEF7, lr;
	s5 =	simm.s32 $0xFFFFFFFF;
	p2 =	slt.u32 s8, $0xFFFFF086  }
0x1c: {  	p1 =	slt.u32 s9, $0xF7A;
	s5 =	simm.s32 @!p2 $0x0  }
0x1d: {  	s5 =	simm.s32 @p1 $0x1;
	p0 =	seq.s32 s7, s2  }
0x1e: {  	s7 =	smul.u32 @!p0 $0xF7A, s2;
	p2 =	seq.s32 @!p0 s5, $0x0  }
0x1f: {  	s9 =	smul.u32 $0xF7A, s1;
	s8 =	simm.s32 @!p0 $0x1BF5;
	p2 =	por !p2, p0  }
0x20: {  	[sflag:s8] =	ssyncset.s32 @!p0 $0xFFFFF086;
	s6 =	sadd.s32 @!p0 s3, s7;
	s7 =	simm.s32 @!p0 $0x108  }
0x21: {  	s3 =	sadd.s32 s3, s9;
	s6 =	sadd.s32 @!p0 $0x88, s6;
	s7 =	simm.s32 @p2 $0x1082  }
0x22: {  	[simem:s7], [sflag:s8] =	dma.local @!p0 [hbm:s6], $0xF7A  }
0x23: {  	s9 =	sor.u32 $0xD0000000, s2;
	s6 =	simm.s32 $0x108;
	_ =	swait.ge @!p0 [sflag:s8], $0x0  }
0x24: {  	s3 =	sadd.s32 $0x88, s3;
	s6 =	simm.s32 @!p1 $0x1082;
	[sflag:s4] =	ssyncset.s32 $0xFFFFF086  }
0x25: {  	[simem:s6], [sflag:s4] =	dma.local [hbm:s3], $0xF7A  }
0x26: {  	[smem:$0x3F98] =	sst s1;
	(tag) =	ssettag s2;
	_ =	strace s9  }
0x27: {  	s1 =	sld [smem:$0x3FA8]  }
0x28: {  	s2 =	sld [smem:$0x3FA9]  }
0x29: {  	s4 =	sld [smem:$0x3FAB]  }
0x2a: {  	p0 =	seq.s32 s5, $0x0;
	s5 =	sld [smem:$0x3FAC]  }
0x2b: {  	s6 =	sld [smem:$0x3FAD]  }
0x2c: {  	s7 =	sld [smem:$0x3FAE]  }
0x2d: {  	s3 =	simm.s32 $0x108;
	s8 =	sld [smem:$0x3FAF]  }
0x2e: {  	s3 =	simm.s32 @!p0 $0x1082;
	s9 =	sld [smem:$0x3FB0]  }
0x2f: {  	lr =	sadd.s32 s0, s3;
	s0 =	sld [smem:$0x3FA7]  }
0x30: {  	s3 =	sld [smem:$0x3FAA]  }
0x31: {  	[smem:$0x3FB3] =	sst s10  }
0x32: {  	s10 =	sld [smem:$0x3FB1];
	_ =	sdelay $0x3  }
0x33: {  	p0 =	seq.s32 s10, $0x1;
	s10 =	sld [smem:$0x3FB3];
	_ =	sdelay $0x3  }
0x34: {  	[smem:$0x3FB3] =	sst s10  }
0x35: {  	s10 =	sld [smem:$0x3FB2];
	_ =	sdelay $0x3  }
0x36: {  	p1 =	seq.s32 s10, $0x1;
	s10 =	sld [smem:$0x3FB3];
	_ =	sdelay $0x3  }
0x37: {  	[smem:$0x3FB3] =	sst s10  }
0x38: {  	s10 =	sld [smem:$0x3FB4]  }
0x39: {  	_ = 	snop;
	(pc) =	sbr.ind lr, $3  }
0x3a: {  	_ = 	snop  }
0x3b: {  	_ = 	snop  }
0x3c: {  	p2 =	seq.s32 s10, $0x1;
	s10 =	sld [smem:$0x3FB3]  }
0x3d: {  	_ =	shalt  }
0x3e: {  	_ =	shalt  }
0x3f: {  	_ =	shalt  }
0x40: {  	_ =	shalt  }
0x41: {  	_ =	shalt  }
0x42: {  	_ =	shalt  }
0x43: {  	_ =	shalt  }
0x44: {  	_ =	shalt  }
0x45: {  	_ =	shalt  }
0x46: {  	_ =	shalt  }
0x47: {  	_ =	shalt  }
0x48: {  	_ =	shalt  }
0x49: {  	_ =	shalt  }
0x4a: {  	_ =	shalt  }
0x4b: {  	_ =	shalt  }
0x4c: {  	_ =	shalt  }
0x4d: {  	_ =	shalt  }
0x4e: {  	_ =	shalt  }
0x4f: {  	_ =	shalt  }
0x50: {  	_ =	shalt  }
0x51: {  	_ =	shalt  }
0x52: {  	_ =	shalt  }
0x53: {  	_ =	shalt  }
0x54: {  	_ =	shalt  }
0x55: {  	_ =	shalt  }
0x56: {  	_ =	shalt  }
0x57: {  	_ =	shalt  }
0x58: {  	_ =	shalt  }
0x59: {  	_ =	shalt  }
0x5a: {  	_ =	shalt  }
0x5b: {  	_ =	shalt  }
0x5c: {  	_ =	shalt  }
0x5d: {  	_ =	shalt  }
0x5e: {  	_ =	shalt  }
0x5f: {  	_ =	shalt  }
0x60: {  	_ =	shalt  }
0x61: {  	_ =	shalt  }
0x62: {  	_ =	shalt  }
0x63: {  	_ =	shalt  }
0x64: {  	_ =	shalt  }
0x65: {  	_ =	shalt  }
0x66: {  	_ =	shalt  }
0x67: {  	_ =	shalt  }
0x68: {  	_ =	shalt  }
0x69: {  	_ =	shalt  }
0x6a: {  	_ =	shalt  }
0x6b: {  	_ =	shalt  }
0x6c: {  	_ =	shalt  }
0x6d: {  	_ =	shalt  }
0x6e: {  	_ =	shalt  }
0x6f: {  	_ =	shalt  }
0x70: {  	_ =	shalt  }
0x71: {  	_ =	shalt  }
0x72: {  	_ =	shalt  }
0x73: {  	_ =	shalt  }
0x74: {  	_ =	shalt  }
0x75: {  	_ =	shalt  }
0x76: {  	_ =	shalt  }
0x77: {  	_ =	shalt  }
0x78: {  	_ =	shalt  }
0x79: {  	_ =	shalt  }
0x7a: {  	_ =	shalt  }
0x7b: {  	_ =	shalt  }
0x7c: {  	_ =	shalt  }
0x7d: {  	_ =	shalt  }
0x7e: {  	_ =	shalt  }
0x7f: {  	_ =	shalt  }
0x80: {  	_ =	shalt  }
0x81: {  	_ =	shalt  }
0x82: {  	_ =	shalt  }
0x83: {  	_ =	shalt  }
0x84: {  	_ =	shalt  }
0x85: {  	_ =	shalt  }
0x86: {  	_ =	shalt  }
0x87: {  	_ =	shalt  }
.Lfunc_end0:
.L_simem_size_0:
called_computation.3_lowered:
.L_overlay_start_0:
0x88: {  	s2 =	sld [smem:$0x3FD9]  }
0x89: {  	s3 =	sld [smem:$0x3FFE];
	_ =	sdelay $0x1  }
0x8a: {  	s1 =	srdreg.scid  }
0x8b: {  	s0 =	sand.u32 $0x1, s1  }
0x8c: {  	s17 =	sshll.u32 s0, $0xA;
	s2 =	sadd.s32 s3, s2  }
0x8d: {  	s2 =	sadd.s32 s2, s17  }
0x8e: {  	[smem:$0x3FBF] =	sst s2  }
0x8f: {  	_ = 	snop  }
0x90: {  	(tm) =	ssettm $0x1  }
0x91: {  	s18 =	sld [smem:$0x3FFB];
	_ =	sdelay $0x3  }
0x92: {  	_ =	strace s18  }
0x93: {  	s2 =	sld [smem:$0x3FFC];
	_ =	sdelay $0x3  }
0x94: {  	_ =	strace s2  }
0x95: {  	s2 =	sld [smem:$0x3FFD];
	_ =	sdelay $0x3  }
0x96: {  	_ =	strace s2  }
0x97: {  	_ =	strace $0x8FFFFFFF  }
0x98: {  	s19 =	sld [smem:$0x3FDB];
	_ =	sdelay $0x1  }
0x99: {  	s20 =	simm.s32 $_scs_section_size  }
0x9a: {  	s4 =	simm.s32 $_size__tile_overlayer_lowered;
	s5 =	simm.s32 $_tile_overlayer_lowered  }
0x9b: {  	s6 =	simm.s32 $0x1BFF;
	s21 =	sshll.u32 s5, $0x1;
	s3 =	sadd.s32 s20, s19  }
0x9c: {  	s22 =	simm.s32 $0x0;
	s4 =	sshll.u32 s4, $0x1;
	s5 =	sadd.s32 s21, s3  }
0x9d: {  	[timem:s22], [sflag:s6] =	dma.local [hbm:s5], s4  }
0x9e: {  	_ =	swait.ge [sflag:s6], s4  }
0x9f: {  	s4 =	ssub.s32 $0x0, s4;
	[sflag:s6] =	ssyncset.done $0x0  }
0xa0: {  	[sflag:s6] =	ssyncadd.s32 s4;
	_ =	sdelay $0x1  }
0xa1: {  	s23 =	simm.s32 $0x1B8B  }
0xa2: {  	_ =	swait.ge [sflag:s23], $0x1  }
0xa3: {  	[sflag:s23] =	ssyncset.done $0x0  }
0xa4: {  	[sflag:s23] =	ssyncadd.s32 $0xFFFFFFFF  }
0xa5: {  	s4 =	sld [smem:$0x0]  }
0xa6: {  	s5 =	sand.u32 $0xFFFFFFFE, s1  }
0xa7: {  	p0 =	sne.s32 s1, s5  }
0xa8: {  	s5 =	sshll.u32 @p0 s5, $0xE  }
0xa9: {  	s5 =	sadd.s32 @p0 $0x11B8D, s5;
	s6 =	sshll.u32 @p0 s4, $0x11  }
0xaa: {  	s5 =	sor.u32 @p0 s6, s5  }
0xab: {  	[sflag:s5] =	ssyncadd.remote.s32 @p0 $0x1;
	_ =	sdelay $0x1  }
0xac: {  	s5 =	simm.s32 @p0 $0x1B8D  }
0xad: {  	_ =	swait.eq @p0 [sflag:s5], $0x1  }
0xae: {  	[sflag:s5] =	ssyncadd.s32 @p0 $0xFFFFFFFF  }
0xaf: {  	s6 =	sshll.u32 @!p0 s1, $0xE  }
0xb0: {  	s6 =	sor.u32 @!p0 $0x4000, s6;
	s5 =	simm.s32 @!p0 $0x1B8D  }
0xb1: {  	s4 =	sshll.u32 @!p0 s4, $0x11;
	s6 =	sadd.s32 @!p0 $0x11B8D, s6;
	_ =	swait.eq @!p0 [sflag:s5], $0x1  }
0xb2: {  	s4 =	sor.u32 @!p0 s4, s6;
	[sflag:s5] =	ssyncadd.s32 @!p0 $0xFFFFFFFF  }
0xb3: {  	s25 =	simm.s32 $0x1B8E;
	s24 =	sld [smem:$0x3FFE];
	[sflag:s4] =	ssyncadd.remote.s32 @!p0 $0x1  }
0xb4: {  	s26 =	simm.s32 $execute0_lowered;
	[smem:$0x3FD2] =	sst s25  }
0xb5: {  	s5 =	sshll.u32 s26, $0x1;
	_ =	strace $0x8000004C;
	[dreg:$0x1] =	wrdreg $0xFFFFFFFF  }
0xb6: {  	s28 =	simm.s32 $_size_execute0_lowered;
	s3 =	sadd.s32 s3, s5;
	[dreg:$0x0] =	wrdreg $0x0  }
0xb7: {  	s5 =	sshll.u32 s28, $0x1;
	[dreg:$0x2] =	wrdreg s3  }
0xb8: {  	[dreg:$0x3] =	wrdreg s5  }
0xb9: {  	[dreg:$0x4] =	wrdreg $0xC0  }
0xba: {  	_ =	task [dreg:s22], $0x5FFFF  }
0xbb: {  	[dreg:$0x1] =	wrdreg $0xFFFFFFFF  }
0xbc: {  	[dreg:$0x0] =	wrdreg $0x60  }
0xbd: {  	[dreg:$0x2] =	wrdreg s24  }
0xbe: {  	[dreg:$0x3] =	wrdreg $0xB  }
0xbf: {  	_ =	task.clear_ibuf [dreg:s22], $0x4FFFF;
	_ =	strace $0x9000004C  }
0xc0: {  	s29 =	simm.s32 $0xB;
	_ =	strace $0x8000004E  }
0xc1: {  	_ =	swait.ge [sflag:s29], $0x1  }
0xc2: {  	[sflag:s29] =	ssyncadd.s32 $0xFFFFFFFF  }
0xc3: {  	_ =	strace $0x9000004E  }
0xc4: {  	_ =	sfence  }
0xc5: {  	s30 =	sld [smem:$0x0];
	_ =	sdelay $0x2  }
0xc6: {  	s31 =	sshll.u32 s1, $0xD;
	s1 =	sshrl.u32 s1, $0x2  }
0xc7: {  	s4 =	sand.u32 $0x4000, s31;
	s1 =	sadd.s32 s1, s30  }
0xc8: {  	s0 =	sor.u32 s4, s0;
	s1 =	sshll.u32 s1, $0x11  }
0xc9: {  	s0 =	sor.u32 s1, s0  }
0xca: {  	s0 =	sadd.s32 $0x8F2B, s0  }
0xcb: {  	[sflag:s0] =	ssyncadd.remote.s32 $0x1  }
0xcc: {  	_ =	sfence.sel $0xFFFF  }
0xcd: {  	[dreg:$0x0] =	wrdreg $0xFFFFFFFF;
	(pc) =	sbr.abs _section_cstart, $3  }
0xce: {  	[dreg:$0x1] =	wrdreg $0xFFFFFFFF  }
0xcf: {  	_ =	task.clear_ibuf [dreg:s22], $0x2FFFF;
	_ =	strace $0x9FFFFFFF  }
0xd0: {  	(tm) =	ssettm $0x7FFFFFFF  }
0xd1: {  	_ =	shalt  }
tec
execute0_lowered:
.L_overlay_start_1:
0x0: {  	(tag) =	ssettag $0x1  }
0x1: {  	s4 =	rddreg [dreg:$0x0]  }
0x2: {  	s0 =	rddreg [dreg:$0x1];
	s2 =	simm.s32 $0x0;
	s1 =	stileid.u32  }
0x3: {  	s3 =	srdreg.scid;
	s10 =	simm.s32 $0x0;
	s6 =	smul.u32 $0x18800, s1  }
0x4: {  	[smem:$0x7FF] =	sst s2;
	s5 =	sand.u32 $0x1, s3;
	s8 =	smul.u32 $0x188000, s1  }
0x5: {  	s3 =	sadd.s32 $0x4FAE00, s4;
	s7 =	smul.u32 $0xC400, s5;
	s9 =	ssub.s32 $0x2, s5  }
0x6: {  	_ =	strace $0x8000004D;
	s5 =	smul.u32 $0xC4000, s5;
	s31 =	sshrl.u32 s9, $0x1  }
0x7: {  	s8 =	sadd.s32 s8, s4;
	s6 =	sadd.s32 s7, s6;
	s7 =	ssub.s32 s9, s31  }
0x8: {  	s5 =	sadd.s32 s5, s8;
	s8 =	simm.s32 $0x80;
	s6 =	sshrl.u32 s6, $0x3  }
0x9: {  	s9 =	simm.s32 $0x1;
	s5 =	sadd.s32 $0x682E00, s5;
	s6 =	sadd.s32 s6, s4  }
0xa: {  	s4 =	smax.u32 s7, $0x1;
	s7 =	simm.s32 $0x2;
	s6 =	sadd.s32 $0xC7000, s6  }
.LBB2_1:
0xb: {  	s11 =	sadd.s32 $0x0, s6  }
0xc: {  	[tilespmem:s2], [sflag:$0x2] =	stream.linear.gather [hbm4b:s11+s2], $0x80, $0x38;
	[tilespmem:$0x4080] =	vst v63  }
0xd: {  	_ =	swait.ge [sflag:s7], $0x80  }
0xe: {  	[sflag:s7] =	ssyncset.done $0x0  }
0xf: {  	[sflag:s7] =	ssyncadd.s32 $0xFFFFFF80  }
0x10: {  	[tilespmem:s8], [sflag:$0x1] =	stream.indirect.gather [hbm4b:s3+s8], $0x80, s2, s8, $0xb8;
	[tilespmem:$0x4080] =	vst v63  }
0x11: {  	_ =	swait.ge [sflag:s9], $0x4000  }
0x12: {  	[sflag:s9] =	ssyncset.done $0x0  }
0x13: {  	[sflag:s9] =	ssyncadd.s32 $0xFFFFC000  }
0x14: {  	[hbm4b:s5+s2] =	stream.linear.scatter [tilespmem:s8], [sflag:$0x2], $0x4000, $0x38;
	[tilespmem:$0x4080] =	vst v63  }
0x15: {  	s12 =	simm.s32 $0x10;
	_ =	swait.ge [sflag:s7], $0x4000  }
0x16: {  	s13 =	simm.s32 $0x20;
	s11 =	sadd.s32 $0x800, s5;
	[sflag:s7] =	ssyncset.done $0x0  }
.LBB2_2:
0x17: {  	s14 =	sadd.s32 s12, s6  }
0x18: {  	[sflag:s7] =	ssyncadd.s32 $0xFFFFC000;
	s12 =	smov.u32 s13;
	s15 =	sadd.s32 $0x10, s13  }
0x19: {  	[tilespmem:s2], [sflag:$0x2] =	stream.linear.gather [hbm4b:s14+s2], $0x80, $0x38;
	[tilespmem:$0x4080] =	vst v63  }
0x1a: {  	p0 =	sne.s32 s13, $0x1870;
	_ =	swait.ge [sflag:s7], $0x80  }
0x1b: {  	[sflag:s7] =	ssyncset.done $0x0  }
0x1c: {  	[sflag:s7] =	ssyncadd.s32 $0xFFFFFF80  }
0x1d: {  	[tilespmem:s8], [sflag:$0x1] =	stream.indirect.gather [hbm4b:s3+s8], $0x80, s2, s8, $0xb8;
	[tilespmem:$0x4080] =	vst v63  }
0x1e: {  	_ =	swait.ge [sflag:s9], $0x4000  }
.Ltmp0:
0x1f: {  	[sflag:s9] =	ssyncset.done $0x0;
	(pc) =	sbr.rel @p0 .LBB2_2-.Ltmp0, $4  }
0x20: {  	[sflag:s9] =	ssyncadd.s32 $0xFFFFC000  }
0x21: {  	[hbm4b:s11+s2] =	stream.linear.scatter [tilespmem:s8], [sflag:$0x2], $0x4000, $0x38;
	[tilespmem:$0x4080] =	vst v63  }
0x22: {  	_ =	swait.ge [sflag:s7], $0x4000  }
0x23: {  	s13 =	smov.u32 s15;
	s11 =	sadd.s32 $0x800, s11;
	[sflag:s7] =	ssyncset.done $0x0  }
0x24: {  	s12 =	sadd.s32 s12, s6;
	[sflag:s7] =	ssyncadd.s32 $0xFFFFC000  }
0x25: {  	[tilespmem:s2], [sflag:$0x2] =	stream.linear.gather [hbm4b:s12+s2], $0x80, $0x38;
	[tilespmem:$0x4080] =	vst v63  }
0x26: {  	_ =	swait.ge [sflag:s7], $0x80  }
0x27: {  	[sflag:s7] =	ssyncset.done $0x0  }
0x28: {  	[sflag:s7] =	ssyncadd.s32 $0xFFFFFF80  }
0x29: {  	[tilespmem:s8], [sflag:$0x1] =	stream.indirect.gather [hbm4b:s3+s8], $0x80, s2, s8, $0xb8;
	[tilespmem:$0x4080] =	vst v63  }
0x2a: {  	s10 =	sadd.s32 $0x1, s10;
	_ =	swait.ge [sflag:s9], $0x4000  }
0x2b: {  	p0 =	sne.s32 s10, s4;
	[sflag:s9] =	ssyncset.done $0x0  }
.Ltmp1:
0x2c: {  	[sflag:s9] =	ssyncadd.s32 $0xFFFFC000;
	(pc) =	sbr.rel @p0 .LBB2_1-.Ltmp1, $4  }
0x2d: {  	[hbm4b:s11+s2] =	stream.linear.scatter [tilespmem:s8], [sflag:$0x2], $0x4000, $0x38;
	[tilespmem:$0x4080] =	vst v63  }
0x2e: {  	_ =	swait.ge [sflag:s7], $0x4000  }
0x2f: {  	[sflag:s7] =	ssyncset.done $0x0  }
0x30: {  	[sflag:s7] =	ssyncadd.s32 $0xFFFFC000  }
0x31: {  	_ =	sfence.sel $0x180000  }
0x32: {  	[bflag:$0x0] =	sbarrier.arrive $0xFFFF  }
0x33: {  	p0 =	sne.s32 s1, $0x0;
	_ =	strace $0x9000004D  }
0x34: {  	s0 =	sadd.s32 @!p0 $0x100000, s0;
	[bflag:$0x2] =	sbarrier.arrive $0xFFFF  }
0x35: {  	[sflag:s0] =	ssyncadd.tile.s32 @!p0 $0x1;
	_ =	shalt  }
.Lfunc_end2:
_tile_overlayer_lowered:
.L_overlay_start_2:
0x36: {  	(tag) =	ssettag $0x2  }
0x37: {  	s0 =	rddreg [dreg:$0x0];
	s2 =	stileid.u32  }
0x38: {  	s1 =	rddreg [dreg:$0x1];
	p0 =	sne.s32 s2, $0x0  }
0x39: {  	s3 =	rddreg [dreg:$0x2];
	[bflag:$0x3] =	sbarrier.arrive $0xFFFF;
	s2 =	simm.s32 @!p0 $0x1C02  }
0x3a: {  	[timem:s3], [sflag:s2] =	dma.local @!p0 [hbm:s0], s1  }
0x3b: {  	s0 =	simm.s32 @!p0 $0x2  }
0x3c: {  	_ =	swait.ge @!p0 [sflag:s0], s1  }
0x3d: {  	s1 =	ssub.s32 @!p0 $0x0, s1;
	[sflag:s0] =	ssyncset.done @!p0 $0x0  }
0x3e: {  	[sflag:s0] =	ssyncadd.s32 @!p0 s1  }
0x3f: {  	[bflag:$0x3] =	sbarrier.arrive $0xFFFF  }
0x40: {  	_ =	shalt  }

// kernel: kernel.19.cloned.1.call-start
scs
__scs_entry_jumppad:
0x0: {  	(pc) =	sbr.rel $0x88, $3  }
0x1: {  	(tag) =	ssettag $0x0;
	lr =	simm.s32 $0x1  }
0x2: {  	[smem:$0x3F98] =	sst lr;
	_ =	strace $0xD0000000  }
0x3: {  	_ = 	snop  }
0x4: {  	_ = 	snop  }
0x5: {  	_ = 	snop  }
0x6: {  	_ = 	snop  }
0x7: {  	_ = 	snop  }
__scs_overlays_trampoline_lowered:
0x8: {  	[smem:$0x3FA7] =	sst s0  }
0x9: {  	[smem:$0x3FA8] =	sst s1  }
0xa: {  	[smem:$0x3FA9] =	sst s2  }
0xb: {  	[smem:$0x3FAA] =	sst s3  }
0xc: {  	[smem:$0x3FAB] =	sst s4  }
0xd: {  	[smem:$0x3FAC] =	sst s5  }
0xe: {  	[smem:$0x3FAD] =	sst s6  }
0xf: {  	[smem:$0x3FAE] =	sst s7  }
0x10: {  	[smem:$0x3FAF] =	sst s8  }
0x11: {  	[smem:$0x3FB0] =	sst s9;
	s0 =	simm.s32 @!p0 $0x0  }
0x12: {  	s1 =	sld [smem:$0x3F96];
	s0 =	simm.s32 @p0 $0x1  }
0x13: {  	[smem:$0x3FB1] =	sst s0;
	s0 =	simm.s32 @!p1 $0x0  }
0x14: {  	s2 =	sld [smem:$0x3F95];
	s0 =	simm.s32 @p1 $0x1  }
0x15: {  	[smem:$0x3FB2] =	sst s0;
	s0 =	simm.s32 @!p2 $0x0  }
0x16: {  	s3 =	sld [smem:$0x3FDB];
	s0 =	simm.s32 @p2 $0x1  }
0x17: {  	s4 =	simm.s32 $0x1BF5;
	[smem:$0x3FB4] =	sst s0  }
0x18: {  	s0 =	sld [smem:$0x3F97];
	_ =	swait.ge [sflag:s4], $0x0  }
0x19: {  	s7 =	sld [smem:$0x3F98]  }
0x1a: {  	s8 =	sadd.s32 $0xFFFFE003, lr  }
0x1b: {  	s9 =	sadd.s32 $0xFFFFFEF7, lr;
	s5 =	simm.s32 $0xFFFFFFFF;
	p2 =	slt.u32 s8, $0xFFFFF086  }
0x1c: {  	p1 =	slt.u32 s9, $0xF7A;
	s5 =	simm.s32 @!p2 $0x0  }
0x1d: {  	s5 =	simm.s32 @p1 $0x1;
	p0 =	seq.s32 s7, s2  }
0x1e: {  	s7 =	smul.u32 @!p0 $0xF7A, s2;
	p2 =	seq.s32 @!p0 s5, $0x0  }
0x1f: {  	s9 =	smul.u32 $0xF7A, s1;
	s8 =	simm.s32 @!p0 $0x1BF5;
	p2 =	por !p2, p0  }
0x20: {  	[sflag:s8] =	ssyncset.s32 @!p0 $0xFFFFF086;
	s6 =	sadd.s32 @!p0 s3, s7;
	s7 =	simm.s32 @!p0 $0x108  }
0x21: {  	s3 =	sadd.s32 s3, s9;
	s6 =	sadd.s32 @!p0 $0x88, s6;
	s7 =	simm.s32 @p2 $0x1082  }
0x22: {  	[simem:s7], [sflag:s8] =	dma.local @!p0 [hbm:s6], $0xF7A  }
0x23: {  	s9 =	sor.u32 $0xD0000000, s2;
	s6 =	simm.s32 $0x108;
	_ =	swait.ge @!p0 [sflag:s8], $0x0  }
0x24: {  	s3 =	sadd.s32 $0x88, s3;
	s6 =	simm.s32 @!p1 $0x1082;
	[sflag:s4] =	ssyncset.s32 $0xFFFFF086  }
0x25: {  	[simem:s6], [sflag:s4] =	dma.local [hbm:s3], $0xF7A  }
0x26: {  	[smem:$0x3F98] =	sst s1;
	(tag) =	ssettag s2;
	_ =	strace s9  }
0x27: {  	s1 =	sld [smem:$0x3FA8]  }
0x28: {  	s2 =	sld [smem:$0x3FA9]  }
0x29: {  	s4 =	sld [smem:$0x3FAB]  }
0x2a: {  	p0 =	seq.s32 s5, $0x0;
	s5 =	sld [smem:$0x3FAC]  }
0x2b: {  	s6 =	sld [smem:$0x3FAD]  }
0x2c: {  	s7 =	sld [smem:$0x3FAE]  }
0x2d: {  	s3 =	simm.s32 $0x108;
	s8 =	sld [smem:$0x3FAF]  }
0x2e: {  	s3 =	simm.s32 @!p0 $0x1082;
	s9 =	sld [smem:$0x3FB0]  }
0x2f: {  	lr =	sadd.s32 s0, s3;
	s0 =	sld [smem:$0x3FA7]  }
0x30: {  	s3 =	sld [smem:$0x3FAA]  }
0x31: {  	[smem:$0x3FB3] =	sst s10  }
0x32: {  	s10 =	sld [smem:$0x3FB1];
	_ =	sdelay $0x3  }
0x33: {  	p0 =	seq.s32 s10, $0x1;
	s10 =	sld [smem:$0x3FB3];
	_ =	sdelay $0x3  }
0x34: {  	[smem:$0x3FB3] =	sst s10  }
0x35: {  	s10 =	sld [smem:$0x3FB2];
	_ =	sdelay $0x3  }
0x36: {  	p1 =	seq.s32 s10, $0x1;
	s10 =	sld [smem:$0x3FB3];
	_ =	sdelay $0x3  }
0x37: {  	[smem:$0x3FB3] =	sst s10  }
0x38: {  	s10 =	sld [smem:$0x3FB4]  }
0x39: {  	_ = 	snop;
	(pc) =	sbr.ind lr, $3  }
0x3a: {  	_ = 	snop  }
0x3b: {  	_ = 	snop  }
0x3c: {  	p2 =	seq.s32 s10, $0x1;
	s10 =	sld [smem:$0x3FB3]  }
0x3d: {  	_ =	shalt  }
0x3e: {  	_ =	shalt  }
0x3f: {  	_ =	shalt  }
0x40: {  	_ =	shalt  }
0x41: {  	_ =	shalt  }
0x42: {  	_ =	shalt  }
0x43: {  	_ =	shalt  }
0x44: {  	_ =	shalt  }
0x45: {  	_ =	shalt  }
0x46: {  	_ =	shalt  }
0x47: {  	_ =	shalt  }
0x48: {  	_ =	shalt  }
0x49: {  	_ =	shalt  }
0x4a: {  	_ =	shalt  }
0x4b: {  	_ =	shalt  }
0x4c: {  	_ =	shalt  }
0x4d: {  	_ =	shalt  }
0x4e: {  	_ =	shalt  }
0x4f: {  	_ =	shalt  }
0x50: {  	_ =	shalt  }
0x51: {  	_ =	shalt  }
0x52: {  	_ =	shalt  }
0x53: {  	_ =	shalt  }
0x54: {  	_ =	shalt  }
0x55: {  	_ =	shalt  }
0x56: {  	_ =	shalt  }
0x57: {  	_ =	shalt  }
0x58: {  	_ =	shalt  }
0x59: {  	_ =	shalt  }
0x5a: {  	_ =	shalt  }
0x5b: {  	_ =	shalt  }
0x5c: {  	_ =	shalt  }
0x5d: {  	_ =	shalt  }
0x5e: {  	_ =	shalt  }
0x5f: {  	_ =	shalt  }
0x60: {  	_ =	shalt  }
0x61: {  	_ =	shalt  }
0x62: {  	_ =	shalt  }
0x63: {  	_ =	shalt  }
0x64: {  	_ =	shalt  }
0x65: {  	_ =	shalt  }
0x66: {  	_ =	shalt  }
0x67: {  	_ =	shalt  }
0x68: {  	_ =	shalt  }
0x69: {  	_ =	shalt  }
0x6a: {  	_ =	shalt  }
0x6b: {  	_ =	shalt  }
0x6c: {  	_ =	shalt  }
0x6d: {  	_ =	shalt  }
0x6e: {  	_ =	shalt  }
0x6f: {  	_ =	shalt  }
0x70: {  	_ =	shalt  }
0x71: {  	_ =	shalt  }
0x72: {  	_ =	shalt  }
0x73: {  	_ =	shalt  }
0x74: {  	_ =	shalt  }
0x75: {  	_ =	shalt  }
0x76: {  	_ =	shalt  }
0x77: {  	_ =	shalt  }
0x78: {  	_ =	shalt  }
0x79: {  	_ =	shalt  }
0x7a: {  	_ =	shalt  }
0x7b: {  	_ =	shalt  }
0x7c: {  	_ =	shalt  }
0x7d: {  	_ =	shalt  }
0x7e: {  	_ =	shalt  }
0x7f: {  	_ =	shalt  }
0x80: {  	_ =	shalt  }
0x81: {  	_ =	shalt  }
0x82: {  	_ =	shalt  }
0x83: {  	_ =	shalt  }
0x84: {  	_ =	shalt  }
0x85: {  	_ =	shalt  }
0x86: {  	_ =	shalt  }
0x87: {  	_ =	shalt  }
.Lfunc_end0:
.L_simem_size_0:
called_computation.4_lowered:
.L_overlay_start_0:
0x88: {  	s2 =	sld [smem:$0x3FD9]  }
0x89: {  	s3 =	sld [smem:$0x3FFE];
	_ =	sdelay $0x1  }
0x8a: {  	s1 =	srdreg.scid  }
0x8b: {  	s0 =	sand.u32 $0x1, s1  }
0x8c: {  	s17 =	sshll.u32 s0, $0xA;
	s2 =	sadd.s32 s3, s2  }
0x8d: {  	s2 =	sadd.s32 s2, s17  }
0x8e: {  	[smem:$0x3FBF] =	sst s2  }
0x8f: {  	_ = 	snop  }
0x90: {  	s2 =	sld [smem:$0x3FD0];
	(tm) =	ssettm $0x1  }
0x91: {  	s18 =	sld [smem:$0x3FFB];
	_ =	sdelay $0x3  }
0x92: {  	_ =	strace s18  }
0x93: {  	s3 =	sld [smem:$0x3FFC];
	_ =	sdelay $0x3  }
0x94: {  	_ =	strace s3  }
0x95: {  	s3 =	sld [smem:$0x3FFD];
	_ =	sdelay $0x3  }
0x96: {  	_ =	strace s3  }
0x97: {  	_ =	strace $0x8FFFFFFF  }
0x98: {  	s19 =	sld [smem:$0x3FDB];
	_ =	sdelay $0x1  }
0x99: {  	s4 =	simm.s32 $_scs_section_size  }
0x9a: {  	s5 =	simm.s32 $_size__tile_overlayer_lowered;
	s6 =	simm.s32 $_tile_overlayer_lowered  }
0x9b: {  	s22 =	simm.s32 $0x1BFF;
	s21 =	sshll.u32 s6, $0x1;
	s3 =	sadd.s32 s4, s19  }
0x9c: {  	s7 =	simm.s32 $0x0;
	s20 =	sshll.u32 s5, $0x1;
	s5 =	sadd.s32 s21, s3  }
0x9d: {  	[timem:s7], [sflag:s22] =	dma.local [hbm:s5], s20  }
0x9e: {  	_ =	swait.ge [sflag:s22], s20  }
0x9f: {  	s4 =	ssub.s32 $0x0, s20;
	[sflag:s22] =	ssyncset.done $0x0  }
0xa0: {  	[sflag:s22] =	ssyncadd.s32 s4;
	_ =	sdelay $0x1  }
0xa1: {  	s23 =	simm.s32 $0x1B8B  }
0xa2: {  	_ =	swait.ge [sflag:s23], $0x1  }
0xa3: {  	[sflag:s23] =	ssyncset.done $0x0  }
0xa4: {  	s25 =	simm.s32 $0x1B8E;
	s24 =	sld [smem:$0x3FFE];
	[sflag:s23] =	ssyncadd.s32 $0xFFFFFFFF  }
0xa5: {  	s26 =	simm.s32 $execute0_lowered;
	[smem:$0x3FD2] =	sst s25  }
0xa6: {  	s5 =	sshll.u32 s26, $0x1;
	_ =	strace $0x8000004F;
	[dreg:$0x1] =	wrdreg $0xFFFFFFFF  }
0xa7: {  	s28 =	simm.s32 $_size_execute0_lowered;
	s3 =	sadd.s32 s3, s5;
	[dreg:$0x0] =	wrdreg $0x0  }
0xa8: {  	s5 =	sshll.u32 s28, $0x1;
	[dreg:$0x2] =	wrdreg s3  }
0xa9: {  	[dreg:$0x3] =	wrdreg s5  }
0xaa: {  	[dreg:$0x4] =	wrdreg $0xC0  }
0xab: {  	_ =	task [dreg:s7], $0x5FFFF  }
0xac: {  	[dreg:$0x1] =	wrdreg $0xFFFFFFFF  }
0xad: {  	[dreg:$0x0] =	wrdreg $0x60  }
0xae: {  	[dreg:$0x2] =	wrdreg s24  }
0xaf: {  	[dreg:$0x3] =	wrdreg s2  }
0xb0: {  	[dreg:$0x4] =	wrdreg $0x9  }
0xb1: {  	_ =	task.clear_ibuf [dreg:s7], $0x5FFFF;
	_ =	strace $0x9000004F  }
0xb2: {  	s29 =	simm.s32 $0x9;
	_ =	strace $0x80000051  }
0xb3: {  	_ =	swait.ge [sflag:s29], $0x1  }
0xb4: {  	[sflag:s29] =	ssyncadd.s32 $0xFFFFFFFF  }
0xb5: {  	_ =	strace $0x90000051  }
0xb6: {  	_ =	sfence  }
0xb7: {  	s30 =	sld [smem:$0x0];
	_ =	sdelay $0x2  }
0xb8: {  	s31 =	sshll.u32 s1, $0xD;
	s1 =	sshrl.u32 s1, $0x2  }
0xb9: {  	s3 =	sand.u32 $0x4000, s31;
	s1 =	sadd.s32 s1, s30  }
0xba: {  	s0 =	sor.u32 s3, s0;
	s1 =	sshll.u32 s1, $0x11  }
0xbb: {  	s0 =	sor.u32 s1, s0  }
0xbc: {  	s0 =	sadd.s32 $0x8F2B, s0  }
0xbd: {  	[sflag:s0] =	ssyncadd.remote.s32 $0x1  }
0xbe: {  	_ =	sfence.sel $0xFFFF  }
0xbf: {  	[dreg:$0x0] =	wrdreg $0xFFFFFFFF;
	(pc) =	sbr.abs _section_cstart, $3  }
0xc0: {  	[dreg:$0x1] =	wrdreg $0xFFFFFFFF  }
0xc1: {  	_ =	task.clear_ibuf [dreg:s7], $0x2FFFF;
	_ =	strace $0x9FFFFFFF  }
0xc2: {  	(tm) =	ssettm $0x7FFFFFFF  }
0xc3: {  	_ =	shalt  }
tec
execute0_lowered:
.L_overlay_start_1:
0x0: {  	(tag) =	ssettag $0x1  }
0x1: {  	s0 =	rddreg [dreg:$0x0]  }
0x2: {  	s2 =	simm.s32 $0x0;
	s3 =	srdreg.scid;
	s1 =	stileid.u32  }
0x3: {  	s11 =	simm.s32 $0x2;
	s12 =	simm.s32 $0x1;
	s13 =	simm.s32 $0x280  }
0x4: {  	s14 =	simm.s32 $0x300;
	s15 =	simm.s32 $0x80;
	s16 =	simm.s32 $0x400  }
.Ltmp0:
0x5: {  	s17 =	simm.s32 $0x4400;
	s3 =	sand.u32 $0x1, s3;
	(pc) =	sbr.rel .LBB2_1-.Ltmp0, $4  }
0x6: {  	s18 =	simm.s32 $0x0;
	[smem:$0x7FF] =	sst s2;
	s4 =	ssub.s32 $0x2, s3  }
0x7: {  	s5 =	sadd.s32 $0x1F02E00, s0;
	s6 =	sadd.s32 $0xF8600, s0;
	s9 =	sshrl.u32 s4, $0x1  }
0x8: {  	s7 =	sadd.s32 $0x3800, s0;
	s8 =	sadd.s32 $0x4FAE00, s0;
	s31 =	ssub.s32 s4, s9  }
0x9: {  	v0 =	vimm.f32 $0.0e+00;
	_ =	strace $0x80000050;
	s9 =	sshll.u32 s1, $0x1;
	s10 =	smax.u32 s31, $0x1  }
.LBB2_12:
0xa: {  	s18 =	sadd.s32 $0x1, s18  }
0xb: {  	p0 =	sne.s32 s18, s10  }
.Ltmp1:
0xc: {  	_ = 	snop;
	(pc) =	sbr.rel @!p0 .LBB2_13-.Ltmp1, $1  }
0xd: {  	_ =	sdelay $0x3  }
.LBB2_1:
.Ltmp2:
0xe: {  	s0 =	rddreg [dreg:$0x1];
	(pc) =	sbr.rel .LBB2_2-.Ltmp2, $4  }
0xf: {  	[tilespmem:s2], [sflag:$0x2] =	stream.linear.gather [hbm4b:s0+s2], $0x280, $0x38;
	[tilespmem:$0x1CC00] =	vst v63  }
0x10: {  	_ =	swait.ge [sflag:s11], $0x280  }
0x11: {  	[sflag:s11] =	ssyncset.done $0x0  }
0x12: {  	s19 =	simm.s32 $0x0;
	[sflag:s11] =	ssyncadd.s32 $0xFFFFFD80  }
.LBB2_11:
0x13: {  	s0 =	smul.u32 $0x3100, s20;
	s19 =	sadd.s32 $0x1, s19  }
0x14: {  	p0 =	sne.s32 s19, $0x10  }
.Ltmp3:
0x15: {  	s0 =	sadd.s32 s8, s0;
	(pc) =	sbr.rel @!p0 .LBB2_12-.Ltmp3, $4  }
0x16: {  	[hbm4b:s0+s2] =	stream.linear.scatter [tilespmem:s17], [sflag:$0x2], $0x18800, $0x38;
	[tilespmem:$0x1CC00] =	vst v63  }
0x17: {  	_ =	swait.ge [sflag:s11], $0x18800  }
0x18: {  	[sflag:s11] =	ssyncset.done $0x0  }
0x19: {  	[sflag:s11] =	ssyncadd.s32 $0xFFFE7800  }
.LBB2_2:
0x1a: {  	s0 =	sshll.u32 s19, $0x5  }
0x1b: {  	s0 =	sor.u32 s0, s9  }
0x1c: {  	s20 =	sor.u32 s3, s0  }
0x1d: {  	s4 =	simm.s32 $0x40;
	s0 =	simm.s32 $0x0;
	v1 =	vld [tilespmem:s20+$0x0]  }
.LBB2_3:
0x1e: {  	p0 =	sne.s32 s4, $0x61FC0;
	[tilespmem:s0+$0x4400] =	vst v0;
	s0 =	smov.u32 s4;
	s4 =	sadd.s32 $0x40, s4  }
.Ltmp4:
0x1f: {  	(pc) =	sbr.rel @p0 .LBB2_3-.Ltmp4, $2  }
0x20: {  	_ =	sdelay $0x2  }
0x21: {  	s0 =	sshra.s32 s0, $0x2  }
0x22: {  	(v2sf) =	vpush v1, $0x0;
	_ =	sdelay $0x6  }
0x23: {  	(v2sf) =	vpush v1, $0x1;
	_ =	sdelay $0x7  }
0x24: {  	s21 =	spop (v2sf)  }
0x25: {  	s4 =	sand.u32 $0x7F, s21  }
0x26: {  	s22 =	sshra.s32 s21, $0x1F;
	p0 =	slt.s32 s21, $0x1;
	p1 =	sne.s32 s4, $0x0  }
0x27: {  	s30 =	sshrl.u32 s22, $0x19;
	p0 =	por !p0, !p1  }
0x28: {  	s22 =	simm.s32 $0x1;
	s4 =	sadd.s32 s30, s21;
	p0 =	por !p0, !p0  }
0x29: {  	s4 =	sshra.s32 s4, $0x7;
	s22 =	simm.s32 @!p0 $0x0  }
0x2a: {  	s22 =	ssub.s32 s4, s22  }
0x2b: {  	s23 =	spop (v2sf);
	s4 =	sshll.u32 s22, $0x7  }
0x2c: {  	s24 =	ssub.s32 s23, s4  }
0x2d: {  	s24 =	sadd.s32 $0x7F, s24  }
0x2e: {  	s25 =	sand.u32 $0x7F, s24  }
0x2f: {  	s31 =	sshra.s32 s24, $0x1F;
	p6 =	slt.s32 s24, $0x1;
	p5 =	sne.s32 s25, $0x0  }
0x30: {  	s25 =	sshrl.u32 s31, $0x19;
	p0 =	por !p6, !p5  }
0x31: {  	s24 =	sadd.s32 s25, s24;
	s25 =	simm.s32 $0x1;
	p0 =	por !p0, !p0  }
0x32: {  	s24 =	sshra.s32 s24, $0x7;
	s25 =	simm.s32 @!p0 $0x0  }
0x33: {  	s24 =	ssub.s32 s24, s25  }
0x34: {  	p0 =	slt.s32 s24, $0x1  }
.Ltmp5:
0x35: {  	_ = 	snop;
	(pc) =	sbr.rel @p0 .LBB2_11-.Ltmp5, $2  }
0x36: {  	_ =	sdelay $0x2  }
0x37: {  	[tilespmem:s0+$0x4400] =	vst v0  }
.Ltmp6:
0x38: {  	(pc) =	sbr.rel .LBB2_6-.Ltmp6, $2  }
0x39: {  	_ =	sdelay $0x2  }
0x3a: {  	s25 =	smul.u32 $0x1FFF3C0, s20;
	s26 =	ssub.s32 s21, s4;
	s28 =	simm.s32 $0x0  }
.LBB2_9:
0x3b: {  	[tilespmem:s4+$0x4400] =	vst v2  }
0x3c: {  	[tilespmem:s4+$0x4410] =	vst v1  }
.LBB2_10:
0x3d: {  	s28 =	sadd.s32 $0x1, s28  }
0x3e: {  	p0 =	sne.s32 s28, s24  }
.Ltmp7:
0x3f: {  	_ = 	snop;
	(pc) =	sbr.rel @!p0 .LBB2_11-.Ltmp7, $2  }
0x40: {  	_ =	sdelay $0x2  }
0x41: {  	s26 =	sadd.s32 $0xFFFFFF80, s26  }
.LBB2_6:
0x42: {  	s0 =	sadd.s32 s22, s28  }
0x43: {  	s4 =	sshll.u32 s0, $0x4  }
0x44: {  	s4 =	sand.u32 $0x1FFFFFF0, s4  }
0x45: {  	s31 =	sshll.u32 s0, $0x7;
	s29 =	sadd.s32 s6, s4  }
0x46: {  	[tilespmem:s13], [sflag:$0x2] =	stream.linear.gather [hbm4b:s29+s2], $0x80, $0x38;
	[tilespmem:$0x1CC00] =	vst v63  }
0x47: {  	s0 =	ssub.s32 s21, s31;
	_ =	swait.ge [sflag:s11], $0x80  }
0x48: {  	s4 =	sadd.s32 s7, s4;
	s29 =	ssub.s32 s23, s31;
	[sflag:s11] =	ssyncset.done $0x0  }
0x49: {  	p0 =	sgt.s32 s0, $0x0;
	p1 =	slt.s32 s29, $0x80;
	[sflag:s11] =	ssyncadd.s32 $0xFFFFFF80  }
0x4a: {  	[tilespmem:s14], [sflag:$0x2] =	stream.linear.gather [hbm4b:s4+s2], $0x80, $0x38;
	[tilespmem:$0x1CC00] =	vst v63  }
0x4b: {  	s0 =	simm.s32 @!p0 $0x0;
	s29 =	simm.s32 @!p1 $0x80;
	_ =	swait.ge [sflag:s11], $0x80  }
0x4c: {  	p0 =	sle.s32 s29, s0;
	[sflag:s11] =	ssyncset.done $0x0  }
.Ltmp8:
0x4d: {  	[sflag:s11] =	ssyncadd.s32 $0xFFFFFF80;
	(pc) =	sbr.rel @p0 .LBB2_10-.Ltmp8, $4  }
0x4e: {  	[tilespmem:s16], [sflag:$0x1] =	stream.indirect.gather [hbm4b:s5+s15], $0x80, s13, s15, $0xb8;
	[tilespmem:$0x1CC00] =	vst v63  }
0x4f: {  	_ =	swait.ge [sflag:s12], $0x4000  }
0x50: {  	[sflag:s12] =	ssyncset.done $0x0  }
0x51: {  	[sflag:s12] =	ssyncadd.s32 $0xFFFFC000  }
0x52: {  	p0 =	sgt.s32 s26, $0x0;
	s4 =	smov.u32 s26  }
0x53: {  	s4 =	simm.s32 @!p0 $0x0  }
0x54: {  	s30 =	sshll.u32 s4, $0x2  }
0x55: {  	s30 =	sshra.s32 s30, $0x2  }
0x56: {  	s30 =	sadd.s32 $0x300, s30  }
0x57: {  	v1 =	vld [tilespmem:s30+$0x0];
	_ =	sdelay $0x4  }
0x58: {  	(v2sf) =	vpush v1, $0x0;
	_ =	sdelay $0xd  }
0x59: {  	s4 =	sshll.u32 s4, $0x9  }
0x5a: {  	s4 =	sshra.s32 s4, $0x2;
	s1 =	spop (v2sf)  }
0x5b: {  	s31 =	sadd.s32 $0x410, s4;
	s1 =	sadd.s32 s25, s1  }
0x5c: {  	v2 =	vld [tilespmem:s31+$0xFFFFFFF0];
	s1 =	sshll.u32 s1, $0x7  }
0x5d: {  	p0 =	sgt.s32 s0, s29;
	v1 =	vld [tilespmem:s31+$0x0];
	s4 =	sshra.s32 s1, $0x2  }
0x5e: {  	s29 =	smov.u32 @p0 s0;
	s0 =	sadd.s32 $0x1, s0;
	v3 =	vld [tilespmem:s4+$0x4400]  }
0x5f: {  	p0 =	slt.u32 s0, s29;
	v4 =	vld [tilespmem:s4+$0x4410]  }
.Ltmp9:
0x60: {  	_ = 	snop;
	(pc) =	sbr.rel @!p0 .LBB2_9-.Ltmp9, $3  }
0x61: {  	_ =	sdelay $0x1  }
0x62: {  	v2 =	vadd.f32 v3, v2  }
0x63: {  	v1 =	vadd.f32 v4, v1  }
.LBB2_8:
0x64: {  	s0 =	sadd.s32 $0x1, s0;
	[tilespmem:s4+$0x4400] =	vst v2;
	s30 =	sadd.s32 $0x1, s30;
	s31 =	sadd.s32 $0x80, s31  }
0x65: {  	p0 =	slt.u32 s0, s29;
	[tilespmem:s4+$0x4410] =	vst v1  }
0x66: {  	v1 =	vld [tilespmem:s30+$0x0];
	_ =	sdelay $0x4  }
0x67: {  	(v2sf) =	vpush v1, $0x0;
	_ =	sdelay $0xe  }
0x68: {  	s1 =	spop (v2sf)  }
0x69: {  	s1 =	sadd.s32 s25, s1  }
0x6a: {  	v1 =	vld [tilespmem:s31+$0x0];
	s1 =	sshll.u32 s1, $0x7  }
0x6b: {  	v2 =	vld [tilespmem:s31+$0xFFFFFFF0];
	s4 =	sshra.s32 s1, $0x2  }
0x6c: {  	v3 =	vld [tilespmem:s4+$0x4400]  }
0x6d: {  	v4 =	vld [tilespmem:s4+$0x4410]  }
.Ltmp10:
0x6e: {  	(pc) =	sbr.rel @p0 .LBB2_8-.Ltmp10, $3  }
0x6f: {  	_ =	sdelay $0x1  }
0x70: {  	v2 =	vadd.f32 v3, v2  }
0x71: {  	v1 =	vadd.f32 v4, v1  }
.Ltmp11:
0x72: {  	_ = 	snop;
	(pc) =	sbr.rel .LBB2_9-.Ltmp11, $1  }
0x73: {  	_ =	sdelay $0x3  }
.LBB2_13:
0x74: {  	_ =	sfence.sel $0x180000  }
0x75: {  	[bflag:$0x0] =	sbarrier.arrive $0xFFFF  }
0x76: {  	_ =	strace $0x90000050  }
0x77: {  	s0 =	stileid.u32;
	[bflag:$0x2] =	sbarrier.arrive $0xFFFF  }
0x78: {  	p0 =	sne.s32 s0, $0x0;
	s0 =	rddreg [dreg:$0x2]  }
0x79: {  	s0 =	sadd.s32 @!p0 $0x100000, s0  }
0x7a: {  	[sflag:s0] =	ssyncadd.tile.s32 @!p0 $0x1;
	_ =	shalt  }
.Lfunc_end2:
_tile_overlayer_lowered:
.L_overlay_start_2:
0x7b: {  	(tag) =	ssettag $0x2  }
0x7c: {  	s0 =	rddreg [dreg:$0x0];
	s2 =	stileid.u32  }
0x7d: {  	s1 =	rddreg [dreg:$0x1];
	p0 =	sne.s32 s2, $0x0  }
0x7e: {  	s3 =	rddreg [dreg:$0x2];
	[bflag:$0x3] =	sbarrier.arrive $0xFFFF;
	s2 =	simm.s32 @!p0 $0x1C02  }
0x7f: {  	[timem:s3], [sflag:s2] =	dma.local @!p0 [hbm:s0], s1  }
0x80: {  	s0 =	simm.s32 @!p0 $0x2  }
0x81: {  	_ =	swait.ge @!p0 [sflag:s0], s1  }
0x82: {  	s1 =	ssub.s32 @!p0 $0x0, s1;
	[sflag:s0] =	ssyncset.done @!p0 $0x0  }
0x83: {  	[sflag:s0] =	ssyncadd.s32 @!p0 s1  }
0x84: {  	[bflag:$0x3] =	sbarrier.arrive $0xFFFF  }
0x85: {  	_ =	shalt  }

// kernel: kernel.22.cloned.1.call-start
scs
__scs_entry_jumppad:
0x0: {  	(pc) =	sbr.rel $0x88, $3  }
0x1: {  	(tag) =	ssettag $0x0;
	lr =	simm.s32 $0x1  }
0x2: {  	[smem:$0x3F98] =	sst lr;
	_ =	strace $0xD0000000  }
0x3: {  	_ = 	snop  }
0x4: {  	_ = 	snop  }
0x5: {  	_ = 	snop  }
0x6: {  	_ = 	snop  }
0x7: {  	_ = 	snop  }
__scs_overlays_trampoline_lowered:
0x8: {  	[smem:$0x3FA7] =	sst s0  }
0x9: {  	[smem:$0x3FA8] =	sst s1  }
0xa: {  	[smem:$0x3FA9] =	sst s2  }
0xb: {  	[smem:$0x3FAA] =	sst s3  }
0xc: {  	[smem:$0x3FAB] =	sst s4  }
0xd: {  	[smem:$0x3FAC] =	sst s5  }
0xe: {  	[smem:$0x3FAD] =	sst s6  }
0xf: {  	[smem:$0x3FAE] =	sst s7  }
0x10: {  	[smem:$0x3FAF] =	sst s8  }
0x11: {  	[smem:$0x3FB0] =	sst s9;
	s0 =	simm.s32 @!p0 $0x0  }
0x12: {  	s1 =	sld [smem:$0x3F96];
	s0 =	simm.s32 @p0 $0x1  }
0x13: {  	[smem:$0x3FB1] =	sst s0;
	s0 =	simm.s32 @!p1 $0x0  }
0x14: {  	s2 =	sld [smem:$0x3F95];
	s0 =	simm.s32 @p1 $0x1  }
0x15: {  	[smem:$0x3FB2] =	sst s0;
	s0 =	simm.s32 @!p2 $0x0  }
0x16: {  	s3 =	sld [smem:$0x3FDB];
	s0 =	simm.s32 @p2 $0x1  }
0x17: {  	s4 =	simm.s32 $0x1BF5;
	[smem:$0x3FB4] =	sst s0  }
0x18: {  	s0 =	sld [smem:$0x3F97];
	_ =	swait.ge [sflag:s4], $0x0  }
0x19: {  	s7 =	sld [smem:$0x3F98]  }
0x1a: {  	s8 =	sadd.s32 $0xFFFFE003, lr  }
0x1b: {  	s9 =	sadd.s32 $0xFFFFFEF7, lr;
	s5 =	simm.s32 $0xFFFFFFFF;
	p2 =	slt.u32 s8, $0xFFFFF086  }
0x1c: {  	p1 =	slt.u32 s9, $0xF7A;
	s5 =	simm.s32 @!p2 $0x0  }
0x1d: {  	s5 =	simm.s32 @p1 $0x1;
	p0 =	seq.s32 s7, s2  }
0x1e: {  	s7 =	smul.u32 @!p0 $0xF7A, s2;
	p2 =	seq.s32 @!p0 s5, $0x0  }
0x1f: {  	s9 =	smul.u32 $0xF7A, s1;
	s8 =	simm.s32 @!p0 $0x1BF5;
	p2 =	por !p2, p0  }
0x20: {  	[sflag:s8] =	ssyncset.s32 @!p0 $0xFFFFF086;
	s6 =	sadd.s32 @!p0 s3, s7;
	s7 =	simm.s32 @!p0 $0x108  }
0x21: {  	s3 =	sadd.s32 s3, s9;
	s6 =	sadd.s32 @!p0 $0x88, s6;
	s7 =	simm.s32 @p2 $0x1082  }
0x22: {  	[simem:s7], [sflag:s8] =	dma.local @!p0 [hbm:s6], $0xF7A  }
0x23: {  	s9 =	sor.u32 $0xD0000000, s2;
	s6 =	simm.s32 $0x108;
	_ =	swait.ge @!p0 [sflag:s8], $0x0  }
0x24: {  	s3 =	sadd.s32 $0x88, s3;
	s6 =	simm.s32 @!p1 $0x1082;
	[sflag:s4] =	ssyncset.s32 $0xFFFFF086  }
0x25: {  	[simem:s6], [sflag:s4] =	dma.local [hbm:s3], $0xF7A  }
0x26: {  	[smem:$0x3F98] =	sst s1;
	(tag) =	ssettag s2;
	_ =	strace s9  }
0x27: {  	s1 =	sld [smem:$0x3FA8]  }
0x28: {  	s2 =	sld [smem:$0x3FA9]  }
0x29: {  	s4 =	sld [smem:$0x3FAB]  }
0x2a: {  	p0 =	seq.s32 s5, $0x0;
	s5 =	sld [smem:$0x3FAC]  }
0x2b: {  	s6 =	sld [smem:$0x3FAD]  }
0x2c: {  	s7 =	sld [smem:$0x3FAE]  }
0x2d: {  	s3 =	simm.s32 $0x108;
	s8 =	sld [smem:$0x3FAF]  }
0x2e: {  	s3 =	simm.s32 @!p0 $0x1082;
	s9 =	sld [smem:$0x3FB0]  }
0x2f: {  	lr =	sadd.s32 s0, s3;
	s0 =	sld [smem:$0x3FA7]  }
0x30: {  	s3 =	sld [smem:$0x3FAA]  }
0x31: {  	[smem:$0x3FB3] =	sst s10  }
0x32: {  	s10 =	sld [smem:$0x3FB1];
	_ =	sdelay $0x3  }
0x33: {  	p0 =	seq.s32 s10, $0x1;
	s10 =	sld [smem:$0x3FB3];
	_ =	sdelay $0x3  }
0x34: {  	[smem:$0x3FB3] =	sst s10  }
0x35: {  	s10 =	sld [smem:$0x3FB2];
	_ =	sdelay $0x3  }
0x36: {  	p1 =	seq.s32 s10, $0x1;
	s10 =	sld [smem:$0x3FB3];
	_ =	sdelay $0x3  }
0x37: {  	[smem:$0x3FB3] =	sst s10  }
0x38: {  	s10 =	sld [smem:$0x3FB4]  }
0x39: {  	_ = 	snop;
	(pc) =	sbr.ind lr, $3  }
0x3a: {  	_ = 	snop  }
0x3b: {  	_ = 	snop  }
0x3c: {  	p2 =	seq.s32 s10, $0x1;
	s10 =	sld [smem:$0x3FB3]  }
0x3d: {  	_ =	shalt  }
0x3e: {  	_ =	shalt  }
0x3f: {  	_ =	shalt  }
0x40: {  	_ =	shalt  }
0x41: {  	_ =	shalt  }
0x42: {  	_ =	shalt  }
0x43: {  	_ =	shalt  }
0x44: {  	_ =	shalt  }
0x45: {  	_ =	shalt  }
0x46: {  	_ =	shalt  }
0x47: {  	_ =	shalt  }
0x48: {  	_ =	shalt  }
0x49: {  	_ =	shalt  }
0x4a: {  	_ =	shalt  }
0x4b: {  	_ =	shalt  }
0x4c: {  	_ =	shalt  }
0x4d: {  	_ =	shalt  }
0x4e: {  	_ =	shalt  }
0x4f: {  	_ =	shalt  }
0x50: {  	_ =	shalt  }
0x51: {  	_ =	shalt  }
0x52: {  	_ =	shalt  }
0x53: {  	_ =	shalt  }
0x54: {  	_ =	shalt  }
0x55: {  	_ =	shalt  }
0x56: {  	_ =	shalt  }
0x57: {  	_ =	shalt  }
0x58: {  	_ =	shalt  }
0x59: {  	_ =	shalt  }
0x5a: {  	_ =	shalt  }
0x5b: {  	_ =	shalt  }
0x5c: {  	_ =	shalt  }
0x5d: {  	_ =	shalt  }
0x5e: {  	_ =	shalt  }
0x5f: {  	_ =	shalt  }
0x60: {  	_ =	shalt  }
0x61: {  	_ =	shalt  }
0x62: {  	_ =	shalt  }
0x63: {  	_ =	shalt  }
0x64: {  	_ =	shalt  }
0x65: {  	_ =	shalt  }
0x66: {  	_ =	shalt  }
0x67: {  	_ =	shalt  }
0x68: {  	_ =	shalt  }
0x69: {  	_ =	shalt  }
0x6a: {  	_ =	shalt  }
0x6b: {  	_ =	shalt  }
0x6c: {  	_ =	shalt  }
0x6d: {  	_ =	shalt  }
0x6e: {  	_ =	shalt  }
0x6f: {  	_ =	shalt  }
0x70: {  	_ =	shalt  }
0x71: {  	_ =	shalt  }
0x72: {  	_ =	shalt  }
0x73: {  	_ =	shalt  }
0x74: {  	_ =	shalt  }
0x75: {  	_ =	shalt  }
0x76: {  	_ =	shalt  }
0x77: {  	_ =	shalt  }
0x78: {  	_ =	shalt  }
0x79: {  	_ =	shalt  }
0x7a: {  	_ =	shalt  }
0x7b: {  	_ =	shalt  }
0x7c: {  	_ =	shalt  }
0x7d: {  	_ =	shalt  }
0x7e: {  	_ =	shalt  }
0x7f: {  	_ =	shalt  }
0x80: {  	_ =	shalt  }
0x81: {  	_ =	shalt  }
0x82: {  	_ =	shalt  }
0x83: {  	_ =	shalt  }
0x84: {  	_ =	shalt  }
0x85: {  	_ =	shalt  }
0x86: {  	_ =	shalt  }
0x87: {  	_ =	shalt  }
.Lfunc_end0:
.L_simem_size_0:
called_computation.5_lowered:
.L_overlay_start_0:
0x88: {  	s2 =	sld [smem:$0x3FD9]  }
0x89: {  	s3 =	sld [smem:$0x3FFE];
	_ =	sdelay $0x1  }
0x8a: {  	s1 =	srdreg.scid  }
0x8b: {  	s0 =	sand.u32 $0x1, s1  }
0x8c: {  	s17 =	sshll.u32 s0, $0xA;
	s2 =	sadd.s32 s3, s2  }
0x8d: {  	s2 =	sadd.s32 s2, s17  }
0x8e: {  	[smem:$0x3FBF] =	sst s2  }
0x8f: {  	_ = 	snop  }
0x90: {  	s2 =	sld [smem:$0x3FD0];
	(tm) =	ssettm $0x1  }
0x91: {  	s18 =	sld [smem:$0x3FFB];
	_ =	sdelay $0x3  }
0x92: {  	_ =	strace s18  }
0x93: {  	s3 =	sld [smem:$0x3FFC];
	_ =	sdelay $0x3  }
0x94: {  	_ =	strace s3  }
0x95: {  	s3 =	sld [smem:$0x3FFD];
	_ =	sdelay $0x3  }
0x96: {  	_ =	strace s3  }
0x97: {  	_ =	strace $0x8FFFFFFF  }
0x98: {  	s19 =	sld [smem:$0x3FDB];
	_ =	sdelay $0x1  }
0x99: {  	s4 =	simm.s32 $_scs_section_size  }
0x9a: {  	s5 =	simm.s32 $_size__tile_overlayer_lowered;
	s6 =	simm.s32 $_tile_overlayer_lowered  }
0x9b: {  	s22 =	simm.s32 $0x1BFF;
	s21 =	sshll.u32 s6, $0x1;
	s3 =	sadd.s32 s4, s19  }
0x9c: {  	s7 =	simm.s32 $0x0;
	s20 =	sshll.u32 s5, $0x1;
	s5 =	sadd.s32 s21, s3  }
0x9d: {  	[timem:s7], [sflag:s22] =	dma.local [hbm:s5], s20  }
0x9e: {  	_ =	swait.ge [sflag:s22], s20  }
0x9f: {  	s4 =	ssub.s32 $0x0, s20;
	[sflag:s22] =	ssyncset.done $0x0  }
0xa0: {  	[sflag:s22] =	ssyncadd.s32 s4;
	_ =	sdelay $0x1  }
0xa1: {  	s23 =	simm.s32 $0x1B8B  }
0xa2: {  	_ =	swait.ge [sflag:s23], $0x1  }
0xa3: {  	[sflag:s23] =	ssyncset.done $0x0  }
0xa4: {  	s25 =	simm.s32 $0x1B8E;
	s24 =	sld [smem:$0x3FFE];
	[sflag:s23] =	ssyncadd.s32 $0xFFFFFFFF  }
0xa5: {  	s26 =	simm.s32 $execute0_lowered;
	[smem:$0x3FD2] =	sst s25  }
0xa6: {  	s5 =	sshll.u32 s26, $0x1;
	_ =	strace $0x80000052;
	[dreg:$0x1] =	wrdreg $0xFFFFFFFF  }
0xa7: {  	s28 =	simm.s32 $_size_execute0_lowered;
	s3 =	sadd.s32 s3, s5;
	[dreg:$0x0] =	wrdreg $0x0  }
0xa8: {  	s5 =	sshll.u32 s28, $0x1;
	[dreg:$0x2] =	wrdreg s3  }
0xa9: {  	[dreg:$0x3] =	wrdreg s5  }
0xaa: {  	[dreg:$0x4] =	wrdreg $0xC0  }
0xab: {  	_ =	task [dreg:s7], $0x5FFFF  }
0xac: {  	[dreg:$0x1] =	wrdreg $0xFFFFFFFF  }
0xad: {  	[dreg:$0x0] =	wrdreg $0x60  }
0xae: {  	[dreg:$0x2] =	wrdreg s24  }
0xaf: {  	[dreg:$0x3] =	wrdreg s2  }
0xb0: {  	[dreg:$0x4] =	wrdreg $0x9  }
0xb1: {  	_ =	task.clear_ibuf [dreg:s7], $0x5FFFF;
	_ =	strace $0x90000052  }
0xb2: {  	s29 =	simm.s32 $0x9;
	_ =	strace $0x80000054  }
0xb3: {  	_ =	swait.ge [sflag:s29], $0x1  }
0xb4: {  	[sflag:s29] =	ssyncadd.s32 $0xFFFFFFFF  }
0xb5: {  	_ =	strace $0x90000054  }
0xb6: {  	_ =	sfence  }
0xb7: {  	s30 =	sld [smem:$0x0];
	_ =	sdelay $0x2  }
0xb8: {  	s31 =	sshll.u32 s1, $0xD;
	s1 =	sshrl.u32 s1, $0x2  }
0xb9: {  	s3 =	sand.u32 $0x4000, s31;
	s1 =	sadd.s32 s1, s30  }
0xba: {  	s0 =	sor.u32 s3, s0;
	s1 =	sshll.u32 s1, $0x11  }
0xbb: {  	s0 =	sor.u32 s1, s0  }
0xbc: {  	s0 =	sadd.s32 $0x8F2B, s0  }
0xbd: {  	[sflag:s0] =	ssyncadd.remote.s32 $0x1  }
0xbe: {  	_ =	sfence.sel $0xFFFF  }
0xbf: {  	[dreg:$0x0] =	wrdreg $0xFFFFFFFF;
	(pc) =	sbr.abs _section_cstart, $3  }
0xc0: {  	[dreg:$0x1] =	wrdreg $0xFFFFFFFF  }
0xc1: {  	_ =	task.clear_ibuf [dreg:s7], $0x2FFFF;
	_ =	strace $0x9FFFFFFF  }
0xc2: {  	(tm) =	ssettm $0x7FFFFFFF  }
0xc3: {  	_ =	shalt  }
tec
execute0_lowered:
.L_overlay_start_1:
0x0: {  	(tag) =	ssettag $0x1  }
0x1: {  	s0 =	rddreg [dreg:$0x0]  }
0x2: {  	s2 =	simm.s32 $0x0;
	s3 =	srdreg.scid;
	s1 =	stileid.u32  }
0x3: {  	s11 =	simm.s32 $0x2;
	s12 =	simm.s32 $0x1;
	s13 =	simm.s32 $0x280  }
0x4: {  	s14 =	simm.s32 $0x300;
	s15 =	simm.s32 $0x80;
	s16 =	simm.s32 $0x400  }
.Ltmp0:
0x5: {  	s17 =	simm.s32 $0x4400;
	s3 =	sand.u32 $0x1, s3;
	(pc) =	sbr.rel .LBB2_1-.Ltmp0, $4  }
0x6: {  	s18 =	simm.s32 $0x0;
	[smem:$0x7FF] =	sst s2;
	s4 =	ssub.s32 $0x2, s3  }
0x7: {  	s5 =	sadd.s32 $0x239AE00, s0;
	s6 =	sadd.s32 $0xF8600, s0;
	s9 =	sshrl.u32 s4, $0x1  }
0x8: {  	s7 =	sadd.s32 $0x3800, s0;
	s8 =	sadd.s32 $0x4FAE00, s0;
	s31 =	ssub.s32 s4, s9  }
0x9: {  	v0 =	vimm.f32 $0.0e+00;
	_ =	strace $0x80000053;
	s9 =	sshll.u32 s1, $0x1;
	s10 =	smax.u32 s31, $0x1  }
.LBB2_12:
0xa: {  	s18 =	sadd.s32 $0x1, s18  }
0xb: {  	p0 =	sne.s32 s18, s10  }
.Ltmp1:
0xc: {  	_ = 	snop;
	(pc) =	sbr.rel @!p0 .LBB2_13-.Ltmp1, $1  }
0xd: {  	_ =	sdelay $0x3  }
.LBB2_1:
.Ltmp2:
0xe: {  	s0 =	rddreg [dreg:$0x1];
	(pc) =	sbr.rel .LBB2_2-.Ltmp2, $4  }
0xf: {  	[tilespmem:s2], [sflag:$0x2] =	stream.linear.gather [hbm4b:s0+s2], $0x280, $0x38;
	[tilespmem:$0x1CC00] =	vst v63  }
0x10: {  	_ =	swait.ge [sflag:s11], $0x280  }
0x11: {  	[sflag:s11] =	ssyncset.done $0x0  }
0x12: {  	s19 =	simm.s32 $0x0;
	[sflag:s11] =	ssyncadd.s32 $0xFFFFFD80  }
.LBB2_11:
0x13: {  	s0 =	smul.u32 $0x3100, s20;
	s19 =	sadd.s32 $0x1, s19  }
0x14: {  	p0 =	sne.s32 s19, $0x10  }
.Ltmp3:
0x15: {  	s0 =	sadd.s32 s8, s0;
	(pc) =	sbr.rel @!p0 .LBB2_12-.Ltmp3, $4  }
0x16: {  	[hbm4b:s0+s2] =	stream.linear.scatter [tilespmem:s17], [sflag:$0x2], $0x18800, $0x38;
	[tilespmem:$0x1CC00] =	vst v63  }
0x17: {  	_ =	swait.ge [sflag:s11], $0x18800  }
0x18: {  	[sflag:s11] =	ssyncset.done $0x0  }
0x19: {  	[sflag:s11] =	ssyncadd.s32 $0xFFFE7800  }
.LBB2_2:
0x1a: {  	s0 =	sshll.u32 s19, $0x5  }
0x1b: {  	s0 =	sor.u32 s0, s9  }
0x1c: {  	s20 =	sor.u32 s3, s0  }
0x1d: {  	s4 =	simm.s32 $0x40;
	s0 =	simm.s32 $0x0;
	v1 =	vld [tilespmem:s20+$0x0]  }
.LBB2_3:
0x1e: {  	p0 =	sne.s32 s4, $0x61FC0;
	[tilespmem:s0+$0x4400] =	vst v0;
	s0 =	smov.u32 s4;
	s4 =	sadd.s32 $0x40, s4  }
.Ltmp4:
0x1f: {  	(pc) =	sbr.rel @p0 .LBB2_3-.Ltmp4, $2  }
0x20: {  	_ =	sdelay $0x2  }
0x21: {  	s0 =	sshra.s32 s0, $0x2  }
0x22: {  	(v2sf) =	vpush v1, $0x0;
	_ =	sdelay $0x6  }
0x23: {  	(v2sf) =	vpush v1, $0x1;
	_ =	sdelay $0x7  }
0x24: {  	s21 =	spop (v2sf)  }
0x25: {  	s4 =	sand.u32 $0x7F, s21  }
0x26: {  	s22 =	sshra.s32 s21, $0x1F;
	p0 =	slt.s32 s21, $0x1;
	p1 =	sne.s32 s4, $0x0  }
0x27: {  	s30 =	sshrl.u32 s22, $0x19;
	p0 =	por !p0, !p1  }
0x28: {  	s22 =	simm.s32 $0x1;
	s4 =	sadd.s32 s30, s21;
	p0 =	por !p0, !p0  }
0x29: {  	s4 =	sshra.s32 s4, $0x7;
	s22 =	simm.s32 @!p0 $0x0  }
0x2a: {  	s22 =	ssub.s32 s4, s22  }
0x2b: {  	s23 =	spop (v2sf);
	s4 =	sshll.u32 s22, $0x7  }
0x2c: {  	s24 =	ssub.s32 s23, s4  }
0x2d: {  	s24 =	sadd.s32 $0x7F, s24  }
0x2e: {  	s25 =	sand.u32 $0x7F, s24  }
0x2f: {  	s31 =	sshra.s32 s24, $0x1F;
	p6 =	slt.s32 s24, $0x1;
	p5 =	sne.s32 s25, $0x0  }
0x30: {  	s25 =	sshrl.u32 s31, $0x19;
	p0 =	por !p6, !p5  }
0x31: {  	s24 =	sadd.s32 s25, s24;
	s25 =	simm.s32 $0x1;
	p0 =	por !p0, !p0  }
0x32: {  	s24 =	sshra.s32 s24, $0x7;
	s25 =	simm.s32 @!p0 $0x0  }
0x33: {  	s24 =	ssub.s32 s24, s25  }
0x34: {  	p0 =	slt.s32 s24, $0x1  }
.Ltmp5:
0x35: {  	_ = 	snop;
	(pc) =	sbr.rel @p0 .LBB2_11-.Ltmp5, $2  }
0x36: {  	_ =	sdelay $0x2  }
0x37: {  	[tilespmem:s0+$0x4400] =	vst v0  }
.Ltmp6:
0x38: {  	(pc) =	sbr.rel .LBB2_6-.Ltmp6, $2  }
0x39: {  	_ =	sdelay $0x2  }
0x3a: {  	s25 =	smul.u32 $0x1FFF3C0, s20;
	s26 =	ssub.s32 s21, s4;
	s28 =	simm.s32 $0x0  }
.LBB2_9:
0x3b: {  	[tilespmem:s4+$0x4400] =	vst v2  }
0x3c: {  	[tilespmem:s4+$0x4410] =	vst v1  }
.LBB2_10:
0x3d: {  	s28 =	sadd.s32 $0x1, s28  }
0x3e: {  	p0 =	sne.s32 s28, s24  }
.Ltmp7:
0x3f: {  	_ = 	snop;
	(pc) =	sbr.rel @!p0 .LBB2_11-.Ltmp7, $2  }
0x40: {  	_ =	sdelay $0x2  }
0x41: {  	s26 =	sadd.s32 $0xFFFFFF80, s26  }
.LBB2_6:
0x42: {  	s0 =	sadd.s32 s22, s28  }
0x43: {  	s4 =	sshll.u32 s0, $0x4  }
0x44: {  	s4 =	sand.u32 $0x1FFFFFF0, s4  }
0x45: {  	s31 =	sshll.u32 s0, $0x7;
	s29 =	sadd.s32 s6, s4  }
0x46: {  	[tilespmem:s13], [sflag:$0x2] =	stream.linear.gather [hbm4b:s29+s2], $0x80, $0x38;
	[tilespmem:$0x1CC00] =	vst v63  }
0x47: {  	s0 =	ssub.s32 s21, s31;
	_ =	swait.ge [sflag:s11], $0x80  }
0x48: {  	s4 =	sadd.s32 s7, s4;
	s29 =	ssub.s32 s23, s31;
	[sflag:s11] =	ssyncset.done $0x0  }
0x49: {  	p0 =	sgt.s32 s0, $0x0;
	p1 =	slt.s32 s29, $0x80;
	[sflag:s11] =	ssyncadd.s32 $0xFFFFFF80  }
0x4a: {  	[tilespmem:s14], [sflag:$0x2] =	stream.linear.gather [hbm4b:s4+s2], $0x80, $0x38;
	[tilespmem:$0x1CC00] =	vst v63  }
0x4b: {  	s0 =	simm.s32 @!p0 $0x0;
	s29 =	simm.s32 @!p1 $0x80;
	_ =	swait.ge [sflag:s11], $0x80  }
0x4c: {  	p0 =	sle.s32 s29, s0;
	[sflag:s11] =	ssyncset.done $0x0  }
.Ltmp8:
0x4d: {  	[sflag:s11] =	ssyncadd.s32 $0xFFFFFF80;
	(pc) =	sbr.rel @p0 .LBB2_10-.Ltmp8, $4  }
0x4e: {  	[tilespmem:s16], [sflag:$0x1] =	stream.indirect.gather [hbm4b:s5+s15], $0x80, s13, s15, $0xb8;
	[tilespmem:$0x1CC00] =	vst v63  }
0x4f: {  	_ =	swait.ge [sflag:s12], $0x4000  }
0x50: {  	[sflag:s12] =	ssyncset.done $0x0  }
0x51: {  	[sflag:s12] =	ssyncadd.s32 $0xFFFFC000  }
0x52: {  	p0 =	sgt.s32 s26, $0x0;
	s4 =	smov.u32 s26  }
0x53: {  	s4 =	simm.s32 @!p0 $0x0  }
0x54: {  	s30 =	sshll.u32 s4, $0x2  }
0x55: {  	s30 =	sshra.s32 s30, $0x2  }
0x56: {  	s30 =	sadd.s32 $0x300, s30  }
0x57: {  	v1 =	vld [tilespmem:s30+$0x0];
	_ =	sdelay $0x4  }
0x58: {  	(v2sf) =	vpush v1, $0x0;
	_ =	sdelay $0xd  }
0x59: {  	s4 =	sshll.u32 s4, $0x9  }
0x5a: {  	s4 =	sshra.s32 s4, $0x2;
	s1 =	spop (v2sf)  }
0x5b: {  	s31 =	sadd.s32 $0x410, s4;
	s1 =	sadd.s32 s25, s1  }
0x5c: {  	v2 =	vld [tilespmem:s31+$0xFFFFFFF0];
	s1 =	sshll.u32 s1, $0x7  }
0x5d: {  	p0 =	sgt.s32 s0, s29;
	v1 =	vld [tilespmem:s31+$0x0];
	s4 =	sshra.s32 s1, $0x2  }
0x5e: {  	s29 =	smov.u32 @p0 s0;
	s0 =	sadd.s32 $0x1, s0;
	v3 =	vld [tilespmem:s4+$0x4400]  }
0x5f: {  	p0 =	slt.u32 s0, s29;
	v4 =	vld [tilespmem:s4+$0x4410]  }
.Ltmp9:
0x60: {  	_ = 	snop;
	(pc) =	sbr.rel @!p0 .LBB2_9-.Ltmp9, $3  }
0x61: {  	_ =	sdelay $0x1  }
0x62: {  	v2 =	vadd.f32 v3, v2  }
0x63: {  	v1 =	vadd.f32 v4, v1  }
.LBB2_8:
0x64: {  	s0 =	sadd.s32 $0x1, s0;
	[tilespmem:s4+$0x4400] =	vst v2;
	s30 =	sadd.s32 $0x1, s30;
	s31 =	sadd.s32 $0x80, s31  }
0x65: {  	p0 =	slt.u32 s0, s29;
	[tilespmem:s4+$0x4410] =	vst v1  }
0x66: {  	v1 =	vld [tilespmem:s30+$0x0];
	_ =	sdelay $0x4  }
0x67: {  	(v2sf) =	vpush v1, $0x0;
	_ =	sdelay $0xe  }
0x68: {  	s1 =	spop (v2sf)  }
0x69: {  	s1 =	sadd.s32 s25, s1  }
0x6a: {  	v1 =	vld [tilespmem:s31+$0x0];
	s1 =	sshll.u32 s1, $0x7  }
0x6b: {  	v2 =	vld [tilespmem:s31+$0xFFFFFFF0];
	s4 =	sshra.s32 s1, $0x2  }
0x6c: {  	v3 =	vld [tilespmem:s4+$0x4400]  }
0x6d: {  	v4 =	vld [tilespmem:s4+$0x4410]  }
.Ltmp10:
0x6e: {  	(pc) =	sbr.rel @p0 .LBB2_8-.Ltmp10, $3  }
0x6f: {  	_ =	sdelay $0x1  }
0x70: {  	v2 =	vadd.f32 v3, v2  }
0x71: {  	v1 =	vadd.f32 v4, v1  }
.Ltmp11:
0x72: {  	_ = 	snop;
	(pc) =	sbr.rel .LBB2_9-.Ltmp11, $1  }
0x73: {  	_ =	sdelay $0x3  }
.LBB2_13:
0x74: {  	_ =	sfence.sel $0x180000  }
0x75: {  	[bflag:$0x0] =	sbarrier.arrive $0xFFFF  }
0x76: {  	_ =	strace $0x90000053  }
0x77: {  	s0 =	stileid.u32;
	[bflag:$0x2] =	sbarrier.arrive $0xFFFF  }
0x78: {  	p0 =	sne.s32 s0, $0x0;
	s0 =	rddreg [dreg:$0x2]  }
0x79: {  	s0 =	sadd.s32 @!p0 $0x100000, s0  }
0x7a: {  	[sflag:s0] =	ssyncadd.tile.s32 @!p0 $0x1;
	_ =	shalt  }
.Lfunc_end2:
_tile_overlayer_lowered:
.L_overlay_start_2:
0x7b: {  	(tag) =	ssettag $0x2  }
0x7c: {  	s0 =	rddreg [dreg:$0x0];
	s2 =	stileid.u32  }
0x7d: {  	s1 =	rddreg [dreg:$0x1];
	p0 =	sne.s32 s2, $0x0  }
0x7e: {  	s3 =	rddreg [dreg:$0x2];
	[bflag:$0x3] =	sbarrier.arrive $0xFFFF;
	s2 =	simm.s32 @!p0 $0x1C02  }
0x7f: {  	[timem:s3], [sflag:s2] =	dma.local @!p0 [hbm:s0], s1  }
0x80: {  	s0 =	simm.s32 @!p0 $0x2  }
0x81: {  	_ =	swait.ge @!p0 [sflag:s0], s1  }
0x82: {  	s1 =	ssub.s32 @!p0 $0x0, s1;
	[sflag:s0] =	ssyncset.done @!p0 $0x0  }
0x83: {  	[sflag:s0] =	ssyncadd.s32 @!p0 s1  }
0x84: {  	[bflag:$0x3] =	sbarrier.arrive $0xFFFF  }
0x85: {  	_ =	shalt  }

// kernel: kernel.25.cloned.1.call-start
scs
__scs_entry_jumppad:
0x0: {  	(pc) =	sbr.rel $0x88, $3  }
0x1: {  	(tag) =	ssettag $0x0;
	lr =	simm.s32 $0x1  }
0x2: {  	[smem:$0x3F98] =	sst lr;
	_ =	strace $0xD0000000  }
0x3: {  	_ = 	snop  }
0x4: {  	_ = 	snop  }
0x5: {  	_ = 	snop  }
0x6: {  	_ = 	snop  }
0x7: {  	_ = 	snop  }
__scs_overlays_trampoline_lowered:
0x8: {  	[smem:$0x3FA7] =	sst s0  }
0x9: {  	[smem:$0x3FA8] =	sst s1  }
0xa: {  	[smem:$0x3FA9] =	sst s2  }
0xb: {  	[smem:$0x3FAA] =	sst s3  }
0xc: {  	[smem:$0x3FAB] =	sst s4  }
0xd: {  	[smem:$0x3FAC] =	sst s5  }
0xe: {  	[smem:$0x3FAD] =	sst s6  }
0xf: {  	[smem:$0x3FAE] =	sst s7  }
0x10: {  	[smem:$0x3FAF] =	sst s8  }
0x11: {  	[smem:$0x3FB0] =	sst s9;
	s0 =	simm.s32 @!p0 $0x0  }
0x12: {  	s1 =	sld [smem:$0x3F96];
	s0 =	simm.s32 @p0 $0x1  }
0x13: {  	[smem:$0x3FB1] =	sst s0;
	s0 =	simm.s32 @!p1 $0x0  }
0x14: {  	s2 =	sld [smem:$0x3F95];
	s0 =	simm.s32 @p1 $0x1  }
0x15: {  	[smem:$0x3FB2] =	sst s0;
	s0 =	simm.s32 @!p2 $0x0  }
0x16: {  	s3 =	sld [smem:$0x3FDB];
	s0 =	simm.s32 @p2 $0x1  }
0x17: {  	s4 =	simm.s32 $0x1BF5;
	[smem:$0x3FB4] =	sst s0  }
0x18: {  	s0 =	sld [smem:$0x3F97];
	_ =	swait.ge [sflag:s4], $0x0  }
0x19: {  	s7 =	sld [smem:$0x3F98]  }
0x1a: {  	s8 =	sadd.s32 $0xFFFFE003, lr  }
0x1b: {  	s9 =	sadd.s32 $0xFFFFFEF7, lr;
	s5 =	simm.s32 $0xFFFFFFFF;
	p2 =	slt.u32 s8, $0xFFFFF086  }
0x1c: {  	p1 =	slt.u32 s9, $0xF7A;
	s5 =	simm.s32 @!p2 $0x0  }
0x1d: {  	s5 =	simm.s32 @p1 $0x1;
	p0 =	seq.s32 s7, s2  }
0x1e: {  	s7 =	smul.u32 @!p0 $0xF7A, s2;
	p2 =	seq.s32 @!p0 s5, $0x0  }
0x1f: {  	s9 =	smul.u32 $0xF7A, s1;
	s8 =	simm.s32 @!p0 $0x1BF5;
	p2 =	por !p2, p0  }
0x20: {  	[sflag:s8] =	ssyncset.s32 @!p0 $0xFFFFF086;
	s6 =	sadd.s32 @!p0 s3, s7;
	s7 =	simm.s32 @!p0 $0x108  }
0x21: {  	s3 =	sadd.s32 s3, s9;
	s6 =	sadd.s32 @!p0 $0x88, s6;
	s7 =	simm.s32 @p2 $0x1082  }
0x22: {  	[simem:s7], [sflag:s8] =	dma.local @!p0 [hbm:s6], $0xF7A  }
0x23: {  	s9 =	sor.u32 $0xD0000000, s2;
	s6 =	simm.s32 $0x108;
	_ =	swait.ge @!p0 [sflag:s8], $0x0  }
0x24: {  	s3 =	sadd.s32 $0x88, s3;
	s6 =	simm.s32 @!p1 $0x1082;
	[sflag:s4] =	ssyncset.s32 $0xFFFFF086  }
0x25: {  	[simem:s6], [sflag:s4] =	dma.local [hbm:s3], $0xF7A  }
0x26: {  	[smem:$0x3F98] =	sst s1;
	(tag) =	ssettag s2;
	_ =	strace s9  }
0x27: {  	s1 =	sld [smem:$0x3FA8]  }
0x28: {  	s2 =	sld [smem:$0x3FA9]  }
0x29: {  	s4 =	sld [smem:$0x3FAB]  }
0x2a: {  	p0 =	seq.s32 s5, $0x0;
	s5 =	sld [smem:$0x3FAC]  }
0x2b: {  	s6 =	sld [smem:$0x3FAD]  }
0x2c: {  	s7 =	sld [smem:$0x3FAE]  }
0x2d: {  	s3 =	simm.s32 $0x108;
	s8 =	sld [smem:$0x3FAF]  }
0x2e: {  	s3 =	simm.s32 @!p0 $0x1082;
	s9 =	sld [smem:$0x3FB0]  }
0x2f: {  	lr =	sadd.s32 s0, s3;
	s0 =	sld [smem:$0x3FA7]  }
0x30: {  	s3 =	sld [smem:$0x3FAA]  }
0x31: {  	[smem:$0x3FB3] =	sst s10  }
0x32: {  	s10 =	sld [smem:$0x3FB1];
	_ =	sdelay $0x3  }
0x33: {  	p0 =	seq.s32 s10, $0x1;
	s10 =	sld [smem:$0x3FB3];
	_ =	sdelay $0x3  }
0x34: {  	[smem:$0x3FB3] =	sst s10  }
0x35: {  	s10 =	sld [smem:$0x3FB2];
	_ =	sdelay $0x3  }
0x36: {  	p1 =	seq.s32 s10, $0x1;
	s10 =	sld [smem:$0x3FB3];
	_ =	sdelay $0x3  }
0x37: {  	[smem:$0x3FB3] =	sst s10  }
0x38: {  	s10 =	sld [smem:$0x3FB4]  }
0x39: {  	_ = 	snop;
	(pc) =	sbr.ind lr, $3  }
0x3a: {  	_ = 	snop  }
0x3b: {  	_ = 	snop  }
0x3c: {  	p2 =	seq.s32 s10, $0x1;
	s10 =	sld [smem:$0x3FB3]  }
0x3d: {  	_ =	shalt  }
0x3e: {  	_ =	shalt  }
0x3f: {  	_ =	shalt  }
0x40: {  	_ =	shalt  }
0x41: {  	_ =	shalt  }
0x42: {  	_ =	shalt  }
0x43: {  	_ =	shalt  }
0x44: {  	_ =	shalt  }
0x45: {  	_ =	shalt  }
0x46: {  	_ =	shalt  }
0x47: {  	_ =	shalt  }
0x48: {  	_ =	shalt  }
0x49: {  	_ =	shalt  }
0x4a: {  	_ =	shalt  }
0x4b: {  	_ =	shalt  }
0x4c: {  	_ =	shalt  }
0x4d: {  	_ =	shalt  }
0x4e: {  	_ =	shalt  }
0x4f: {  	_ =	shalt  }
0x50: {  	_ =	shalt  }
0x51: {  	_ =	shalt  }
0x52: {  	_ =	shalt  }
0x53: {  	_ =	shalt  }
0x54: {  	_ =	shalt  }
0x55: {  	_ =	shalt  }
0x56: {  	_ =	shalt  }
0x57: {  	_ =	shalt  }
0x58: {  	_ =	shalt  }
0x59: {  	_ =	shalt  }
0x5a: {  	_ =	shalt  }
0x5b: {  	_ =	shalt  }
0x5c: {  	_ =	shalt  }
0x5d: {  	_ =	shalt  }
0x5e: {  	_ =	shalt  }
0x5f: {  	_ =	shalt  }
0x60: {  	_ =	shalt  }
0x61: {  	_ =	shalt  }
0x62: {  	_ =	shalt  }
0x63: {  	_ =	shalt  }
0x64: {  	_ =	shalt  }
0x65: {  	_ =	shalt  }
0x66: {  	_ =	shalt  }
0x67: {  	_ =	shalt  }
0x68: {  	_ =	shalt  }
0x69: {  	_ =	shalt  }
0x6a: {  	_ =	shalt  }
0x6b: {  	_ =	shalt  }
0x6c: {  	_ =	shalt  }
0x6d: {  	_ =	shalt  }
0x6e: {  	_ =	shalt  }
0x6f: {  	_ =	shalt  }
0x70: {  	_ =	shalt  }
0x71: {  	_ =	shalt  }
0x72: {  	_ =	shalt  }
0x73: {  	_ =	shalt  }
0x74: {  	_ =	shalt  }
0x75: {  	_ =	shalt  }
0x76: {  	_ =	shalt  }
0x77: {  	_ =	shalt  }
0x78: {  	_ =	shalt  }
0x79: {  	_ =	shalt  }
0x7a: {  	_ =	shalt  }
0x7b: {  	_ =	shalt  }
0x7c: {  	_ =	shalt  }
0x7d: {  	_ =	shalt  }
0x7e: {  	_ =	shalt  }
0x7f: {  	_ =	shalt  }
0x80: {  	_ =	shalt  }
0x81: {  	_ =	shalt  }
0x82: {  	_ =	shalt  }
0x83: {  	_ =	shalt  }
0x84: {  	_ =	shalt  }
0x85: {  	_ =	shalt  }
0x86: {  	_ =	shalt  }
0x87: {  	_ =	shalt  }
.Lfunc_end0:
.L_simem_size_0:
called_computation.6_lowered:
.L_overlay_start_0:
0x88: {  	s2 =	sld [smem:$0x3FD9]  }
0x89: {  	s3 =	sld [smem:$0x3FFE];
	_ =	sdelay $0x1  }
0x8a: {  	s1 =	srdreg.scid  }
0x8b: {  	s0 =	sand.u32 $0x1, s1  }
0x8c: {  	s17 =	sshll.u32 s0, $0xA;
	s2 =	sadd.s32 s3, s2  }
0x8d: {  	s2 =	sadd.s32 s2, s17  }
0x8e: {  	[smem:$0x3FBF] =	sst s2  }
0x8f: {  	_ = 	snop  }
0x90: {  	s18 =	sld [smem:$0x3FD0];
	(tm) =	ssettm $0x1  }
0x91: {  	s19 =	sld [smem:$0x3FFB];
	_ =	sdelay $0x3  }
0x92: {  	_ =	strace s19  }
0x93: {  	s2 =	sld [smem:$0x3FFC];
	_ =	sdelay $0x3  }
0x94: {  	_ =	strace s2  }
0x95: {  	s2 =	sld [smem:$0x3FFD];
	_ =	sdelay $0x3  }
0x96: {  	_ =	strace s2  }
0x97: {  	_ =	strace $0x8FFFFFFF  }
0x98: {  	s20 =	sld [smem:$0x3FDB];
	_ =	sdelay $0x1  }
0x99: {  	s4 =	simm.s32 $_scs_section_size  }
0x9a: {  	s5 =	simm.s32 $_size__tile_overlayer_lowered;
	s6 =	simm.s32 $_tile_overlayer_lowered  }
0x9b: {  	s7 =	simm.s32 $0x1BFF;
	s21 =	sshll.u32 s6, $0x1;
	s4 =	sadd.s32 s4, s20  }
0x9c: {  	s22 =	simm.s32 $0x0;
	s5 =	sshll.u32 s5, $0x1;
	s6 =	sadd.s32 s21, s4  }
0x9d: {  	[timem:s22], [sflag:s7] =	dma.local [hbm:s6], s5  }
0x9e: {  	_ =	swait.ge [sflag:s7], s5  }
0x9f: {  	s5 =	ssub.s32 $0x0, s5;
	[sflag:s7] =	ssyncset.done $0x0  }
0xa0: {  	[sflag:s7] =	ssyncadd.s32 s5;
	_ =	sdelay $0x1  }
0xa1: {  	s23 =	simm.s32 $0x1B8B  }
0xa2: {  	_ =	swait.ge [sflag:s23], $0x1  }
0xa3: {  	[sflag:s23] =	ssyncset.done $0x0  }
0xa4: {  	[sflag:s23] =	ssyncadd.s32 $0xFFFFFFFF  }
0xa5: {  	s5 =	sld [smem:$0x0]  }
0xa6: {  	s6 =	sand.u32 $0xFFFFFFFE, s1  }
0xa7: {  	p0 =	sne.s32 s1, s6  }
0xa8: {  	s6 =	sshll.u32 @p0 s6, $0xE  }
0xa9: {  	s6 =	sadd.s32 @p0 $0x11B8D, s6;
	s7 =	sshll.u32 @p0 s5, $0x11  }
0xaa: {  	s6 =	sor.u32 @p0 s7, s6  }
0xab: {  	[sflag:s6] =	ssyncadd.remote.s32 @p0 $0x1;
	_ =	sdelay $0x1  }
0xac: {  	s6 =	simm.s32 @p0 $0x1B8D  }
0xad: {  	_ =	swait.eq @p0 [sflag:s6], $0x1  }
0xae: {  	[sflag:s6] =	ssyncadd.s32 @p0 $0xFFFFFFFF  }
0xaf: {  	s7 =	sshll.u32 @!p0 s1, $0xE  }
0xb0: {  	s7 =	sor.u32 @!p0 $0x4000, s7;
	s6 =	simm.s32 @!p0 $0x1B8D  }
0xb1: {  	s5 =	sshll.u32 @!p0 s5, $0x11;
	s7 =	sadd.s32 @!p0 $0x11B8D, s7;
	_ =	swait.eq @!p0 [sflag:s6], $0x1  }
0xb2: {  	s5 =	sor.u32 @!p0 s5, s7;
	[sflag:s6] =	ssyncadd.s32 @!p0 $0xFFFFFFFF  }
0xb3: {  	s25 =	simm.s32 $0x1B8E;
	s24 =	sld [smem:$0x3FFE];
	[sflag:s5] =	ssyncadd.remote.s32 @!p0 $0x1  }
0xb4: {  	s26 =	simm.s32 $execute0_lowered;
	[smem:$0x3FD2] =	sst s25  }
0xb5: {  	s6 =	sshll.u32 s26, $0x1;
	_ =	strace $0x80000058;
	[dreg:$0x1] =	wrdreg $0xFFFFFFFF  }
0xb6: {  	s28 =	simm.s32 $_size_execute0_lowered;
	s4 =	sadd.s32 s4, s6;
	[dreg:$0x0] =	wrdreg $0x0  }
0xb7: {  	s6 =	sshll.u32 s28, $0x1;
	[dreg:$0x2] =	wrdreg s4  }
0xb8: {  	[dreg:$0x3] =	wrdreg s6  }
0xb9: {  	[dreg:$0x4] =	wrdreg $0xC0  }
0xba: {  	_ =	task [dreg:s22], $0x5FFFF  }
0xbb: {  	[dreg:$0x1] =	wrdreg $0xFFFFFFFF  }
0xbc: {  	[dreg:$0x0] =	wrdreg $0x60  }
0xbd: {  	[dreg:$0x2] =	wrdreg s24  }
0xbe: {  	[dreg:$0x3] =	wrdreg s18  }
0xbf: {  	[dreg:$0x4] =	wrdreg $0xA  }
0xc0: {  	_ =	task.clear_ibuf [dreg:s22], $0x5FFFF;
	_ =	strace $0x90000058  }
0xc1: {  	s29 =	simm.s32 $0xA;
	_ =	strace $0x8000005A  }
0xc2: {  	_ =	swait.ge [sflag:s29], $0x1  }
0xc3: {  	[sflag:s29] =	ssyncadd.s32 $0xFFFFFFFF  }
0xc4: {  	_ =	strace $0x9000005A  }
0xc5: {  	_ =	sfence  }
0xc6: {  	s30 =	sld [smem:$0x0];
	_ =	sdelay $0x2  }
0xc7: {  	s31 =	sshll.u32 s1, $0xD;
	s1 =	sshrl.u32 s1, $0x2  }
0xc8: {  	s4 =	sand.u32 $0x4000, s31;
	s1 =	sadd.s32 s1, s30  }
0xc9: {  	s0 =	sor.u32 s4, s0;
	s1 =	sshll.u32 s1, $0x11  }
0xca: {  	s0 =	sor.u32 s1, s0  }
0xcb: {  	s0 =	sadd.s32 $0x8F2B, s0  }
0xcc: {  	[sflag:s0] =	ssyncadd.remote.s32 $0x1  }
0xcd: {  	_ =	sfence.sel $0xFFFF  }
0xce: {  	[dreg:$0x0] =	wrdreg $0xFFFFFFFF;
	(pc) =	sbr.abs _section_cstart, $3  }
0xcf: {  	[dreg:$0x1] =	wrdreg $0xFFFFFFFF  }
0xd0: {  	_ =	task.clear_ibuf [dreg:s22], $0x2FFFF;
	_ =	strace $0x9FFFFFFF  }
0xd1: {  	(tm) =	ssettm $0x7FFFFFFF  }
tec
execute0_lowered:
.L_overlay_start_1:
0x0: {  	(tag) =	ssettag $0x1  }
0x1: {  	s0 =	rddreg [dreg:$0x0]  }
0x2: {  	s2 =	simm.s32 $0x0;
	s3 =	srdreg.scid;
	s1 =	stileid.u32  }
0x3: {  	s11 =	simm.s32 $0x2;
	s12 =	simm.s32 $0x1;
	s13 =	simm.s32 $0x280  }
0x4: {  	s14 =	simm.s32 $0x300;
	s15 =	simm.s32 $0x80;
	s16 =	simm.s32 $0x400  }
.Ltmp0:
0x5: {  	s17 =	simm.s32 $0x4400;
	s3 =	sand.u32 $0x1, s3;
	(pc) =	sbr.rel .LBB2_1-.Ltmp0, $4  }
0x6: {  	s18 =	simm.s32 $0x0;
	[smem:$0x7FF] =	sst s2;
	s4 =	ssub.s32 $0x2, s3  }
0x7: {  	s5 =	sadd.s32 $0x239AE00, s0;
	s6 =	sadd.s32 $0xF8600, s0;
	s9 =	sshrl.u32 s4, $0x1  }
0x8: {  	s7 =	sadd.s32 $0x3800, s0;
	s8 =	sadd.s32 $0x4FAE00, s0;
	s31 =	ssub.s32 s4, s9  }
0x9: {  	v0 =	vimm.f32 $0.0e+00;
	_ =	strace $0x80000059;
	s9 =	sshll.u32 s1, $0x1;
	s10 =	smax.u32 s31, $0x1  }
.LBB2_12:
0xa: {  	s18 =	sadd.s32 $0x1, s18  }
0xb: {  	p0 =	sne.s32 s18, s10  }
.Ltmp1:
0xc: {  	_ = 	snop;
	(pc) =	sbr.rel @!p0 .LBB2_13-.Ltmp1, $1  }
0xd: {  	_ =	sdelay $0x3  }
.LBB2_1:
.Ltmp2:
0xe: {  	s0 =	rddreg [dreg:$0x1];
	(pc) =	sbr.rel .LBB2_2-.Ltmp2, $4  }
0xf: {  	[tilespmem:s2], [sflag:$0x2] =	stream.linear.gather [hbm4b:s0+s2], $0x280, $0x38;
	[tilespmem:$0x1CC00] =	vst v63  }
0x10: {  	_ =	swait.ge [sflag:s11], $0x280  }
0x11: {  	[sflag:s11] =	ssyncset.done $0x0  }
0x12: {  	s19 =	simm.s32 $0x0;
	[sflag:s11] =	ssyncadd.s32 $0xFFFFFD80  }
.LBB2_11:
0x13: {  	s0 =	smul.u32 $0x3100, s20;
	s19 =	sadd.s32 $0x1, s19  }
0x14: {  	p0 =	sne.s32 s19, $0x10  }
.Ltmp3:
0x15: {  	s0 =	sadd.s32 s8, s0;
	(pc) =	sbr.rel @!p0 .LBB2_12-.Ltmp3, $4  }
0x16: {  	[hbm4b:s0+s2] =	stream.linear.scatter [tilespmem:s17], [sflag:$0x2], $0x18800, $0x38;
	[tilespmem:$0x1CC00] =	vst v63  }
0x17: {  	_ =	swait.ge [sflag:s11], $0x18800  }
0x18: {  	[sflag:s11] =	ssyncset.done $0x0  }
0x19: {  	[sflag:s11] =	ssyncadd.s32 $0xFFFE7800  }
.LBB2_2:
0x1a: {  	s0 =	sshll.u32 s19, $0x5  }
0x1b: {  	s0 =	sor.u32 s0, s9  }
0x1c: {  	s20 =	sor.u32 s3, s0  }
0x1d: {  	s4 =	simm.s32 $0x40;
	s0 =	simm.s32 $0x0;
	v1 =	vld [tilespmem:s20+$0x0]  }
.LBB2_3:
0x1e: {  	p0 =	sne.s32 s4, $0x61FC0;
	[tilespmem:s0+$0x4400] =	vst v0;
	s0 =	smov.u32 s4;
	s4 =	sadd.s32 $0x40, s4  }
.Ltmp4:
0x1f: {  	(pc) =	sbr.rel @p0 .LBB2_3-.Ltmp4, $2  }
0x20: {  	_ =	sdelay $0x2  }
0x21: {  	s0 =	sshra.s32 s0, $0x2  }
0x22: {  	(v2sf) =	vpush v1, $0x0;
	_ =	sdelay $0x6  }
0x23: {  	(v2sf) =	vpush v1, $0x1;
	_ =	sdelay $0x7  }
0x24: {  	s21 =	spop (v2sf)  }
0x25: {  	s4 =	sand.u32 $0x7F, s21  }
0x26: {  	s22 =	sshra.s32 s21, $0x1F;
	p0 =	slt.s32 s21, $0x1;
	p1 =	sne.s32 s4, $0x0  }
0x27: {  	s30 =	sshrl.u32 s22, $0x19;
	p0 =	por !p0, !p1  }
0x28: {  	s22 =	simm.s32 $0x1;
	s4 =	sadd.s32 s30, s21;
	p0 =	por !p0, !p0  }
0x29: {  	s4 =	sshra.s32 s4, $0x7;
	s22 =	simm.s32 @!p0 $0x0  }
0x2a: {  	s22 =	ssub.s32 s4, s22  }
0x2b: {  	s23 =	spop (v2sf);
	s4 =	sshll.u32 s22, $0x7  }
0x2c: {  	s24 =	ssub.s32 s23, s4  }
0x2d: {  	s24 =	sadd.s32 $0x7F, s24  }
0x2e: {  	s25 =	sand.u32 $0x7F, s24  }
0x2f: {  	s31 =	sshra.s32 s24, $0x1F;
	p6 =	slt.s32 s24, $0x1;
	p5 =	sne.s32 s25, $0x0  }
0x30: {  	s25 =	sshrl.u32 s31, $0x19;
	p0 =	por !p6, !p5  }
0x31: {  	s24 =	sadd.s32 s25, s24;
	s25 =	simm.s32 $0x1;
	p0 =	por !p0, !p0  }
0x32: {  	s24 =	sshra.s32 s24, $0x7;
	s25 =	simm.s32 @!p0 $0x0  }
0x33: {  	s24 =	ssub.s32 s24, s25  }
0x34: {  	p0 =	slt.s32 s24, $0x1  }
.Ltmp5:
0x35: {  	_ = 	snop;
	(pc) =	sbr.rel @p0 .LBB2_11-.Ltmp5, $2  }
0x36: {  	_ =	sdelay $0x2  }
0x37: {  	[tilespmem:s0+$0x4400] =	vst v0  }
.Ltmp6:
0x38: {  	(pc) =	sbr.rel .LBB2_6-.Ltmp6, $2  }
0x39: {  	_ =	sdelay $0x2  }
0x3a: {  	s25 =	smul.u32 $0x1FFF3C0, s20;
	s26 =	ssub.s32 s21, s4;
	s28 =	simm.s32 $0x0  }
.LBB2_9:
0x3b: {  	[tilespmem:s4+$0x4400] =	vst v2  }
0x3c: {  	[tilespmem:s4+$0x4410] =	vst v1  }
.LBB2_10:
0x3d: {  	s28 =	sadd.s32 $0x1, s28  }
0x3e: {  	p0 =	sne.s32 s28, s24  }
.Ltmp7:
0x3f: {  	_ = 	snop;
	(pc) =	sbr.rel @!p0 .LBB2_11-.Ltmp7, $2  }
0x40: {  	_ =	sdelay $0x2  }
0x41: {  	s26 =	sadd.s32 $0xFFFFFF80, s26  }
.LBB2_6:
0x42: {  	s0 =	sadd.s32 s22, s28  }
0x43: {  	s4 =	sshll.u32 s0, $0x4  }
0x44: {  	s4 =	sand.u32 $0x1FFFFFF0, s4  }
0x45: {  	s31 =	sshll.u32 s0, $0x7;
	s29 =	sadd.s32 s6, s4  }
0x46: {  	[tilespmem:s13], [sflag:$0x2] =	stream.linear.gather [hbm4b:s29+s2], $0x80, $0x38;
	[tilespmem:$0x1CC00] =	vst v63  }
0x47: {  	s0 =	ssub.s32 s21, s31;
	_ =	swait.ge [sflag:s11], $0x80  }
0x48: {  	s4 =	sadd.s32 s7, s4;
	s29 =	ssub.s32 s23, s31;
	[sflag:s11] =	ssyncset.done $0x0  }
0x49: {  	p0 =	sgt.s32 s0, $0x0;
	p1 =	slt.s32 s29, $0x80;
	[sflag:s11] =	ssyncadd.s32 $0xFFFFFF80  }
0x4a: {  	[tilespmem:s14], [sflag:$0x2] =	stream.linear.gather [hbm4b:s4+s2], $0x80, $0x38;
	[tilespmem:$0x1CC00] =	vst v63  }
0x4b: {  	s0 =	simm.s32 @!p0 $0x0;
	s29 =	simm.s32 @!p1 $0x80;
	_ =	swait.ge [sflag:s11], $0x80  }
0x4c: {  	p0 =	sle.s32 s29, s0;
	[sflag:s11] =	ssyncset.done $0x0  }
.Ltmp8:
0x4d: {  	[sflag:s11] =	ssyncadd.s32 $0xFFFFFF80;
	(pc) =	sbr.rel @p0 .LBB2_10-.Ltmp8, $4  }
0x4e: {  	[tilespmem:s16], [sflag:$0x1] =	stream.indirect.gather [hbm4b:s5+s15], $0x80, s13, s15, $0xb8;
	[tilespmem:$0x1CC00] =	vst v63  }
0x4f: {  	_ =	swait.ge [sflag:s12], $0x4000  }
0x50: {  	[sflag:s12] =	ssyncset.done $0x0  }
0x51: {  	[sflag:s12] =	ssyncadd.s32 $0xFFFFC000  }
0x52: {  	p0 =	sgt.s32 s26, $0x0;
	s4 =	smov.u32 s26  }
0x53: {  	s4 =	simm.s32 @!p0 $0x0  }
0x54: {  	s30 =	sshll.u32 s4, $0x2  }
0x55: {  	s30 =	sshra.s32 s30, $0x2  }
0x56: {  	s30 =	sadd.s32 $0x300, s30  }
0x57: {  	v1 =	vld [tilespmem:s30+$0x0];
	_ =	sdelay $0x4  }
0x58: {  	(v2sf) =	vpush v1, $0x0;
	_ =	sdelay $0xd  }
0x59: {  	s4 =	sshll.u32 s4, $0x9  }
0x5a: {  	s4 =	sshra.s32 s4, $0x2;
	s1 =	spop (v2sf)  }
0x5b: {  	s31 =	sadd.s32 $0x410, s4;
	s1 =	sadd.s32 s25, s1  }
0x5c: {  	v2 =	vld [tilespmem:s31+$0xFFFFFFF0];
	s1 =	sshll.u32 s1, $0x7  }
0x5d: {  	p0 =	sgt.s32 s0, s29;
	v1 =	vld [tilespmem:s31+$0x0];
	s4 =	sshra.s32 s1, $0x2  }
0x5e: {  	s29 =	smov.u32 @p0 s0;
	s0 =	sadd.s32 $0x1, s0;
	v3 =	vld [tilespmem:s4+$0x4400]  }
0x5f: {  	p0 =	slt.u32 s0, s29;
	v4 =	vld [tilespmem:s4+$0x4410]  }
.Ltmp9:
0x60: {  	_ = 	snop;
	(pc) =	sbr.rel @!p0 .LBB2_9-.Ltmp9, $3  }
0x61: {  	_ =	sdelay $0x1  }
0x62: {  	v2 =	vadd.f32 v3, v2  }
0x63: {  	v1 =	vadd.f32 v4, v1  }
.LBB2_8:
0x64: {  	s0 =	sadd.s32 $0x1, s0;
	[tilespmem:s4+$0x4400] =	vst v2;
	s30 =	sadd.s32 $0x1, s30;
	s31 =	sadd.s32 $0x80, s31  }
0x65: {  	p0 =	slt.u32 s0, s29;
	[tilespmem:s4+$0x4410] =	vst v1  }
0x66: {  	v1 =	vld [tilespmem:s30+$0x0];
	_ =	sdelay $0x4  }
0x67: {  	(v2sf) =	vpush v1, $0x0;
	_ =	sdelay $0xe  }
0x68: {  	s1 =	spop (v2sf)  }
0x69: {  	s1 =	sadd.s32 s25, s1  }
0x6a: {  	v1 =	vld [tilespmem:s31+$0x0];
	s1 =	sshll.u32 s1, $0x7  }
0x6b: {  	v2 =	vld [tilespmem:s31+$0xFFFFFFF0];
	s4 =	sshra.s32 s1, $0x2  }
0x6c: {  	v3 =	vld [tilespmem:s4+$0x4400]  }
0x6d: {  	v4 =	vld [tilespmem:s4+$0x4410]  }
.Ltmp10:
0x6e: {  	(pc) =	sbr.rel @p0 .LBB2_8-.Ltmp10, $3  }
0x6f: {  	_ =	sdelay $0x1  }
0x70: {  	v2 =	vadd.f32 v3, v2  }
0x71: {  	v1 =	vadd.f32 v4, v1  }
.Ltmp11:
0x72: {  	_ = 	snop;
	(pc) =	sbr.rel .LBB2_9-.Ltmp11, $1  }
0x73: {  	_ =	sdelay $0x3  }
.LBB2_13:
0x74: {  	_ =	sfence.sel $0x180000  }
0x75: {  	[bflag:$0x0] =	sbarrier.arrive $0xFFFF  }
0x76: {  	_ =	strace $0x90000059  }
0x77: {  	s0 =	stileid.u32;
	[bflag:$0x2] =	sbarrier.arrive $0xFFFF  }
0x78: {  	p0 =	sne.s32 s0, $0x0;
	s0 =	rddreg [dreg:$0x2]  }
0x79: {  	s0 =	sadd.s32 @!p0 $0x100000, s0  }
0x7a: {  	[sflag:s0] =	ssyncadd.tile.s32 @!p0 $0x1;
	_ =	shalt  }
.Lfunc_end2:
_tile_overlayer_lowered:
.L_overlay_start_2:
0x7b: {  	(tag) =	ssettag $0x2  }
0x7c: {  	s0 =	rddreg [dreg:$0x0];
	s2 =	stileid.u32  }
0x7d: {  	s1 =	rddreg [dreg:$0x1];
	p0 =	sne.s32 s2, $0x0  }
0x7e: {  	s3 =	rddreg [dreg:$0x2];
	[bflag:$0x3] =	sbarrier.arrive $0xFFFF;
	s2 =	simm.s32 @!p0 $0x1C02  }
0x7f: {  	[timem:s3], [sflag:s2] =	dma.local @!p0 [hbm:s0], s1  }
0x80: {  	s0 =	simm.s32 @!p0 $0x2  }
0x81: {  	_ =	swait.ge @!p0 [sflag:s0], s1  }
0x82: {  	s1 =	ssub.s32 @!p0 $0x0, s1;
	[sflag:s0] =	ssyncset.done @!p0 $0x0  }
0x83: {  	[sflag:s0] =	ssyncadd.s32 @!p0 s1  }
0x84: {  	[bflag:$0x3] =	sbarrier.arrive $0xFFFF  }
0x85: {  	_ =	shalt  }

// kernel: kernel.28.cloned.1.call-start
scs
__scs_entry_jumppad:
0x0: {  	(pc) =	sbr.rel $0x88, $3  }
0x1: {  	(tag) =	ssettag $0x0;
	lr =	simm.s32 $0x1  }
0x2: {  	[smem:$0x3F98] =	sst lr;
	_ =	strace $0xD0000000  }
0x3: {  	_ = 	snop  }
0x4: {  	_ = 	snop  }
0x5: {  	_ = 	snop  }
0x6: {  	_ = 	snop  }
0x7: {  	_ = 	snop  }
__scs_overlays_trampoline_lowered:
0x8: {  	[smem:$0x3FA7] =	sst s0  }
0x9: {  	[smem:$0x3FA8] =	sst s1  }
0xa: {  	[smem:$0x3FA9] =	sst s2  }
0xb: {  	[smem:$0x3FAA] =	sst s3  }
0xc: {  	[smem:$0x3FAB] =	sst s4  }
0xd: {  	[smem:$0x3FAC] =	sst s5  }
0xe: {  	[smem:$0x3FAD] =	sst s6  }
0xf: {  	[smem:$0x3FAE] =	sst s7  }
0x10: {  	[smem:$0x3FAF] =	sst s8  }
0x11: {  	[smem:$0x3FB0] =	sst s9;
	s0 =	simm.s32 @!p0 $0x0  }
0x12: {  	s1 =	sld [smem:$0x3F96];
	s0 =	simm.s32 @p0 $0x1  }
0x13: {  	[smem:$0x3FB1] =	sst s0;
	s0 =	simm.s32 @!p1 $0x0  }
0x14: {  	s2 =	sld [smem:$0x3F95];
	s0 =	simm.s32 @p1 $0x1  }
0x15: {  	[smem:$0x3FB2] =	sst s0;
	s0 =	simm.s32 @!p2 $0x0  }
0x16: {  	s3 =	sld [smem:$0x3FDB];
	s0 =	simm.s32 @p2 $0x1  }
0x17: {  	s4 =	simm.s32 $0x1BF5;
	[smem:$0x3FB4] =	sst s0  }
0x18: {  	s0 =	sld [smem:$0x3F97];
	_ =	swait.ge [sflag:s4], $0x0  }
0x19: {  	s7 =	sld [smem:$0x3F98]  }
0x1a: {  	s8 =	sadd.s32 $0xFFFFE003, lr  }
0x1b: {  	s9 =	sadd.s32 $0xFFFFFEF7, lr;
	s5 =	simm.s32 $0xFFFFFFFF;
	p2 =	slt.u32 s8, $0xFFFFF086  }
0x1c: {  	p1 =	slt.u32 s9, $0xF7A;
	s5 =	simm.s32 @!p2 $0x0  }
0x1d: {  	s5 =	simm.s32 @p1 $0x1;
	p0 =	seq.s32 s7, s2  }
0x1e: {  	s7 =	smul.u32 @!p0 $0xF7A, s2;
	p2 =	seq.s32 @!p0 s5, $0x0  }
0x1f: {  	s9 =	smul.u32 $0xF7A, s1;
	s8 =	simm.s32 @!p0 $0x1BF5;
	p2 =	por !p2, p0  }
0x20: {  	[sflag:s8] =	ssyncset.s32 @!p0 $0xFFFFF086;
	s6 =	sadd.s32 @!p0 s3, s7;
	s7 =	simm.s32 @!p0 $0x108  }
0x21: {  	s3 =	sadd.s32 s3, s9;
	s6 =	sadd.s32 @!p0 $0x88, s6;
	s7 =	simm.s32 @p2 $0x1082  }
0x22: {  	[simem:s7], [sflag:s8] =	dma.local @!p0 [hbm:s6], $0xF7A  }
0x23: {  	s9 =	sor.u32 $0xD0000000, s2;
	s6 =	simm.s32 $0x108;
	_ =	swait.ge @!p0 [sflag:s8], $0x0  }
0x24: {  	s3 =	sadd.s32 $0x88, s3;
	s6 =	simm.s32 @!p1 $0x1082;
	[sflag:s4] =	ssyncset.s32 $0xFFFFF086  }
0x25: {  	[simem:s6], [sflag:s4] =	dma.local [hbm:s3], $0xF7A  }
0x26: {  	[smem:$0x3F98] =	sst s1;
	(tag) =	ssettag s2;
	_ =	strace s9  }
0x27: {  	s1 =	sld [smem:$0x3FA8]  }
0x28: {  	s2 =	sld [smem:$0x3FA9]  }
0x29: {  	s4 =	sld [smem:$0x3FAB]  }
0x2a: {  	p0 =	seq.s32 s5, $0x0;
	s5 =	sld [smem:$0x3FAC]  }
0x2b: {  	s6 =	sld [smem:$0x3FAD]  }
0x2c: {  	s7 =	sld [smem:$0x3FAE]  }
0x2d: {  	s3 =	simm.s32 $0x108;
	s8 =	sld [smem:$0x3FAF]  }
0x2e: {  	s3 =	simm.s32 @!p0 $0x1082;
	s9 =	sld [smem:$0x3FB0]  }
0x2f: {  	lr =	sadd.s32 s0, s3;
	s0 =	sld [smem:$0x3FA7]  }
0x30: {  	s3 =	sld [smem:$0x3FAA]  }
0x31: {  	[smem:$0x3FB3] =	sst s10  }
0x32: {  	s10 =	sld [smem:$0x3FB1];
	_ =	sdelay $0x3  }
0x33: {  	p0 =	seq.s32 s10, $0x1;
	s10 =	sld [smem:$0x3FB3];
	_ =	sdelay $0x3  }
0x34: {  	[smem:$0x3FB3] =	sst s10  }
0x35: {  	s10 =	sld [smem:$0x3FB2];
	_ =	sdelay $0x3  }
0x36: {  	p1 =	seq.s32 s10, $0x1;
	s10 =	sld [smem:$0x3FB3];
	_ =	sdelay $0x3  }
0x37: {  	[smem:$0x3FB3] =	sst s10  }
0x38: {  	s10 =	sld [smem:$0x3FB4]  }
0x39: {  	_ = 	snop;
	(pc) =	sbr.ind lr, $3  }
0x3a: {  	_ = 	snop  }
0x3b: {  	_ = 	snop  }
0x3c: {  	p2 =	seq.s32 s10, $0x1;
	s10 =	sld [smem:$0x3FB3]  }
0x3d: {  	_ =	shalt  }
0x3e: {  	_ =	shalt  }
0x3f: {  	_ =	shalt  }
0x40: {  	_ =	shalt  }
0x41: {  	_ =	shalt  }
0x42: {  	_ =	shalt  }
0x43: {  	_ =	shalt  }
0x44: {  	_ =	shalt  }
0x45: {  	_ =	shalt  }
0x46: {  	_ =	shalt  }
0x47: {  	_ =	shalt  }
0x48: {  	_ =	shalt  }
0x49: {  	_ =	shalt  }
0x4a: {  	_ =	shalt  }
0x4b: {  	_ =	shalt  }
0x4c: {  	_ =	shalt  }
0x4d: {  	_ =	shalt  }
0x4e: {  	_ =	shalt  }
0x4f: {  	_ =	shalt  }
0x50: {  	_ =	shalt  }
0x51: {  	_ =	shalt  }
0x52: {  	_ =	shalt  }
0x53: {  	_ =	shalt  }
0x54: {  	_ =	shalt  }
0x55: {  	_ =	shalt  }
0x56: {  	_ =	shalt  }
0x57: {  	_ =	shalt  }
0x58: {  	_ =	shalt  }
0x59: {  	_ =	shalt  }
0x5a: {  	_ =	shalt  }
0x5b: {  	_ =	shalt  }
0x5c: {  	_ =	shalt  }
0x5d: {  	_ =	shalt  }
0x5e: {  	_ =	shalt  }
0x5f: {  	_ =	shalt  }
0x60: {  	_ =	shalt  }
0x61: {  	_ =	shalt  }
0x62: {  	_ =	shalt  }
0x63: {  	_ =	shalt  }
0x64: {  	_ =	shalt  }
0x65: {  	_ =	shalt  }
0x66: {  	_ =	shalt  }
0x67: {  	_ =	shalt  }
0x68: {  	_ =	shalt  }
0x69: {  	_ =	shalt  }
0x6a: {  	_ =	shalt  }
0x6b: {  	_ =	shalt  }
0x6c: {  	_ =	shalt  }
0x6d: {  	_ =	shalt  }
0x6e: {  	_ =	shalt  }
0x6f: {  	_ =	shalt  }
0x70: {  	_ =	shalt  }
0x71: {  	_ =	shalt  }
0x72: {  	_ =	shalt  }
0x73: {  	_ =	shalt  }
0x74: {  	_ =	shalt  }
0x75: {  	_ =	shalt  }
0x76: {  	_ =	shalt  }
0x77: {  	_ =	shalt  }
0x78: {  	_ =	shalt  }
0x79: {  	_ =	shalt  }
0x7a: {  	_ =	shalt  }
0x7b: {  	_ =	shalt  }
0x7c: {  	_ =	shalt  }
0x7d: {  	_ =	shalt  }
0x7e: {  	_ =	shalt  }
0x7f: {  	_ =	shalt  }
0x80: {  	_ =	shalt  }
0x81: {  	_ =	shalt  }
0x82: {  	_ =	shalt  }
0x83: {  	_ =	shalt  }
0x84: {  	_ =	shalt  }
0x85: {  	_ =	shalt  }
0x86: {  	_ =	shalt  }
0x87: {  	_ =	shalt  }
.Lfunc_end0:
.L_simem_size_0:
called_computation.7_lowered:
.L_overlay_start_0:
0x88: {  	s2 =	sld [smem:$0x3FD9]  }
0x89: {  	s3 =	sld [smem:$0x3FFE];
	_ =	sdelay $0x1  }
0x8a: {  	s1 =	srdreg.scid  }
0x8b: {  	s0 =	sand.u32 $0x1, s1  }
0x8c: {  	s16 =	sshll.u32 s0, $0xA;
	s2 =	sadd.s32 s3, s2  }
0x8d: {  	s2 =	sadd.s32 s2, s16  }
0x8e: {  	[smem:$0x3FBF] =	sst s2  }
0x8f: {  	_ = 	snop  }
0x90: {  	(tm) =	ssettm $0x1  }
0x91: {  	s17 =	sld [smem:$0x3FFB];
	_ =	sdelay $0x3  }
0x92: {  	_ =	strace s17  }
0x93: {  	s2 =	sld [smem:$0x3FFC];
	_ =	sdelay $0x3  }
0x94: {  	_ =	strace s2  }
0x95: {  	s2 =	sld [smem:$0x3FFD];
	_ =	sdelay $0x3  }
0x96: {  	_ =	strace s2  }
0x97: {  	_ =	strace $0x8FFFFFFF  }
0x98: {  	s18 =	sld [smem:$0x3FDB];
	_ =	sdelay $0x1  }
0x99: {  	s19 =	simm.s32 $_scs_section_size  }
0x9a: {  	s4 =	simm.s32 $_size__tile_overlayer_lowered;
	s5 =	simm.s32 $_tile_overlayer_lowered  }
0x9b: {  	s22 =	simm.s32 $0x1BFF;
	s21 =	sshll.u32 s5, $0x1;
	s2 =	sadd.s32 s19, s18  }
0x9c: {  	s6 =	simm.s32 $0x0;
	s20 =	sshll.u32 s4, $0x1;
	s4 =	sadd.s32 s21, s2  }
0x9d: {  	[timem:s6], [sflag:s22] =	dma.local [hbm:s4], s20  }
0x9e: {  	_ =	swait.ge [sflag:s22], s20  }
0x9f: {  	s3 =	ssub.s32 $0x0, s20;
	[sflag:s22] =	ssyncset.done $0x0  }
0xa0: {  	[sflag:s22] =	ssyncadd.s32 s3;
	_ =	sdelay $0x1  }
0xa1: {  	s23 =	simm.s32 $0x1B8B  }
0xa2: {  	_ =	swait.ge [sflag:s23], $0x1  }
0xa3: {  	[sflag:s23] =	ssyncset.done $0x0  }
0xa4: {  	s25 =	simm.s32 $0x1B8E;
	s24 =	sld [smem:$0x3FFE];
	[sflag:s23] =	ssyncadd.s32 $0xFFFFFFFF  }
0xa5: {  	s26 =	simm.s32 $execute0_lowered;
	[smem:$0x3FD2] =	sst s25  }
0xa6: {  	s4 =	sshll.u32 s26, $0x1;
	_ =	strace $0x8000005B;
	[dreg:$0x1] =	wrdreg $0xFFFFFFFF  }
0xa7: {  	s28 =	simm.s32 $_size_execute0_lowered;
	s2 =	sadd.s32 s2, s4;
	[dreg:$0x0] =	wrdreg $0x0  }
0xa8: {  	s4 =	sshll.u32 s28, $0x1;
	[dreg:$0x2] =	wrdreg s2  }
0xa9: {  	[dreg:$0x3] =	wrdreg s4  }
0xaa: {  	[dreg:$0x4] =	wrdreg $0xC0  }
0xab: {  	_ =	task [dreg:s6], $0x5FFFF  }
0xac: {  	[dreg:$0x1] =	wrdreg $0xFFFFFFFF  }
0xad: {  	[dreg:$0x0] =	wrdreg $0x60  }
0xae: {  	[dreg:$0x2] =	wrdreg s24  }
0xaf: {  	[dreg:$0x3] =	wrdreg $0x9  }
0xb0: {  	_ =	task.clear_ibuf [dreg:s6], $0x4FFFF;
	_ =	strace $0x9000005B  }
0xb1: {  	s29 =	simm.s32 $0x9;
	_ =	strace $0x8000005D  }
0xb2: {  	_ =	swait.ge [sflag:s29], $0x1  }
0xb3: {  	[sflag:s29] =	ssyncadd.s32 $0xFFFFFFFF  }
0xb4: {  	_ =	strace $0x9000005D  }
0xb5: {  	_ =	sfence  }
0xb6: {  	s30 =	sld [smem:$0x0];
	_ =	sdelay $0x2  }
0xb7: {  	s31 =	sshll.u32 s1, $0xD;
	s1 =	sshrl.u32 s1, $0x2  }
0xb8: {  	s3 =	sand.u32 $0x4000, s31;
	s1 =	sadd.s32 s1, s30  }
0xb9: {  	s0 =	sor.u32 s3, s0;
	s1 =	sshll.u32 s1, $0x11  }
0xba: {  	s0 =	sor.u32 s1, s0  }
0xbb: {  	s0 =	sadd.s32 $0x8F2B, s0  }
0xbc: {  	[sflag:s0] =	ssyncadd.remote.s32 $0x1  }
0xbd: {  	_ =	sfence.sel $0xFFFF  }
0xbe: {  	[dreg:$0x0] =	wrdreg $0xFFFFFFFF;
	(pc) =	sbr.abs _section_cstart, $3  }
0xbf: {  	[dreg:$0x1] =	wrdreg $0xFFFFFFFF  }
0xc0: {  	_ =	task.clear_ibuf [dreg:s6], $0x2FFFF;
	_ =	strace $0x9FFFFFFF  }
0xc1: {  	(tm) =	ssettm $0x7FFFFFFF  }
tec
execute0_lowered:
.L_overlay_start_1:
0x0: {  	(tag) =	ssettag $0x1  }
0x1: {  	s8 =	rddreg [dreg:$0x0]  }
0x2: {  	s0 =	rddreg [dreg:$0x1];
	s2 =	simm.s32 $0x0  }
0x3: {  	s3 =	srdreg.scid;
	s1 =	stileid.u32;
	s12 =	simm.s32 $0x1  }
0x4: {  	s13 =	simm.s32 $0x80;
	s14 =	simm.s32 $0x100;
	s15 =	simm.s32 $0x200  }
0x5: {  	s16 =	simm.s32 $0x4200;
	s17 =	simm.s32 $0x0;
	[smem:$0x7FF] =	sst s2  }
0x6: {  	s6 =	sand.u32 $0x1, s3;
	s4 =	sshll.u32 s1, $0x1;
	s3 =	sadd.s32 $0x239AE00, s8  }
.Ltmp0:
0x7: {  	s5 =	sadd.s32 $0xC7000, s8;
	s4 =	sor.u32 s6, s4;
	(pc) =	sbr.rel .LBB2_1-.Ltmp0, $4  }
0x8: {  	s7 =	sadd.s32 $0xF7E00, s8;
	s10 =	ssub.s32 $0x2, s6;
	s9 =	smul.u32 $0x3100, s4  }
0x9: {  	_ =	strace $0x8000005C;
	s6 =	sadd.s32 $0x65400, s8;
	s11 =	sshrl.u32 s10, $0x1  }
0xa: {  	s10 =	ssub.s32 s10, s11;
	s11 =	simm.s32 $0x2;
	s9 =	sadd.s32 s9, s8  }
0xb: {  	v0 =	vimm.f32 $0.0e+00;
	s8 =	smul.u32 $0x1FFF3C0, s4;
	s10 =	smax.u32 s10, $0x1;
	s9 =	sadd.s32 $0xF8000, s9  }
.LBB2_10:
0xc: {  	s17 =	sadd.s32 $0x1, s17  }
0xd: {  	p0 =	sne.s32 s17, s10  }
.Ltmp1:
0xe: {  	_ = 	snop;
	(pc) =	sbr.rel @!p0 .LBB2_11-.Ltmp1, $4  }
0xf: {  	[hbm4b:s9+s2] =	stream.linear.scatter [tilespmem:s16], [sflag:$0x2], $0x18800, $0x38;
	[tilespmem:$0x1CA00] =	vst v63  }
0x10: {  	_ =	swait.ge [sflag:s11], $0x18800  }
0x11: {  	[sflag:s11] =	ssyncset.done $0x0  }
0x12: {  	[sflag:s11] =	ssyncadd.s32 $0xFFFE7800  }
.LBB2_1:
0x13: {  	[tilespmem:s2], [sflag:$0x2] =	stream.linear.gather [hbm4b:s7+s2], $0x80, $0x38;
	[tilespmem:$0x1CA00] =	vst v63  }
0x14: {  	_ =	swait.ge [sflag:s11], $0x80  }
0x15: {  	[sflag:s11] =	ssyncset.done $0x0  }
0x16: {  	[sflag:s11] =	ssyncadd.s32 $0xFFFFFF80  }
0x17: {  	s18 =	simm.s32 $0x40;
	s22 =	simm.s32 $0x0;
	v1 =	vld [tilespmem:s4+$0x0]  }
.LBB2_2:
0x18: {  	p0 =	sne.s32 s18, $0x61FC0;
	[tilespmem:s22+$0x4200] =	vst v0;
	s19 =	smov.u32 s18;
	s18 =	sadd.s32 $0x40, s18  }
.Ltmp2:
0x19: {  	(pc) =	sbr.rel @p0 .LBB2_2-.Ltmp2, $2  }
0x1a: {  	_ =	sdelay $0x2  }
0x1b: {  	s22 =	sshra.s32 s19, $0x2  }
0x1c: {  	(v2sf) =	vpush v1, $0x0;
	_ =	sdelay $0x6  }
0x1d: {  	(v2sf) =	vpush v1, $0x1;
	_ =	sdelay $0x7  }
0x1e: {  	s18 =	spop (v2sf)  }
0x1f: {  	s19 =	sand.u32 $0x7F, s18  }
0x20: {  	s20 =	sshra.s32 s18, $0x1F;
	p0 =	slt.s32 s18, $0x1;
	p1 =	sne.s32 s19, $0x0  }
0x21: {  	s30 =	sshrl.u32 s20, $0x19;
	p0 =	por !p0, !p1  }
0x22: {  	s20 =	simm.s32 $0x1;
	s19 =	sadd.s32 s30, s18;
	p0 =	por !p0, !p0  }
0x23: {  	s19 =	sshra.s32 s19, $0x7;
	s20 =	simm.s32 @!p0 $0x0  }
0x24: {  	s19 =	ssub.s32 s19, s20  }
0x25: {  	s20 =	spop (v2sf);
	s23 =	sshll.u32 s19, $0x7  }
0x26: {  	s21 =	ssub.s32 s20, s23  }
0x27: {  	s21 =	sadd.s32 $0x7F, s21  }
0x28: {  	s24 =	sand.u32 $0x7F, s21  }
0x29: {  	s31 =	sshra.s32 s21, $0x1F;
	p6 =	slt.s32 s21, $0x1;
	p5 =	sne.s32 s24, $0x0  }
0x2a: {  	s24 =	sshrl.u32 s31, $0x19;
	p0 =	por !p6, !p5  }
0x2b: {  	s21 =	sadd.s32 s24, s21;
	s24 =	simm.s32 $0x1;
	p0 =	por !p0, !p0  }
0x2c: {  	s21 =	sshra.s32 s21, $0x7;
	s24 =	simm.s32 @!p0 $0x0  }
0x2d: {  	s21 =	ssub.s32 s21, s24  }
0x2e: {  	p0 =	slt.s32 s21, $0x1  }
.Ltmp3:
0x2f: {  	_ = 	snop;
	(pc) =	sbr.rel @p0 .LBB2_10-.Ltmp3, $2  }
0x30: {  	_ =	sdelay $0x2  }
0x31: {  	[tilespmem:s22+$0x4200] =	vst v0  }
.Ltmp4:
0x32: {  	(pc) =	sbr.rel .LBB2_5-.Ltmp4, $2  }
0x33: {  	_ =	sdelay $0x2  }
0x34: {  	s22 =	ssub.s32 s18, s23;
	s23 =	simm.s32 $0x0  }
.LBB2_8:
0x35: {  	[tilespmem:s29+$0x4200] =	vst v2  }
0x36: {  	[tilespmem:s29+$0x4210] =	vst v1  }
.LBB2_9:
0x37: {  	s23 =	sadd.s32 $0x1, s23  }
0x38: {  	p0 =	sne.s32 s23, s21  }
.Ltmp5:
0x39: {  	_ = 	snop;
	(pc) =	sbr.rel @!p0 .LBB2_10-.Ltmp5, $2  }
0x3a: {  	_ =	sdelay $0x2  }
0x3b: {  	s22 =	sadd.s32 $0xFFFFFF80, s22  }
.LBB2_5:
0x3c: {  	s24 =	sadd.s32 s19, s23  }
0x3d: {  	s25 =	sshll.u32 s24, $0x4  }
0x3e: {  	s25 =	sand.u32 $0x1FFFFFF0, s25  }
0x3f: {  	s24 =	sshll.u32 s24, $0x7;
	s26 =	sadd.s32 s5, s25  }
0x40: {  	[tilespmem:s13], [sflag:$0x2] =	stream.linear.gather [hbm4b:s26+s2], $0x80, $0x38;
	[tilespmem:$0x1CA00] =	vst v63  }
0x41: {  	s28 =	ssub.s32 s18, s24;
	_ =	swait.ge [sflag:s11], $0x80  }
0x42: {  	s24 =	ssub.s32 s20, s24;
	s25 =	sadd.s32 s6, s25;
	[sflag:s11] =	ssyncset.done $0x0  }
0x43: {  	p0 =	sgt.s32 s28, $0x0;
	p1 =	slt.s32 s24, $0x80;
	[sflag:s11] =	ssyncadd.s32 $0xFFFFFF80  }
0x44: {  	[tilespmem:s14], [sflag:$0x2] =	stream.linear.gather [hbm4b:s25+s2], $0x80, $0x38;
	[tilespmem:$0x1CA00] =	vst v63  }
0x45: {  	s28 =	simm.s32 @!p0 $0x0;
	s24 =	simm.s32 @!p1 $0x80;
	_ =	swait.ge [sflag:s11], $0x80  }
0x46: {  	p0 =	sle.s32 s24, s28;
	[sflag:s11] =	ssyncset.done $0x0  }
.Ltmp6:
0x47: {  	[sflag:s11] =	ssyncadd.s32 $0xFFFFFF80;
	(pc) =	sbr.rel @p0 .LBB2_9-.Ltmp6, $4  }
0x48: {  	[tilespmem:s15], [sflag:$0x1] =	stream.indirect.gather [hbm4b:s3+s13], $0x80, s13, s13, $0xb8;
	[tilespmem:$0x1CA00] =	vst v63  }
0x49: {  	_ =	swait.ge [sflag:s12], $0x4000  }
0x4a: {  	[sflag:s12] =	ssyncset.done $0x0  }
0x4b: {  	[sflag:s12] =	ssyncadd.s32 $0xFFFFC000  }
0x4c: {  	p0 =	sgt.s32 s22, $0x0;
	s26 =	smov.u32 s22  }
0x4d: {  	s26 =	simm.s32 @!p0 $0x0  }
0x4e: {  	s25 =	sshll.u32 s26, $0x2  }
0x4f: {  	s25 =	sshra.s32 s25, $0x2  }
0x50: {  	s25 =	sadd.s32 $0x100, s25  }
0x51: {  	v1 =	vld [tilespmem:s25+$0x0];
	_ =	sdelay $0x4  }
0x52: {  	(v2sf) =	vpush v1, $0x0;
	_ =	sdelay $0xd  }
0x53: {  	s26 =	sshll.u32 s26, $0x9  }
0x54: {  	s26 =	sshra.s32 s26, $0x2;
	s29 =	spop (v2sf)  }
0x55: {  	s26 =	sadd.s32 $0x210, s26;
	s29 =	sadd.s32 s8, s29  }
0x56: {  	v2 =	vld [tilespmem:s26+$0xFFFFFFF0];
	s29 =	sshll.u32 s29, $0x7  }
0x57: {  	p0 =	sgt.s32 s28, s24;
	v1 =	vld [tilespmem:s26+$0x0];
	s29 =	sshra.s32 s29, $0x2  }
0x58: {  	s24 =	smov.u32 @p0 s28;
	s28 =	sadd.s32 $0x1, s28;
	v3 =	vld [tilespmem:s29+$0x4200]  }
0x59: {  	p0 =	slt.u32 s28, s24;
	v4 =	vld [tilespmem:s29+$0x4210]  }
.Ltmp7:
0x5a: {  	_ = 	snop;
	(pc) =	sbr.rel @!p0 .LBB2_8-.Ltmp7, $3  }
0x5b: {  	_ =	sdelay $0x1  }
0x5c: {  	v2 =	vadd.f32 v3, v2  }
0x5d: {  	v1 =	vadd.f32 v4, v1  }
.LBB2_7:
0x5e: {  	s28 =	sadd.s32 $0x1, s28;
	[tilespmem:s29+$0x4200] =	vst v2;
	s25 =	sadd.s32 $0x1, s25;
	s26 =	sadd.s32 $0x80, s26  }
0x5f: {  	p0 =	slt.u32 s28, s24;
	[tilespmem:s29+$0x4210] =	vst v1  }
0x60: {  	v1 =	vld [tilespmem:s25+$0x0];
	_ =	sdelay $0x4  }
0x61: {  	(v2sf) =	vpush v1, $0x0;
	_ =	sdelay $0xe  }
0x62: {  	s29 =	spop (v2sf)  }
0x63: {  	s29 =	sadd.s32 s8, s29  }
0x64: {  	v1 =	vld [tilespmem:s26+$0x0];
	s29 =	sshll.u32 s29, $0x7  }
0x65: {  	v2 =	vld [tilespmem:s26+$0xFFFFFFF0];
	s29 =	sshra.s32 s29, $0x2  }
0x66: {  	v3 =	vld [tilespmem:s29+$0x4200]  }
0x67: {  	v4 =	vld [tilespmem:s29+$0x4210]  }
.Ltmp8:
0x68: {  	(pc) =	sbr.rel @p0 .LBB2_7-.Ltmp8, $3  }
0x69: {  	_ =	sdelay $0x1  }
0x6a: {  	v2 =	vadd.f32 v3, v2  }
0x6b: {  	v1 =	vadd.f32 v4, v1  }
.Ltmp9:
0x6c: {  	_ = 	snop;
	(pc) =	sbr.rel .LBB2_8-.Ltmp9, $1  }
0x6d: {  	_ =	sdelay $0x3  }
.LBB2_11:
0x6e: {  	_ =	sfence.sel $0x180000  }
0x6f: {  	[bflag:$0x0] =	sbarrier.arrive $0xFFFF  }
0x70: {  	p0 =	sne.s32 s1, $0x0;
	_ =	strace $0x9000005C  }
0x71: {  	s0 =	sadd.s32 @!p0 $0x100000, s0;
	[bflag:$0x2] =	sbarrier.arrive $0xFFFF  }
0x72: {  	[sflag:s0] =	ssyncadd.tile.s32 @!p0 $0x1;
	_ =	shalt  }
.Lfunc_end2:
_tile_overlayer_lowered:
.L_overlay_start_2:
0x73: {  	(tag) =	ssettag $0x2  }
0x74: {  	s0 =	rddreg [dreg:$0x0];
	s2 =	stileid.u32  }
0x75: {  	s1 =	rddreg [dreg:$0x1];
	p0 =	sne.s32 s2, $0x0  }
0x76: {  	s3 =	rddreg [dreg:$0x2];
	[bflag:$0x3] =	sbarrier.arrive $0xFFFF;
	s2 =	simm.s32 @!p0 $0x1C02  }
0x77: {  	[timem:s3], [sflag:s2] =	dma.local @!p0 [hbm:s0], s1  }
0x78: {  	s0 =	simm.s32 @!p0 $0x2  }
0x79: {  	_ =	swait.ge @!p0 [sflag:s0], s1  }
0x7a: {  	s1 =	ssub.s32 @!p0 $0x0, s1;
	[sflag:s0] =	ssyncset.done @!p0 $0x0  }
0x7b: {  	[sflag:s0] =	ssyncadd.s32 @!p0 s1  }
0x7c: {  	[bflag:$0x3] =	sbarrier.arrive $0xFFFF  }
0x7d: {  	_ =	shalt  }

// kernel: kernel.31.cloned.1.call-start
scs
__scs_entry_jumppad:
0x0: {  	(pc) =	sbr.rel $0x88, $3  }
0x1: {  	(tag) =	ssettag $0x0;
	lr =	simm.s32 $0x1  }
0x2: {  	[smem:$0x3F98] =	sst lr;
	_ =	strace $0xD0000000  }
0x3: {  	_ = 	snop  }
0x4: {  	_ = 	snop  }
0x5: {  	_ = 	snop  }
0x6: {  	_ = 	snop  }
0x7: {  	_ = 	snop  }
__scs_overlays_trampoline_lowered:
0x8: {  	[smem:$0x3FA7] =	sst s0  }
0x9: {  	[smem:$0x3FA8] =	sst s1  }
0xa: {  	[smem:$0x3FA9] =	sst s2  }
0xb: {  	[smem:$0x3FAA] =	sst s3  }
0xc: {  	[smem:$0x3FAB] =	sst s4  }
0xd: {  	[smem:$0x3FAC] =	sst s5  }
0xe: {  	[smem:$0x3FAD] =	sst s6  }
0xf: {  	[smem:$0x3FAE] =	sst s7  }
0x10: {  	[smem:$0x3FAF] =	sst s8  }
0x11: {  	[smem:$0x3FB0] =	sst s9;
	s0 =	simm.s32 @!p0 $0x0  }
0x12: {  	s1 =	sld [smem:$0x3F96];
	s0 =	simm.s32 @p0 $0x1  }
0x13: {  	[smem:$0x3FB1] =	sst s0;
	s0 =	simm.s32 @!p1 $0x0  }
0x14: {  	s2 =	sld [smem:$0x3F95];
	s0 =	simm.s32 @p1 $0x1  }
0x15: {  	[smem:$0x3FB2] =	sst s0;
	s0 =	simm.s32 @!p2 $0x0  }
0x16: {  	s3 =	sld [smem:$0x3FDB];
	s0 =	simm.s32 @p2 $0x1  }
0x17: {  	s4 =	simm.s32 $0x1BF5;
	[smem:$0x3FB4] =	sst s0  }
0x18: {  	s0 =	sld [smem:$0x3F97];
	_ =	swait.ge [sflag:s4], $0x0  }
0x19: {  	s7 =	sld [smem:$0x3F98]  }
0x1a: {  	s8 =	sadd.s32 $0xFFFFE003, lr  }
0x1b: {  	s9 =	sadd.s32 $0xFFFFFEF7, lr;
	s5 =	simm.s32 $0xFFFFFFFF;
	p2 =	slt.u32 s8, $0xFFFFF086  }
0x1c: {  	p1 =	slt.u32 s9, $0xF7A;
	s5 =	simm.s32 @!p2 $0x0  }
0x1d: {  	s5 =	simm.s32 @p1 $0x1;
	p0 =	seq.s32 s7, s2  }
0x1e: {  	s7 =	smul.u32 @!p0 $0xF7A, s2;
	p2 =	seq.s32 @!p0 s5, $0x0  }
0x1f: {  	s9 =	smul.u32 $0xF7A, s1;
	s8 =	simm.s32 @!p0 $0x1BF5;
	p2 =	por !p2, p0  }
0x20: {  	[sflag:s8] =	ssyncset.s32 @!p0 $0xFFFFF086;
	s6 =	sadd.s32 @!p0 s3, s7;
	s7 =	simm.s32 @!p0 $0x108  }
0x21: {  	s3 =	sadd.s32 s3, s9;
	s6 =	sadd.s32 @!p0 $0x88, s6;
	s7 =	simm.s32 @p2 $0x1082  }
0x22: {  	[simem:s7], [sflag:s8] =	dma.local @!p0 [hbm:s6], $0xF7A  }
0x23: {  	s9 =	sor.u32 $0xD0000000, s2;
	s6 =	simm.s32 $0x108;
	_ =	swait.ge @!p0 [sflag:s8], $0x0  }
0x24: {  	s3 =	sadd.s32 $0x88, s3;
	s6 =	simm.s32 @!p1 $0x1082;
	[sflag:s4] =	ssyncset.s32 $0xFFFFF086  }
0x25: {  	[simem:s6], [sflag:s4] =	dma.local [hbm:s3], $0xF7A  }
0x26: {  	[smem:$0x3F98] =	sst s1;
	(tag) =	ssettag s2;
	_ =	strace s9  }
0x27: {  	s1 =	sld [smem:$0x3FA8]  }
0x28: {  	s2 =	sld [smem:$0x3FA9]  }
0x29: {  	s4 =	sld [smem:$0x3FAB]  }
0x2a: {  	p0 =	seq.s32 s5, $0x0;
	s5 =	sld [smem:$0x3FAC]  }
0x2b: {  	s6 =	sld [smem:$0x3FAD]  }
0x2c: {  	s7 =	sld [smem:$0x3FAE]  }
0x2d: {  	s3 =	simm.s32 $0x108;
	s8 =	sld [smem:$0x3FAF]  }
0x2e: {  	s3 =	simm.s32 @!p0 $0x1082;
	s9 =	sld [smem:$0x3FB0]  }
0x2f: {  	lr =	sadd.s32 s0, s3;
	s0 =	sld [smem:$0x3FA7]  }
0x30: {  	s3 =	sld [smem:$0x3FAA]  }
0x31: {  	[smem:$0x3FB3] =	sst s10  }
0x32: {  	s10 =	sld [smem:$0x3FB1];
	_ =	sdelay $0x3  }
0x33: {  	p0 =	seq.s32 s10, $0x1;
	s10 =	sld [smem:$0x3FB3];
	_ =	sdelay $0x3  }
0x34: {  	[smem:$0x3FB3] =	sst s10  }
0x35: {  	s10 =	sld [smem:$0x3FB2];
	_ =	sdelay $0x3  }
0x36: {  	p1 =	seq.s32 s10, $0x1;
	s10 =	sld [smem:$0x3FB3];
	_ =	sdelay $0x3  }
0x37: {  	[smem:$0x3FB3] =	sst s10  }
0x38: {  	s10 =	sld [smem:$0x3FB4]  }
0x39: {  	_ = 	snop;
	(pc) =	sbr.ind lr, $3  }
0x3a: {  	_ = 	snop  }
0x3b: {  	_ = 	snop  }
0x3c: {  	p2 =	seq.s32 s10, $0x1;
	s10 =	sld [smem:$0x3FB3]  }
0x3d: {  	_ =	shalt  }
0x3e: {  	_ =	shalt  }
0x3f: {  	_ =	shalt  }
0x40: {  	_ =	shalt  }
0x41: {  	_ =	shalt  }
0x42: {  	_ =	shalt  }
0x43: {  	_ =	shalt  }
0x44: {  	_ =	shalt  }
0x45: {  	_ =	shalt  }
0x46: {  	_ =	shalt  }
0x47: {  	_ =	shalt  }
0x48: {  	_ =	shalt  }
0x49: {  	_ =	shalt  }
0x4a: {  	_ =	shalt  }
0x4b: {  	_ =	shalt  }
0x4c: {  	_ =	shalt  }
0x4d: {  	_ =	shalt  }
0x4e: {  	_ =	shalt  }
0x4f: {  	_ =	shalt  }
0x50: {  	_ =	shalt  }
0x51: {  	_ =	shalt  }
0x52: {  	_ =	shalt  }
0x53: {  	_ =	shalt  }
0x54: {  	_ =	shalt  }
0x55: {  	_ =	shalt  }
0x56: {  	_ =	shalt  }
0x57: {  	_ =	shalt  }
0x58: {  	_ =	shalt  }
0x59: {  	_ =	shalt  }
0x5a: {  	_ =	shalt  }
0x5b: {  	_ =	shalt  }
0x5c: {  	_ =	shalt  }
0x5d: {  	_ =	shalt  }
0x5e: {  	_ =	shalt  }
0x5f: {  	_ =	shalt  }
0x60: {  	_ =	shalt  }
0x61: {  	_ =	shalt  }
0x62: {  	_ =	shalt  }
0x63: {  	_ =	shalt  }
0x64: {  	_ =	shalt  }
0x65: {  	_ =	shalt  }
0x66: {  	_ =	shalt  }
0x67: {  	_ =	shalt  }
0x68: {  	_ =	shalt  }
0x69: {  	_ =	shalt  }
0x6a: {  	_ =	shalt  }
0x6b: {  	_ =	shalt  }
0x6c: {  	_ =	shalt  }
0x6d: {  	_ =	shalt  }
0x6e: {  	_ =	shalt  }
0x6f: {  	_ =	shalt  }
0x70: {  	_ =	shalt  }
0x71: {  	_ =	shalt  }
0x72: {  	_ =	shalt  }
0x73: {  	_ =	shalt  }
0x74: {  	_ =	shalt  }
0x75: {  	_ =	shalt  }
0x76: {  	_ =	shalt  }
0x77: {  	_ =	shalt  }
0x78: {  	_ =	shalt  }
0x79: {  	_ =	shalt  }
0x7a: {  	_ =	shalt  }
0x7b: {  	_ =	shalt  }
0x7c: {  	_ =	shalt  }
0x7d: {  	_ =	shalt  }
0x7e: {  	_ =	shalt  }
0x7f: {  	_ =	shalt  }
0x80: {  	_ =	shalt  }
0x81: {  	_ =	shalt  }
0x82: {  	_ =	shalt  }
0x83: {  	_ =	shalt  }
0x84: {  	_ =	shalt  }
0x85: {  	_ =	shalt  }
0x86: {  	_ =	shalt  }
0x87: {  	_ =	shalt  }
.Lfunc_end0:
.L_simem_size_0:
called_computation.8_lowered:
.L_overlay_start_0:
0x88: {  	s2 =	sld [smem:$0x3FD9]  }
0x89: {  	s3 =	sld [smem:$0x3FFE];
	_ =	sdelay $0x1  }
0x8a: {  	s1 =	srdreg.scid  }
0x8b: {  	s0 =	sand.u32 $0x1, s1  }
0x8c: {  	s17 =	sshll.u32 s0, $0xA;
	s2 =	sadd.s32 s3, s2  }
0x8d: {  	s2 =	sadd.s32 s2, s17  }
0x8e: {  	[smem:$0x3FBF] =	sst s2  }
0x8f: {  	_ = 	snop  }
0x90: {  	s2 =	sld [smem:$0x3FD0];
	(tm) =	ssettm $0x1  }
0x91: {  	s18 =	sld [smem:$0x3FFB];
	_ =	sdelay $0x3  }
0x92: {  	_ =	strace s18  }
0x93: {  	s3 =	sld [smem:$0x3FFC];
	_ =	sdelay $0x3  }
0x94: {  	_ =	strace s3  }
0x95: {  	s3 =	sld [smem:$0x3FFD];
	_ =	sdelay $0x3  }
0x96: {  	_ =	strace s3  }
0x97: {  	_ =	strace $0x8FFFFFFF  }
0x98: {  	s19 =	sld [smem:$0x3FDB];
	_ =	sdelay $0x1  }
0x99: {  	s4 =	simm.s32 $_scs_section_size  }
0x9a: {  	s5 =	simm.s32 $_size__tile_overlayer_lowered;
	s6 =	simm.s32 $_tile_overlayer_lowered  }
0x9b: {  	s22 =	simm.s32 $0x1BFF;
	s21 =	sshll.u32 s6, $0x1;
	s3 =	sadd.s32 s4, s19  }
0x9c: {  	s7 =	simm.s32 $0x0;
	s20 =	sshll.u32 s5, $0x1;
	s5 =	sadd.s32 s21, s3  }
0x9d: {  	[timem:s7], [sflag:s22] =	dma.local [hbm:s5], s20  }
0x9e: {  	_ =	swait.ge [sflag:s22], s20  }
0x9f: {  	s4 =	ssub.s32 $0x0, s20;
	[sflag:s22] =	ssyncset.done $0x0  }
0xa0: {  	[sflag:s22] =	ssyncadd.s32 s4;
	_ =	sdelay $0x1  }
0xa1: {  	s23 =	simm.s32 $0x1B8B  }
0xa2: {  	_ =	swait.ge [sflag:s23], $0x1  }
0xa3: {  	[sflag:s23] =	ssyncset.done $0x0  }
0xa4: {  	s25 =	simm.s32 $0x1B8E;
	s24 =	sld [smem:$0x3FFE];
	[sflag:s23] =	ssyncadd.s32 $0xFFFFFFFF  }
0xa5: {  	s26 =	simm.s32 $execute0_lowered;
	[smem:$0x3FD2] =	sst s25  }
0xa6: {  	s5 =	sshll.u32 s26, $0x1;
	_ =	strace $0x8000005E;
	[dreg:$0x1] =	wrdreg $0xFFFFFFFF  }
0xa7: {  	s28 =	simm.s32 $_size_execute0_lowered;
	s3 =	sadd.s32 s3, s5;
	[dreg:$0x0] =	wrdreg $0x0  }
0xa8: {  	s5 =	sshll.u32 s28, $0x1;
	[dreg:$0x2] =	wrdreg s3  }
0xa9: {  	[dreg:$0x3] =	wrdreg s5  }
0xaa: {  	[dreg:$0x4] =	wrdreg $0xC0  }
0xab: {  	_ =	task [dreg:s7], $0x5FFFF  }
0xac: {  	[dreg:$0x1] =	wrdreg $0xFFFFFFFF  }
0xad: {  	[dreg:$0x0] =	wrdreg $0x60  }
0xae: {  	[dreg:$0x2] =	wrdreg s24  }
0xaf: {  	[dreg:$0x3] =	wrdreg s2  }
0xb0: {  	[dreg:$0x4] =	wrdreg $0x9  }
0xb1: {  	_ =	task.clear_ibuf [dreg:s7], $0x5FFFF;
	_ =	strace $0x9000005E  }
0xb2: {  	s29 =	simm.s32 $0x9;
	_ =	strace $0x80000060  }
0xb3: {  	_ =	swait.ge [sflag:s29], $0x1  }
0xb4: {  	[sflag:s29] =	ssyncadd.s32 $0xFFFFFFFF  }
0xb5: {  	_ =	strace $0x90000060  }
0xb6: {  	_ =	sfence  }
0xb7: {  	s30 =	sld [smem:$0x0];
	_ =	sdelay $0x2  }
0xb8: {  	s31 =	sshll.u32 s1, $0xD;
	s1 =	sshrl.u32 s1, $0x2  }
0xb9: {  	s3 =	sand.u32 $0x4000, s31;
	s1 =	sadd.s32 s1, s30  }
0xba: {  	s0 =	sor.u32 s3, s0;
	s1 =	sshll.u32 s1, $0x11  }
0xbb: {  	s0 =	sor.u32 s1, s0  }
0xbc: {  	s0 =	sadd.s32 $0x8F2B, s0  }
0xbd: {  	[sflag:s0] =	ssyncadd.remote.s32 $0x1  }
0xbe: {  	_ =	sfence.sel $0xFFFF  }
0xbf: {  	[dreg:$0x0] =	wrdreg $0xFFFFFFFF;
	(pc) =	sbr.abs _section_cstart, $3  }
0xc0: {  	[dreg:$0x1] =	wrdreg $0xFFFFFFFF  }
0xc1: {  	_ =	task.clear_ibuf [dreg:s7], $0x2FFFF;
	_ =	strace $0x9FFFFFFF  }
0xc2: {  	(tm) =	ssettm $0x7FFFFFFF  }
0xc3: {  	_ =	shalt  }
tec
execute0_lowered:
.L_overlay_start_1:
0x0: {  	(tag) =	ssettag $0x1  }
0x1: {  	s6 =	rddreg [dreg:$0x0]  }
0x2: {  	s9 =	rddreg [dreg:$0x1]  }
0x3: {  	s0 =	rddreg [dreg:$0x2]  }
0x4: {  	s1 =	simm.s32 $0x0;
	s5 =	srdreg.scid;
	s2 =	stileid.u32  }
0x5: {  	s12 =	simm.s32 $0x1;
	s13 =	simm.s32 $0x80;
	s14 =	simm.s32 $0x100  }
0x6: {  	s15 =	simm.s32 $0x200;
	s16 =	simm.s32 $0x4200;
	s17 =	simm.s32 $0x0  }
0x7: {  	[smem:$0x7FF] =	sst s1;
	s3 =	sadd.s32 $0x4FAE00, s6;
	s4 =	sadd.s32 $0x3800, s6  }
.Ltmp0:
0x8: {  	s7 =	sand.u32 $0x1, s5;
	s5 =	sadd.s32 $0x96400, s6;
	(pc) =	sbr.rel .LBB2_1-.Ltmp0, $4  }
0x9: {  	s10 =	sshll.u32 s2, $0x1;
	s6 =	sadd.s32 $0x96200, s6;
	s8 =	ssub.s32 $0x2, s7  }
0xa: {  	_ =	strace $0x8000005F;
	s7 =	sor.u32 s7, s10;
	s11 =	sshrl.u32 s8, $0x1  }
0xb: {  	s31 =	sshll.u32 s7, $0x9;
	s30 =	ssub.s32 s8, s11;
	s8 =	sshll.u32 s7, $0xC  }
0xc: {  	v0 =	vimm.f32 $0.0e+00;
	s9 =	sadd.s32 s9, s31;
	s11 =	simm.s32 $0x2;
	s10 =	smax.u32 s30, $0x1  }
.LBB2_10:
0xd: {  	s17 =	sadd.s32 $0x1, s17  }
0xe: {  	p0 =	sne.s32 s17, s10  }
.Ltmp1:
0xf: {  	_ = 	snop;
	(pc) =	sbr.rel @!p0 .LBB2_11-.Ltmp1, $4  }
0x10: {  	[hbm4b:s9+s1] =	stream.linear.scatter [tilespmem:s16], [sflag:$0x2], $0x1000, $0x38;
	[tilespmem:$0x5200] =	vst v63  }
0x11: {  	_ =	swait.ge [sflag:s11], $0x1000  }
0x12: {  	[sflag:s11] =	ssyncset.done $0x0  }
0x13: {  	[sflag:s11] =	ssyncadd.s32 $0xFFFFF000  }
.LBB2_1:
0x14: {  	[tilespmem:s1], [sflag:$0x2] =	stream.linear.gather [hbm4b:s6+s1], $0x80, $0x38;
	[tilespmem:$0x5200] =	vst v63  }
0x15: {  	_ =	swait.ge [sflag:s11], $0x80  }
0x16: {  	[sflag:s11] =	ssyncset.done $0x0  }
0x17: {  	[sflag:s11] =	ssyncadd.s32 $0xFFFFFF80  }
0x18: {  	s18 =	simm.s32 $0x40;
	s22 =	simm.s32 $0x0;
	v1 =	vld [tilespmem:s7+$0x0]  }
.LBB2_2:
0x19: {  	p0 =	sne.s32 s18, $0x3FC0;
	[tilespmem:s22+$0x4200] =	vst v0;
	s19 =	smov.u32 s18;
	s18 =	sadd.s32 $0x40, s18  }
.Ltmp2:
0x1a: {  	(pc) =	sbr.rel @p0 .LBB2_2-.Ltmp2, $2  }
0x1b: {  	_ =	sdelay $0x2  }
0x1c: {  	s22 =	sshra.s32 s19, $0x2  }
0x1d: {  	(v2sf) =	vpush v1, $0x0;
	_ =	sdelay $0x6  }
0x1e: {  	(v2sf) =	vpush v1, $0x1;
	_ =	sdelay $0x7  }
0x1f: {  	s18 =	spop (v2sf)  }
0x20: {  	s19 =	sand.u32 $0x7F, s18  }
0x21: {  	s20 =	sshra.s32 s18, $0x1F;
	p0 =	slt.s32 s18, $0x1;
	p1 =	sne.s32 s19, $0x0  }
0x22: {  	s30 =	sshrl.u32 s20, $0x19;
	p0 =	por !p0, !p1  }
0x23: {  	s20 =	simm.s32 $0x1;
	s19 =	sadd.s32 s30, s18;
	p0 =	por !p0, !p0  }
0x24: {  	s19 =	sshra.s32 s19, $0x7;
	s20 =	simm.s32 @!p0 $0x0  }
0x25: {  	s19 =	ssub.s32 s19, s20  }
0x26: {  	s20 =	spop (v2sf);
	s23 =	sshll.u32 s19, $0x7  }
0x27: {  	s21 =	ssub.s32 s20, s23  }
0x28: {  	s21 =	sadd.s32 $0x7F, s21  }
0x29: {  	s24 =	sand.u32 $0x7F, s21  }
0x2a: {  	s31 =	sshra.s32 s21, $0x1F;
	p6 =	slt.s32 s21, $0x1;
	p5 =	sne.s32 s24, $0x0  }
0x2b: {  	s24 =	sshrl.u32 s31, $0x19;
	p0 =	por !p6, !p5  }
0x2c: {  	s21 =	sadd.s32 s24, s21;
	s24 =	simm.s32 $0x1;
	p0 =	por !p0, !p0  }
0x2d: {  	s21 =	sshra.s32 s21, $0x7;
	s24 =	simm.s32 @!p0 $0x0  }
0x2e: {  	s21 =	ssub.s32 s21, s24  }
0x2f: {  	p0 =	slt.s32 s21, $0x1  }
.Ltmp3:
0x30: {  	_ = 	snop;
	(pc) =	sbr.rel @p0 .LBB2_10-.Ltmp3, $2  }
0x31: {  	_ =	sdelay $0x2  }
0x32: {  	[tilespmem:s22+$0x4200] =	vst v0  }
.Ltmp4:
0x33: {  	(pc) =	sbr.rel .LBB2_5-.Ltmp4, $2  }
0x34: {  	_ =	sdelay $0x2  }
0x35: {  	s22 =	ssub.s32 s18, s23;
	s23 =	simm.s32 $0x0  }
.LBB2_8:
0x36: {  	[tilespmem:s29+$0x4200] =	vst v2  }
0x37: {  	[tilespmem:s29+$0x4210] =	vst v1  }
.LBB2_9:
0x38: {  	s23 =	sadd.s32 $0x1, s23  }
0x39: {  	p0 =	sne.s32 s23, s21  }
.Ltmp5:
0x3a: {  	_ = 	snop;
	(pc) =	sbr.rel @!p0 .LBB2_10-.Ltmp5, $2  }
0x3b: {  	_ =	sdelay $0x2  }
0x3c: {  	s22 =	sadd.s32 $0xFFFFFF80, s22  }
.LBB2_5:
0x3d: {  	s24 =	sadd.s32 s19, s23  }
0x3e: {  	s25 =	sshll.u32 s24, $0x4  }
0x3f: {  	s25 =	sand.u32 $0x1FFFFFF0, s25  }
0x40: {  	s24 =	sshll.u32 s24, $0x7;
	s26 =	sadd.s32 s4, s25  }
0x41: {  	[tilespmem:s13], [sflag:$0x2] =	stream.linear.gather [hbm4b:s26+s1], $0x80, $0x38;
	[tilespmem:$0x5200] =	vst v63  }
0x42: {  	s28 =	ssub.s32 s18, s24;
	_ =	swait.ge [sflag:s11], $0x80  }
0x43: {  	s24 =	ssub.s32 s20, s24;
	s25 =	sadd.s32 s5, s25;
	[sflag:s11] =	ssyncset.done $0x0  }
0x44: {  	p0 =	sgt.s32 s28, $0x0;
	p1 =	slt.s32 s24, $0x80;
	[sflag:s11] =	ssyncadd.s32 $0xFFFFFF80  }
0x45: {  	[tilespmem:s14], [sflag:$0x2] =	stream.linear.gather [hbm4b:s25+s1], $0x80, $0x38;
	[tilespmem:$0x5200] =	vst v63  }
0x46: {  	s28 =	simm.s32 @!p0 $0x0;
	s24 =	simm.s32 @!p1 $0x80;
	_ =	swait.ge [sflag:s11], $0x80  }
0x47: {  	p0 =	sle.s32 s24, s28;
	[sflag:s11] =	ssyncset.done $0x0  }
.Ltmp6:
0x48: {  	[sflag:s11] =	ssyncadd.s32 $0xFFFFFF80;
	(pc) =	sbr.rel @p0 .LBB2_9-.Ltmp6, $4  }
0x49: {  	[tilespmem:s15], [sflag:$0x1] =	stream.indirect.gather [hbm4b:s3+s13], $0x80, s13, s13, $0xb8;
	[tilespmem:$0x5200] =	vst v63  }
0x4a: {  	_ =	swait.ge [sflag:s12], $0x4000  }
0x4b: {  	[sflag:s12] =	ssyncset.done $0x0  }
0x4c: {  	[sflag:s12] =	ssyncadd.s32 $0xFFFFC000  }
0x4d: {  	p0 =	sgt.s32 s22, $0x0;
	s26 =	smov.u32 s22  }
0x4e: {  	s26 =	simm.s32 @!p0 $0x0  }
0x4f: {  	s25 =	sshll.u32 s26, $0x2  }
0x50: {  	s25 =	sshra.s32 s25, $0x2  }
0x51: {  	s25 =	sadd.s32 $0x100, s25  }
0x52: {  	v1 =	vld [tilespmem:s25+$0x0];
	_ =	sdelay $0x4  }
0x53: {  	(v2sf) =	vpush v1, $0x0;
	_ =	sdelay $0xe  }
0x54: {  	s26 =	sshll.u32 s26, $0x9;
	s29 =	spop (v2sf)  }
0x55: {  	s26 =	sshra.s32 s26, $0x2;
	s29 =	sshll.u32 s29, $0x5  }
0x56: {  	s26 =	sadd.s32 $0x210, s26;
	s30 =	ssub.s32 s29, s8  }
0x57: {  	v2 =	vld [tilespmem:s26+$0xFFFFFFF0];
	s29 =	sand.u32 $0x60, s29;
	s30 =	sand.u32 $0xFFFFFF80, s30  }
0x58: {  	p0 =	sgt.s32 s28, s24;
	v1 =	vld [tilespmem:s26+$0x0];
	s29 =	sor.u32 s29, s30  }
0x59: {  	s24 =	smov.u32 @p0 s28;
	s28 =	sadd.s32 $0x1, s28;
	v3 =	vld [tilespmem:s29+$0x4200]  }
0x5a: {  	p0 =	slt.u32 s28, s24;
	v4 =	vld [tilespmem:s29+$0x4210]  }
.Ltmp7:
0x5b: {  	_ = 	snop;
	(pc) =	sbr.rel @!p0 .LBB2_8-.Ltmp7, $3  }
0x5c: {  	_ =	sdelay $0x1  }
0x5d: {  	v2 =	vadd.f32 v3, v2  }
0x5e: {  	v1 =	vadd.f32 v4, v1  }
.LBB2_7:
0x5f: {  	s28 =	sadd.s32 $0x1, s28;
	[tilespmem:s29+$0x4200] =	vst v2;
	s25 =	sadd.s32 $0x1, s25;
	s26 =	sadd.s32 $0x80, s26  }
0x60: {  	p0 =	slt.u32 s28, s24;
	[tilespmem:s29+$0x4210] =	vst v1  }
0x61: {  	v1 =	vld [tilespmem:s25+$0x0];
	_ =	sdelay $0x4  }
0x62: {  	(v2sf) =	vpush v1, $0x0;
	_ =	sdelay $0xe  }
0x63: {  	s29 =	spop (v2sf)  }
0x64: {  	s29 =	sshll.u32 s29, $0x5  }
0x65: {  	s30 =	ssub.s32 s29, s8  }
0x66: {  	s29 =	sand.u32 $0x60, s29;
	v1 =	vld [tilespmem:s26+$0x0];
	s30 =	sand.u32 $0xFFFFFF80, s30  }
0x67: {  	v2 =	vld [tilespmem:s26+$0xFFFFFFF0];
	s29 =	sor.u32 s29, s30  }
0x68: {  	v3 =	vld [tilespmem:s29+$0x4200]  }
0x69: {  	v4 =	vld [tilespmem:s29+$0x4210]  }
.Ltmp8:
0x6a: {  	(pc) =	sbr.rel @p0 .LBB2_7-.Ltmp8, $3  }
0x6b: {  	_ =	sdelay $0x1  }
0x6c: {  	v2 =	vadd.f32 v3, v2  }
0x6d: {  	v1 =	vadd.f32 v4, v1  }
.Ltmp9:
0x6e: {  	_ = 	snop;
	(pc) =	sbr.rel .LBB2_8-.Ltmp9, $1  }
0x6f: {  	_ =	sdelay $0x3  }
.LBB2_11:
0x70: {  	_ =	sfence.sel $0x180000  }
0x71: {  	[bflag:$0x0] =	sbarrier.arrive $0xFFFF  }
0x72: {  	p0 =	sne.s32 s2, $0x0;
	_ =	strace $0x9000005F  }
0x73: {  	s0 =	sadd.s32 @!p0 $0x100000, s0;
	[bflag:$0x2] =	sbarrier.arrive $0xFFFF  }
0x74: {  	[sflag:s0] =	ssyncadd.tile.s32 @!p0 $0x1;
	_ =	shalt  }
.Lfunc_end2:
_tile_overlayer_lowered:
.L_overlay_start_2:
0x75: {  	(tag) =	ssettag $0x2  }
0x76: {  	s0 =	rddreg [dreg:$0x0];
	s2 =	stileid.u32  }
0x77: {  	s1 =	rddreg [dreg:$0x1];
	p0 =	sne.s32 s2, $0x0  }
0x78: {  	s3 =	rddreg [dreg:$0x2];
	[bflag:$0x3] =	sbarrier.arrive $0xFFFF;
	s2 =	simm.s32 @!p0 $0x1C02  }
0x79: {  	[timem:s3], [sflag:s2] =	dma.local @!p0 [hbm:s0], s1  }
0x7a: {  	s0 =	simm.s32 @!p0 $0x2  }
0x7b: {  	_ =	swait.ge @!p0 [sflag:s0], s1  }
0x7c: {  	s1 =	ssub.s32 @!p0 $0x0, s1;
	[sflag:s0] =	ssyncset.done @!p0 $0x0  }
0x7d: {  	[sflag:s0] =	ssyncadd.s32 @!p0 s1  }
0x7e: {  	[bflag:$0x3] =	sbarrier.arrive $0xFFFF  }
0x7f: {  	_ =	shalt  }

</sc_bundles>
